<compile_context>
chip_gen: v7x
topology: tpu7x:2x2x1
jax: 0.10.2.dev20260603
libtpu: 0.0.44.dev20260713+nightly
codegen_flags: <defaults>
</compile_context>

<pallas_src>
import dataclasses
import functools

import jax
import jax.numpy as jnp
from jax import lax
from jax.experimental import pallas as pl
from jax.experimental.pallas import tpu as pltpu
from jax.experimental.pallas import tpu_sc as plsc

M = 100000
S = 16384
N = 3 * S
L2 = 2 * S
DE = 128
DEDGE = 16
DT = 16
DM = DE + DEDGE

NW = 32
GPW = N // NW
GCH = GPW // 128

_VMESH = plsc.VectorSubcoreMesh(core_axis_name="c", subcore_axis_name="s")

_SC_PARAMS = pltpu.CompilerParams(use_tc_tiling_on_sc=False)
if "needs_layout_passes" in pltpu.CompilerParams.__dataclass_fields__:
    _SC_PARAMS = dataclasses.replace(_SC_PARAMS, needs_layout_passes=False)


def _f32(*shape):
    return jax.ShapeDtypeStruct(shape, jnp.float32)


def _i32(*shape):
    return jax.ShapeDtypeStruct(shape, jnp.int32)


def _pack_times(mem_time, mailbox_time):
    def body(a_ref, b_ref, o_ref):
        a = a_ref[...][:, None]
        b = b_ref[...][:, None]
        z = jnp.zeros((a.shape[0], 14), jnp.float32)
        o_ref[...] = jnp.concatenate([a, b, z], axis=1)

    blk = 4096
    grid = (M + blk - 1) // blk
    return pl.pallas_call(
        body,
        grid=(grid,),
        in_specs=[
            pl.BlockSpec((blk,), lambda i: (i,)),
            pl.BlockSpec((blk,), lambda i: (i,)),
        ],
        out_specs=pl.BlockSpec((blk, 16), lambda i: (i, 0)),
        out_shape=_f32(M, 16),
    )(mem_time, mailbox_time)


def _sc_gather(nodes2d, P, mem_data, mailbox_mail, nfeat):
    @functools.partial(
        pl.kernel,
        mesh=_VMESH,
        compiler_params=_SC_PARAMS,
        out_type=[_f32(N, 16), _f32(N, DE), _f32(N, DM), _f32(N, DE)],
        scratch_types=[
            pltpu.VMEM((GCH, 128), jnp.int32),
            pltpu.VMEM((128, 16), jnp.float32),
            pltpu.VMEM((128, DE), jnp.float32),
            pltpu.VMEM((128, DM), jnp.float32),
            pltpu.VMEM((128, DE), jnp.float32),
            pltpu.SemaphoreType.DMA,
        ],
    )
    def k(nodes_hbm, p_hbm, mem_hbm, mail_hbm, nf_hbm,
          gp_hbm, gmem_hbm, gmail_hbm, gnf_hbm,
          idx_v, bufp, bufmem, bufmail, bufnf, sem):
        wid = lax.axis_index("s") * 2 + lax.axis_index("c")
        pltpu.sync_copy(nodes_hbm.at[wid], idx_v)

        @pl.loop(0, GCH)
        def _(c):
            row0 = wid * GPW + c * 128
            h1 = pltpu.async_copy(p_hbm.at[idx_v.at[c]], bufp, sem)
            h2 = pltpu.async_copy(mem_hbm.at[idx_v.at[c]], bufmem, sem)
            h3 = pltpu.async_copy(mail_hbm.at[idx_v.at[c]], bufmail, sem)
            h4 = pltpu.async_copy(nf_hbm.at[idx_v.at[c]], bufnf, sem)
            h1.wait(); h2.wait(); h3.wait(); h4.wait()
            pltpu.sync_copy(bufp, gp_hbm.at[pl.ds(row0, 128)])
            pltpu.sync_copy(bufmem, gmem_hbm.at[pl.ds(row0, 128)])
            pltpu.sync_copy(bufmail, gmail_hbm.at[pl.ds(row0, 128)])
            pltpu.sync_copy(bufnf, gnf_hbm.at[pl.ds(row0, 128)])

    return k(nodes2d, P, mem_data, mailbox_mail, nfeat)


def _tc_dense(gp, gmail, gmem, gnf, times,
              W_ih, W_hh, b_ih, b_hh, te_w, te_b, tl_wT, tl_b, ln_g, ln_b):
    B = 512

    def body(gp_ref, gmail_ref, gmem_ref, gnf_ref, t_ref,
             wih_ref, whh_ref, bih_ref, bhh_ref, tew_ref, teb_ref,
             tlw_ref, tlb_ref, lng_ref, lnb_ref, emb_ref, proj_ref):
        gp_b = gp_ref[...]
        mem_ts = gp_b[:, 0]
        mail_ts = gp_b[:, 1]
        dt = mail_ts - mem_ts
        tf = jnp.cos(dt[:, None] * tew_ref[...] + teb_ref[...])
        inp = jnp.concatenate([gmail_ref[...], tf], axis=1)
        cdims = (((1,), (1,)), ((), ()))
        pre = lax.dot_general(inp, wih_ref[...], cdims,
                              preferred_element_type=jnp.float32)
        pre = pre + lax.dot_general(gmem_ref[...], whh_ref[...], cdims,
                                    preferred_element_type=jnp.float32)
        pre = pre + bih_ref[...] + bhh_ref[...]
        emb = jnp.tanh(pre) + gnf_ref[...]
        mu = jnp.mean(emb, axis=1, keepdims=True)
        var = jnp.mean((emb - mu) ** 2, axis=1, keepdims=True)
        emb = (emb - mu) / jnp.sqrt(var + 1e-5) * lng_ref[...] + lnb_ref[...]
        emb_ref[...] = emb
        t = t_ref[...]
        td = (t - mail_ts) / (t + 1.0)
        proj_ref[...] = emb * (1.0 + td[:, None] * tlw_ref[...] + tlb_ref[...])

    full = lambda r, c: pl.BlockSpec((r, c), lambda i: (0, 0))
    return pl.pallas_call(
        body,
        grid=(N // B,),
        in_specs=[
            pl.BlockSpec((B, 16), lambda i: (i, 0)),
            pl.BlockSpec((B, DM), lambda i: (i, 0)),
            pl.BlockSpec((B, DE), lambda i: (i, 0)),
            pl.BlockSpec((B, DE), lambda i: (i, 0)),
            pl.BlockSpec((B,), lambda i: (i,)),
            full(DE, DM + DT), full(DE, DE), full(1, DE), full(1, DE),
            full(1, DT), full(1, DT), full(1, DE), full(1, DE),
            full(1, DE), full(1, DE),
        ],
        out_specs=[
            pl.BlockSpec((B, DE), lambda i: (i, 0)),
            pl.BlockSpec((B, DE), lambda i: (i, 0)),
        ],
        out_shape=[_f32(N, DE), _f32(N, DE)],
    )(gp, gmail, gmem, gnf, times,
      W_ih, W_hh, b_ih, b_hh, te_w, te_b, tl_wT, tl_b, ln_g, ln_b)


def _tc_scores(proj, ep_src_w, ep_src_b, ep_dst_w, ep_dst_b,
               ep_out_w, ep_out_b):
    B = 512

    def body(ps_ref, pd_ref, pn_ref, sw_ref, sb_ref, dw_ref, db_ref,
             ow_ref, ob_ref, pos_ref, neg_ref):
        cdims = (((1,), (1,)), ((), ()))
        hs = lax.dot_general(ps_ref[...], sw_ref[...], cdims,
                             preferred_element_type=jnp.float32) + sb_ref[...]
        hd = lax.dot_general(pd_ref[...], dw_ref[...], cdims,
                             preferred_element_type=jnp.float32) + db_ref[...]
        hn = lax.dot_general(pn_ref[...], dw_ref[...], cdims,
                             preferred_element_type=jnp.float32) + db_ref[...]
        ow = ow_ref[...]
        ob = ob_ref[0, 0]
        pos_ref[...] = jnp.sum(jax.nn.relu(hs + hd) * ow, axis=1) + ob
        neg_ref[...] = jnp.sum(jax.nn.relu(hs + hn) * ow, axis=1) + ob

    nb = S // B
    full = lambda r, c: pl.BlockSpec((r, c), lambda i: (0, 0))
    return pl.pallas_call(
        body,
        grid=(nb,),
        in_specs=[
            pl.BlockSpec((B, DE), lambda i: (i, 0)),
            pl.BlockSpec((B, DE), lambda i, _nb=nb: (i + _nb, 0)),
            pl.BlockSpec((B, DE), lambda i, _nb=nb: (i + 2 * _nb, 0)),
            full(DE, DE), full(1, DE), full(DE, DE), full(1, DE),
            full(1, DE), full(1, 1),
        ],
        out_specs=[
            pl.BlockSpec((B,), lambda i: (i,)),
            pl.BlockSpec((B,), lambda i: (i,)),
        ],
        out_shape=[_f32(S), _f32(S)],
    )(proj, proj, proj, ep_src_w, ep_src_b, ep_dst_w, ep_dst_b,
      ep_out_w, ep_out_b)


RANGE = 3200
NCH = RANGE // 128

_IOTA = lambda: lax.broadcasted_iota(jnp.int32, (16,), 0)


def _build_winners(idx_hbm, val_hbm, nbig, base, pos_t, time_t, icbuf, tcbuf):

    @pl.loop(0, nbig)
    def _(bc):
        pltpu.sync_copy(idx_hbm.at[bc], icbuf)
        pltpu.sync_copy(val_hbm.at[bc], tcbuf)

        @pl.loop(0, 64)
        def _(k):
            v = icbuf[pl.ds(k * 16, 16)]
            ts = tcbuf[pl.ds(k * 16, 16)]
            j = bc * 1024 + k * 16 + _IOTA()
            inr = (v >= base) & (v < base + RANGE)
            rel = jnp.clip(v - base, 0, RANGE - 1)
            plsc.store_scatter(pos_t, [rel], j, mask=inr)
            g = plsc.load_gather(pos_t, [rel])

            def fix(bad):
                plsc.store_scatter(pos_t, [rel], j, mask=bad)
                return inr & (j > plsc.load_gather(pos_t, [rel]))

            lax.while_loop(jnp.any, fix, inr & (j > g))
            win = inr & (plsc.load_gather(pos_t, [rel]) == j)
            plsc.store_scatter(time_t, [rel], ts, mask=win)


def _compact(tab, base, rlist, plist, add_base):

    def step(k, cnt):
        tp = tab[pl.ds(k * 16, 16)]
        msk = tp >= 0
        r = base * add_base + k * 16 + _IOTA()
        pos = cnt + plsc.cumsum(msk.astype(jnp.int32)) - 1
        plsc.store_scatter(rlist, [pos // 128, pos % 128], r, mask=msk)
        plsc.store_scatter(plist, [pos // 128, pos % 128], tp, mask=msk)
        return cnt + jnp.sum(msk.astype(jnp.int32))

    cnt = lax.fori_loop(0, RANGE // 16, step, 0)
    pad_end = ((cnt + 127) // 128) * 128
    last = jnp.maximum(cnt - 1, 0)
    li = jnp.full((16,), last // 128, jnp.int32)
    lj = jnp.full((16,), last % 128, jnp.int32)
    rlast = plsc.load_gather(rlist, [li, lj])
    plast = plsc.load_gather(plist, [li, lj])
    for r8 in range(8):
        p = cnt + r8 * 16 + _IOTA()
        pm = p < pad_end
        plsc.store_scatter(rlist, [p // 128, p % 128], rlast, mask=pm)
        plsc.store_scatter(plist, [p // 128, p % 128], plast, mask=pm)
    return pad_end // 128


def _sc_mem_update(upd2d, mts2d, dst2d, tdst2d, embed):
    @functools.partial(
        pl.kernel,
        mesh=_VMESH,
        compiler_params=_SC_PARAMS,
        out_type=[_f32(M, DE), _f32(S, DE), _i32(NW, RANGE),
                  _f32(NW, RANGE), _i32(NW, RANGE), _f32(NW, RANGE)],
        scratch_types=[
            pltpu.VMEM((RANGE,), jnp.int32),
            pltpu.VMEM((RANGE,), jnp.float32),
            pltpu.VMEM((RANGE,), jnp.int32),
            pltpu.VMEM((RANGE,), jnp.float32),
            pltpu.VMEM((1024,), jnp.int32),
            pltpu.VMEM((1024,), jnp.float32),
            pltpu.VMEM((NCH, 128), jnp.int32),
            pltpu.VMEM((NCH, 128), jnp.int32),
            pltpu.VMEM((128, 128), jnp.int32),
            pltpu.VMEM((128, 128), jnp.int32),
            pltpu.VMEM((128, DE), jnp.float32),
            pltpu.SemaphoreType.DMA,
        ],
    )
    def k(upd_hbm, mts_hbm, dst_hbm, tdst_hbm, embed_hbm,
          newmem_hbm, mailnew_hbm, tpos_hbm, ttime_hbm, t2pos_hbm,
          t2time_hbm, tpos_v, ttime_v, t2pos_v, t2time_v, icbuf, tcbuf,
          vlist, jlist, ilist, mjlist, rowbuf, sem):
        wid = lax.axis_index("s") * 2 + lax.axis_index("c")
        base = wid * RANGE

        @pl.loop(0, RANGE // 16)
        def _(k0):
            neg = jnp.full((16,), -1, jnp.int32)
            tpos_v[pl.ds(k0 * 16, 16)] = neg
            t2pos_v[pl.ds(k0 * 16, 16)] = neg

        _build_winners(upd_hbm, mts_hbm, L2 // 1024, base,
                       tpos_v, ttime_v, icbuf, tcbuf)
        _build_winners(dst_hbm, tdst_hbm, S // 1024, base,
                       t2pos_v, t2time_v, icbuf, tcbuf)

        pltpu.sync_copy(tpos_v, tpos_hbm.at[wid])
        pltpu.sync_copy(ttime_v, ttime_hbm.at[wid])
        pltpu.sync_copy(t2pos_v, t2pos_hbm.at[wid])
        pltpu.sync_copy(t2time_v, t2time_hbm.at[wid])


        nchunks = _compact(tpos_v, base, vlist, jlist, 1)

        def scat(cc, _):
            pltpu.async_copy(embed_hbm.at[jlist.at[cc]], rowbuf, sem).wait()
            pltpu.async_copy(rowbuf, newmem_hbm.at[vlist.at[cc]], sem).wait()
            return 0

        lax.fori_loop(0, nchunks, scat, 0)

        def outer(bc, cnt2):
            pltpu.sync_copy(upd_hbm.at[bc], icbuf)

            def inner(k1, cnt):
                v = icbuf[pl.ds(k1 * 16, 16)]
                i = bc * 1024 + k1 * 16 + _IOTA()
                inr = (v >= base) & (v < base + RANGE)
                rel = jnp.clip(v - base, 0, RANGE - 1)
                jj = plsc.load_gather(tpos_v, [rel])
                pos = cnt + plsc.cumsum(inr.astype(jnp.int32)) - 1
                plsc.store_scatter(ilist, [pos // 128, pos % 128], i,
                                   mask=inr)
                plsc.store_scatter(mjlist, [pos // 128, pos % 128], jj,
                                   mask=inr)
                return cnt + jnp.sum(inr.astype(jnp.int32))

            return lax.fori_loop(0, 64, inner, cnt2)

        cnt2 = lax.fori_loop(0, S // 1024, outer, 0)
        pad_end = ((cnt2 + 127) // 128) * 128
        last = jnp.maximum(cnt2 - 1, 0)
        li = jnp.full((16,), last // 128, jnp.int32)
        lj = jnp.full((16,), last % 128, jnp.int32)
        ilast = plsc.load_gather(ilist, [li, lj])
        mjlast = plsc.load_gather(mjlist, [li, lj])
        for r8 in range(8):
            p = cnt2 + r8 * 16 + _IOTA()
            pm = p < pad_end
            plsc.store_scatter(ilist, [p // 128, p % 128], ilast, mask=pm)
            plsc.store_scatter(mjlist, [p // 128, p % 128], mjlast, mask=pm)

        def route(cc, _):
            pltpu.async_copy(embed_hbm.at[mjlist.at[cc]], rowbuf, sem).wait()
            pltpu.async_copy(rowbuf, mailnew_hbm.at[ilist.at[cc]],
                             sem).wait()
            return 0

        lax.fori_loop(0, pad_end // 128, route, 0)

    return k(upd2d, mts2d, dst2d, tdst2d, embed)


def _sc_mail_update(mailnew, efeat, t2pos):
    @functools.partial(
        pl.kernel,
        mesh=_VMESH,
        compiler_params=_SC_PARAMS,
        out_type=[_f32(M, DE), _f32(M, DEDGE)],
        scratch_types=[
            pltpu.VMEM((RANGE,), jnp.int32),
            pltpu.VMEM((NCH, 128), jnp.int32),
            pltpu.VMEM((NCH, 128), jnp.int32),
            pltpu.VMEM((128, DE), jnp.float32),
            pltpu.VMEM((128, DEDGE), jnp.float32),
            pltpu.SemaphoreType.DMA,
        ],
    )
    def k(mailnew_hbm, ef_hbm, t2pos_hbm, out128_hbm, out16_hbm,
          t2loc, dlist, iwlist, bufm, bufe, sem):
        wid = lax.axis_index("s") * 2 + lax.axis_index("c")
        base = wid * RANGE
        pltpu.sync_copy(t2pos_hbm.at[wid], t2loc)
        nchunks = _compact(t2loc, base, dlist, iwlist, 1)

        def scat(cc, _):
            h1 = pltpu.async_copy(mailnew_hbm.at[iwlist.at[cc]], bufm, sem)
            h2 = pltpu.async_copy(ef_hbm.at[iwlist.at[cc]], bufe, sem)
            h1.wait()
            h2.wait()
            h3 = pltpu.async_copy(bufm, out128_hbm.at[dlist.at[cc]], sem)
            h4 = pltpu.async_copy(bufe, out16_hbm.at[dlist.at[cc]], sem)
            h3.wait()
            h4.wait()
            return 0

        lax.fori_loop(0, nchunks, scat, 0)

    return k(mailnew, efeat, t2pos)


def _tc_merge_rows(tab_map, scattered, old, width):
    blk = 4096

    def body(mp_ref, sc_ref, old_ref, o_ref):
        upd = mp_ref[...] >= 0
        o_ref[...] = jnp.where(upd, sc_ref[...], old_ref[...])

    return pl.pallas_call(
        body,
        grid=(pl.cdiv(M, blk),),
        in_specs=[
            pl.BlockSpec((blk, 1), lambda i: (i, 0)),
            pl.BlockSpec((blk, width), lambda i: (i, 0)),
            pl.BlockSpec((blk, width), lambda i: (i, 0)),
        ],
        out_specs=pl.BlockSpec((blk, width), lambda i: (i, 0)),
        out_shape=_f32(M, width),
    )(tab_map, scattered, old)


def _tc_merge_mail(tab_map, sc128, sc16, old):
    blk = 4096

    def body(mp_ref, s1_ref, s2_ref, old_ref, o_ref):
        upd = mp_ref[...] >= 0
        new = jnp.concatenate([s1_ref[...], s2_ref[...]], axis=1)
        o_ref[...] = jnp.where(upd, new, old_ref[...])

    return pl.pallas_call(
        body,
        grid=(pl.cdiv(M, blk),),
        in_specs=[
            pl.BlockSpec((blk, 1), lambda i: (i, 0)),
            pl.BlockSpec((blk, DE), lambda i: (i, 0)),
            pl.BlockSpec((blk, DEDGE), lambda i: (i, 0)),
            pl.BlockSpec((blk, DM), lambda i: (i, 0)),
        ],
        out_specs=pl.BlockSpec((blk, DM), lambda i: (i, 0)),
        out_shape=_f32(M, DM),
    )(tab_map, sc128, sc16, old)


def _tc_merge(tpos, ttime, mem_time, t2pos, t2time, mailbox_time):
    def body(tp_ref, tt_ref, mt_ref, t2p_ref, t2t_ref, mbt_ref,
             o1_ref, o2_ref):
        o1_ref[...] = jnp.where(tp_ref[...] >= 0, tt_ref[...], mt_ref[...])
        o2_ref[...] = jnp.where(t2p_ref[...] >= 0, t2t_ref[...],
                                mbt_ref[...])

    blk = 4096
    spec = pl.BlockSpec((blk,), lambda i: (i,))
    return pl.pallas_call(
        body,
        grid=(NW * RANGE // blk,),
        in_specs=[spec] * 6,
        out_specs=[spec, spec],
        out_shape=[_f32(M), _f32(M)],
    )(tpos, ttime, mem_time, t2pos, t2time, mailbox_time)


def kernel(nodes, times, mem_data, mem_time, mailbox_mail, mailbox_time,
           nfeat, efeat, W_ih, W_hh, b_ih, b_hh, te_w, te_b, tl_w, tl_b,
           ln_g, ln_b, ep_src_w, ep_src_b, ep_dst_w, ep_dst_b,
           ep_out_w, ep_out_b):
    P = _pack_times(mem_time, mailbox_time)
    nodes2d = nodes.reshape(NW, GCH, 128)
    gp, gmem, gmail, gnf = _sc_gather(nodes2d, P, mem_data, mailbox_mail,
                                      nfeat)
    embed, proj = _tc_dense(
        gp, gmail, gmem, gnf, times,
        W_ih, W_hh, b_ih.reshape(1, DE), b_hh.reshape(1, DE),
        te_w.reshape(1, DT), te_b.reshape(1, DT),
        tl_w.reshape(1, DE), tl_b.reshape(1, DE),
        ln_g.reshape(1, DE), ln_b.reshape(1, DE))
    pos, neg = _tc_scores(proj, ep_src_w, ep_src_b.reshape(1, DE),
                          ep_dst_w, ep_dst_b.reshape(1, DE),
                          ep_out_w.reshape(1, DE), ep_out_b.reshape(1, 1))

    mail_ts = gp[:, 1]
    upd2d = nodes[:L2].reshape(L2 // 1024, 1024)
    mts2d = mail_ts[:L2].reshape(L2 // 1024, 1024)
    dst2d = nodes[S:L2].reshape(S // 1024, 1024)
    tdst2d = times[S:L2].reshape(S // 1024, 1024)
    (scat_mem, mailnew, tpos, ttime, t2pos, t2time) = _sc_mem_update(
        upd2d, mts2d, dst2d, tdst2d, embed)
    scat_mail128, scat_mail16 = _sc_mail_update(mailnew, efeat, t2pos)
    tposf = tpos.reshape(NW * RANGE)
    t2posf = t2pos.reshape(NW * RANGE)
    new_mem_data = _tc_merge_rows(tposf.reshape(-1, 1), scat_mem,
                                  mem_data, DE)
    new_mailbox_mail = _tc_merge_mail(t2posf.reshape(-1, 1), scat_mail128,
                                      scat_mail16, mailbox_mail)
    new_mem_time, new_mailbox_time = _tc_merge(
        tposf, ttime.reshape(NW * RANGE), mem_time,
        t2posf, t2time.reshape(NW * RANGE), mailbox_time)

    return (pos[:, None], neg[:, None], new_mem_data, new_mem_time,
            new_mailbox_mail, new_mailbox_time)

# --- scband reference (transcript-rebuilt; emitter-appended) ---
"""Pipeline reference for scband-jodie-13838384628052 (READ-ONLY COPY).

The authoritative reference and input builder live on the scoring server;
editing this copy changes nothing except your own understanding.
"""

import jax, jax.numpy as jnp
import numpy as np

M = 100000
SIZE = 16384
DE = 128
DN = 128
DEDGE = 16
DT = 16


def setup_inputs(seed: int = 0) -> dict:
    key = jax.random.key(seed)
    ks = jax.random.split(key, 32)
    s = 1.0 / np.sqrt(DE)
    inp = dict(
        nodes=jax.random.randint(ks[0], (3 * SIZE,), 0, M, dtype=jnp.int32),
        times=jax.random.uniform(ks[1], (3 * SIZE,), dtype=jnp.float32),
        mem_data=jax.random.normal(ks[2], (M, DE), dtype=jnp.float32),
        mem_time=jax.random.uniform(ks[3], (M,), dtype=jnp.float32),
        mailbox_mail=jax.random.normal(ks[4], (M, DE + DEDGE), dtype=jnp.float32),
        mailbox_time=jax.random.uniform(ks[5], (M,), dtype=jnp.float32),
        nfeat=jax.random.normal(ks[6], (M, DN), dtype=jnp.float32),
        efeat=jax.random.normal(ks[7], (SIZE, DEDGE), dtype=jnp.float32),
        W_ih=jax.random.normal(ks[8], (DE, DE + DEDGE + DT), dtype=jnp.float32) * s,
        W_hh=jax.random.normal(ks[9], (DE, DE), dtype=jnp.float32) * s,
        b_ih=jax.random.normal(ks[10], (DE,), dtype=jnp.float32) * s,
        b_hh=jax.random.normal(ks[11], (DE,), dtype=jnp.float32) * s,
        te_w=jax.random.normal(ks[12], (DT,), dtype=jnp.float32),
        te_b=jax.random.normal(ks[13], (DT,), dtype=jnp.float32),
        tl_w=jax.random.normal(ks[14], (DE, 1), dtype=jnp.float32),
        tl_b=jax.random.normal(ks[15], (DE,), dtype=jnp.float32),
        ln_g=jnp.ones((DE,), dtype=jnp.float32),
        ln_b=jnp.zeros((DE,), dtype=jnp.float32),
        ep_src_w=jax.random.normal(ks[16], (DE, DE), dtype=jnp.float32) * s,
        ep_src_b=jnp.zeros((DE,), dtype=jnp.float32),
        ep_dst_w=jax.random.normal(ks[17], (DE, DE), dtype=jnp.float32) * s,
        ep_dst_b=jnp.zeros((DE,), dtype=jnp.float32),
        ep_out_w=jax.random.normal(ks[18], (1, DE), dtype=jnp.float32) * s,
        ep_out_b=jnp.zeros((1,), dtype=jnp.float32),
    )
    return inp


def reference(nodes, times, mem_data, mem_time, mailbox_mail, mailbox_time, nfeat, efeat,
              W_ih, W_hh, b_ih, b_hh, te_w, te_b, tl_w, tl_b, ln_g, ln_b,
              ep_src_w, ep_src_b, ep_dst_w, ep_dst_b, ep_out_w, ep_out_b):
    size = SIZE
    # update_embed: gather memory + mailbox state for batch nodes
    embed_time = mem_time[nodes]
    mail_ts = mailbox_time[nodes]
    dt = mail_ts - embed_time
    time_feat = jnp.cos(dt[:, None] * te_w[None, :] + te_b[None, :])  # TimeEncode
    inp = jnp.concatenate([mailbox_mail[nodes], time_feat], axis=1)
    h = mem_data[nodes]
    # RNNCell update: h' = tanh(W_ih x + b_ih + W_hh h + b_hh)
    embed = jnp.tanh(inp @ W_ih.T + b_ih + h @ W_hh.T + b_hh)
    # normalize_embed (dim_node == dim_embed -> direct add) + LayerNorm
    embed = embed + nfeat[nodes]
    mu = jnp.mean(embed, axis=-1, keepdims=True)
    var = jnp.var(embed, axis=-1, keepdims=True)
    embed = (embed - mu) / jnp.sqrt(var + 1e-5) * ln_g + ln_b
    # memory update: scatter-overwrite for src/dst (first 2*size) nodes
    upd_nodes = nodes[: 2 * size]
    new_mem_data = mem_data.at[upd_nodes].set(embed[: 2 * size])
    new_mem_time = mem_time.at[upd_nodes].set(mail_ts[: 2 * size])
    # project_embed: JODIE time projection
    delta = times - mail_ts
    time_diff = delta / (times + 1.0)
    proj = embed * (1.0 + time_diff[:, None] @ tl_w.T + tl_b)
    # edge predictor: relu(src_fc(h_s)+dst_fc(h_d)) -> out linear
    h_src = proj[:size] @ ep_src_w.T + ep_src_b
    h_dst = proj[size: 2 * size] @ ep_dst_w.T + ep_dst_b
    h_neg = proj[2 * size:] @ ep_dst_w.T + ep_dst_b
    pos_scores = jax.nn.relu(h_src + h_dst) @ ep_out_w.T + ep_out_b
    neg_scores = jax.nn.relu(h_src + h_neg) @ ep_out_w.T + ep_out_b
    # save_raw_msgs: gather updated memory of src, cat edge feats, scatter into dst mailbox
    src = nodes[:size]
    dst = nodes[size: 2 * size]
    mail_new = jnp.concatenate([new_mem_data[src], efeat], axis=1)
    new_mailbox_mail = mailbox_mail.at[dst].set(mail_new)
    new_mailbox_time = mailbox_time.at[dst].set(times[size: 2 * size])
    return (pos_scores, neg_scores, new_mem_data, new_mem_time, new_mailbox_mail, new_mailbox_time)

if __name__ == "__main__":
    import jax
    _d = setup_inputs()
    print(jax.jit(kernel)(*tuple(_d.values())))

</pallas_src>

<mosaic_0001>
#map = affine_map<(d0, d1) -> (0, 0, 0)>
#map1 = affine_map<(d0, d1) -> (0, 0)>
module attributes {stable_mosaic.version = 14 : i64} {
  func.func @k(%arg0: i32, %arg1: i32, %arg2: memref<32x12x128xi32, #tpu.memory_space<hbm>>, %arg3: memref<100000x16xf32, #tpu.memory_space<hbm>>, %arg4: memref<100000x128xf32, #tpu.memory_space<hbm>>, %arg5: memref<100000x144xf32, #tpu.memory_space<hbm>>, %arg6: memref<100000x128xf32, #tpu.memory_space<hbm>>, %arg7: memref<49152x16xf32, #tpu.memory_space<hbm>>, %arg8: memref<49152x128xf32, #tpu.memory_space<hbm>>, %arg9: memref<49152x144xf32, #tpu.memory_space<hbm>>, %arg10: memref<49152x128xf32, #tpu.memory_space<hbm>>, %arg11: memref<12x128xi32, #tpu.memory_space<vmem>>, %arg12: memref<128x16xf32, #tpu.memory_space<vmem>>, %arg13: memref<128x128xf32, #tpu.memory_space<vmem>>, %arg14: memref<128x144xf32, #tpu.memory_space<vmem>>, %arg15: memref<128x128xf32, #tpu.memory_space<vmem>>, %arg16: memref<!tpu.dma_semaphore, #tpu.memory_space<semaphore_mem>>) attributes {dimension_semantics = [#tpu.dimension_semantics<core_parallel>, #tpu.dimension_semantics<subcore_parallel>], iteration_bounds = array<i64: 2, 16>, scalar_prefetch = 0 : i64, scratch_operands = 6 : i64, tpu.core_type = #tpu.core_type<sc_vector_subcore>, window_params = [{transform_indices = #map}, {transform_indices = #map1}, {transform_indices = #map1}, {transform_indices = #map1}, {transform_indices = #map1}, {transform_indices = #map1}, {transform_indices = #map1}, {transform_indices = #map1}, {transform_indices = #map1}]} {
    %mul3A = arith.constant 2 : i32
    %mul3A_0 = arith.muli %arg1, %mul3A : i32
    %add3A = arith.addi %mul3A_0, %arg0 : i32
    "tpu.region"() ({
      %run_scoped3A = tpu.sem_alloc : memref<!tpu.dma_semaphore, #tpu.memory_space<semaphore_mem>>
      %dma_start3A = arith.constant 0 : i32
      %dma_start3A_5 = arith.constant 0 : i32
      %dma_start3A_6 = tpu.memref_slice %arg2[%add3A, %dma_start3A, %dma_start3A_5] : memref<32x12x128xi32, #tpu.memory_space<hbm>> -> memref<1x12x128xi32, #tpu.memory_space<hbm>>
      %dma_start3A_7 = tpu.memref_squeeze %dma_start3A_6 : memref<1x12x128xi32, #tpu.memory_space<hbm>> -> memref<12x128xi32, #tpu.memory_space<hbm>>
      %dma_start3A_8 = arith.constant 0 : i32
      %dma_start3A_9 = arith.constant 0 : i32
      %dma_start3A_10 = tpu.memref_slice %arg2[%add3A, %dma_start3A_8, %dma_start3A_9] : memref<32x12x128xi32, #tpu.memory_space<hbm>> -> memref<1x12x128xi32, #tpu.memory_space<hbm>>
      %dma_start3A_11 = tpu.memref_squeeze %dma_start3A_10 : memref<1x12x128xi32, #tpu.memory_space<hbm>> -> memref<12x128xi32, #tpu.memory_space<hbm>>
      tpu.enqueue_dma source(%dma_start3A_11 : memref<12x128xi32, #tpu.memory_space<hbm>>) target(%arg11 : memref<12x128xi32, #tpu.memory_space<vmem>>) target_semaphore(%run_scoped3A : memref<!tpu.dma_semaphore, #tpu.memory_space<semaphore_mem>>)
      %dma_wait3A = arith.constant 0 : i32
      %dma_wait3A_12 = arith.constant 0 : i32
      %dma_wait3A_13 = tpu.memref_slice %arg2[%add3A, %dma_wait3A, %dma_wait3A_12] : memref<32x12x128xi32, #tpu.memory_space<hbm>> -> memref<1x12x128xi32, #tpu.memory_space<hbm>>
      %dma_wait3A_14 = tpu.memref_squeeze %dma_wait3A_13 : memref<1x12x128xi32, #tpu.memory_space<hbm>> -> memref<12x128xi32, #tpu.memory_space<hbm>>
      %dma_wait3A_15 = arith.constant 0 : i32
      %dma_wait3A_16 = arith.constant 0 : i32
      %dma_wait3A_17 = tpu.memref_slice %arg2[%add3A, %dma_wait3A_15, %dma_wait3A_16] : memref<32x12x128xi32, #tpu.memory_space<hbm>> -> memref<1x12x128xi32, #tpu.memory_space<hbm>>
      %dma_wait3A_18 = tpu.memref_squeeze %dma_wait3A_17 : memref<1x12x128xi32, #tpu.memory_space<hbm>> -> memref<12x128xi32, #tpu.memory_space<hbm>>
      tpu.wait_dma2 semaphore(%run_scoped3A : memref<!tpu.dma_semaphore, #tpu.memory_space<semaphore_mem>>) src(%dma_wait3A_18 : memref<12x128xi32, #tpu.memory_space<hbm>>) dst(%arg11 : memref<12x128xi32, #tpu.memory_space<vmem>>)
      tpu.yield
    }) : () -> ()
    %scan3A = arith.constant 0 : i32
    %scan3A_1 = arith.constant 12 : i32
    %scan3A_2 = arith.addi %scan3A, %scan3A_1 : i32
    %scan3A_3 = arith.constant 1 : i32
    scf.for %scan3A_5 = %scan3A to %scan3A_2 step %scan3A_3  : i32 {
      %mul3A_6 = arith.constant 1 : i32
      %mul3A_7 = arith.muli %scan3A_5, %mul3A_6 : i32
      %add3A_8 = arith.constant 0 : i32
      %add3A_9 = arith.addi %add3A_8, %mul3A_7 : i32
      %mul3A_10 = arith.constant 1536 : i32
      %mul3A_11 = arith.muli %add3A, %mul3A_10 : i32
      %mul3A_12 = arith.constant 128 : i32
      %mul3A_13 = arith.muli %add3A_9, %mul3A_12 : i32
      %add3A_14 = arith.addi %mul3A_11, %mul3A_13 : i32
      %dma_start3A = arith.constant 0 : i32
      %dma_start3A_15 = tpu.memref_slice %arg11[%add3A_9, %dma_start3A] : memref<12x128xi32, #tpu.memory_space<vmem>> -> memref<1x128xi32, #tpu.memory_space<vmem>>
      %dma_start3A_16 = tpu.memref_squeeze %dma_start3A_15 : memref<1x128xi32, #tpu.memory_space<vmem>> -> memref<128xi32, #tpu.memory_space<vmem>>
      %dma_start3A_17 = arith.constant 0 : i32
      %dma_start3A_18 = arith.constant 0 : i32
      %dma_start3A_19 = tpu.memref_slice %arg3[%dma_start3A_17, %dma_start3A_18] : memref<100000x16xf32, #tpu.memory_space<hbm>> -> memref<100000x16xf32, #tpu.memory_space<hbm>>
      tpu.enqueue_indirect_dma source(%dma_start3A_19 : memref<100000x16xf32, #tpu.memory_space<hbm>>) target(%arg12 : memref<128x16xf32, #tpu.memory_space<vmem>>) offsets(%dma_start3A_16 : memref<128xi32, #tpu.memory_space<vmem>>) semaphore(%arg16 : memref<!tpu.dma_semaphore, #tpu.memory_space<semaphore_mem>>)
      %dma_start3A_20 = arith.constant 0 : i32
      %dma_start3A_21 = tpu.memref_slice %arg11[%add3A_9, %dma_start3A_20] : memref<12x128xi32, #tpu.memory_space<vmem>> -> memref<1x128xi32, #tpu.memory_space<vmem>>
      %dma_start3A_22 = tpu.memref_squeeze %dma_start3A_21 : memref<1x128xi32, #tpu.memory_space<vmem>> -> memref<128xi32, #tpu.memory_space<vmem>>
      %dma_start3A_23 = arith.constant 0 : i32
      %dma_start3A_24 = arith.constant 0 : i32
      %dma_start3A_25 = tpu.memref_slice %arg4[%dma_start3A_23, %dma_start3A_24] : memref<100000x128xf32, #tpu.memory_space<hbm>> -> memref<100000x128xf32, #tpu.memory_space<hbm>>
      tpu.enqueue_indirect_dma source(%dma_start3A_25 : memref<100000x128xf32, #tpu.memory_space<hbm>>) target(%arg13 : memref<128x128xf32, #tpu.memory_space<vmem>>) offsets(%dma_start3A_22 : memref<128xi32, #tpu.memory_space<vmem>>) semaphore(%arg16 : memref<!tpu.dma_semaphore, #tpu.memory_space<semaphore_mem>>)
      %dma_start3A_26 = arith.constant 0 : i32
      %dma_start3A_27 = tpu.memref_slice %arg11[%add3A_9, %dma_start3A_26] : memref<12x128xi32, #tpu.memory_space<vmem>> -> memref<1x128xi32, #tpu.memory_space<vmem>>
      %dma_start3A_28 = tpu.memref_squeeze %dma_start3A_27 : memref<1x128xi32, #tpu.memory_space<vmem>> -> memref<128xi32, #tpu.memory_space<vmem>>
      %dma_start3A_29 = arith.constant 0 : i32
      %dma_start3A_30 = arith.constant 0 : i32
      %dma_start3A_31 = tpu.memref_slice %arg5[%dma_start3A_29, %dma_start3A_30] : memref<100000x144xf32, #tpu.memory_space<hbm>> -> memref<100000x144xf32, #tpu.memory_space<hbm>>
      tpu.enqueue_indirect_dma source(%dma_start3A_31 : memref<100000x144xf32, #tpu.memory_space<hbm>>) target(%arg14 : memref<128x144xf32, #tpu.memory_space<vmem>>) offsets(%dma_start3A_28 : memref<128xi32, #tpu.memory_space<vmem>>) semaphore(%arg16 : memref<!tpu.dma_semaphore, #tpu.memory_space<semaphore_mem>>)
      %dma_start3A_32 = arith.constant 0 : i32
      %dma_start3A_33 = tpu.memref_slice %arg11[%add3A_9, %dma_start3A_32] : memref<12x128xi32, #tpu.memory_space<vmem>> -> memref<1x128xi32, #tpu.memory_space<vmem>>
      %dma_start3A_34 = tpu.memref_squeeze %dma_start3A_33 : memref<1x128xi32, #tpu.memory_space<vmem>> -> memref<128xi32, #tpu.memory_space<vmem>>
      %dma_start3A_35 = arith.constant 0 : i32
      %dma_start3A_36 = arith.constant 0 : i32
      %dma_start3A_37 = tpu.memref_slice %arg6[%dma_start3A_35, %dma_start3A_36] : memref<100000x128xf32, #tpu.memory_space<hbm>> -> memref<100000x128xf32, #tpu.memory_space<hbm>>
      tpu.enqueue_indirect_dma source(%dma_start3A_37 : memref<100000x128xf32, #tpu.memory_space<hbm>>) target(%arg15 : memref<128x128xf32, #tpu.memory_space<vmem>>) offsets(%dma_start3A_34 : memref<128xi32, #tpu.memory_space<vmem>>) semaphore(%arg16 : memref<!tpu.dma_semaphore, #tpu.memory_space<semaphore_mem>>)
      %dma_wait3A = arith.constant 0 : i32
      %dma_wait3A_38 = tpu.memref_slice %arg11[%add3A_9, %dma_wait3A] : memref<12x128xi32, #tpu.memory_space<vmem>> -> memref<1x128xi32, #tpu.memory_space<vmem>>
      %dma_wait3A_39 = tpu.memref_squeeze %dma_wait3A_38 : memref<1x128xi32, #tpu.memory_space<vmem>> -> memref<128xi32, #tpu.memory_space<vmem>>
      %dma_wait3A_40 = arith.constant 0 : i32
      %dma_wait3A_41 = arith.constant 0 : i32
      %dma_wait3A_42 = tpu.memref_slice %arg3[%dma_wait3A_40, %dma_wait3A_41] : memref<100000x16xf32, #tpu.memory_space<hbm>> -> memref<100000x16xf32, #tpu.memory_space<hbm>>
      tpu.wait_indirect_dma semaphore(%arg16 : memref<!tpu.dma_semaphore, #tpu.memory_space<semaphore_mem>>) src(%dma_wait3A_42 : memref<100000x16xf32, #tpu.memory_space<hbm>>) dst(%arg12 : memref<128x16xf32, #tpu.memory_space<vmem>>)
      %dma_wait3A_43 = arith.constant 0 : i32
      %dma_wait3A_44 = tpu.memref_slice %arg11[%add3A_9, %dma_wait3A_43] : memref<12x128xi32, #tpu.memory_space<vmem>> -> memref<1x128xi32, #tpu.memory_space<vmem>>
      %dma_wait3A_45 = tpu.memref_squeeze %dma_wait3A_44 : memref<1x128xi32, #tpu.memory_space<vmem>> -> memref<128xi32, #tpu.memory_space<vmem>>
      %dma_wait3A_46 = arith.constant 0 : i32
      %dma_wait3A_47 = arith.constant 0 : i32
      %dma_wait3A_48 = tpu.memref_slice %arg4[%dma_wait3A_46, %dma_wait3A_47] : memref<100000x128xf32, #tpu.memory_space<hbm>> -> memref<100000x128xf32, #tpu.memory_space<hbm>>
      tpu.wait_indirect_dma semaphore(%arg16 : memref<!tpu.dma_semaphore, #tpu.memory_space<semaphore_mem>>) src(%dma_wait3A_48 : memref<100000x128xf32, #tpu.memory_space<hbm>>) dst(%arg13 : memref<128x128xf32, #tpu.memory_space<vmem>>)
      %dma_wait3A_49 = arith.constant 0 : i32
      %dma_wait3A_50 = tpu.memref_slice %arg11[%add3A_9, %dma_wait3A_49] : memref<12x128xi32, #tpu.memory_space<vmem>> -> memref<1x128xi32, #tpu.memory_space<vmem>>
      %dma_wait3A_51 = tpu.memref_squeeze %dma_wait3A_50 : memref<1x128xi32, #tpu.memory_space<vmem>> -> memref<128xi32, #tpu.memory_space<vmem>>
      %dma_wait3A_52 = arith.constant 0 : i32
      %dma_wait3A_53 = arith.constant 0 : i32
      %dma_wait3A_54 = tpu.memref_slice %arg5[%dma_wait3A_52, %dma_wait3A_53] : memref<100000x144xf32, #tpu.memory_space<hbm>> -> memref<100000x144xf32, #tpu.memory_space<hbm>>
      tpu.wait_indirect_dma semaphore(%arg16 : memref<!tpu.dma_semaphore, #tpu.memory_space<semaphore_mem>>) src(%dma_wait3A_54 : memref<100000x144xf32, #tpu.memory_space<hbm>>) dst(%arg14 : memref<128x144xf32, #tpu.memory_space<vmem>>)
      %dma_wait3A_55 = arith.constant 0 : i32
      %dma_wait3A_56 = tpu.memref_slice %arg11[%add3A_9, %dma_wait3A_55] : memref<12x128xi32, #tpu.memory_space<vmem>> -> memref<1x128xi32, #tpu.memory_space<vmem>>
      %dma_wait3A_57 = tpu.memref_squeeze %dma_wait3A_56 : memref<1x128xi32, #tpu.memory_space<vmem>> -> memref<128xi32, #tpu.memory_space<vmem>>
      %dma_wait3A_58 = arith.constant 0 : i32
      %dma_wait3A_59 = arith.constant 0 : i32
      %dma_wait3A_60 = tpu.memref_slice %arg6[%dma_wait3A_58, %dma_wait3A_59] : memref<100000x128xf32, #tpu.memory_space<hbm>> -> memref<100000x128xf32, #tpu.memory_space<hbm>>
      tpu.wait_indirect_dma semaphore(%arg16 : memref<!tpu.dma_semaphore, #tpu.memory_space<semaphore_mem>>) src(%dma_wait3A_60 : memref<100000x128xf32, #tpu.memory_space<hbm>>) dst(%arg15 : memref<128x128xf32, #tpu.memory_space<vmem>>)
      "tpu.region"() ({
        %run_scoped3A = tpu.sem_alloc : memref<!tpu.dma_semaphore, #tpu.memory_space<semaphore_mem>>
        %dma_start3A_61 = arith.constant 0 : i32
        %dma_start3A_62 = tpu.memref_slice %arg7[%add3A_14, %dma_start3A_61] : memref<49152x16xf32, #tpu.memory_space<hbm>> -> memref<128x16xf32, #tpu.memory_space<hbm>>
        %dma_start3A_63 = arith.constant 0 : i32
        %dma_start3A_64 = tpu.memref_slice %arg7[%add3A_14, %dma_start3A_63] : memref<49152x16xf32, #tpu.memory_space<hbm>> -> memref<128x16xf32, #tpu.memory_space<hbm>>
        tpu.enqueue_dma source(%arg12 : memref<128x16xf32, #tpu.memory_space<vmem>>) target(%dma_start3A_64 : memref<128x16xf32, #tpu.memory_space<hbm>>) target_semaphore(%run_scoped3A : memref<!tpu.dma_semaphore, #tpu.memory_space<semaphore_mem>>)
        %dma_wait3A_65 = arith.constant 0 : i32
        %dma_wait3A_66 = tpu.memref_slice %arg7[%add3A_14, %dma_wait3A_65] : memref<49152x16xf32, #tpu.memory_space<hbm>> -> memref<128x16xf32, #tpu.memory_space<hbm>>
        %dma_wait3A_67 = arith.constant 0 : i32
        %dma_wait3A_68 = tpu.memref_slice %arg7[%add3A_14, %dma_wait3A_67] : memref<49152x16xf32, #tpu.memory_space<hbm>> -> memref<128x16xf32, #tpu.memory_space<hbm>>
        tpu.wait_dma2 semaphore(%run_scoped3A : memref<!tpu.dma_semaphore, #tpu.memory_space<semaphore_mem>>) src(%arg12 : memref<128x16xf32, #tpu.memory_space<vmem>>) dst(%dma_wait3A_68 : memref<128x16xf32, #tpu.memory_space<hbm>>)
        tpu.yield
      }) : () -> ()
      "tpu.region"() ({
        %run_scoped3A = tpu.sem_alloc : memref<!tpu.dma_semaphore, #tpu.memory_space<semaphore_mem>>
        %dma_start3A_61 = arith.constant 0 : i32
        %dma_start3A_62 = tpu.memref_slice %arg8[%add3A_14, %dma_start3A_61] : memref<49152x128xf32, #tpu.memory_space<hbm>> -> memref<128x128xf32, #tpu.memory_space<hbm>>
        %dma_start3A_63 = arith.constant 0 : i32
        %dma_start3A_64 = tpu.memref_slice %arg8[%add3A_14, %dma_start3A_63] : memref<49152x128xf32, #tpu.memory_space<hbm>> -> memref<128x128xf32, #tpu.memory_space<hbm>>
        tpu.enqueue_dma source(%arg13 : memref<128x128xf32, #tpu.memory_space<vmem>>) target(%dma_start3A_64 : memref<128x128xf32, #tpu.memory_space<hbm>>) target_semaphore(%run_scoped3A : memref<!tpu.dma_semaphore, #tpu.memory_space<semaphore_mem>>)
        %dma_wait3A_65 = arith.constant 0 : i32
        %dma_wait3A_66 = tpu.memref_slice %arg8[%add3A_14, %dma_wait3A_65] : memref<49152x128xf32, #tpu.memory_space<hbm>> -> memref<128x128xf32, #tpu.memory_space<hbm>>
        %dma_wait3A_67 = arith.constant 0 : i32
        %dma_wait3A_68 = tpu.memref_slice %arg8[%add3A_14, %dma_wait3A_67] : memref<49152x128xf32, #tpu.memory_space<hbm>> -> memref<128x128xf32, #tpu.memory_space<hbm>>
        tpu.wait_dma2 semaphore(%run_scoped3A : memref<!tpu.dma_semaphore, #tpu.memory_space<semaphore_mem>>) src(%arg13 : memref<128x128xf32, #tpu.memory_space<vmem>>) dst(%dma_wait3A_68 : memref<128x128xf32, #tpu.memory_space<hbm>>)
        tpu.yield
      }) : () -> ()
      "tpu.region"() ({
        %run_scoped3A = tpu.sem_alloc : memref<!tpu.dma_semaphore, #tpu.memory_space<semaphore_mem>>
        %dma_start3A_61 = arith.constant 0 : i32
        %dma_start3A_62 = tpu.memref_slice %arg9[%add3A_14, %dma_start3A_61] : memref<49152x144xf32, #tpu.memory_space<hbm>> -> memref<128x144xf32, #tpu.memory_space<hbm>>
        %dma_start3A_63 = arith.constant 0 : i32
        %dma_start3A_64 = tpu.memref_slice %arg9[%add3A_14, %dma_start3A_63] : memref<49152x144xf32, #tpu.memory_space<hbm>> -> memref<128x144xf32, #tpu.memory_space<hbm>>
        tpu.enqueue_dma source(%arg14 : memref<128x144xf32, #tpu.memory_space<vmem>>) target(%dma_start3A_64 : memref<128x144xf32, #tpu.memory_space<hbm>>) target_semaphore(%run_scoped3A : memref<!tpu.dma_semaphore, #tpu.memory_space<semaphore_mem>>)
        %dma_wait3A_65 = arith.constant 0 : i32
        %dma_wait3A_66 = tpu.memref_slice %arg9[%add3A_14, %dma_wait3A_65] : memref<49152x144xf32, #tpu.memory_space<hbm>> -> memref<128x144xf32, #tpu.memory_space<hbm>>
        %dma_wait3A_67 = arith.constant 0 : i32
        %dma_wait3A_68 = tpu.memref_slice %arg9[%add3A_14, %dma_wait3A_67] : memref<49152x144xf32, #tpu.memory_space<hbm>> -> memref<128x144xf32, #tpu.memory_space<hbm>>
        tpu.wait_dma2 semaphore(%run_scoped3A : memref<!tpu.dma_semaphore, #tpu.memory_space<semaphore_mem>>) src(%arg14 : memref<128x144xf32, #tpu.memory_space<vmem>>) dst(%dma_wait3A_68 : memref<128x144xf32, #tpu.memory_space<hbm>>)
        tpu.yield
      }) : () -> ()
      "tpu.region"() ({
        %run_scoped3A = tpu.sem_alloc : memref<!tpu.dma_semaphore, #tpu.memory_space<semaphore_mem>>
        %dma_start3A_61 = arith.constant 0 : i32
        %dma_start3A_62 = tpu.memref_slice %arg10[%add3A_14, %dma_start3A_61] : memref<49152x128xf32, #tpu.memory_space<hbm>> -> memref<128x128xf32, #tpu.memory_space<hbm>>
        %dma_start3A_63 = arith.constant 0 : i32
        %dma_start3A_64 = tpu.memref_slice %arg10[%add3A_14, %dma_start3A_63] : memref<49152x128xf32, #tpu.memory_space<hbm>> -> memref<128x128xf32, #tpu.memory_space<hbm>>
        tpu.enqueue_dma source(%arg15 : memref<128x128xf32, #tpu.memory_space<vmem>>) target(%dma_start3A_64 : memref<128x128xf32, #tpu.memory_space<hbm>>) target_semaphore(%run_scoped3A : memref<!tpu.dma_semaphore, #tpu.memory_space<semaphore_mem>>)
        %dma_wait3A_65 = arith.constant 0 : i32
        %dma_wait3A_66 = tpu.memref_slice %arg10[%add3A_14, %dma_wait3A_65] : memref<49152x128xf32, #tpu.memory_space<hbm>> -> memref<128x128xf32, #tpu.memory_space<hbm>>
        %dma_wait3A_67 = arith.constant 0 : i32
        %dma_wait3A_68 = tpu.memref_slice %arg10[%add3A_14, %dma_wait3A_67] : memref<49152x128xf32, #tpu.memory_space<hbm>> -> memref<128x128xf32, #tpu.memory_space<hbm>>
        tpu.wait_dma2 semaphore(%run_scoped3A : memref<!tpu.dma_semaphore, #tpu.memory_space<semaphore_mem>>) src(%arg15 : memref<128x128xf32, #tpu.memory_space<vmem>>) dst(%dma_wait3A_68 : memref<128x128xf32, #tpu.memory_space<hbm>>)
        tpu.yield
      }) : () -> ()
    }
    %scan3A_4 = arith.constant 12 : i32
    return
  }
}

#map = affine_map<(d0, d1) -> (0, 0)>
module attributes {stable_mosaic.version = 14 : i64} {
  func.func @k(%arg0: i32, %arg1: i32, %arg2: memref<32x1024xi32, #tpu.memory_space<hbm>>, %arg3: memref<32x1024xf32, #tpu.memory_space<hbm>>, %arg4: memref<16x1024xi32, #tpu.memory_space<hbm>>, %arg5: memref<16x1024xf32, #tpu.memory_space<hbm>>, %arg6: memref<49152x128xf32, #tpu.memory_space<hbm>>, %arg7: memref<100000x128xf32, #tpu.memory_space<hbm>>, %arg8: memref<16384x128xf32, #tpu.memory_space<hbm>>, %arg9: memref<32x3200xi32, #tpu.memory_space<hbm>>, %arg10: memref<32x3200xf32, #tpu.memory_space<hbm>>, %arg11: memref<32x3200xi32, #tpu.memory_space<hbm>>, %arg12: memref<32x3200xf32, #tpu.memory_space<hbm>>, %arg13: memref<3200xi32, #tpu.memory_space<vmem>>, %arg14: memref<3200xf32, #tpu.memory_space<vmem>>, %arg15: memref<3200xi32, #tpu.memory_space<vmem>>, %arg16: memref<3200xf32, #tpu.memory_space<vmem>>, %arg17: memref<1024xi32, #tpu.memory_space<vmem>>, %arg18: memref<1024xf32, #tpu.memory_space<vmem>>, %arg19: memref<25x128xi32, #tpu.memory_space<vmem>>, %arg20: memref<25x128xi32, #tpu.memory_space<vmem>>, %arg21: memref<128x128xi32, #tpu.memory_space<vmem>>, %arg22: memref<128x128xi32, #tpu.memory_space<vmem>>, %arg23: memref<128x128xf32, #tpu.memory_space<vmem>>, %arg24: memref<!tpu.dma_semaphore, #tpu.memory_space<semaphore_mem>>) attributes {dimension_semantics = [#tpu.dimension_semantics<core_parallel>, #tpu.dimension_semantics<subcore_parallel>], iteration_bounds = array<i64: 2, 16>, scalar_prefetch = 0 : i64, scratch_operands = 12 : i64, tpu.core_type = #tpu.core_type<sc_vector_subcore>, window_params = [{transform_indices = #map}, {transform_indices = #map}, {transform_indices = #map}, {transform_indices = #map}, {transform_indices = #map}, {transform_indices = #map}, {transform_indices = #map}, {transform_indices = #map}, {transform_indices = #map}, {transform_indices = #map}, {transform_indices = #map}]} {
    %mul3A = arith.constant 2 : i32
    %mul3A_0 = arith.muli %arg1, %mul3A : i32
    %add3A = arith.addi %mul3A_0, %arg0 : i32
    %mul3A_1 = arith.constant 3200 : i32
    %mul3A_2 = arith.muli %add3A, %mul3A_1 : i32
    %scan3A = arith.constant 0 : i32
    %scan3A_3 = arith.constant 200 : i32
    %scan3A_4 = arith.addi %scan3A, %scan3A_3 : i32
    %scan3A_5 = arith.constant 1 : i32
    scf.for %scan3A_2048 = %scan3A to %scan3A_4 step %scan3A_5  : i32 {
      %mul3A_2049 = arith.constant 1 : i32
      %mul3A_2050 = arith.muli %scan3A_2048, %mul3A_2049 : i32
      %add3A_2051 = arith.constant 0 : i32
      %add3A_2052 = arith.addi %add3A_2051, %mul3A_2050 : i32
      %broadcast_in_dim3A_2053 = arith.constant -1 : i32
      %broadcast_in_dim3A_2054 = vector.broadcast %broadcast_in_dim3A_2053 : i32 to vector<16xi32>
      %mul3A_2055 = arith.constant 16 : i32
      %mul3A_2056 = arith.muli %add3A_2052, %mul3A_2055 : i32
      %swap3A = arith.index_cast %mul3A_2056 : i32 to index
      %swap3A_2057 = tpu.vector_load %arg13[%swap3A] {strides = array<i32>} : memref<3200xi32, #tpu.memory_space<vmem>>, vector<16xi32>,
      tpu.vector_store %arg13[%swap3A], %broadcast_in_dim3A_2054 {strides = array<i32>} : memref<3200xi32, #tpu.memory_space<vmem>>, vector<16xi32>,
      %mul3A_2058 = arith.constant 16 : i32
      %mul3A_2059 = arith.muli %add3A_2052, %mul3A_2058 : i32
      %swap3A_2060 = arith.index_cast %mul3A_2059 : i32 to index
      %swap3A_2061 = tpu.vector_load %arg15[%swap3A_2060] {strides = array<i32>} : memref<3200xi32, #tpu.memory_space<vmem>>, vector<16xi32>,
      tpu.vector_store %arg15[%swap3A_2060], %broadcast_in_dim3A_2054 {strides = array<i32>} : memref<3200xi32, #tpu.memory_space<vmem>>, vector<16xi32>,
    }
    %scan3A_6 = arith.constant 200 : i32
    %scan3A_7 = arith.constant 0 : i32
    %scan3A_8 = arith.constant 32 : i32
    %scan3A_9 = arith.addi %scan3A_7, %scan3A_8 : i32
    %scan3A_10 = arith.constant 1 : i32
    scf.for %scan3A_2048 = %scan3A_7 to %scan3A_9 step %scan3A_10  : i32 {
      %mul3A_2049 = arith.constant 1 : i32
      %mul3A_2050 = arith.muli %scan3A_2048, %mul3A_2049 : i32
      %add3A_2051 = arith.constant 0 : i32
      %add3A_2052 = arith.addi %add3A_2051, %mul3A_2050 : i32
      "tpu.region"() ({
        %run_scoped3A = tpu.sem_alloc : memref<!tpu.dma_semaphore, #tpu.memory_space<semaphore_mem>>
        %dma_start3A = arith.constant 0 : i32
        %dma_start3A_2058 = tpu.memref_slice %arg2[%add3A_2052, %dma_start3A] : memref<32x1024xi32, #tpu.memory_space<hbm>> -> memref<1x1024xi32, #tpu.memory_space<hbm>>
        %dma_start3A_2059 = tpu.memref_squeeze %dma_start3A_2058 : memref<1x1024xi32, #tpu.memory_space<hbm>> -> memref<1024xi32, #tpu.memory_space<hbm>>
        %dma_start3A_2060 = arith.constant 0 : i32
        %dma_start3A_2061 = tpu.memref_slice %arg2[%add3A_2052, %dma_start3A_2060] : memref<32x1024xi32, #tpu.memory_space<hbm>> -> memref<1x1024xi32, #tpu.memory_space<hbm>>
        %dma_start3A_2062 = tpu.memref_squeeze %dma_start3A_2061 : memref<1x1024xi32, #tpu.memory_space<hbm>> -> memref<1024xi32, #tpu.memory_space<hbm>>
        tpu.enqueue_dma source(%dma_start3A_2062 : memref<1024xi32, #tpu.memory_space<hbm>>) target(%arg17 : memref<1024xi32, #tpu.memory_space<vmem>>) target_semaphore(%run_scoped3A : memref<!tpu.dma_semaphore, #tpu.memory_space<semaphore_mem>>)
        %dma_wait3A = arith.constant 0 : i32
        %dma_wait3A_2063 = tpu.memref_slice %arg2[%add3A_2052, %dma_wait3A] : memref<32x1024xi32, #tpu.memory_space<hbm>> -> memref<1x1024xi32, #tpu.memory_space<hbm>>
        %dma_wait3A_2064 = tpu.memref_squeeze %dma_wait3A_2063 : memref<1x1024xi32, #tpu.memory_space<hbm>> -> memref<1024xi32, #tpu.memory_space<hbm>>
        %dma_wait3A_2065 = arith.constant 0 : i32
        %dma_wait3A_2066 = tpu.memref_slice %arg2[%add3A_2052, %dma_wait3A_2065] : memref<32x1024xi32, #tpu.memory_space<hbm>> -> memref<1x1024xi32, #tpu.memory_space<hbm>>
        %dma_wait3A_2067 = tpu.memref_squeeze %dma_wait3A_2066 : memref<1x1024xi32, #tpu.memory_space<hbm>> -> memref<1024xi32, #tpu.memory_space<hbm>>
        tpu.wait_dma2 semaphore(%run_scoped3A : memref<!tpu.dma_semaphore, #tpu.memory_space<semaphore_mem>>) src(%dma_wait3A_2067 : memref<1024xi32, #tpu.memory_space<hbm>>) dst(%arg17 : memref<1024xi32, #tpu.memory_space<vmem>>)
        tpu.yield
      }) : () -> ()
      "tpu.region"() ({
        %run_scoped3A = tpu.sem_alloc : memref<!tpu.dma_semaphore, #tpu.memory_space<semaphore_mem>>
        %dma_start3A = arith.constant 0 : i32
        %dma_start3A_2058 = tpu.memref_slice %arg3[%add3A_2052, %dma_start3A] : memref<32x1024xf32, #tpu.memory_space<hbm>> -> memref<1x1024xf32, #tpu.memory_space<hbm>>
        %dma_start3A_2059 = tpu.memref_squeeze %dma_start3A_2058 : memref<1x1024xf32, #tpu.memory_space<hbm>> -> memref<1024xf32, #tpu.memory_space<hbm>>
        %dma_start3A_2060 = arith.constant 0 : i32
        %dma_start3A_2061 = tpu.memref_slice %arg3[%add3A_2052, %dma_start3A_2060] : memref<32x1024xf32, #tpu.memory_space<hbm>> -> memref<1x1024xf32, #tpu.memory_space<hbm>>
        %dma_start3A_2062 = tpu.memref_squeeze %dma_start3A_2061 : memref<1x1024xf32, #tpu.memory_space<hbm>> -> memref<1024xf32, #tpu.memory_space<hbm>>
        tpu.enqueue_dma source(%dma_start3A_2062 : memref<1024xf32, #tpu.memory_space<hbm>>) target(%arg18 : memref<1024xf32, #tpu.memory_space<vmem>>) target_semaphore(%run_scoped3A : memref<!tpu.dma_semaphore, #tpu.memory_space<semaphore_mem>>)
        %dma_wait3A = arith.constant 0 : i32
        %dma_wait3A_2063 = tpu.memref_slice %arg3[%add3A_2052, %dma_wait3A] : memref<32x1024xf32, #tpu.memory_space<hbm>> -> memref<1x1024xf32, #tpu.memory_space<hbm>>
        %dma_wait3A_2064 = tpu.memref_squeeze %dma_wait3A_2063 : memref<1x1024xf32, #tpu.memory_space<hbm>> -> memref<1024xf32, #tpu.memory_space<hbm>>
        %dma_wait3A_2065 = arith.constant 0 : i32
        %dma_wait3A_2066 = tpu.memref_slice %arg3[%add3A_2052, %dma_wait3A_2065] : memref<32x1024xf32, #tpu.memory_space<hbm>> -> memref<1x1024xf32, #tpu.memory_space<hbm>>
        %dma_wait3A_2067 = tpu.memref_squeeze %dma_wait3A_2066 : memref<1x1024xf32, #tpu.memory_space<hbm>> -> memref<1024xf32, #tpu.memory_space<hbm>>
        tpu.wait_dma2 semaphore(%run_scoped3A : memref<!tpu.dma_semaphore, #tpu.memory_space<semaphore_mem>>) src(%dma_wait3A_2067 : memref<1024xf32, #tpu.memory_space<hbm>>) dst(%arg18 : memref<1024xf32, #tpu.memory_space<vmem>>)
        tpu.yield
      }) : () -> ()
      %scan3A_2053 = arith.constant 0 : i32
      %scan3A_2054 = arith.constant 64 : i32
      %scan3A_2055 = arith.addi %scan3A_2053, %scan3A_2054 : i32
      %scan3A_2056 = arith.constant 1 : i32
      scf.for %scan3A_2058 = %scan3A_2053 to %scan3A_2055 step %scan3A_2056  : i32 {
        %mul3A_2059 = arith.constant 1 : i32
        %mul3A_2060 = arith.muli %scan3A_2058, %mul3A_2059 : i32
        %add3A_2061 = arith.constant 0 : i32
        %add3A_2062 = arith.addi %add3A_2061, %mul3A_2060 : i32
        %mul3A_2063 = arith.constant 16 : i32
        %mul3A_2064 = arith.muli %add3A_2062, %mul3A_2063 : i32
        %get3A = arith.index_cast %mul3A_2064 : i32 to index
        %get3A_2065 = tpu.vector_load %arg17[%get3A] {strides = array<i32>} : memref<1024xi32, #tpu.memory_space<vmem>>, vector<16xi32>,
        %mul3A_2066 = arith.constant 16 : i32
        %mul3A_2067 = arith.muli %add3A_2062, %mul3A_2066 : i32
        %get3A_2068 = arith.index_cast %mul3A_2067 : i32 to index
        %get3A_2069 = tpu.vector_load %arg18[%get3A_2068] {strides = array<i32>} : memref<1024xf32, #tpu.memory_space<vmem>>, vector<16xf32>,
        %mul3A_2070 = arith.constant 1024 : i32
        %mul3A_2071 = arith.muli %add3A_2052, %mul3A_2070 : i32
        %mul3A_2072 = arith.constant 16 : i32
        %mul3A_2073 = arith.muli %add3A_2062, %mul3A_2072 : i32
        %add3A_2074 = arith.addi %mul3A_2071, %mul3A_2073 : i32
        %iota3A_2075 = tpu.iota {dimensions = array<i32: 0>} : vector<16xi32>
        %add3A_2076 = vector.broadcast %add3A_2074 : i32 to vector<16xi32>
        %add3A_2077 = arith.addi %add3A_2076, %iota3A_2075 : vector<16xi32>
        %ge3A = vector.broadcast %mul3A_2 : i32 to vector<16xi32>
        %ge3A_2078 = arith.cmpi sge, %get3A_2065, %ge3A : vector<16xi32>
        %add3A_2079 = arith.constant 3200 : i32
        %add3A_2080 = arith.addi %mul3A_2, %add3A_2079 : i32
        %lt3A_2081 = vector.broadcast %add3A_2080 : i32 to vector<16xi32>
        %lt3A_2082 = arith.cmpi slt, %get3A_2065, %lt3A_2081 : vector<16xi32>
        %and3A_2083 = arith.andi %ge3A_2078, %lt3A_2082 : vector<16xi1>
        %sub3A_2084 = vector.broadcast %mul3A_2 : i32 to vector<16xi32>
        %sub3A_2085 = arith.subi %get3A_2065, %sub3A_2084 : vector<16xi32>
        %jit3A_2086 = arith.constant 0 : i32
        %jit3A_2087 = arith.constant 3199 : i32
        %max3A_2088 = vector.broadcast %jit3A_2086 : i32 to vector<16xi32>
        %max3A_2089 = arith.maxsi %max3A_2088, %sub3A_2085 : vector<16xi32>
        %min3A = vector.broadcast %jit3A_2087 : i32 to vector<16xi32>
        %min3A_2090 = arith.minsi %min3A, %max3A_2089 : vector<16xi32>
        tpu.vector_store_idx %arg13[%min3A_2090], %add3A_2077 masked %and3A_2083 : memref<3200xi32, #tpu.memory_space<vmem>>[vector<16xi32>], vector<16xi32>, vector<16xi1>
        %gather3A_2091 = tpu.vector_load_idx %arg13[%min3A_2090] : memref<3200xi32, #tpu.memory_space<vmem>>[vector<16xi32>], vector<16xi32>,
        %gt3A = arith.cmpi sgt, %add3A_2077, %gather3A_2091 : vector<16xi32>
        %and3A_2092 = arith.andi %and3A_2083, %gt3A : vector<16xi1>
        %while3A_2093 = scf.while (%while3A_2097 = %and3A_2092) : (vector<16xi1>) -> vector<16xi1> {
          %reduce_or3A = arith.constant 1.000000e+00 : f32
          %reduce_or3A_2098 = arith.constant 0.000000e+00 : f32
          %reduce_or3A_2099 = vector.broadcast %reduce_or3A : f32 to vector<16xf32>
          %reduce_or3A_2100 = vector.broadcast %reduce_or3A_2098 : f32 to vector<16xf32>
          %reduce_or3A_2101 = arith.select %while3A_2097, %reduce_or3A_2099, %reduce_or3A_2100 : vector<16xi1>, vector<16xf32>
          %reduce_or3A_2102 = arith.constant true
          %reduce_or3A_2103 = vector.broadcast %reduce_or3A_2102 : i1 to vector<16xi1>
          %reduce_or3A_2104 = tpu.scan <max>, %reduce_or3A_2101 masked %reduce_or3A_2103 : vector<16xf32>, vector<16xi1> -> vector<16xf32>
          %reduce_or3A_2105 = vector.extract %reduce_or3A_2104[15] : f32 from vector<16xf32>
          %reduce_or3A_2106 = arith.constant 0.000000e+00 : f32
          %reduce_or3A_2107 = arith.cmpf ogt, %reduce_or3A_2105, %reduce_or3A_2106 : f32
          scf.condition(%reduce_or3A_2107) %while3A_2097 : vector<16xi1>
        } do {
        ^bb0(%while3A_2097: vector<16xi1>):
          tpu.vector_store_idx %arg13[%min3A_2090], %add3A_2077 masked %while3A_2097 : memref<3200xi32, #tpu.memory_space<vmem>>[vector<16xi32>], vector<16xi32>, vector<16xi1>
          %gather3A_2098 = tpu.vector_load_idx %arg13[%min3A_2090] : memref<3200xi32, #tpu.memory_space<vmem>>[vector<16xi32>], vector<16xi32>,
          %gt3A_2099 = arith.cmpi sgt, %add3A_2077, %gather3A_2098 : vector<16xi32>
          %and3A_2100 = arith.andi %and3A_2083, %gt3A_2099 : vector<16xi1>
          scf.yield %and3A_2100 : vector<16xi1>
        }
        %gather3A_2094 = tpu.vector_load_idx %arg13[%min3A_2090] : memref<3200xi32, #tpu.memory_space<vmem>>[vector<16xi32>], vector<16xi32>,
        %eq3A_2095 = arith.cmpi eq, %gather3A_2094, %add3A_2077 : vector<16xi32>
        %and3A_2096 = arith.andi %and3A_2083, %eq3A_2095 : vector<16xi1>
        tpu.vector_store_idx %arg14[%min3A_2090], %get3A_2069 masked %and3A_2096 : memref<3200xf32, #tpu.memory_space<vmem>>[vector<16xi32>], vector<16xf32>, vector<16xi1>
      }
      %scan3A_2057 = arith.constant 64 : i32
    }
    %scan3A_11 = arith.constant 32 : i32
    %scan3A_12 = arith.constant 0 : i32
    %scan3A_13 = arith.constant 16 : i32
    %scan3A_14 = arith.addi %scan3A_12, %scan3A_13 : i32
    %scan3A_15 = arith.constant 1 : i32
    scf.for %scan3A_2048 = %scan3A_12 to %scan3A_14 step %scan3A_15  : i32 {
      %mul3A_2049 = arith.constant 1 : i32
      %mul3A_2050 = arith.muli %scan3A_2048, %mul3A_2049 : i32
      %add3A_2051 = arith.constant 0 : i32
      %add3A_2052 = arith.addi %add3A_2051, %mul3A_2050 : i32
      "tpu.region"() ({
        %run_scoped3A = tpu.sem_alloc : memref<!tpu.dma_semaphore, #tpu.memory_space<semaphore_mem>>
        %dma_start3A = arith.constant 0 : i32
        %dma_start3A_2058 = tpu.memref_slice %arg4[%add3A_2052, %dma_start3A] : memref<16x1024xi32, #tpu.memory_space<hbm>> -> memref<1x1024xi32, #tpu.memory_space<hbm>>
        %dma_start3A_2059 = tpu.memref_squeeze %dma_start3A_2058 : memref<1x1024xi32, #tpu.memory_space<hbm>> -> memref<1024xi32, #tpu.memory_space<hbm>>
        %dma_start3A_2060 = arith.constant 0 : i32
        %dma_start3A_2061 = tpu.memref_slice %arg4[%add3A_2052, %dma_start3A_2060] : memref<16x1024xi32, #tpu.memory_space<hbm>> -> memref<1x1024xi32, #tpu.memory_space<hbm>>
        %dma_start3A_2062 = tpu.memref_squeeze %dma_start3A_2061 : memref<1x1024xi32, #tpu.memory_space<hbm>> -> memref<1024xi32, #tpu.memory_space<hbm>>
        tpu.enqueue_dma source(%dma_start3A_2062 : memref<1024xi32, #tpu.memory_space<hbm>>) target(%arg17 : memref<1024xi32, #tpu.memory_space<vmem>>) target_semaphore(%run_scoped3A : memref<!tpu.dma_semaphore, #tpu.memory_space<semaphore_mem>>)
        %dma_wait3A = arith.constant 0 : i32
        %dma_wait3A_2063 = tpu.memref_slice %arg4[%add3A_2052, %dma_wait3A] : memref<16x1024xi32, #tpu.memory_space<hbm>> -> memref<1x1024xi32, #tpu.memory_space<hbm>>
        %dma_wait3A_2064 = tpu.memref_squeeze %dma_wait3A_2063 : memref<1x1024xi32, #tpu.memory_space<hbm>> -> memref<1024xi32, #tpu.memory_space<hbm>>
        %dma_wait3A_2065 = arith.constant 0 : i32
        %dma_wait3A_2066 = tpu.memref_slice %arg4[%add3A_2052, %dma_wait3A_2065] : memref<16x1024xi32, #tpu.memory_space<hbm>> -> memref<1x1024xi32, #tpu.memory_space<hbm>>
        %dma_wait3A_2067 = tpu.memref_squeeze %dma_wait3A_2066 : memref<1x1024xi32, #tpu.memory_space<hbm>> -> memref<1024xi32, #tpu.memory_space<hbm>>
        tpu.wait_dma2 semaphore(%run_scoped3A : memref<!tpu.dma_semaphore, #tpu.memory_space<semaphore_mem>>) src(%dma_wait3A_2067 : memref<1024xi32, #tpu.memory_space<hbm>>) dst(%arg17 : memref<1024xi32, #tpu.memory_space<vmem>>)
        tpu.yield
      }) : () -> ()
      "tpu.region"() ({
        %run_scoped3A = tpu.sem_alloc : memref<!tpu.dma_semaphore, #tpu.memory_space<semaphore_mem>>
        %dma_start3A = arith.constant 0 : i32
        %dma_start3A_2058 = tpu.memref_slice %arg5[%add3A_2052, %dma_start3A] : memref<16x1024xf32, #tpu.memory_space<hbm>> -> memref<1x1024xf32, #tpu.memory_space<hbm>>
        %dma_start3A_2059 = tpu.memref_squeeze %dma_start3A_2058 : memref<1x1024xf32, #tpu.memory_space<hbm>> -> memref<1024xf32, #tpu.memory_space<hbm>>
        %dma_start3A_2060 = arith.constant 0 : i32
        %dma_start3A_2061 = tpu.memref_slice %arg5[%add3A_2052, %dma_start3A_2060] : memref<16x1024xf32, #tpu.memory_space<hbm>> -> memref<1x1024xf32, #tpu.memory_space<hbm>>
        %dma_start3A_2062 = tpu.memref_squeeze %dma_start3A_2061 : memref<1x1024xf32, #tpu.memory_space<hbm>> -> memref<1024xf32, #tpu.memory_space<hbm>>
        tpu.enqueue_dma source(%dma_start3A_2062 : memref<1024xf32, #tpu.memory_space<hbm>>) target(%arg18 : memref<1024xf32, #tpu.memory_space<vmem>>) target_semaphore(%run_scoped3A : memref<!tpu.dma_semaphore, #tpu.memory_space<semaphore_mem>>)
        %dma_wait3A = arith.constant 0 : i32
        %dma_wait3A_2063 = tpu.memref_slice %arg5[%add3A_2052, %dma_wait3A] : memref<16x1024xf32, #tpu.memory_space<hbm>> -> memref<1x1024xf32, #tpu.memory_space<hbm>>
        %dma_wait3A_2064 = tpu.memref_squeeze %dma_wait3A_2063 : memref<1x1024xf32, #tpu.memory_space<hbm>> -> memref<1024xf32, #tpu.memory_space<hbm>>
        %dma_wait3A_2065 = arith.constant 0 : i32
        %dma_wait3A_2066 = tpu.memref_slice %arg5[%add3A_2052, %dma_wait3A_2065] : memref<16x1024xf32, #tpu.memory_space<hbm>> -> memref<1x1024xf32, #tpu.memory_space<hbm>>
        %dma_wait3A_2067 = tpu.memref_squeeze %dma_wait3A_2066 : memref<1x1024xf32, #tpu.memory_space<hbm>> -> memref<1024xf32, #tpu.memory_space<hbm>>
        tpu.wait_dma2 semaphore(%run_scoped3A : memref<!tpu.dma_semaphore, #tpu.memory_space<semaphore_mem>>) src(%dma_wait3A_2067 : memref<1024xf32, #tpu.memory_space<hbm>>) dst(%arg18 : memref<1024xf32, #tpu.memory_space<vmem>>)
        tpu.yield
      }) : () -> ()
      %scan3A_2053 = arith.constant 0 : i32
      %scan3A_2054 = arith.constant 64 : i32
      %scan3A_2055 = arith.addi %scan3A_2053, %scan3A_2054 : i32
      %scan3A_2056 = arith.constant 1 : i32
      scf.for %scan3A_2058 = %scan3A_2053 to %scan3A_2055 step %scan3A_2056  : i32 {
        %mul3A_2059 = arith.constant 1 : i32
        %mul3A_2060 = arith.muli %scan3A_2058, %mul3A_2059 : i32
        %add3A_2061 = arith.constant 0 : i32
        %add3A_2062 = arith.addi %add3A_2061, %mul3A_2060 : i32
        %mul3A_2063 = arith.constant 16 : i32
        %mul3A_2064 = arith.muli %add3A_2062, %mul3A_2063 : i32
        %get3A = arith.index_cast %mul3A_2064 : i32 to index
        %get3A_2065 = tpu.vector_load %arg17[%get3A] {strides = array<i32>} : memref<1024xi32, #tpu.memory_space<vmem>>, vector<16xi32>,
        %mul3A_2066 = arith.constant 16 : i32
        %mul3A_2067 = arith.muli %add3A_2062, %mul3A_2066 : i32
        %get3A_2068 = arith.index_cast %mul3A_2067 : i32 to index
        %get3A_2069 = tpu.vector_load %arg18[%get3A_2068] {strides = array<i32>} : memref<1024xf32, #tpu.memory_space<vmem>>, vector<16xf32>,
        %mul3A_2070 = arith.constant 1024 : i32
        %mul3A_2071 = arith.muli %add3A_2052, %mul3A_2070 : i32
        %mul3A_2072 = arith.constant 16 : i32
        %mul3A_2073 = arith.muli %add3A_2062, %mul3A_2072 : i32
        %add3A_2074 = arith.addi %mul3A_2071, %mul3A_2073 : i32
        %iota3A_2075 = tpu.iota {dimensions = array<i32: 0>} : vector<16xi32>
        %add3A_2076 = vector.broadcast %add3A_2074 : i32 to vector<16xi32>
        %add3A_2077 = arith.addi %add3A_2076, %iota3A_2075 : vector<16xi32>
        %ge3A = vector.broadcast %mul3A_2 : i32 to vector<16xi32>
        %ge3A_2078 = arith.cmpi sge, %get3A_2065, %ge3A : vector<16xi32>
        %add3A_2079 = arith.constant 3200 : i32
        %add3A_2080 = arith.addi %mul3A_2, %add3A_2079 : i32
        %lt3A_2081 = vector.broadcast %add3A_2080 : i32 to vector<16xi32>
        %lt3A_2082 = arith.cmpi slt, %get3A_2065, %lt3A_2081 : vector<16xi32>
        %and3A_2083 = arith.andi %ge3A_2078, %lt3A_2082 : vector<16xi1>
        %sub3A_2084 = vector.broadcast %mul3A_2 : i32 to vector<16xi32>
        %sub3A_2085 = arith.subi %get3A_2065, %sub3A_2084 : vector<16xi32>
        %jit3A_2086 = arith.constant 0 : i32
        %jit3A_2087 = arith.constant 3199 : i32
        %max3A_2088 = vector.broadcast %jit3A_2086 : i32 to vector<16xi32>
        %max3A_2089 = arith.maxsi %max3A_2088, %sub3A_2085 : vector<16xi32>
        %min3A = vector.broadcast %jit3A_2087 : i32 to vector<16xi32>
        %min3A_2090 = arith.minsi %min3A, %max3A_2089 : vector<16xi32>
        tpu.vector_store_idx %arg15[%min3A_2090], %add3A_2077 masked %and3A_2083 : memref<3200xi32, #tpu.memory_space<vmem>>[vector<16xi32>], vector<16xi32>, vector<16xi1>
        %gather3A_2091 = tpu.vector_load_idx %arg15[%min3A_2090] : memref<3200xi32, #tpu.memory_space<vmem>>[vector<16xi32>], vector<16xi32>,
        %gt3A = arith.cmpi sgt, %add3A_2077, %gather3A_2091 : vector<16xi32>
        %and3A_2092 = arith.andi %and3A_2083, %gt3A : vector<16xi1>
        %while3A_2093 = scf.while (%while3A_2097 = %and3A_2092) : (vector<16xi1>) -> vector<16xi1> {
          %reduce_or3A = arith.constant 1.000000e+00 : f32
          %reduce_or3A_2098 = arith.constant 0.000000e+00 : f32
          %reduce_or3A_2099 = vector.broadcast %reduce_or3A : f32 to vector<16xf32>
          %reduce_or3A_2100 = vector.broadcast %reduce_or3A_2098 : f32 to vector<16xf32>
          %reduce_or3A_2101 = arith.select %while3A_2097, %reduce_or3A_2099, %reduce_or3A_2100 : vector<16xi1>, vector<16xf32>
          %reduce_or3A_2102 = arith.constant true
          %reduce_or3A_2103 = vector.broadcast %reduce_or3A_2102 : i1 to vector<16xi1>
          %reduce_or3A_2104 = tpu.scan <max>, %reduce_or3A_2101 masked %reduce_or3A_2103 : vector<16xf32>, vector<16xi1> -> vector<16xf32>
          %reduce_or3A_2105 = vector.extract %reduce_or3A_2104[15] : f32 from vector<16xf32>
          %reduce_or3A_2106 = arith.constant 0.000000e+00 : f32
          %reduce_or3A_2107 = arith.cmpf ogt, %reduce_or3A_2105, %reduce_or3A_2106 : f32
          scf.condition(%reduce_or3A_2107) %while3A_2097 : vector<16xi1>
        } do {
        ^bb0(%while3A_2097: vector<16xi1>):
          tpu.vector_store_idx %arg15[%min3A_2090], %add3A_2077 masked %while3A_2097 : memref<3200xi32, #tpu.memory_space<vmem>>[vector<16xi32>], vector<16xi32>, vector<16xi1>
          %gather3A_2098 = tpu.vector_load_idx %arg15[%min3A_2090] : memref<3200xi32, #tpu.memory_space<vmem>>[vector<16xi32>], vector<16xi32>,
          %gt3A_2099 = arith.cmpi sgt, %add3A_2077, %gather3A_2098 : vector<16xi32>
          %and3A_2100 = arith.andi %and3A_2083, %gt3A_2099 : vector<16xi1>
          scf.yield %and3A_2100 : vector<16xi1>
        }
        %gather3A_2094 = tpu.vector_load_idx %arg15[%min3A_2090] : memref<3200xi32, #tpu.memory_space<vmem>>[vector<16xi32>], vector<16xi32>,
        %eq3A_2095 = arith.cmpi eq, %gather3A_2094, %add3A_2077 : vector<16xi32>
        %and3A_2096 = arith.andi %and3A_2083, %eq3A_2095 : vector<16xi1>
        tpu.vector_store_idx %arg16[%min3A_2090], %get3A_2069 masked %and3A_2096 : memref<3200xf32, #tpu.memory_space<vmem>>[vector<16xi32>], vector<16xf32>, vector<16xi1>
      }
      %scan3A_2057 = arith.constant 64 : i32
    }
    %scan3A_16 = arith.constant 16 : i32
    "tpu.region"() ({
      %run_scoped3A = tpu.sem_alloc : memref<!tpu.dma_semaphore, #tpu.memory_space<semaphore_mem>>
      %dma_start3A = arith.constant 0 : i32
      %dma_start3A_2048 = tpu.memref_slice %arg9[%add3A, %dma_start3A] : memref<32x3200xi32, #tpu.memory_space<hbm>> -> memref<1x3200xi32, #tpu.memory_space<hbm>>
      %dma_start3A_2049 = tpu.memref_squeeze %dma_start3A_2048 : memref<1x3200xi32, #tpu.memory_space<hbm>> -> memref<3200xi32, #tpu.memory_space<hbm>>
      %dma_start3A_2050 = arith.constant 0 : i32
      %dma_start3A_2051 = tpu.memref_slice %arg9[%add3A, %dma_start3A_2050] : memref<32x3200xi32, #tpu.memory_space<hbm>> -> memref<1x3200xi32, #tpu.memory_space<hbm>>
      %dma_start3A_2052 = tpu.memref_squeeze %dma_start3A_2051 : memref<1x3200xi32, #tpu.memory_space<hbm>> -> memref<3200xi32, #tpu.memory_space<hbm>>
      tpu.enqueue_dma source(%arg13 : memref<3200xi32, #tpu.memory_space<vmem>>) target(%dma_start3A_2052 : memref<3200xi32, #tpu.memory_space<hbm>>) target_semaphore(%run_scoped3A : memref<!tpu.dma_semaphore, #tpu.memory_space<semaphore_mem>>)
      %dma_wait3A = arith.constant 0 : i32
      %dma_wait3A_2053 = tpu.memref_slice %arg9[%add3A, %dma_wait3A] : memref<32x3200xi32, #tpu.memory_space<hbm>> -> memref<1x3200xi32, #tpu.memory_space<hbm>>
      %dma_wait3A_2054 = tpu.memref_squeeze %dma_wait3A_2053 : memref<1x3200xi32, #tpu.memory_space<hbm>> -> memref<3200xi32, #tpu.memory_space<hbm>>
      %dma_wait3A_2055 = arith.constant 0 : i32
      %dma_wait3A_2056 = tpu.memref_slice %arg9[%add3A, %dma_wait3A_2055] : memref<32x3200xi32, #tpu.memory_space<hbm>> -> memref<1x3200xi32, #tpu.memory_space<hbm>>
      %dma_wait3A_2057 = tpu.memref_squeeze %dma_wait3A_2056 : memref<1x3200xi32, #tpu.memory_space<hbm>> -> memref<3200xi32, #tpu.memory_space<hbm>>
      tpu.wait_dma2 semaphore(%run_scoped3A : memref<!tpu.dma_semaphore, #tpu.memory_space<semaphore_mem>>) src(%arg13 : memref<3200xi32, #tpu.memory_space<vmem>>) dst(%dma_wait3A_2057 : memref<3200xi32, #tpu.memory_space<hbm>>)
      tpu.yield
    }) : () -> ()
    "tpu.region"() ({
      %run_scoped3A = tpu.sem_alloc : memref<!tpu.dma_semaphore, #tpu.memory_space<semaphore_mem>>
      %dma_start3A = arith.constant 0 : i32
      %dma_start3A_2048 = tpu.memref_slice %arg10[%add3A, %dma_start3A] : memref<32x3200xf32, #tpu.memory_space<hbm>> -> memref<1x3200xf32, #tpu.memory_space<hbm>>
      %dma_start3A_2049 = tpu.memref_squeeze %dma_start3A_2048 : memref<1x3200xf32, #tpu.memory_space<hbm>> -> memref<3200xf32, #tpu.memory_space<hbm>>
      %dma_start3A_2050 = arith.constant 0 : i32
      %dma_start3A_2051 = tpu.memref_slice %arg10[%add3A, %dma_start3A_2050] : memref<32x3200xf32, #tpu.memory_space<hbm>> -> memref<1x3200xf32, #tpu.memory_space<hbm>>
      %dma_start3A_2052 = tpu.memref_squeeze %dma_start3A_2051 : memref<1x3200xf32, #tpu.memory_space<hbm>> -> memref<3200xf32, #tpu.memory_space<hbm>>
      tpu.enqueue_dma source(%arg14 : memref<3200xf32, #tpu.memory_space<vmem>>) target(%dma_start3A_2052 : memref<3200xf32, #tpu.memory_space<hbm>>) target_semaphore(%run_scoped3A : memref<!tpu.dma_semaphore, #tpu.memory_space<semaphore_mem>>)
      %dma_wait3A = arith.constant 0 : i32
      %dma_wait3A_2053 = tpu.memref_slice %arg10[%add3A, %dma_wait3A] : memref<32x3200xf32, #tpu.memory_space<hbm>> -> memref<1x3200xf32, #tpu.memory_space<hbm>>
      %dma_wait3A_2054 = tpu.memref_squeeze %dma_wait3A_2053 : memref<1x3200xf32, #tpu.memory_space<hbm>> -> memref<3200xf32, #tpu.memory_space<hbm>>
      %dma_wait3A_2055 = arith.constant 0 : i32
      %dma_wait3A_2056 = tpu.memref_slice %arg10[%add3A, %dma_wait3A_2055] : memref<32x3200xf32, #tpu.memory_space<hbm>> -> memref<1x3200xf32, #tpu.memory_space<hbm>>
      %dma_wait3A_2057 = tpu.memref_squeeze %dma_wait3A_2056 : memref<1x3200xf32, #tpu.memory_space<hbm>> -> memref<3200xf32, #tpu.memory_space<hbm>>
      tpu.wait_dma2 semaphore(%run_scoped3A : memref<!tpu.dma_semaphore, #tpu.memory_space<semaphore_mem>>) src(%arg14 : memref<3200xf32, #tpu.memory_space<vmem>>) dst(%dma_wait3A_2057 : memref<3200xf32, #tpu.memory_space<hbm>>)
      tpu.yield
    }) : () -> ()
    "tpu.region"() ({
      %run_scoped3A = tpu.sem_alloc : memref<!tpu.dma_semaphore, #tpu.memory_space<semaphore_mem>>
      %dma_start3A = arith.constant 0 : i32
      %dma_start3A_2048 = tpu.memref_slice %arg11[%add3A, %dma_start3A] : memref<32x3200xi32, #tpu.memory_space<hbm>> -> memref<1x3200xi32, #tpu.memory_space<hbm>>
      %dma_start3A_2049 = tpu.memref_squeeze %dma_start3A_2048 : memref<1x3200xi32, #tpu.memory_space<hbm>> -> memref<3200xi32, #tpu.memory_space<hbm>>
      %dma_start3A_2050 = arith.constant 0 : i32
      %dma_start3A_2051 = tpu.memref_slice %arg11[%add3A, %dma_start3A_2050] : memref<32x3200xi32, #tpu.memory_space<hbm>> -> memref<1x3200xi32, #tpu.memory_space<hbm>>
      %dma_start3A_2052 = tpu.memref_squeeze %dma_start3A_2051 : memref<1x3200xi32, #tpu.memory_space<hbm>> -> memref<3200xi32, #tpu.memory_space<hbm>>
      tpu.enqueue_dma source(%arg15 : memref<3200xi32, #tpu.memory_space<vmem>>) target(%dma_start3A_2052 : memref<3200xi32, #tpu.memory_space<hbm>>) target_semaphore(%run_scoped3A : memref<!tpu.dma_semaphore, #tpu.memory_space<semaphore_mem>>)
      %dma_wait3A = arith.constant 0 : i32
      %dma_wait3A_2053 = tpu.memref_slice %arg11[%add3A, %dma_wait3A] : memref<32x3200xi32, #tpu.memory_space<hbm>> -> memref<1x3200xi32, #tpu.memory_space<hbm>>
      %dma_wait3A_2054 = tpu.memref_squeeze %dma_wait3A_2053 : memref<1x3200xi32, #tpu.memory_space<hbm>> -> memref<3200xi32, #tpu.memory_space<hbm>>
      %dma_wait3A_2055 = arith.constant 0 : i32
      %dma_wait3A_2056 = tpu.memref_slice %arg11[%add3A, %dma_wait3A_2055] : memref<32x3200xi32, #tpu.memory_space<hbm>> -> memref<1x3200xi32, #tpu.memory_space<hbm>>
      %dma_wait3A_2057 = tpu.memref_squeeze %dma_wait3A_2056 : memref<1x3200xi32, #tpu.memory_space<hbm>> -> memref<3200xi32, #tpu.memory_space<hbm>>
      tpu.wait_dma2 semaphore(%run_scoped3A : memref<!tpu.dma_semaphore, #tpu.memory_space<semaphore_mem>>) src(%arg15 : memref<3200xi32, #tpu.memory_space<vmem>>) dst(%dma_wait3A_2057 : memref<3200xi32, #tpu.memory_space<hbm>>)
      tpu.yield
    }) : () -> ()
    "tpu.region"() ({
      %run_scoped3A = tpu.sem_alloc : memref<!tpu.dma_semaphore, #tpu.memory_space<semaphore_mem>>
      %dma_start3A = arith.constant 0 : i32
      %dma_start3A_2048 = tpu.memref_slice %arg12[%add3A, %dma_start3A] : memref<32x3200xf32, #tpu.memory_space<hbm>> -> memref<1x3200xf32, #tpu.memory_space<hbm>>
      %dma_start3A_2049 = tpu.memref_squeeze %dma_start3A_2048 : memref<1x3200xf32, #tpu.memory_space<hbm>> -> memref<3200xf32, #tpu.memory_space<hbm>>
      %dma_start3A_2050 = arith.constant 0 : i32
      %dma_start3A_2051 = tpu.memref_slice %arg12[%add3A, %dma_start3A_2050] : memref<32x3200xf32, #tpu.memory_space<hbm>> -> memref<1x3200xf32, #tpu.memory_space<hbm>>
      %dma_start3A_2052 = tpu.memref_squeeze %dma_start3A_2051 : memref<1x3200xf32, #tpu.memory_space<hbm>> -> memref<3200xf32, #tpu.memory_space<hbm>>
      tpu.enqueue_dma source(%arg16 : memref<3200xf32, #tpu.memory_space<vmem>>) target(%dma_start3A_2052 : memref<3200xf32, #tpu.memory_space<hbm>>) target_semaphore(%run_scoped3A : memref<!tpu.dma_semaphore, #tpu.memory_space<semaphore_mem>>)
      %dma_wait3A = arith.constant 0 : i32
      %dma_wait3A_2053 = tpu.memref_slice %arg12[%add3A, %dma_wait3A] : memref<32x3200xf32, #tpu.memory_space<hbm>> -> memref<1x3200xf32, #tpu.memory_space<hbm>>
      %dma_wait3A_2054 = tpu.memref_squeeze %dma_wait3A_2053 : memref<1x3200xf32, #tpu.memory_space<hbm>> -> memref<3200xf32, #tpu.memory_space<hbm>>
      %dma_wait3A_2055 = arith.constant 0 : i32
      %dma_wait3A_2056 = tpu.memref_slice %arg12[%add3A, %dma_wait3A_2055] : memref<32x3200xf32, #tpu.memory_space<hbm>> -> memref<1x3200xf32, #tpu.memory_space<hbm>>
      %dma_wait3A_2057 = tpu.memref_squeeze %dma_wait3A_2056 : memref<1x3200xf32, #tpu.memory_space<hbm>> -> memref<3200xf32, #tpu.memory_space<hbm>>
      tpu.wait_dma2 semaphore(%run_scoped3A : memref<!tpu.dma_semaphore, #tpu.memory_space<semaphore_mem>>) src(%arg16 : memref<3200xf32, #tpu.memory_space<vmem>>) dst(%dma_wait3A_2057 : memref<3200xf32, #tpu.memory_space<hbm>>)
      tpu.yield
    }) : () -> ()
    %scan3A_17 = arith.constant 0 : i32
    %scan3A_18 = arith.constant 0 : i32
    %scan3A_19 = arith.constant 200 : i32
    %scan3A_20 = arith.addi %scan3A_18, %scan3A_19 : i32
    %scan3A_21 = arith.constant 1 : i32
    %scan3A_22 = scf.for %scan3A_2048 = %scan3A_18 to %scan3A_20 step %scan3A_21 iter_args(%scan3A_2049 = %scan3A_17) -> (i32)  : i32 {
      %mul3A_2050 = arith.constant 16 : i32
      %mul3A_2051 = arith.muli %scan3A_2048, %mul3A_2050 : i32
      %get3A = arith.index_cast %mul3A_2051 : i32 to index
      %get3A_2052 = tpu.vector_load %arg13[%get3A] {strides = array<i32>} : memref<3200xi32, #tpu.memory_space<vmem>>, vector<16xi32>,
      %ge3A = arith.constant 0 : i32
      %ge3A_2053 = vector.broadcast %ge3A : i32 to vector<16xi32>
      %ge3A_2054 = arith.cmpi sge, %get3A_2052, %ge3A_2053 : vector<16xi32>
      %mul3A_2055 = arith.constant 1 : i32
      %mul3A_2056 = arith.muli %mul3A_2, %mul3A_2055 : i32
      %mul3A_2057 = arith.constant 16 : i32
      %mul3A_2058 = arith.muli %scan3A_2048, %mul3A_2057 : i32
      %add3A_2059 = arith.addi %mul3A_2056, %mul3A_2058 : i32
      %iota3A_2060 = tpu.iota {dimensions = array<i32: 0>} : vector<16xi32>
      %add3A_2061 = vector.broadcast %add3A_2059 : i32 to vector<16xi32>
      %add3A_2062 = arith.addi %add3A_2061, %iota3A_2060 : vector<16xi32>
      %convert_element_type3A = arith.extui %ge3A_2054 : vector<16xi1> to vector<16xi32>
      %broadcast_in_dim3A_2063 = arith.constant true
      %broadcast_in_dim3A_2064 = vector.broadcast %broadcast_in_dim3A_2063 : i1 to vector<16xi1>
      %masked_cumsum3A = tpu.scan <sum>, %convert_element_type3A masked %broadcast_in_dim3A_2064 : vector<16xi32>, vector<16xi1> -> vector<16xi32>
      %add3A_2065 = vector.broadcast %scan3A_2049 : i32 to vector<16xi32>
      %add3A_2066 = arith.addi %add3A_2065, %masked_cumsum3A : vector<16xi32>
      %sub3A_2067 = arith.constant 1 : i32
      %sub3A_2068 = vector.broadcast %sub3A_2067 : i32 to vector<16xi32>
      %sub3A_2069 = arith.subi %add3A_2066, %sub3A_2068 : vector<16xi32>
      %jit3A_2070 = arith.constant 128 : i32
      %div3A_2071 = vector.broadcast %jit3A_2070 : i32 to vector<16xi32>
      %div3A_2072 = arith.divsi %sub3A_2069, %div3A_2071 : vector<16xi32>
      %sign3A_2073 = arith.constant 0 : i32
      %sign3A_2074 = vector.broadcast %sign3A_2073 : i32 to vector<16xi32>
      %sign3A_2075 = arith.cmpi sgt, %sub3A_2069, %sign3A_2074 : vector<16xi32>
      %sign3A_2076 = arith.extui %sign3A_2075 : vector<16xi1> to vector<16xi32>
      %sign3A_2077 = arith.constant 0 : i32
      %sign3A_2078 = vector.broadcast %sign3A_2077 : i32 to vector<16xi32>
      %sign3A_2079 = arith.cmpi slt, %sub3A_2069, %sign3A_2078 : vector<16xi32>
      %sign3A_2080 = arith.extui %sign3A_2079 : vector<16xi1> to vector<16xi32>
      %sign3A_2081 = arith.subi %sign3A_2076, %sign3A_2080 : vector<16xi32>
      %sign3A_2082 = arith.constant 0 : i32
      %sign3A_2083 = arith.cmpi sgt, %jit3A_2070, %sign3A_2082 : i32
      %sign3A_2084 = arith.extui %sign3A_2083 : i1 to i32
      %sign3A_2085 = arith.constant 0 : i32
      %sign3A_2086 = arith.cmpi slt, %jit3A_2070, %sign3A_2085 : i32
      %sign3A_2087 = arith.extui %sign3A_2086 : i1 to i32
      %sign3A_2088 = arith.subi %sign3A_2084, %sign3A_2087 : i32
      %ne3A_2089 = vector.broadcast %sign3A_2088 : i32 to vector<16xi32>
      %ne3A_2090 = arith.cmpi ne, %sign3A_2081, %ne3A_2089 : vector<16xi32>
      %rem3A_2091 = vector.broadcast %jit3A_2070 : i32 to vector<16xi32>
      %rem3A_2092 = arith.remsi %sub3A_2069, %rem3A_2091 : vector<16xi32>
      %ne3A_2093 = arith.constant 0 : i32
      %ne3A_2094 = vector.broadcast %ne3A_2093 : i32 to vector<16xi32>
      %ne3A_2095 = arith.cmpi ne, %rem3A_2092, %ne3A_2094 : vector<16xi32>
      %and3A_2096 = arith.andi %ne3A_2090, %ne3A_2095 : vector<16xi1>
      %sub3A_2097 = arith.constant 1 : i32
      %sub3A_2098 = vector.broadcast %sub3A_2097 : i32 to vector<16xi32>
      %sub3A_2099 = arith.subi %div3A_2072, %sub3A_2098 : vector<16xi32>
      %select_n3A_2100 = arith.select %and3A_2096, %sub3A_2099, %div3A_2072 : vector<16xi1>, vector<16xi32>
      %jit3A_2101 = arith.constant 128 : i32
      %eq3A_2102 = arith.constant 0 : i32
      %eq3A_2103 = arith.cmpi eq, %jit3A_2101, %eq3A_2102 : i32
      %jit3A_2104 = arith.constant 1 : i32
      %select_n3A_2105 = arith.select %eq3A_2103, %jit3A_2104, %jit3A_2101 : i32
      %rem3A_2106 = vector.broadcast %select_n3A_2105 : i32 to vector<16xi32>
      %rem3A_2107 = arith.remsi %sub3A_2069, %rem3A_2106 : vector<16xi32>
      %ne3A_2108 = arith.constant 0 : i32
      %ne3A_2109 = vector.broadcast %ne3A_2108 : i32 to vector<16xi32>
      %ne3A_2110 = arith.cmpi ne, %rem3A_2107, %ne3A_2109 : vector<16xi32>
      %lt3A_2111 = arith.constant 0 : i32
      %lt3A_2112 = vector.broadcast %lt3A_2111 : i32 to vector<16xi32>
      %lt3A_2113 = arith.cmpi slt, %rem3A_2107, %lt3A_2112 : vector<16xi32>
      %lt3A_2114 = arith.constant 0 : i32
      %lt3A_2115 = arith.cmpi slt, %select_n3A_2105, %lt3A_2114 : i32
      %ne3A_2116 = vector.broadcast %lt3A_2115 : i1 to vector<16xi1>
      %ne3A_2117 = vector.broadcast %ne3A_2116 : vector<16xi1> to vector<16xi1>
      %ne3A_2118 = arith.xori %lt3A_2113, %ne3A_2117 : vector<16xi1>
      %and3A_2119 = arith.andi %ne3A_2118, %ne3A_2110 : vector<16xi1>
      %add3A_2120 = vector.broadcast %select_n3A_2105 : i32 to vector<16xi32>
      %add3A_2121 = arith.addi %rem3A_2107, %add3A_2120 : vector<16xi32>
      %select_n3A_2122 = arith.select %and3A_2119, %add3A_2121, %rem3A_2107 : vector<16xi1>, vector<16xi32>
      tpu.vector_store_idx %arg19[%select_n3A_2100, %select_n3A_2122], %add3A_2062 masked %ge3A_2054 : memref<25x128xi32, #tpu.memory_space<vmem>>[vector<16xi32>, vector<16xi32>], vector<16xi32>, vector<16xi1>
      %jit3A_2123 = arith.constant 128 : i32
      %div3A_2124 = vector.broadcast %jit3A_2123 : i32 to vector<16xi32>
      %div3A_2125 = arith.divsi %sub3A_2069, %div3A_2124 : vector<16xi32>
      %sign3A_2126 = arith.constant 0 : i32
      %sign3A_2127 = vector.broadcast %sign3A_2126 : i32 to vector<16xi32>
      %sign3A_2128 = arith.cmpi sgt, %sub3A_2069, %sign3A_2127 : vector<16xi32>
      %sign3A_2129 = arith.extui %sign3A_2128 : vector<16xi1> to vector<16xi32>
      %sign3A_2130 = arith.constant 0 : i32
      %sign3A_2131 = vector.broadcast %sign3A_2130 : i32 to vector<16xi32>
      %sign3A_2132 = arith.cmpi slt, %sub3A_2069, %sign3A_2131 : vector<16xi32>
      %sign3A_2133 = arith.extui %sign3A_2132 : vector<16xi1> to vector<16xi32>
      %sign3A_2134 = arith.subi %sign3A_2129, %sign3A_2133 : vector<16xi32>
      %sign3A_2135 = arith.constant 0 : i32
      %sign3A_2136 = arith.cmpi sgt, %jit3A_2123, %sign3A_2135 : i32
      %sign3A_2137 = arith.extui %sign3A_2136 : i1 to i32
      %sign3A_2138 = arith.constant 0 : i32
      %sign3A_2139 = arith.cmpi slt, %jit3A_2123, %sign3A_2138 : i32
      %sign3A_2140 = arith.extui %sign3A_2139 : i1 to i32
      %sign3A_2141 = arith.subi %sign3A_2137, %sign3A_2140 : i32
      %ne3A_2142 = vector.broadcast %sign3A_2141 : i32 to vector<16xi32>
      %ne3A_2143 = arith.cmpi ne, %sign3A_2134, %ne3A_2142 : vector<16xi32>
      %rem3A_2144 = vector.broadcast %jit3A_2123 : i32 to vector<16xi32>
      %rem3A_2145 = arith.remsi %sub3A_2069, %rem3A_2144 : vector<16xi32>
      %ne3A_2146 = arith.constant 0 : i32
      %ne3A_2147 = vector.broadcast %ne3A_2146 : i32 to vector<16xi32>
      %ne3A_2148 = arith.cmpi ne, %rem3A_2145, %ne3A_2147 : vector<16xi32>
      %and3A_2149 = arith.andi %ne3A_2143, %ne3A_2148 : vector<16xi1>
      %sub3A_2150 = arith.constant 1 : i32
      %sub3A_2151 = vector.broadcast %sub3A_2150 : i32 to vector<16xi32>
      %sub3A_2152 = arith.subi %div3A_2125, %sub3A_2151 : vector<16xi32>
      %select_n3A_2153 = arith.select %and3A_2149, %sub3A_2152, %div3A_2125 : vector<16xi1>, vector<16xi32>
      %jit3A_2154 = arith.constant 128 : i32
      %eq3A_2155 = arith.constant 0 : i32
      %eq3A_2156 = arith.cmpi eq, %jit3A_2154, %eq3A_2155 : i32
      %jit3A_2157 = arith.constant 1 : i32
      %select_n3A_2158 = arith.select %eq3A_2156, %jit3A_2157, %jit3A_2154 : i32
      %rem3A_2159 = vector.broadcast %select_n3A_2158 : i32 to vector<16xi32>
      %rem3A_2160 = arith.remsi %sub3A_2069, %rem3A_2159 : vector<16xi32>
      %ne3A_2161 = arith.constant 0 : i32
      %ne3A_2162 = vector.broadcast %ne3A_2161 : i32 to vector<16xi32>
      %ne3A_2163 = arith.cmpi ne, %rem3A_2160, %ne3A_2162 : vector<16xi32>
      %lt3A_2164 = arith.constant 0 : i32
      %lt3A_2165 = vector.broadcast %lt3A_2164 : i32 to vector<16xi32>
      %lt3A_2166 = arith.cmpi slt, %rem3A_2160, %lt3A_2165 : vector<16xi32>
      %lt3A_2167 = arith.constant 0 : i32
      %lt3A_2168 = arith.cmpi slt, %select_n3A_2158, %lt3A_2167 : i32
      %ne3A_2169 = vector.broadcast %lt3A_2168 : i1 to vector<16xi1>
      %ne3A_2170 = vector.broadcast %ne3A_2169 : vector<16xi1> to vector<16xi1>
      %ne3A_2171 = arith.xori %lt3A_2166, %ne3A_2170 : vector<16xi1>
      %and3A_2172 = arith.andi %ne3A_2171, %ne3A_2163 : vector<16xi1>
      %add3A_2173 = vector.broadcast %select_n3A_2158 : i32 to vector<16xi32>
      %add3A_2174 = arith.addi %rem3A_2160, %add3A_2173 : vector<16xi32>
      %select_n3A_2175 = arith.select %and3A_2172, %add3A_2174, %rem3A_2160 : vector<16xi1>, vector<16xi32>
      tpu.vector_store_idx %arg20[%select_n3A_2153, %select_n3A_2175], %get3A_2052 masked %ge3A_2054 : memref<25x128xi32, #tpu.memory_space<vmem>>[vector<16xi32>, vector<16xi32>], vector<16xi32>, vector<16xi1>
      %convert_element_type3A_2176 = arith.extui %ge3A_2054 : vector<16xi1> to vector<16xi32>
      %reduce_sum3A = arith.constant true
      %reduce_sum3A_2177 = vector.broadcast %reduce_sum3A : i1 to vector<16xi1>
      %reduce_sum3A_2178 = tpu.scan <sum>, %convert_element_type3A_2176 masked %reduce_sum3A_2177 : vector<16xi32>, vector<16xi1> -> vector<16xi32>
      %reduce_sum3A_2179 = vector.extract %reduce_sum3A_2178[15] : i32 from vector<16xi32>
      %add3A_2180 = arith.addi %scan3A_2049, %reduce_sum3A_2179 : i32
      scf.yield %add3A_2180 : i32
    }
    %scan3A_23 = arith.constant 200 : i32
    %add3A_24 = arith.constant 127 : i32
    %add3A_25 = arith.addi %scan3A_22, %add3A_24 : i32
    %jit3A = arith.constant 128 : i32
    %div3A = arith.divsi %add3A_25, %jit3A : i32
    %sign3A = arith.constant 0 : i32
    %sign3A_26 = arith.cmpi sgt, %add3A_25, %sign3A : i32
    %sign3A_27 = arith.extui %sign3A_26 : i1 to i32
    %sign3A_28 = arith.constant 0 : i32
    %sign3A_29 = arith.cmpi slt, %add3A_25, %sign3A_28 : i32
    %sign3A_30 = arith.extui %sign3A_29 : i1 to i32
    %sign3A_31 = arith.subi %sign3A_27, %sign3A_30 : i32
    %sign3A_32 = arith.constant 0 : i32
    %sign3A_33 = arith.cmpi sgt, %jit3A, %sign3A_32 : i32
    %sign3A_34 = arith.extui %sign3A_33 : i1 to i32
    %sign3A_35 = arith.constant 0 : i32
    %sign3A_36 = arith.cmpi slt, %jit3A, %sign3A_35 : i32
    %sign3A_37 = arith.extui %sign3A_36 : i1 to i32
    %sign3A_38 = arith.subi %sign3A_34, %sign3A_37 : i32
    %ne3A = arith.cmpi ne, %sign3A_31, %sign3A_38 : i32
    %rem3A = arith.remsi %add3A_25, %jit3A : i32
    %ne3A_39 = arith.constant 0 : i32
    %ne3A_40 = arith.cmpi ne, %rem3A, %ne3A_39 : i32
    %and3A = arith.andi %ne3A, %ne3A_40 : i1
    %sub3A = arith.constant 1 : i32
    %sub3A_41 = arith.subi %div3A, %sub3A : i32
    %select_n3A = arith.select %and3A, %sub3A_41, %div3A : i32
    %mul3A_42 = arith.constant 128 : i32
    %mul3A_43 = arith.muli %select_n3A, %mul3A_42 : i32
    %sub3A_44 = arith.constant 1 : i32
    %sub3A_45 = arith.subi %scan3A_22, %sub3A_44 : i32
    %max3A = arith.constant 0 : i32
    %max3A_46 = arith.maxsi %sub3A_45, %max3A : i32
    %jit3A_47 = arith.constant 128 : i32
    %div3A_48 = arith.divsi %max3A_46, %jit3A_47 : i32
    %sign3A_49 = arith.constant 0 : i32
    %sign3A_50 = arith.cmpi sgt, %max3A_46, %sign3A_49 : i32
    %sign3A_51 = arith.extui %sign3A_50 : i1 to i32
    %sign3A_52 = arith.constant 0 : i32
    %sign3A_53 = arith.cmpi slt, %max3A_46, %sign3A_52 : i32
    %sign3A_54 = arith.extui %sign3A_53 : i1 to i32
    %sign3A_55 = arith.subi %sign3A_51, %sign3A_54 : i32
    %sign3A_56 = arith.constant 0 : i32
    %sign3A_57 = arith.cmpi sgt, %jit3A_47, %sign3A_56 : i32
    %sign3A_58 = arith.extui %sign3A_57 : i1 to i32
    %sign3A_59 = arith.constant 0 : i32
    %sign3A_60 = arith.cmpi slt, %jit3A_47, %sign3A_59 : i32
    %sign3A_61 = arith.extui %sign3A_60 : i1 to i32
    %sign3A_62 = arith.subi %sign3A_58, %sign3A_61 : i32
    %ne3A_63 = arith.cmpi ne, %sign3A_55, %sign3A_62 : i32
    %rem3A_64 = arith.remsi %max3A_46, %jit3A_47 : i32
    %ne3A_65 = arith.constant 0 : i32
    %ne3A_66 = arith.cmpi ne, %rem3A_64, %ne3A_65 : i32
    %and3A_67 = arith.andi %ne3A_63, %ne3A_66 : i1
    %sub3A_68 = arith.constant 1 : i32
    %sub3A_69 = arith.subi %div3A_48, %sub3A_68 : i32
    %select_n3A_70 = arith.select %and3A_67, %sub3A_69, %div3A_48 : i32
    %broadcast_in_dim3A = vector.broadcast %select_n3A_70 : i32 to vector<16xi32>
    %jit3A_71 = arith.constant 128 : i32
    %eq3A = arith.constant 0 : i32
    %eq3A_72 = arith.cmpi eq, %jit3A_71, %eq3A : i32
    %jit3A_73 = arith.constant 1 : i32
    %select_n3A_74 = arith.select %eq3A_72, %jit3A_73, %jit3A_71 : i32
    %rem3A_75 = arith.remsi %max3A_46, %select_n3A_74 : i32
    %ne3A_76 = arith.constant 0 : i32
    %ne3A_77 = arith.cmpi ne, %rem3A_75, %ne3A_76 : i32
    %lt3A = arith.constant 0 : i32
    %lt3A_78 = arith.cmpi slt, %rem3A_75, %lt3A : i32
    %lt3A_79 = arith.constant 0 : i32
    %lt3A_80 = arith.cmpi slt, %select_n3A_74, %lt3A_79 : i32
    %ne3A_81 = arith.xori %lt3A_78, %lt3A_80 : i1
    %and3A_82 = arith.andi %ne3A_81, %ne3A_77 : i1
    %add3A_83 = arith.addi %rem3A_75, %select_n3A_74 : i32
    %select_n3A_84 = arith.select %and3A_82, %add3A_83, %rem3A_75 : i32
    %broadcast_in_dim3A_85 = vector.broadcast %select_n3A_84 : i32 to vector<16xi32>
    %gather3A = tpu.vector_load_idx %arg19[%broadcast_in_dim3A, %broadcast_in_dim3A_85] : memref<25x128xi32, #tpu.memory_space<vmem>>[vector<16xi32>, vector<16xi32>], vector<16xi32>,
    %gather3A_86 = tpu.vector_load_idx %arg20[%broadcast_in_dim3A, %broadcast_in_dim3A_85] : memref<25x128xi32, #tpu.memory_space<vmem>>[vector<16xi32>, vector<16xi32>], vector<16xi32>,
    %add3A_87 = arith.constant 0 : i32
    %add3A_88 = arith.addi %scan3A_22, %add3A_87 : i32
    %iota3A = tpu.iota {dimensions = array<i32: 0>} : vector<16xi32>
    %add3A_89 = vector.broadcast %add3A_88 : i32 to vector<16xi32>
    %add3A_90 = arith.addi %add3A_89, %iota3A : vector<16xi32>
    %lt3A_91 = vector.broadcast %mul3A_43 : i32 to vector<16xi32>
    %lt3A_92 = arith.cmpi slt, %add3A_90, %lt3A_91 : vector<16xi32>
    %jit3A_93 = arith.constant 128 : i32
    %div3A_94 = vector.broadcast %jit3A_93 : i32 to vector<16xi32>
    %div3A_95 = arith.divsi %add3A_90, %div3A_94 : vector<16xi32>
    %sign3A_96 = arith.constant 0 : i32
    %sign3A_97 = vector.broadcast %sign3A_96 : i32 to vector<16xi32>
    %sign3A_98 = arith.cmpi sgt, %add3A_90, %sign3A_97 : vector<16xi32>
    %sign3A_99 = arith.extui %sign3A_98 : vector<16xi1> to vector<16xi32>
    %sign3A_100 = arith.constant 0 : i32
    %sign3A_101 = vector.broadcast %sign3A_100 : i32 to vector<16xi32>
    %sign3A_102 = arith.cmpi slt, %add3A_90, %sign3A_101 : vector<16xi32>
    %sign3A_103 = arith.extui %sign3A_102 : vector<16xi1> to vector<16xi32>
    %sign3A_104 = arith.subi %sign3A_99, %sign3A_103 : vector<16xi32>
    %sign3A_105 = arith.constant 0 : i32
    %sign3A_106 = arith.cmpi sgt, %jit3A_93, %sign3A_105 : i32
    %sign3A_107 = arith.extui %sign3A_106 : i1 to i32
    %sign3A_108 = arith.constant 0 : i32
    %sign3A_109 = arith.cmpi slt, %jit3A_93, %sign3A_108 : i32
    %sign3A_110 = arith.extui %sign3A_109 : i1 to i32
    %sign3A_111 = arith.subi %sign3A_107, %sign3A_110 : i32
    %ne3A_112 = vector.broadcast %sign3A_111 : i32 to vector<16xi32>
    %ne3A_113 = arith.cmpi ne, %sign3A_104, %ne3A_112 : vector<16xi32>
    %rem3A_114 = vector.broadcast %jit3A_93 : i32 to vector<16xi32>
    %rem3A_115 = arith.remsi %add3A_90, %rem3A_114 : vector<16xi32>
    %ne3A_116 = arith.constant 0 : i32
    %ne3A_117 = vector.broadcast %ne3A_116 : i32 to vector<16xi32>
    %ne3A_118 = arith.cmpi ne, %rem3A_115, %ne3A_117 : vector<16xi32>
    %and3A_119 = arith.andi %ne3A_113, %ne3A_118 : vector<16xi1>
    %sub3A_120 = arith.constant 1 : i32
    %sub3A_121 = vector.broadcast %sub3A_120 : i32 to vector<16xi32>
    %sub3A_122 = arith.subi %div3A_95, %sub3A_121 : vector<16xi32>
    %select_n3A_123 = arith.select %and3A_119, %sub3A_122, %div3A_95 : vector<16xi1>, vector<16xi32>
    %jit3A_124 = arith.constant 128 : i32
    %eq3A_125 = arith.constant 0 : i32
    %eq3A_126 = arith.cmpi eq, %jit3A_124, %eq3A_125 : i32
    %jit3A_127 = arith.constant 1 : i32
    %select_n3A_128 = arith.select %eq3A_126, %jit3A_127, %jit3A_124 : i32
    %rem3A_129 = vector.broadcast %select_n3A_128 : i32 to vector<16xi32>
    %rem3A_130 = arith.remsi %add3A_90, %rem3A_129 : vector<16xi32>
    %ne3A_131 = arith.constant 0 : i32
    %ne3A_132 = vector.broadcast %ne3A_131 : i32 to vector<16xi32>
    %ne3A_133 = arith.cmpi ne, %rem3A_130, %ne3A_132 : vector<16xi32>
    %lt3A_134 = arith.constant 0 : i32
    %lt3A_135 = vector.broadcast %lt3A_134 : i32 to vector<16xi32>
    %lt3A_136 = arith.cmpi slt, %rem3A_130, %lt3A_135 : vector<16xi32>
    %lt3A_137 = arith.constant 0 : i32
    %lt3A_138 = arith.cmpi slt, %select_n3A_128, %lt3A_137 : i32
    %ne3A_139 = vector.broadcast %lt3A_138 : i1 to vector<16xi1>
    %ne3A_140 = vector.broadcast %ne3A_139 : vector<16xi1> to vector<16xi1>
    %ne3A_141 = arith.xori %lt3A_136, %ne3A_140 : vector<16xi1>
    %and3A_142 = arith.andi %ne3A_141, %ne3A_133 : vector<16xi1>
    %add3A_143 = vector.broadcast %select_n3A_128 : i32 to vector<16xi32>
    %add3A_144 = arith.addi %rem3A_130, %add3A_143 : vector<16xi32>
    %select_n3A_145 = arith.select %and3A_142, %add3A_144, %rem3A_130 : vector<16xi1>, vector<16xi32>
    tpu.vector_store_idx %arg19[%select_n3A_123, %select_n3A_145], %gather3A masked %lt3A_92 : memref<25x128xi32, #tpu.memory_space<vmem>>[vector<16xi32>, vector<16xi32>], vector<16xi32>, vector<16xi1>
    %jit3A_146 = arith.constant 128 : i32
    %div3A_147 = vector.broadcast %jit3A_146 : i32 to vector<16xi32>
    %div3A_148 = arith.divsi %add3A_90, %div3A_147 : vector<16xi32>
    %sign3A_149 = arith.constant 0 : i32
    %sign3A_150 = vector.broadcast %sign3A_149 : i32 to vector<16xi32>
    %sign3A_151 = arith.cmpi sgt, %add3A_90, %sign3A_150 : vector<16xi32>
    %sign3A_152 = arith.extui %sign3A_151 : vector<16xi1> to vector<16xi32>
    %sign3A_153 = arith.constant 0 : i32
    %sign3A_154 = vector.broadcast %sign3A_153 : i32 to vector<16xi32>
    %sign3A_155 = arith.cmpi slt, %add3A_90, %sign3A_154 : vector<16xi32>
    %sign3A_156 = arith.extui %sign3A_155 : vector<16xi1> to vector<16xi32>
    %sign3A_157 = arith.subi %sign3A_152, %sign3A_156 : vector<16xi32>
    %sign3A_158 = arith.constant 0 : i32
    %sign3A_159 = arith.cmpi sgt, %jit3A_146, %sign3A_158 : i32
    %sign3A_160 = arith.extui %sign3A_159 : i1 to i32
    %sign3A_161 = arith.constant 0 : i32
    %sign3A_162 = arith.cmpi slt, %jit3A_146, %sign3A_161 : i32
    %sign3A_163 = arith.extui %sign3A_162 : i1 to i32
    %sign3A_164 = arith.subi %sign3A_160, %sign3A_163 : i32
    %ne3A_165 = vector.broadcast %sign3A_164 : i32 to vector<16xi32>
    %ne3A_166 = arith.cmpi ne, %sign3A_157, %ne3A_165 : vector<16xi32>
    %rem3A_167 = vector.broadcast %jit3A_146 : i32 to vector<16xi32>
    %rem3A_168 = arith.remsi %add3A_90, %rem3A_167 : vector<16xi32>
    %ne3A_169 = arith.constant 0 : i32
    %ne3A_170 = vector.broadcast %ne3A_169 : i32 to vector<16xi32>
    %ne3A_171 = arith.cmpi ne, %rem3A_168, %ne3A_170 : vector<16xi32>
    %and3A_172 = arith.andi %ne3A_166, %ne3A_171 : vector<16xi1>
    %sub3A_173 = arith.constant 1 : i32
    %sub3A_174 = vector.broadcast %sub3A_173 : i32 to vector<16xi32>
    %sub3A_175 = arith.subi %div3A_148, %sub3A_174 : vector<16xi32>
    %select_n3A_176 = arith.select %and3A_172, %sub3A_175, %div3A_148 : vector<16xi1>, vector<16xi32>
    %jit3A_177 = arith.constant 128 : i32
    %eq3A_178 = arith.constant 0 : i32
    %eq3A_179 = arith.cmpi eq, %jit3A_177, %eq3A_178 : i32
    %jit3A_180 = arith.constant 1 : i32
    %select_n3A_181 = arith.select %eq3A_179, %jit3A_180, %jit3A_177 : i32
    %rem3A_182 = vector.broadcast %select_n3A_181 : i32 to vector<16xi32>
    %rem3A_183 = arith.remsi %add3A_90, %rem3A_182 : vector<16xi32>
    %ne3A_184 = arith.constant 0 : i32
    %ne3A_185 = vector.broadcast %ne3A_184 : i32 to vector<16xi32>
    %ne3A_186 = arith.cmpi ne, %rem3A_183, %ne3A_185 : vector<16xi32>
    %lt3A_187 = arith.constant 0 : i32
    %lt3A_188 = vector.broadcast %lt3A_187 : i32 to vector<16xi32>
    %lt3A_189 = arith.cmpi slt, %rem3A_183, %lt3A_188 : vector<16xi32>
    %lt3A_190 = arith.constant 0 : i32
    %lt3A_191 = arith.cmpi slt, %select_n3A_181, %lt3A_190 : i32
    %ne3A_192 = vector.broadcast %lt3A_191 : i1 to vector<16xi1>
    %ne3A_193 = vector.broadcast %ne3A_192 : vector<16xi1> to vector<16xi1>
    %ne3A_194 = arith.xori %lt3A_189, %ne3A_193 : vector<16xi1>
    %and3A_195 = arith.andi %ne3A_194, %ne3A_186 : vector<16xi1>
    %add3A_196 = vector.broadcast %select_n3A_181 : i32 to vector<16xi32>
    %add3A_197 = arith.addi %rem3A_183, %add3A_196 : vector<16xi32>
    %select_n3A_198 = arith.select %and3A_195, %add3A_197, %rem3A_183 : vector<16xi1>, vector<16xi32>
    tpu.vector_store_idx %arg20[%select_n3A_176, %select_n3A_198], %gather3A_86 masked %lt3A_92 : memref<25x128xi32, #tpu.memory_space<vmem>>[vector<16xi32>, vector<16xi32>], vector<16xi32>, vector<16xi1>
    %add3A_199 = arith.constant 16 : i32
    %add3A_200 = arith.addi %scan3A_22, %add3A_199 : i32
    %iota3A_201 = tpu.iota {dimensions = array<i32: 0>} : vector<16xi32>
    %add3A_202 = vector.broadcast %add3A_200 : i32 to vector<16xi32>
    %add3A_203 = arith.addi %add3A_202, %iota3A_201 : vector<16xi32>
    %lt3A_204 = vector.broadcast %mul3A_43 : i32 to vector<16xi32>
    %lt3A_205 = arith.cmpi slt, %add3A_203, %lt3A_204 : vector<16xi32>
    %jit3A_206 = arith.constant 128 : i32
    %div3A_207 = vector.broadcast %jit3A_206 : i32 to vector<16xi32>
    %div3A_208 = arith.divsi %add3A_203, %div3A_207 : vector<16xi32>
    %sign3A_209 = arith.constant 0 : i32
    %sign3A_210 = vector.broadcast %sign3A_209 : i32 to vector<16xi32>
    %sign3A_211 = arith.cmpi sgt, %add3A_203, %sign3A_210 : vector<16xi32>
    %sign3A_212 = arith.extui %sign3A_211 : vector<16xi1> to vector<16xi32>
    %sign3A_213 = arith.constant 0 : i32
    %sign3A_214 = vector.broadcast %sign3A_213 : i32 to vector<16xi32>
    %sign3A_215 = arith.cmpi slt, %add3A_203, %sign3A_214 : vector<16xi32>
    %sign3A_216 = arith.extui %sign3A_215 : vector<16xi1> to vector<16xi32>
    %sign3A_217 = arith.subi %sign3A_212, %sign3A_216 : vector<16xi32>
    %sign3A_218 = arith.constant 0 : i32
    %sign3A_219 = arith.cmpi sgt, %jit3A_206, %sign3A_218 : i32
    %sign3A_220 = arith.extui %sign3A_219 : i1 to i32
    %sign3A_221 = arith.constant 0 : i32
    %sign3A_222 = arith.cmpi slt, %jit3A_206, %sign3A_221 : i32
    %sign3A_223 = arith.extui %sign3A_222 : i1 to i32
    %sign3A_224 = arith.subi %sign3A_220, %sign3A_223 : i32
    %ne3A_225 = vector.broadcast %sign3A_224 : i32 to vector<16xi32>
    %ne3A_226 = arith.cmpi ne, %sign3A_217, %ne3A_225 : vector<16xi32>
    %rem3A_227 = vector.broadcast %jit3A_206 : i32 to vector<16xi32>
    %rem3A_228 = arith.remsi %add3A_203, %rem3A_227 : vector<16xi32>
    %ne3A_229 = arith.constant 0 : i32
    %ne3A_230 = vector.broadcast %ne3A_229 : i32 to vector<16xi32>
    %ne3A_231 = arith.cmpi ne, %rem3A_228, %ne3A_230 : vector<16xi32>
    %and3A_232 = arith.andi %ne3A_226, %ne3A_231 : vector<16xi1>
    %sub3A_233 = arith.constant 1 : i32
    %sub3A_234 = vector.broadcast %sub3A_233 : i32 to vector<16xi32>
    %sub3A_235 = arith.subi %div3A_208, %sub3A_234 : vector<16xi32>
    %select_n3A_236 = arith.select %and3A_232, %sub3A_235, %div3A_208 : vector<16xi1>, vector<16xi32>
    %jit3A_237 = arith.constant 128 : i32
    %eq3A_238 = arith.constant 0 : i32
    %eq3A_239 = arith.cmpi eq, %jit3A_237, %eq3A_238 : i32
    %jit3A_240 = arith.constant 1 : i32
    %select_n3A_241 = arith.select %eq3A_239, %jit3A_240, %jit3A_237 : i32
    %rem3A_242 = vector.broadcast %select_n3A_241 : i32 to vector<16xi32>
    %rem3A_243 = arith.remsi %add3A_203, %rem3A_242 : vector<16xi32>
    %ne3A_244 = arith.constant 0 : i32
    %ne3A_245 = vector.broadcast %ne3A_244 : i32 to vector<16xi32>
    %ne3A_246 = arith.cmpi ne, %rem3A_243, %ne3A_245 : vector<16xi32>
    %lt3A_247 = arith.constant 0 : i32
    %lt3A_248 = vector.broadcast %lt3A_247 : i32 to vector<16xi32>
    %lt3A_249 = arith.cmpi slt, %rem3A_243, %lt3A_248 : vector<16xi32>
    %lt3A_250 = arith.constant 0 : i32
    %lt3A_251 = arith.cmpi slt, %select_n3A_241, %lt3A_250 : i32
    %ne3A_252 = vector.broadcast %lt3A_251 : i1 to vector<16xi1>
    %ne3A_253 = vector.broadcast %ne3A_252 : vector<16xi1> to vector<16xi1>
    %ne3A_254 = arith.xori %lt3A_249, %ne3A_253 : vector<16xi1>
    %and3A_255 = arith.andi %ne3A_254, %ne3A_246 : vector<16xi1>
    %add3A_256 = vector.broadcast %select_n3A_241 : i32 to vector<16xi32>
    %add3A_257 = arith.addi %rem3A_243, %add3A_256 : vector<16xi32>
    %select_n3A_258 = arith.select %and3A_255, %add3A_257, %rem3A_243 : vector<16xi1>, vector<16xi32>
    tpu.vector_store_idx %arg19[%select_n3A_236, %select_n3A_258], %gather3A masked %lt3A_205 : memref<25x128xi32, #tpu.memory_space<vmem>>[vector<16xi32>, vector<16xi32>], vector<16xi32>, vector<16xi1>
    %jit3A_259 = arith.constant 128 : i32
    %div3A_260 = vector.broadcast %jit3A_259 : i32 to vector<16xi32>
    %div3A_261 = arith.divsi %add3A_203, %div3A_260 : vector<16xi32>
    %sign3A_262 = arith.constant 0 : i32
    %sign3A_263 = vector.broadcast %sign3A_262 : i32 to vector<16xi32>
    %sign3A_264 = arith.cmpi sgt, %add3A_203, %sign3A_263 : vector<16xi32>
    %sign3A_265 = arith.extui %sign3A_264 : vector<16xi1> to vector<16xi32>
    %sign3A_266 = arith.constant 0 : i32
    %sign3A_267 = vector.broadcast %sign3A_266 : i32 to vector<16xi32>
    %sign3A_268 = arith.cmpi slt, %add3A_203, %sign3A_267 : vector<16xi32>
    %sign3A_269 = arith.extui %sign3A_268 : vector<16xi1> to vector<16xi32>
    %sign3A_270 = arith.subi %sign3A_265, %sign3A_269 : vector<16xi32>
    %sign3A_271 = arith.constant 0 : i32
    %sign3A_272 = arith.cmpi sgt, %jit3A_259, %sign3A_271 : i32
    %sign3A_273 = arith.extui %sign3A_272 : i1 to i32
    %sign3A_274 = arith.constant 0 : i32
    %sign3A_275 = arith.cmpi slt, %jit3A_259, %sign3A_274 : i32
    %sign3A_276 = arith.extui %sign3A_275 : i1 to i32
    %sign3A_277 = arith.subi %sign3A_273, %sign3A_276 : i32
    %ne3A_278 = vector.broadcast %sign3A_277 : i32 to vector<16xi32>
    %ne3A_279 = arith.cmpi ne, %sign3A_270, %ne3A_278 : vector<16xi32>
    %rem3A_280 = vector.broadcast %jit3A_259 : i32 to vector<16xi32>
    %rem3A_281 = arith.remsi %add3A_203, %rem3A_280 : vector<16xi32>
    %ne3A_282 = arith.constant 0 : i32
    %ne3A_283 = vector.broadcast %ne3A_282 : i32 to vector<16xi32>
    %ne3A_284 = arith.cmpi ne, %rem3A_281, %ne3A_283 : vector<16xi32>
    %and3A_285 = arith.andi %ne3A_279, %ne3A_284 : vector<16xi1>
    %sub3A_286 = arith.constant 1 : i32
    %sub3A_287 = vector.broadcast %sub3A_286 : i32 to vector<16xi32>
    %sub3A_288 = arith.subi %div3A_261, %sub3A_287 : vector<16xi32>
    %select_n3A_289 = arith.select %and3A_285, %sub3A_288, %div3A_261 : vector<16xi1>, vector<16xi32>
    %jit3A_290 = arith.constant 128 : i32
    %eq3A_291 = arith.constant 0 : i32
    %eq3A_292 = arith.cmpi eq, %jit3A_290, %eq3A_291 : i32
    %jit3A_293 = arith.constant 1 : i32
    %select_n3A_294 = arith.select %eq3A_292, %jit3A_293, %jit3A_290 : i32
    %rem3A_295 = vector.broadcast %select_n3A_294 : i32 to vector<16xi32>
    %rem3A_296 = arith.remsi %add3A_203, %rem3A_295 : vector<16xi32>
    %ne3A_297 = arith.constant 0 : i32
    %ne3A_298 = vector.broadcast %ne3A_297 : i32 to vector<16xi32>
    %ne3A_299 = arith.cmpi ne, %rem3A_296, %ne3A_298 : vector<16xi32>
    %lt3A_300 = arith.constant 0 : i32
    %lt3A_301 = vector.broadcast %lt3A_300 : i32 to vector<16xi32>
    %lt3A_302 = arith.cmpi slt, %rem3A_296, %lt3A_301 : vector<16xi32>
    %lt3A_303 = arith.constant 0 : i32
    %lt3A_304 = arith.cmpi slt, %select_n3A_294, %lt3A_303 : i32
    %ne3A_305 = vector.broadcast %lt3A_304 : i1 to vector<16xi1>
    %ne3A_306 = vector.broadcast %ne3A_305 : vector<16xi1> to vector<16xi1>
    %ne3A_307 = arith.xori %lt3A_302, %ne3A_306 : vector<16xi1>
    %and3A_308 = arith.andi %ne3A_307, %ne3A_299 : vector<16xi1>
    %add3A_309 = vector.broadcast %select_n3A_294 : i32 to vector<16xi32>
    %add3A_310 = arith.addi %rem3A_296, %add3A_309 : vector<16xi32>
    %select_n3A_311 = arith.select %and3A_308, %add3A_310, %rem3A_296 : vector<16xi1>, vector<16xi32>
    tpu.vector_store_idx %arg20[%select_n3A_289, %select_n3A_311], %gather3A_86 masked %lt3A_205 : memref<25x128xi32, #tpu.memory_space<vmem>>[vector<16xi32>, vector<16xi32>], vector<16xi32>, vector<16xi1>
    %add3A_312 = arith.constant 32 : i32
    %add3A_313 = arith.addi %scan3A_22, %add3A_312 : i32
    %iota3A_314 = tpu.iota {dimensions = array<i32: 0>} : vector<16xi32>
    %add3A_315 = vector.broadcast %add3A_313 : i32 to vector<16xi32>
    %add3A_316 = arith.addi %add3A_315, %iota3A_314 : vector<16xi32>
    %lt3A_317 = vector.broadcast %mul3A_43 : i32 to vector<16xi32>
    %lt3A_318 = arith.cmpi slt, %add3A_316, %lt3A_317 : vector<16xi32>
    %jit3A_319 = arith.constant 128 : i32
    %div3A_320 = vector.broadcast %jit3A_319 : i32 to vector<16xi32>
    %div3A_321 = arith.divsi %add3A_316, %div3A_320 : vector<16xi32>
    %sign3A_322 = arith.constant 0 : i32
    %sign3A_323 = vector.broadcast %sign3A_322 : i32 to vector<16xi32>
    %sign3A_324 = arith.cmpi sgt, %add3A_316, %sign3A_323 : vector<16xi32>
    %sign3A_325 = arith.extui %sign3A_324 : vector<16xi1> to vector<16xi32>
    %sign3A_326 = arith.constant 0 : i32
    %sign3A_327 = vector.broadcast %sign3A_326 : i32 to vector<16xi32>
    %sign3A_328 = arith.cmpi slt, %add3A_316, %sign3A_327 : vector<16xi32>
    %sign3A_329 = arith.extui %sign3A_328 : vector<16xi1> to vector<16xi32>
    %sign3A_330 = arith.subi %sign3A_325, %sign3A_329 : vector<16xi32>
    %sign3A_331 = arith.constant 0 : i32
    %sign3A_332 = arith.cmpi sgt, %jit3A_319, %sign3A_331 : i32
    %sign3A_333 = arith.extui %sign3A_332 : i1 to i32
    %sign3A_334 = arith.constant 0 : i32
    %sign3A_335 = arith.cmpi slt, %jit3A_319, %sign3A_334 : i32
    %sign3A_336 = arith.extui %sign3A_335 : i1 to i32
    %sign3A_337 = arith.subi %sign3A_333, %sign3A_336 : i32
    %ne3A_338 = vector.broadcast %sign3A_337 : i32 to vector<16xi32>
    %ne3A_339 = arith.cmpi ne, %sign3A_330, %ne3A_338 : vector<16xi32>
    %rem3A_340 = vector.broadcast %jit3A_319 : i32 to vector<16xi32>
    %rem3A_341 = arith.remsi %add3A_316, %rem3A_340 : vector<16xi32>
    %ne3A_342 = arith.constant 0 : i32
    %ne3A_343 = vector.broadcast %ne3A_342 : i32 to vector<16xi32>
    %ne3A_344 = arith.cmpi ne, %rem3A_341, %ne3A_343 : vector<16xi32>
    %and3A_345 = arith.andi %ne3A_339, %ne3A_344 : vector<16xi1>
    %sub3A_346 = arith.constant 1 : i32
    %sub3A_347 = vector.broadcast %sub3A_346 : i32 to vector<16xi32>
    %sub3A_348 = arith.subi %div3A_321, %sub3A_347 : vector<16xi32>
    %select_n3A_349 = arith.select %and3A_345, %sub3A_348, %div3A_321 : vector<16xi1>, vector<16xi32>
    %jit3A_350 = arith.constant 128 : i32
    %eq3A_351 = arith.constant 0 : i32
    %eq3A_352 = arith.cmpi eq, %jit3A_350, %eq3A_351 : i32
    %jit3A_353 = arith.constant 1 : i32
    %select_n3A_354 = arith.select %eq3A_352, %jit3A_353, %jit3A_350 : i32
    %rem3A_355 = vector.broadcast %select_n3A_354 : i32 to vector<16xi32>
    %rem3A_356 = arith.remsi %add3A_316, %rem3A_355 : vector<16xi32>
    %ne3A_357 = arith.constant 0 : i32
    %ne3A_358 = vector.broadcast %ne3A_357 : i32 to vector<16xi32>
    %ne3A_359 = arith.cmpi ne, %rem3A_356, %ne3A_358 : vector<16xi32>
    %lt3A_360 = arith.constant 0 : i32
    %lt3A_361 = vector.broadcast %lt3A_360 : i32 to vector<16xi32>
    %lt3A_362 = arith.cmpi slt, %rem3A_356, %lt3A_361 : vector<16xi32>
    %lt3A_363 = arith.constant 0 : i32
    %lt3A_364 = arith.cmpi slt, %select_n3A_354, %lt3A_363 : i32
    %ne3A_365 = vector.broadcast %lt3A_364 : i1 to vector<16xi1>
    %ne3A_366 = vector.broadcast %ne3A_365 : vector<16xi1> to vector<16xi1>
    %ne3A_367 = arith.xori %lt3A_362, %ne3A_366 : vector<16xi1>
    %and3A_368 = arith.andi %ne3A_367, %ne3A_359 : vector<16xi1>
    %add3A_369 = vector.broadcast %select_n3A_354 : i32 to vector<16xi32>
    %add3A_370 = arith.addi %rem3A_356, %add3A_369 : vector<16xi32>
    %select_n3A_371 = arith.select %and3A_368, %add3A_370, %rem3A_356 : vector<16xi1>, vector<16xi32>
    tpu.vector_store_idx %arg19[%select_n3A_349, %select_n3A_371], %gather3A masked %lt3A_318 : memref<25x128xi32, #tpu.memory_space<vmem>>[vector<16xi32>, vector<16xi32>], vector<16xi32>, vector<16xi1>
    %jit3A_372 = arith.constant 128 : i32
    %div3A_373 = vector.broadcast %jit3A_372 : i32 to vector<16xi32>
    %div3A_374 = arith.divsi %add3A_316, %div3A_373 : vector<16xi32>
    %sign3A_375 = arith.constant 0 : i32
    %sign3A_376 = vector.broadcast %sign3A_375 : i32 to vector<16xi32>
    %sign3A_377 = arith.cmpi sgt, %add3A_316, %sign3A_376 : vector<16xi32>
    %sign3A_378 = arith.extui %sign3A_377 : vector<16xi1> to vector<16xi32>
    %sign3A_379 = arith.constant 0 : i32
    %sign3A_380 = vector.broadcast %sign3A_379 : i32 to vector<16xi32>
    %sign3A_381 = arith.cmpi slt, %add3A_316, %sign3A_380 : vector<16xi32>
    %sign3A_382 = arith.extui %sign3A_381 : vector<16xi1> to vector<16xi32>
    %sign3A_383 = arith.subi %sign3A_378, %sign3A_382 : vector<16xi32>
    %sign3A_384 = arith.constant 0 : i32
    %sign3A_385 = arith.cmpi sgt, %jit3A_372, %sign3A_384 : i32
    %sign3A_386 = arith.extui %sign3A_385 : i1 to i32
    %sign3A_387 = arith.constant 0 : i32
    %sign3A_388 = arith.cmpi slt, %jit3A_372, %sign3A_387 : i32
    %sign3A_389 = arith.extui %sign3A_388 : i1 to i32
    %sign3A_390 = arith.subi %sign3A_386, %sign3A_389 : i32
    %ne3A_391 = vector.broadcast %sign3A_390 : i32 to vector<16xi32>
    %ne3A_392 = arith.cmpi ne, %sign3A_383, %ne3A_391 : vector<16xi32>
    %rem3A_393 = vector.broadcast %jit3A_372 : i32 to vector<16xi32>
    %rem3A_394 = arith.remsi %add3A_316, %rem3A_393 : vector<16xi32>
    %ne3A_395 = arith.constant 0 : i32
    %ne3A_396 = vector.broadcast %ne3A_395 : i32 to vector<16xi32>
    %ne3A_397 = arith.cmpi ne, %rem3A_394, %ne3A_396 : vector<16xi32>
    %and3A_398 = arith.andi %ne3A_392, %ne3A_397 : vector<16xi1>
    %sub3A_399 = arith.constant 1 : i32
    %sub3A_400 = vector.broadcast %sub3A_399 : i32 to vector<16xi32>
    %sub3A_401 = arith.subi %div3A_374, %sub3A_400 : vector<16xi32>
    %select_n3A_402 = arith.select %and3A_398, %sub3A_401, %div3A_374 : vector<16xi1>, vector<16xi32>
    %jit3A_403 = arith.constant 128 : i32
    %eq3A_404 = arith.constant 0 : i32
    %eq3A_405 = arith.cmpi eq, %jit3A_403, %eq3A_404 : i32
    %jit3A_406 = arith.constant 1 : i32
    %select_n3A_407 = arith.select %eq3A_405, %jit3A_406, %jit3A_403 : i32
    %rem3A_408 = vector.broadcast %select_n3A_407 : i32 to vector<16xi32>
    %rem3A_409 = arith.remsi %add3A_316, %rem3A_408 : vector<16xi32>
    %ne3A_410 = arith.constant 0 : i32
    %ne3A_411 = vector.broadcast %ne3A_410 : i32 to vector<16xi32>
    %ne3A_412 = arith.cmpi ne, %rem3A_409, %ne3A_411 : vector<16xi32>
    %lt3A_413 = arith.constant 0 : i32
    %lt3A_414 = vector.broadcast %lt3A_413 : i32 to vector<16xi32>
    %lt3A_415 = arith.cmpi slt, %rem3A_409, %lt3A_414 : vector<16xi32>
    %lt3A_416 = arith.constant 0 : i32
    %lt3A_417 = arith.cmpi slt, %select_n3A_407, %lt3A_416 : i32
    %ne3A_418 = vector.broadcast %lt3A_417 : i1 to vector<16xi1>
    %ne3A_419 = vector.broadcast %ne3A_418 : vector<16xi1> to vector<16xi1>
    %ne3A_420 = arith.xori %lt3A_415, %ne3A_419 : vector<16xi1>
    %and3A_421 = arith.andi %ne3A_420, %ne3A_412 : vector<16xi1>
    %add3A_422 = vector.broadcast %select_n3A_407 : i32 to vector<16xi32>
    %add3A_423 = arith.addi %rem3A_409, %add3A_422 : vector<16xi32>
    %select_n3A_424 = arith.select %and3A_421, %add3A_423, %rem3A_409 : vector<16xi1>, vector<16xi32>
    tpu.vector_store_idx %arg20[%select_n3A_402, %select_n3A_424], %gather3A_86 masked %lt3A_318 : memref<25x128xi32, #tpu.memory_space<vmem>>[vector<16xi32>, vector<16xi32>], vector<16xi32>, vector<16xi1>
    %add3A_425 = arith.constant 48 : i32
    %add3A_426 = arith.addi %scan3A_22, %add3A_425 : i32
    %iota3A_427 = tpu.iota {dimensions = array<i32: 0>} : vector<16xi32>
    %add3A_428 = vector.broadcast %add3A_426 : i32 to vector<16xi32>
    %add3A_429 = arith.addi %add3A_428, %iota3A_427 : vector<16xi32>
    %lt3A_430 = vector.broadcast %mul3A_43 : i32 to vector<16xi32>
    %lt3A_431 = arith.cmpi slt, %add3A_429, %lt3A_430 : vector<16xi32>
    %jit3A_432 = arith.constant 128 : i32
    %div3A_433 = vector.broadcast %jit3A_432 : i32 to vector<16xi32>
    %div3A_434 = arith.divsi %add3A_429, %div3A_433 : vector<16xi32>
    %sign3A_435 = arith.constant 0 : i32
    %sign3A_436 = vector.broadcast %sign3A_435 : i32 to vector<16xi32>
    %sign3A_437 = arith.cmpi sgt, %add3A_429, %sign3A_436 : vector<16xi32>
    %sign3A_438 = arith.extui %sign3A_437 : vector<16xi1> to vector<16xi32>
    %sign3A_439 = arith.constant 0 : i32
    %sign3A_440 = vector.broadcast %sign3A_439 : i32 to vector<16xi32>
    %sign3A_441 = arith.cmpi slt, %add3A_429, %sign3A_440 : vector<16xi32>
    %sign3A_442 = arith.extui %sign3A_441 : vector<16xi1> to vector<16xi32>
    %sign3A_443 = arith.subi %sign3A_438, %sign3A_442 : vector<16xi32>
    %sign3A_444 = arith.constant 0 : i32
    %sign3A_445 = arith.cmpi sgt, %jit3A_432, %sign3A_444 : i32
    %sign3A_446 = arith.extui %sign3A_445 : i1 to i32
    %sign3A_447 = arith.constant 0 : i32
    %sign3A_448 = arith.cmpi slt, %jit3A_432, %sign3A_447 : i32
    %sign3A_449 = arith.extui %sign3A_448 : i1 to i32
    %sign3A_450 = arith.subi %sign3A_446, %sign3A_449 : i32
    %ne3A_451 = vector.broadcast %sign3A_450 : i32 to vector<16xi32>
    %ne3A_452 = arith.cmpi ne, %sign3A_443, %ne3A_451 : vector<16xi32>
    %rem3A_453 = vector.broadcast %jit3A_432 : i32 to vector<16xi32>
    %rem3A_454 = arith.remsi %add3A_429, %rem3A_453 : vector<16xi32>
    %ne3A_455 = arith.constant 0 : i32
    %ne3A_456 = vector.broadcast %ne3A_455 : i32 to vector<16xi32>
    %ne3A_457 = arith.cmpi ne, %rem3A_454, %ne3A_456 : vector<16xi32>
    %and3A_458 = arith.andi %ne3A_452, %ne3A_457 : vector<16xi1>
    %sub3A_459 = arith.constant 1 : i32
    %sub3A_460 = vector.broadcast %sub3A_459 : i32 to vector<16xi32>
    %sub3A_461 = arith.subi %div3A_434, %sub3A_460 : vector<16xi32>
    %select_n3A_462 = arith.select %and3A_458, %sub3A_461, %div3A_434 : vector<16xi1>, vector<16xi32>
    %jit3A_463 = arith.constant 128 : i32
    %eq3A_464 = arith.constant 0 : i32
    %eq3A_465 = arith.cmpi eq, %jit3A_463, %eq3A_464 : i32
    %jit3A_466 = arith.constant 1 : i32
    %select_n3A_467 = arith.select %eq3A_465, %jit3A_466, %jit3A_463 : i32
    %rem3A_468 = vector.broadcast %select_n3A_467 : i32 to vector<16xi32>
    %rem3A_469 = arith.remsi %add3A_429, %rem3A_468 : vector<16xi32>
    %ne3A_470 = arith.constant 0 : i32
    %ne3A_471 = vector.broadcast %ne3A_470 : i32 to vector<16xi32>
    %ne3A_472 = arith.cmpi ne, %rem3A_469, %ne3A_471 : vector<16xi32>
    %lt3A_473 = arith.constant 0 : i32
    %lt3A_474 = vector.broadcast %lt3A_473 : i32 to vector<16xi32>
    %lt3A_475 = arith.cmpi slt, %rem3A_469, %lt3A_474 : vector<16xi32>
    %lt3A_476 = arith.constant 0 : i32
    %lt3A_477 = arith.cmpi slt, %select_n3A_467, %lt3A_476 : i32
    %ne3A_478 = vector.broadcast %lt3A_477 : i1 to vector<16xi1>
    %ne3A_479 = vector.broadcast %ne3A_478 : vector<16xi1> to vector<16xi1>
    %ne3A_480 = arith.xori %lt3A_475, %ne3A_479 : vector<16xi1>
    %and3A_481 = arith.andi %ne3A_480, %ne3A_472 : vector<16xi1>
    %add3A_482 = vector.broadcast %select_n3A_467 : i32 to vector<16xi32>
    %add3A_483 = arith.addi %rem3A_469, %add3A_482 : vector<16xi32>
    %select_n3A_484 = arith.select %and3A_481, %add3A_483, %rem3A_469 : vector<16xi1>, vector<16xi32>
    tpu.vector_store_idx %arg19[%select_n3A_462, %select_n3A_484], %gather3A masked %lt3A_431 : memref<25x128xi32, #tpu.memory_space<vmem>>[vector<16xi32>, vector<16xi32>], vector<16xi32>, vector<16xi1>
    %jit3A_485 = arith.constant 128 : i32
    %div3A_486 = vector.broadcast %jit3A_485 : i32 to vector<16xi32>
    %div3A_487 = arith.divsi %add3A_429, %div3A_486 : vector<16xi32>
    %sign3A_488 = arith.constant 0 : i32
    %sign3A_489 = vector.broadcast %sign3A_488 : i32 to vector<16xi32>
    %sign3A_490 = arith.cmpi sgt, %add3A_429, %sign3A_489 : vector<16xi32>
    %sign3A_491 = arith.extui %sign3A_490 : vector<16xi1> to vector<16xi32>
    %sign3A_492 = arith.constant 0 : i32
    %sign3A_493 = vector.broadcast %sign3A_492 : i32 to vector<16xi32>
    %sign3A_494 = arith.cmpi slt, %add3A_429, %sign3A_493 : vector<16xi32>
    %sign3A_495 = arith.extui %sign3A_494 : vector<16xi1> to vector<16xi32>
    %sign3A_496 = arith.subi %sign3A_491, %sign3A_495 : vector<16xi32>
    %sign3A_497 = arith.constant 0 : i32
    %sign3A_498 = arith.cmpi sgt, %jit3A_485, %sign3A_497 : i32
    %sign3A_499 = arith.extui %sign3A_498 : i1 to i32
    %sign3A_500 = arith.constant 0 : i32
    %sign3A_501 = arith.cmpi slt, %jit3A_485, %sign3A_500 : i32
    %sign3A_502 = arith.extui %sign3A_501 : i1 to i32
    %sign3A_503 = arith.subi %sign3A_499, %sign3A_502 : i32
    %ne3A_504 = vector.broadcast %sign3A_503 : i32 to vector<16xi32>
    %ne3A_505 = arith.cmpi ne, %sign3A_496, %ne3A_504 : vector<16xi32>
    %rem3A_506 = vector.broadcast %jit3A_485 : i32 to vector<16xi32>
    %rem3A_507 = arith.remsi %add3A_429, %rem3A_506 : vector<16xi32>
    %ne3A_508 = arith.constant 0 : i32
    %ne3A_509 = vector.broadcast %ne3A_508 : i32 to vector<16xi32>
    %ne3A_510 = arith.cmpi ne, %rem3A_507, %ne3A_509 : vector<16xi32>
    %and3A_511 = arith.andi %ne3A_505, %ne3A_510 : vector<16xi1>
    %sub3A_512 = arith.constant 1 : i32
    %sub3A_513 = vector.broadcast %sub3A_512 : i32 to vector<16xi32>
    %sub3A_514 = arith.subi %div3A_487, %sub3A_513 : vector<16xi32>
    %select_n3A_515 = arith.select %and3A_511, %sub3A_514, %div3A_487 : vector<16xi1>, vector<16xi32>
    %jit3A_516 = arith.constant 128 : i32
    %eq3A_517 = arith.constant 0 : i32
    %eq3A_518 = arith.cmpi eq, %jit3A_516, %eq3A_517 : i32
    %jit3A_519 = arith.constant 1 : i32
    %select_n3A_520 = arith.select %eq3A_518, %jit3A_519, %jit3A_516 : i32
    %rem3A_521 = vector.broadcast %select_n3A_520 : i32 to vector<16xi32>
    %rem3A_522 = arith.remsi %add3A_429, %rem3A_521 : vector<16xi32>
    %ne3A_523 = arith.constant 0 : i32
    %ne3A_524 = vector.broadcast %ne3A_523 : i32 to vector<16xi32>
    %ne3A_525 = arith.cmpi ne, %rem3A_522, %ne3A_524 : vector<16xi32>
    %lt3A_526 = arith.constant 0 : i32
    %lt3A_527 = vector.broadcast %lt3A_526 : i32 to vector<16xi32>
    %lt3A_528 = arith.cmpi slt, %rem3A_522, %lt3A_527 : vector<16xi32>
    %lt3A_529 = arith.constant 0 : i32
    %lt3A_530 = arith.cmpi slt, %select_n3A_520, %lt3A_529 : i32
    %ne3A_531 = vector.broadcast %lt3A_530 : i1 to vector<16xi1>
    %ne3A_532 = vector.broadcast %ne3A_531 : vector<16xi1> to vector<16xi1>
    %ne3A_533 = arith.xori %lt3A_528, %ne3A_532 : vector<16xi1>
    %and3A_534 = arith.andi %ne3A_533, %ne3A_525 : vector<16xi1>
    %add3A_535 = vector.broadcast %select_n3A_520 : i32 to vector<16xi32>
    %add3A_536 = arith.addi %rem3A_522, %add3A_535 : vector<16xi32>
    %select_n3A_537 = arith.select %and3A_534, %add3A_536, %rem3A_522 : vector<16xi1>, vector<16xi32>
    tpu.vector_store_idx %arg20[%select_n3A_515, %select_n3A_537], %gather3A_86 masked %lt3A_431 : memref<25x128xi32, #tpu.memory_space<vmem>>[vector<16xi32>, vector<16xi32>], vector<16xi32>, vector<16xi1>
    %add3A_538 = arith.constant 64 : i32
    %add3A_539 = arith.addi %scan3A_22, %add3A_538 : i32
    %iota3A_540 = tpu.iota {dimensions = array<i32: 0>} : vector<16xi32>
    %add3A_541 = vector.broadcast %add3A_539 : i32 to vector<16xi32>
    %add3A_542 = arith.addi %add3A_541, %iota3A_540 : vector<16xi32>
    %lt3A_543 = vector.broadcast %mul3A_43 : i32 to vector<16xi32>
    %lt3A_544 = arith.cmpi slt, %add3A_542, %lt3A_543 : vector<16xi32>
    %jit3A_545 = arith.constant 128 : i32
    %div3A_546 = vector.broadcast %jit3A_545 : i32 to vector<16xi32>
    %div3A_547 = arith.divsi %add3A_542, %div3A_546 : vector<16xi32>
    %sign3A_548 = arith.constant 0 : i32
    %sign3A_549 = vector.broadcast %sign3A_548 : i32 to vector<16xi32>
    %sign3A_550 = arith.cmpi sgt, %add3A_542, %sign3A_549 : vector<16xi32>
    %sign3A_551 = arith.extui %sign3A_550 : vector<16xi1> to vector<16xi32>
    %sign3A_552 = arith.constant 0 : i32
    %sign3A_553 = vector.broadcast %sign3A_552 : i32 to vector<16xi32>
    %sign3A_554 = arith.cmpi slt, %add3A_542, %sign3A_553 : vector<16xi32>
    %sign3A_555 = arith.extui %sign3A_554 : vector<16xi1> to vector<16xi32>
    %sign3A_556 = arith.subi %sign3A_551, %sign3A_555 : vector<16xi32>
    %sign3A_557 = arith.constant 0 : i32
    %sign3A_558 = arith.cmpi sgt, %jit3A_545, %sign3A_557 : i32
    %sign3A_559 = arith.extui %sign3A_558 : i1 to i32
    %sign3A_560 = arith.constant 0 : i32
    %sign3A_561 = arith.cmpi slt, %jit3A_545, %sign3A_560 : i32
    %sign3A_562 = arith.extui %sign3A_561 : i1 to i32
    %sign3A_563 = arith.subi %sign3A_559, %sign3A_562 : i32
    %ne3A_564 = vector.broadcast %sign3A_563 : i32 to vector<16xi32>
    %ne3A_565 = arith.cmpi ne, %sign3A_556, %ne3A_564 : vector<16xi32>
    %rem3A_566 = vector.broadcast %jit3A_545 : i32 to vector<16xi32>
    %rem3A_567 = arith.remsi %add3A_542, %rem3A_566 : vector<16xi32>
    %ne3A_568 = arith.constant 0 : i32
    %ne3A_569 = vector.broadcast %ne3A_568 : i32 to vector<16xi32>
    %ne3A_570 = arith.cmpi ne, %rem3A_567, %ne3A_569 : vector<16xi32>
    %and3A_571 = arith.andi %ne3A_565, %ne3A_570 : vector<16xi1>
    %sub3A_572 = arith.constant 1 : i32
    %sub3A_573 = vector.broadcast %sub3A_572 : i32 to vector<16xi32>
    %sub3A_574 = arith.subi %div3A_547, %sub3A_573 : vector<16xi32>
    %select_n3A_575 = arith.select %and3A_571, %sub3A_574, %div3A_547 : vector<16xi1>, vector<16xi32>
    %jit3A_576 = arith.constant 128 : i32
    %eq3A_577 = arith.constant 0 : i32
    %eq3A_578 = arith.cmpi eq, %jit3A_576, %eq3A_577 : i32
    %jit3A_579 = arith.constant 1 : i32
    %select_n3A_580 = arith.select %eq3A_578, %jit3A_579, %jit3A_576 : i32
    %rem3A_581 = vector.broadcast %select_n3A_580 : i32 to vector<16xi32>
    %rem3A_582 = arith.remsi %add3A_542, %rem3A_581 : vector<16xi32>
    %ne3A_583 = arith.constant 0 : i32
    %ne3A_584 = vector.broadcast %ne3A_583 : i32 to vector<16xi32>
    %ne3A_585 = arith.cmpi ne, %rem3A_582, %ne3A_584 : vector<16xi32>
    %lt3A_586 = arith.constant 0 : i32
    %lt3A_587 = vector.broadcast %lt3A_586 : i32 to vector<16xi32>
    %lt3A_588 = arith.cmpi slt, %rem3A_582, %lt3A_587 : vector<16xi32>
    %lt3A_589 = arith.constant 0 : i32
    %lt3A_590 = arith.cmpi slt, %select_n3A_580, %lt3A_589 : i32
    %ne3A_591 = vector.broadcast %lt3A_590 : i1 to vector<16xi1>
    %ne3A_592 = vector.broadcast %ne3A_591 : vector<16xi1> to vector<16xi1>
    %ne3A_593 = arith.xori %lt3A_588, %ne3A_592 : vector<16xi1>
    %and3A_594 = arith.andi %ne3A_593, %ne3A_585 : vector<16xi1>
    %add3A_595 = vector.broadcast %select_n3A_580 : i32 to vector<16xi32>
    %add3A_596 = arith.addi %rem3A_582, %add3A_595 : vector<16xi32>
    %select_n3A_597 = arith.select %and3A_594, %add3A_596, %rem3A_582 : vector<16xi1>, vector<16xi32>
    tpu.vector_store_idx %arg19[%select_n3A_575, %select_n3A_597], %gather3A masked %lt3A_544 : memref<25x128xi32, #tpu.memory_space<vmem>>[vector<16xi32>, vector<16xi32>], vector<16xi32>, vector<16xi1>
    %jit3A_598 = arith.constant 128 : i32
    %div3A_599 = vector.broadcast %jit3A_598 : i32 to vector<16xi32>
    %div3A_600 = arith.divsi %add3A_542, %div3A_599 : vector<16xi32>
    %sign3A_601 = arith.constant 0 : i32
    %sign3A_602 = vector.broadcast %sign3A_601 : i32 to vector<16xi32>
    %sign3A_603 = arith.cmpi sgt, %add3A_542, %sign3A_602 : vector<16xi32>
    %sign3A_604 = arith.extui %sign3A_603 : vector<16xi1> to vector<16xi32>
    %sign3A_605 = arith.constant 0 : i32
    %sign3A_606 = vector.broadcast %sign3A_605 : i32 to vector<16xi32>
    %sign3A_607 = arith.cmpi slt, %add3A_542, %sign3A_606 : vector<16xi32>
    %sign3A_608 = arith.extui %sign3A_607 : vector<16xi1> to vector<16xi32>
    %sign3A_609 = arith.subi %sign3A_604, %sign3A_608 : vector<16xi32>
    %sign3A_610 = arith.constant 0 : i32
    %sign3A_611 = arith.cmpi sgt, %jit3A_598, %sign3A_610 : i32
    %sign3A_612 = arith.extui %sign3A_611 : i1 to i32
    %sign3A_613 = arith.constant 0 : i32
    %sign3A_614 = arith.cmpi slt, %jit3A_598, %sign3A_613 : i32
    %sign3A_615 = arith.extui %sign3A_614 : i1 to i32
    %sign3A_616 = arith.subi %sign3A_612, %sign3A_615 : i32
    %ne3A_617 = vector.broadcast %sign3A_616 : i32 to vector<16xi32>
    %ne3A_618 = arith.cmpi ne, %sign3A_609, %ne3A_617 : vector<16xi32>
    %rem3A_619 = vector.broadcast %jit3A_598 : i32 to vector<16xi32>
    %rem3A_620 = arith.remsi %add3A_542, %rem3A_619 : vector<16xi32>
    %ne3A_621 = arith.constant 0 : i32
    %ne3A_622 = vector.broadcast %ne3A_621 : i32 to vector<16xi32>
    %ne3A_623 = arith.cmpi ne, %rem3A_620, %ne3A_622 : vector<16xi32>
    %and3A_624 = arith.andi %ne3A_618, %ne3A_623 : vector<16xi1>
    %sub3A_625 = arith.constant 1 : i32
    %sub3A_626 = vector.broadcast %sub3A_625 : i32 to vector<16xi32>
    %sub3A_627 = arith.subi %div3A_600, %sub3A_626 : vector<16xi32>
    %select_n3A_628 = arith.select %and3A_624, %sub3A_627, %div3A_600 : vector<16xi1>, vector<16xi32>
    %jit3A_629 = arith.constant 128 : i32
    %eq3A_630 = arith.constant 0 : i32
    %eq3A_631 = arith.cmpi eq, %jit3A_629, %eq3A_630 : i32
    %jit3A_632 = arith.constant 1 : i32
    %select_n3A_633 = arith.select %eq3A_631, %jit3A_632, %jit3A_629 : i32
    %rem3A_634 = vector.broadcast %select_n3A_633 : i32 to vector<16xi32>
    %rem3A_635 = arith.remsi %add3A_542, %rem3A_634 : vector<16xi32>
    %ne3A_636 = arith.constant 0 : i32
    %ne3A_637 = vector.broadcast %ne3A_636 : i32 to vector<16xi32>
    %ne3A_638 = arith.cmpi ne, %rem3A_635, %ne3A_637 : vector<16xi32>
    %lt3A_639 = arith.constant 0 : i32
    %lt3A_640 = vector.broadcast %lt3A_639 : i32 to vector<16xi32>
    %lt3A_641 = arith.cmpi slt, %rem3A_635, %lt3A_640 : vector<16xi32>
    %lt3A_642 = arith.constant 0 : i32
    %lt3A_643 = arith.cmpi slt, %select_n3A_633, %lt3A_642 : i32
    %ne3A_644 = vector.broadcast %lt3A_643 : i1 to vector<16xi1>
    %ne3A_645 = vector.broadcast %ne3A_644 : vector<16xi1> to vector<16xi1>
    %ne3A_646 = arith.xori %lt3A_641, %ne3A_645 : vector<16xi1>
    %and3A_647 = arith.andi %ne3A_646, %ne3A_638 : vector<16xi1>
    %add3A_648 = vector.broadcast %select_n3A_633 : i32 to vector<16xi32>
    %add3A_649 = arith.addi %rem3A_635, %add3A_648 : vector<16xi32>
    %select_n3A_650 = arith.select %and3A_647, %add3A_649, %rem3A_635 : vector<16xi1>, vector<16xi32>
    tpu.vector_store_idx %arg20[%select_n3A_628, %select_n3A_650], %gather3A_86 masked %lt3A_544 : memref<25x128xi32, #tpu.memory_space<vmem>>[vector<16xi32>, vector<16xi32>], vector<16xi32>, vector<16xi1>
    %add3A_651 = arith.constant 80 : i32
    %add3A_652 = arith.addi %scan3A_22, %add3A_651 : i32
    %iota3A_653 = tpu.iota {dimensions = array<i32: 0>} : vector<16xi32>
    %add3A_654 = vector.broadcast %add3A_652 : i32 to vector<16xi32>
    %add3A_655 = arith.addi %add3A_654, %iota3A_653 : vector<16xi32>
    %lt3A_656 = vector.broadcast %mul3A_43 : i32 to vector<16xi32>
    %lt3A_657 = arith.cmpi slt, %add3A_655, %lt3A_656 : vector<16xi32>
    %jit3A_658 = arith.constant 128 : i32
    %div3A_659 = vector.broadcast %jit3A_658 : i32 to vector<16xi32>
    %div3A_660 = arith.divsi %add3A_655, %div3A_659 : vector<16xi32>
    %sign3A_661 = arith.constant 0 : i32
    %sign3A_662 = vector.broadcast %sign3A_661 : i32 to vector<16xi32>
    %sign3A_663 = arith.cmpi sgt, %add3A_655, %sign3A_662 : vector<16xi32>
    %sign3A_664 = arith.extui %sign3A_663 : vector<16xi1> to vector<16xi32>
    %sign3A_665 = arith.constant 0 : i32
    %sign3A_666 = vector.broadcast %sign3A_665 : i32 to vector<16xi32>
    %sign3A_667 = arith.cmpi slt, %add3A_655, %sign3A_666 : vector<16xi32>
    %sign3A_668 = arith.extui %sign3A_667 : vector<16xi1> to vector<16xi32>
    %sign3A_669 = arith.subi %sign3A_664, %sign3A_668 : vector<16xi32>
    %sign3A_670 = arith.constant 0 : i32
    %sign3A_671 = arith.cmpi sgt, %jit3A_658, %sign3A_670 : i32
    %sign3A_672 = arith.extui %sign3A_671 : i1 to i32
    %sign3A_673 = arith.constant 0 : i32
    %sign3A_674 = arith.cmpi slt, %jit3A_658, %sign3A_673 : i32
    %sign3A_675 = arith.extui %sign3A_674 : i1 to i32
    %sign3A_676 = arith.subi %sign3A_672, %sign3A_675 : i32
    %ne3A_677 = vector.broadcast %sign3A_676 : i32 to vector<16xi32>
    %ne3A_678 = arith.cmpi ne, %sign3A_669, %ne3A_677 : vector<16xi32>
    %rem3A_679 = vector.broadcast %jit3A_658 : i32 to vector<16xi32>
    %rem3A_680 = arith.remsi %add3A_655, %rem3A_679 : vector<16xi32>
    %ne3A_681 = arith.constant 0 : i32
    %ne3A_682 = vector.broadcast %ne3A_681 : i32 to vector<16xi32>
    %ne3A_683 = arith.cmpi ne, %rem3A_680, %ne3A_682 : vector<16xi32>
    %and3A_684 = arith.andi %ne3A_678, %ne3A_683 : vector<16xi1>
    %sub3A_685 = arith.constant 1 : i32
    %sub3A_686 = vector.broadcast %sub3A_685 : i32 to vector<16xi32>
    %sub3A_687 = arith.subi %div3A_660, %sub3A_686 : vector<16xi32>
    %select_n3A_688 = arith.select %and3A_684, %sub3A_687, %div3A_660 : vector<16xi1>, vector<16xi32>
    %jit3A_689 = arith.constant 128 : i32
    %eq3A_690 = arith.constant 0 : i32
    %eq3A_691 = arith.cmpi eq, %jit3A_689, %eq3A_690 : i32
    %jit3A_692 = arith.constant 1 : i32
    %select_n3A_693 = arith.select %eq3A_691, %jit3A_692, %jit3A_689 : i32
    %rem3A_694 = vector.broadcast %select_n3A_693 : i32 to vector<16xi32>
    %rem3A_695 = arith.remsi %add3A_655, %rem3A_694 : vector<16xi32>
    %ne3A_696 = arith.constant 0 : i32
    %ne3A_697 = vector.broadcast %ne3A_696 : i32 to vector<16xi32>
    %ne3A_698 = arith.cmpi ne, %rem3A_695, %ne3A_697 : vector<16xi32>
    %lt3A_699 = arith.constant 0 : i32
    %lt3A_700 = vector.broadcast %lt3A_699 : i32 to vector<16xi32>
    %lt3A_701 = arith.cmpi slt, %rem3A_695, %lt3A_700 : vector<16xi32>
    %lt3A_702 = arith.constant 0 : i32
    %lt3A_703 = arith.cmpi slt, %select_n3A_693, %lt3A_702 : i32
    %ne3A_704 = vector.broadcast %lt3A_703 : i1 to vector<16xi1>
    %ne3A_705 = vector.broadcast %ne3A_704 : vector<16xi1> to vector<16xi1>
    %ne3A_706 = arith.xori %lt3A_701, %ne3A_705 : vector<16xi1>
    %and3A_707 = arith.andi %ne3A_706, %ne3A_698 : vector<16xi1>
    %add3A_708 = vector.broadcast %select_n3A_693 : i32 to vector<16xi32>
    %add3A_709 = arith.addi %rem3A_695, %add3A_708 : vector<16xi32>
    %select_n3A_710 = arith.select %and3A_707, %add3A_709, %rem3A_695 : vector<16xi1>, vector<16xi32>
    tpu.vector_store_idx %arg19[%select_n3A_688, %select_n3A_710], %gather3A masked %lt3A_657 : memref<25x128xi32, #tpu.memory_space<vmem>>[vector<16xi32>, vector<16xi32>], vector<16xi32>, vector<16xi1>
    %jit3A_711 = arith.constant 128 : i32
    %div3A_712 = vector.broadcast %jit3A_711 : i32 to vector<16xi32>
    %div3A_713 = arith.divsi %add3A_655, %div3A_712 : vector<16xi32>
    %sign3A_714 = arith.constant 0 : i32
    %sign3A_715 = vector.broadcast %sign3A_714 : i32 to vector<16xi32>
    %sign3A_716 = arith.cmpi sgt, %add3A_655, %sign3A_715 : vector<16xi32>
    %sign3A_717 = arith.extui %sign3A_716 : vector<16xi1> to vector<16xi32>
    %sign3A_718 = arith.constant 0 : i32
    %sign3A_719 = vector.broadcast %sign3A_718 : i32 to vector<16xi32>
    %sign3A_720 = arith.cmpi slt, %add3A_655, %sign3A_719 : vector<16xi32>
    %sign3A_721 = arith.extui %sign3A_720 : vector<16xi1> to vector<16xi32>
    %sign3A_722 = arith.subi %sign3A_717, %sign3A_721 : vector<16xi32>
    %sign3A_723 = arith.constant 0 : i32
    %sign3A_724 = arith.cmpi sgt, %jit3A_711, %sign3A_723 : i32
    %sign3A_725 = arith.extui %sign3A_724 : i1 to i32
    %sign3A_726 = arith.constant 0 : i32
    %sign3A_727 = arith.cmpi slt, %jit3A_711, %sign3A_726 : i32
    %sign3A_728 = arith.extui %sign3A_727 : i1 to i32
    %sign3A_729 = arith.subi %sign3A_725, %sign3A_728 : i32
    %ne3A_730 = vector.broadcast %sign3A_729 : i32 to vector<16xi32>
    %ne3A_731 = arith.cmpi ne, %sign3A_722, %ne3A_730 : vector<16xi32>
    %rem3A_732 = vector.broadcast %jit3A_711 : i32 to vector<16xi32>
    %rem3A_733 = arith.remsi %add3A_655, %rem3A_732 : vector<16xi32>
    %ne3A_734 = arith.constant 0 : i32
    %ne3A_735 = vector.broadcast %ne3A_734 : i32 to vector<16xi32>
    %ne3A_736 = arith.cmpi ne, %rem3A_733, %ne3A_735 : vector<16xi32>
    %and3A_737 = arith.andi %ne3A_731, %ne3A_736 : vector<16xi1>
    %sub3A_738 = arith.constant 1 : i32
    %sub3A_739 = vector.broadcast %sub3A_738 : i32 to vector<16xi32>
    %sub3A_740 = arith.subi %div3A_713, %sub3A_739 : vector<16xi32>
    %select_n3A_741 = arith.select %and3A_737, %sub3A_740, %div3A_713 : vector<16xi1>, vector<16xi32>
    %jit3A_742 = arith.constant 128 : i32
    %eq3A_743 = arith.constant 0 : i32
    %eq3A_744 = arith.cmpi eq, %jit3A_742, %eq3A_743 : i32
    %jit3A_745 = arith.constant 1 : i32
    %select_n3A_746 = arith.select %eq3A_744, %jit3A_745, %jit3A_742 : i32
    %rem3A_747 = vector.broadcast %select_n3A_746 : i32 to vector<16xi32>
    %rem3A_748 = arith.remsi %add3A_655, %rem3A_747 : vector<16xi32>
    %ne3A_749 = arith.constant 0 : i32
    %ne3A_750 = vector.broadcast %ne3A_749 : i32 to vector<16xi32>
    %ne3A_751 = arith.cmpi ne, %rem3A_748, %ne3A_750 : vector<16xi32>
    %lt3A_752 = arith.constant 0 : i32
    %lt3A_753 = vector.broadcast %lt3A_752 : i32 to vector<16xi32>
    %lt3A_754 = arith.cmpi slt, %rem3A_748, %lt3A_753 : vector<16xi32>
    %lt3A_755 = arith.constant 0 : i32
    %lt3A_756 = arith.cmpi slt, %select_n3A_746, %lt3A_755 : i32
    %ne3A_757 = vector.broadcast %lt3A_756 : i1 to vector<16xi1>
    %ne3A_758 = vector.broadcast %ne3A_757 : vector<16xi1> to vector<16xi1>
    %ne3A_759 = arith.xori %lt3A_754, %ne3A_758 : vector<16xi1>
    %and3A_760 = arith.andi %ne3A_759, %ne3A_751 : vector<16xi1>
    %add3A_761 = vector.broadcast %select_n3A_746 : i32 to vector<16xi32>
    %add3A_762 = arith.addi %rem3A_748, %add3A_761 : vector<16xi32>
    %select_n3A_763 = arith.select %and3A_760, %add3A_762, %rem3A_748 : vector<16xi1>, vector<16xi32>
    tpu.vector_store_idx %arg20[%select_n3A_741, %select_n3A_763], %gather3A_86 masked %lt3A_657 : memref<25x128xi32, #tpu.memory_space<vmem>>[vector<16xi32>, vector<16xi32>], vector<16xi32>, vector<16xi1>
    %add3A_764 = arith.constant 96 : i32
    %add3A_765 = arith.addi %scan3A_22, %add3A_764 : i32
    %iota3A_766 = tpu.iota {dimensions = array<i32: 0>} : vector<16xi32>
    %add3A_767 = vector.broadcast %add3A_765 : i32 to vector<16xi32>
    %add3A_768 = arith.addi %add3A_767, %iota3A_766 : vector<16xi32>
    %lt3A_769 = vector.broadcast %mul3A_43 : i32 to vector<16xi32>
    %lt3A_770 = arith.cmpi slt, %add3A_768, %lt3A_769 : vector<16xi32>
    %jit3A_771 = arith.constant 128 : i32
    %div3A_772 = vector.broadcast %jit3A_771 : i32 to vector<16xi32>
    %div3A_773 = arith.divsi %add3A_768, %div3A_772 : vector<16xi32>
    %sign3A_774 = arith.constant 0 : i32
    %sign3A_775 = vector.broadcast %sign3A_774 : i32 to vector<16xi32>
    %sign3A_776 = arith.cmpi sgt, %add3A_768, %sign3A_775 : vector<16xi32>
    %sign3A_777 = arith.extui %sign3A_776 : vector<16xi1> to vector<16xi32>
    %sign3A_778 = arith.constant 0 : i32
    %sign3A_779 = vector.broadcast %sign3A_778 : i32 to vector<16xi32>
    %sign3A_780 = arith.cmpi slt, %add3A_768, %sign3A_779 : vector<16xi32>
    %sign3A_781 = arith.extui %sign3A_780 : vector<16xi1> to vector<16xi32>
    %sign3A_782 = arith.subi %sign3A_777, %sign3A_781 : vector<16xi32>
    %sign3A_783 = arith.constant 0 : i32
    %sign3A_784 = arith.cmpi sgt, %jit3A_771, %sign3A_783 : i32
    %sign3A_785 = arith.extui %sign3A_784 : i1 to i32
    %sign3A_786 = arith.constant 0 : i32
    %sign3A_787 = arith.cmpi slt, %jit3A_771, %sign3A_786 : i32
    %sign3A_788 = arith.extui %sign3A_787 : i1 to i32
    %sign3A_789 = arith.subi %sign3A_785, %sign3A_788 : i32
    %ne3A_790 = vector.broadcast %sign3A_789 : i32 to vector<16xi32>
    %ne3A_791 = arith.cmpi ne, %sign3A_782, %ne3A_790 : vector<16xi32>
    %rem3A_792 = vector.broadcast %jit3A_771 : i32 to vector<16xi32>
    %rem3A_793 = arith.remsi %add3A_768, %rem3A_792 : vector<16xi32>
    %ne3A_794 = arith.constant 0 : i32
    %ne3A_795 = vector.broadcast %ne3A_794 : i32 to vector<16xi32>
    %ne3A_796 = arith.cmpi ne, %rem3A_793, %ne3A_795 : vector<16xi32>
    %and3A_797 = arith.andi %ne3A_791, %ne3A_796 : vector<16xi1>
    %sub3A_798 = arith.constant 1 : i32
    %sub3A_799 = vector.broadcast %sub3A_798 : i32 to vector<16xi32>
    %sub3A_800 = arith.subi %div3A_773, %sub3A_799 : vector<16xi32>
    %select_n3A_801 = arith.select %and3A_797, %sub3A_800, %div3A_773 : vector<16xi1>, vector<16xi32>
    %jit3A_802 = arith.constant 128 : i32
    %eq3A_803 = arith.constant 0 : i32
    %eq3A_804 = arith.cmpi eq, %jit3A_802, %eq3A_803 : i32
    %jit3A_805 = arith.constant 1 : i32
    %select_n3A_806 = arith.select %eq3A_804, %jit3A_805, %jit3A_802 : i32
    %rem3A_807 = vector.broadcast %select_n3A_806 : i32 to vector<16xi32>
    %rem3A_808 = arith.remsi %add3A_768, %rem3A_807 : vector<16xi32>
    %ne3A_809 = arith.constant 0 : i32
    %ne3A_810 = vector.broadcast %ne3A_809 : i32 to vector<16xi32>
    %ne3A_811 = arith.cmpi ne, %rem3A_808, %ne3A_810 : vector<16xi32>
    %lt3A_812 = arith.constant 0 : i32
    %lt3A_813 = vector.broadcast %lt3A_812 : i32 to vector<16xi32>
    %lt3A_814 = arith.cmpi slt, %rem3A_808, %lt3A_813 : vector<16xi32>
    %lt3A_815 = arith.constant 0 : i32
    %lt3A_816 = arith.cmpi slt, %select_n3A_806, %lt3A_815 : i32
    %ne3A_817 = vector.broadcast %lt3A_816 : i1 to vector<16xi1>
    %ne3A_818 = vector.broadcast %ne3A_817 : vector<16xi1> to vector<16xi1>
    %ne3A_819 = arith.xori %lt3A_814, %ne3A_818 : vector<16xi1>
    %and3A_820 = arith.andi %ne3A_819, %ne3A_811 : vector<16xi1>
    %add3A_821 = vector.broadcast %select_n3A_806 : i32 to vector<16xi32>
    %add3A_822 = arith.addi %rem3A_808, %add3A_821 : vector<16xi32>
    %select_n3A_823 = arith.select %and3A_820, %add3A_822, %rem3A_808 : vector<16xi1>, vector<16xi32>
    tpu.vector_store_idx %arg19[%select_n3A_801, %select_n3A_823], %gather3A masked %lt3A_770 : memref<25x128xi32, #tpu.memory_space<vmem>>[vector<16xi32>, vector<16xi32>], vector<16xi32>, vector<16xi1>
    %jit3A_824 = arith.constant 128 : i32
    %div3A_825 = vector.broadcast %jit3A_824 : i32 to vector<16xi32>
    %div3A_826 = arith.divsi %add3A_768, %div3A_825 : vector<16xi32>
    %sign3A_827 = arith.constant 0 : i32
    %sign3A_828 = vector.broadcast %sign3A_827 : i32 to vector<16xi32>
    %sign3A_829 = arith.cmpi sgt, %add3A_768, %sign3A_828 : vector<16xi32>
    %sign3A_830 = arith.extui %sign3A_829 : vector<16xi1> to vector<16xi32>
    %sign3A_831 = arith.constant 0 : i32
    %sign3A_832 = vector.broadcast %sign3A_831 : i32 to vector<16xi32>
    %sign3A_833 = arith.cmpi slt, %add3A_768, %sign3A_832 : vector<16xi32>
    %sign3A_834 = arith.extui %sign3A_833 : vector<16xi1> to vector<16xi32>
    %sign3A_835 = arith.subi %sign3A_830, %sign3A_834 : vector<16xi32>
    %sign3A_836 = arith.constant 0 : i32
    %sign3A_837 = arith.cmpi sgt, %jit3A_824, %sign3A_836 : i32
    %sign3A_838 = arith.extui %sign3A_837 : i1 to i32
    %sign3A_839 = arith.constant 0 : i32
    %sign3A_840 = arith.cmpi slt, %jit3A_824, %sign3A_839 : i32
    %sign3A_841 = arith.extui %sign3A_840 : i1 to i32
    %sign3A_842 = arith.subi %sign3A_838, %sign3A_841 : i32
    %ne3A_843 = vector.broadcast %sign3A_842 : i32 to vector<16xi32>
    %ne3A_844 = arith.cmpi ne, %sign3A_835, %ne3A_843 : vector<16xi32>
    %rem3A_845 = vector.broadcast %jit3A_824 : i32 to vector<16xi32>
    %rem3A_846 = arith.remsi %add3A_768, %rem3A_845 : vector<16xi32>
    %ne3A_847 = arith.constant 0 : i32
    %ne3A_848 = vector.broadcast %ne3A_847 : i32 to vector<16xi32>
    %ne3A_849 = arith.cmpi ne, %rem3A_846, %ne3A_848 : vector<16xi32>
    %and3A_850 = arith.andi %ne3A_844, %ne3A_849 : vector<16xi1>
    %sub3A_851 = arith.constant 1 : i32
    %sub3A_852 = vector.broadcast %sub3A_851 : i32 to vector<16xi32>
    %sub3A_853 = arith.subi %div3A_826, %sub3A_852 : vector<16xi32>
    %select_n3A_854 = arith.select %and3A_850, %sub3A_853, %div3A_826 : vector<16xi1>, vector<16xi32>
    %jit3A_855 = arith.constant 128 : i32
    %eq3A_856 = arith.constant 0 : i32
    %eq3A_857 = arith.cmpi eq, %jit3A_855, %eq3A_856 : i32
    %jit3A_858 = arith.constant 1 : i32
    %select_n3A_859 = arith.select %eq3A_857, %jit3A_858, %jit3A_855 : i32
    %rem3A_860 = vector.broadcast %select_n3A_859 : i32 to vector<16xi32>
    %rem3A_861 = arith.remsi %add3A_768, %rem3A_860 : vector<16xi32>
    %ne3A_862 = arith.constant 0 : i32
    %ne3A_863 = vector.broadcast %ne3A_862 : i32 to vector<16xi32>
    %ne3A_864 = arith.cmpi ne, %rem3A_861, %ne3A_863 : vector<16xi32>
    %lt3A_865 = arith.constant 0 : i32
    %lt3A_866 = vector.broadcast %lt3A_865 : i32 to vector<16xi32>
    %lt3A_867 = arith.cmpi slt, %rem3A_861, %lt3A_866 : vector<16xi32>
    %lt3A_868 = arith.constant 0 : i32
    %lt3A_869 = arith.cmpi slt, %select_n3A_859, %lt3A_868 : i32
    %ne3A_870 = vector.broadcast %lt3A_869 : i1 to vector<16xi1>
    %ne3A_871 = vector.broadcast %ne3A_870 : vector<16xi1> to vector<16xi1>
    %ne3A_872 = arith.xori %lt3A_867, %ne3A_871 : vector<16xi1>
    %and3A_873 = arith.andi %ne3A_872, %ne3A_864 : vector<16xi1>
    %add3A_874 = vector.broadcast %select_n3A_859 : i32 to vector<16xi32>
    %add3A_875 = arith.addi %rem3A_861, %add3A_874 : vector<16xi32>
    %select_n3A_876 = arith.select %and3A_873, %add3A_875, %rem3A_861 : vector<16xi1>, vector<16xi32>
    tpu.vector_store_idx %arg20[%select_n3A_854, %select_n3A_876], %gather3A_86 masked %lt3A_770 : memref<25x128xi32, #tpu.memory_space<vmem>>[vector<16xi32>, vector<16xi32>], vector<16xi32>, vector<16xi1>
    %add3A_877 = arith.constant 112 : i32
    %add3A_878 = arith.addi %scan3A_22, %add3A_877 : i32
    %iota3A_879 = tpu.iota {dimensions = array<i32: 0>} : vector<16xi32>
    %add3A_880 = vector.broadcast %add3A_878 : i32 to vector<16xi32>
    %add3A_881 = arith.addi %add3A_880, %iota3A_879 : vector<16xi32>
    %lt3A_882 = vector.broadcast %mul3A_43 : i32 to vector<16xi32>
    %lt3A_883 = arith.cmpi slt, %add3A_881, %lt3A_882 : vector<16xi32>
    %jit3A_884 = arith.constant 128 : i32
    %div3A_885 = vector.broadcast %jit3A_884 : i32 to vector<16xi32>
    %div3A_886 = arith.divsi %add3A_881, %div3A_885 : vector<16xi32>
    %sign3A_887 = arith.constant 0 : i32
    %sign3A_888 = vector.broadcast %sign3A_887 : i32 to vector<16xi32>
    %sign3A_889 = arith.cmpi sgt, %add3A_881, %sign3A_888 : vector<16xi32>
    %sign3A_890 = arith.extui %sign3A_889 : vector<16xi1> to vector<16xi32>
    %sign3A_891 = arith.constant 0 : i32
    %sign3A_892 = vector.broadcast %sign3A_891 : i32 to vector<16xi32>
    %sign3A_893 = arith.cmpi slt, %add3A_881, %sign3A_892 : vector<16xi32>
    %sign3A_894 = arith.extui %sign3A_893 : vector<16xi1> to vector<16xi32>
    %sign3A_895 = arith.subi %sign3A_890, %sign3A_894 : vector<16xi32>
    %sign3A_896 = arith.constant 0 : i32
    %sign3A_897 = arith.cmpi sgt, %jit3A_884, %sign3A_896 : i32
    %sign3A_898 = arith.extui %sign3A_897 : i1 to i32
    %sign3A_899 = arith.constant 0 : i32
    %sign3A_900 = arith.cmpi slt, %jit3A_884, %sign3A_899 : i32
    %sign3A_901 = arith.extui %sign3A_900 : i1 to i32
    %sign3A_902 = arith.subi %sign3A_898, %sign3A_901 : i32
    %ne3A_903 = vector.broadcast %sign3A_902 : i32 to vector<16xi32>
    %ne3A_904 = arith.cmpi ne, %sign3A_895, %ne3A_903 : vector<16xi32>
    %rem3A_905 = vector.broadcast %jit3A_884 : i32 to vector<16xi32>
    %rem3A_906 = arith.remsi %add3A_881, %rem3A_905 : vector<16xi32>
    %ne3A_907 = arith.constant 0 : i32
    %ne3A_908 = vector.broadcast %ne3A_907 : i32 to vector<16xi32>
    %ne3A_909 = arith.cmpi ne, %rem3A_906, %ne3A_908 : vector<16xi32>
    %and3A_910 = arith.andi %ne3A_904, %ne3A_909 : vector<16xi1>
    %sub3A_911 = arith.constant 1 : i32
    %sub3A_912 = vector.broadcast %sub3A_911 : i32 to vector<16xi32>
    %sub3A_913 = arith.subi %div3A_886, %sub3A_912 : vector<16xi32>
    %select_n3A_914 = arith.select %and3A_910, %sub3A_913, %div3A_886 : vector<16xi1>, vector<16xi32>
    %jit3A_915 = arith.constant 128 : i32
    %eq3A_916 = arith.constant 0 : i32
    %eq3A_917 = arith.cmpi eq, %jit3A_915, %eq3A_916 : i32
    %jit3A_918 = arith.constant 1 : i32
    %select_n3A_919 = arith.select %eq3A_917, %jit3A_918, %jit3A_915 : i32
    %rem3A_920 = vector.broadcast %select_n3A_919 : i32 to vector<16xi32>
    %rem3A_921 = arith.remsi %add3A_881, %rem3A_920 : vector<16xi32>
    %ne3A_922 = arith.constant 0 : i32
    %ne3A_923 = vector.broadcast %ne3A_922 : i32 to vector<16xi32>
    %ne3A_924 = arith.cmpi ne, %rem3A_921, %ne3A_923 : vector<16xi32>
    %lt3A_925 = arith.constant 0 : i32
    %lt3A_926 = vector.broadcast %lt3A_925 : i32 to vector<16xi32>
    %lt3A_927 = arith.cmpi slt, %rem3A_921, %lt3A_926 : vector<16xi32>
    %lt3A_928 = arith.constant 0 : i32
    %lt3A_929 = arith.cmpi slt, %select_n3A_919, %lt3A_928 : i32
    %ne3A_930 = vector.broadcast %lt3A_929 : i1 to vector<16xi1>
    %ne3A_931 = vector.broadcast %ne3A_930 : vector<16xi1> to vector<16xi1>
    %ne3A_932 = arith.xori %lt3A_927, %ne3A_931 : vector<16xi1>
    %and3A_933 = arith.andi %ne3A_932, %ne3A_924 : vector<16xi1>
    %add3A_934 = vector.broadcast %select_n3A_919 : i32 to vector<16xi32>
    %add3A_935 = arith.addi %rem3A_921, %add3A_934 : vector<16xi32>
    %select_n3A_936 = arith.select %and3A_933, %add3A_935, %rem3A_921 : vector<16xi1>, vector<16xi32>
    tpu.vector_store_idx %arg19[%select_n3A_914, %select_n3A_936], %gather3A masked %lt3A_883 : memref<25x128xi32, #tpu.memory_space<vmem>>[vector<16xi32>, vector<16xi32>], vector<16xi32>, vector<16xi1>
    %jit3A_937 = arith.constant 128 : i32
    %div3A_938 = vector.broadcast %jit3A_937 : i32 to vector<16xi32>
    %div3A_939 = arith.divsi %add3A_881, %div3A_938 : vector<16xi32>
    %sign3A_940 = arith.constant 0 : i32
    %sign3A_941 = vector.broadcast %sign3A_940 : i32 to vector<16xi32>
    %sign3A_942 = arith.cmpi sgt, %add3A_881, %sign3A_941 : vector<16xi32>
    %sign3A_943 = arith.extui %sign3A_942 : vector<16xi1> to vector<16xi32>
    %sign3A_944 = arith.constant 0 : i32
    %sign3A_945 = vector.broadcast %sign3A_944 : i32 to vector<16xi32>
    %sign3A_946 = arith.cmpi slt, %add3A_881, %sign3A_945 : vector<16xi32>
    %sign3A_947 = arith.extui %sign3A_946 : vector<16xi1> to vector<16xi32>
    %sign3A_948 = arith.subi %sign3A_943, %sign3A_947 : vector<16xi32>
    %sign3A_949 = arith.constant 0 : i32
    %sign3A_950 = arith.cmpi sgt, %jit3A_937, %sign3A_949 : i32
    %sign3A_951 = arith.extui %sign3A_950 : i1 to i32
    %sign3A_952 = arith.constant 0 : i32
    %sign3A_953 = arith.cmpi slt, %jit3A_937, %sign3A_952 : i32
    %sign3A_954 = arith.extui %sign3A_953 : i1 to i32
    %sign3A_955 = arith.subi %sign3A_951, %sign3A_954 : i32
    %ne3A_956 = vector.broadcast %sign3A_955 : i32 to vector<16xi32>
    %ne3A_957 = arith.cmpi ne, %sign3A_948, %ne3A_956 : vector<16xi32>
    %rem3A_958 = vector.broadcast %jit3A_937 : i32 to vector<16xi32>
    %rem3A_959 = arith.remsi %add3A_881, %rem3A_958 : vector<16xi32>
    %ne3A_960 = arith.constant 0 : i32
    %ne3A_961 = vector.broadcast %ne3A_960 : i32 to vector<16xi32>
    %ne3A_962 = arith.cmpi ne, %rem3A_959, %ne3A_961 : vector<16xi32>
    %and3A_963 = arith.andi %ne3A_957, %ne3A_962 : vector<16xi1>
    %sub3A_964 = arith.constant 1 : i32
    %sub3A_965 = vector.broadcast %sub3A_964 : i32 to vector<16xi32>
    %sub3A_966 = arith.subi %div3A_939, %sub3A_965 : vector<16xi32>
    %select_n3A_967 = arith.select %and3A_963, %sub3A_966, %div3A_939 : vector<16xi1>, vector<16xi32>
    %jit3A_968 = arith.constant 128 : i32
    %eq3A_969 = arith.constant 0 : i32
    %eq3A_970 = arith.cmpi eq, %jit3A_968, %eq3A_969 : i32
    %jit3A_971 = arith.constant 1 : i32
    %select_n3A_972 = arith.select %eq3A_970, %jit3A_971, %jit3A_968 : i32
    %rem3A_973 = vector.broadcast %select_n3A_972 : i32 to vector<16xi32>
    %rem3A_974 = arith.remsi %add3A_881, %rem3A_973 : vector<16xi32>
    %ne3A_975 = arith.constant 0 : i32
    %ne3A_976 = vector.broadcast %ne3A_975 : i32 to vector<16xi32>
    %ne3A_977 = arith.cmpi ne, %rem3A_974, %ne3A_976 : vector<16xi32>
    %lt3A_978 = arith.constant 0 : i32
    %lt3A_979 = vector.broadcast %lt3A_978 : i32 to vector<16xi32>
    %lt3A_980 = arith.cmpi slt, %rem3A_974, %lt3A_979 : vector<16xi32>
    %lt3A_981 = arith.constant 0 : i32
    %lt3A_982 = arith.cmpi slt, %select_n3A_972, %lt3A_981 : i32
    %ne3A_983 = vector.broadcast %lt3A_982 : i1 to vector<16xi1>
    %ne3A_984 = vector.broadcast %ne3A_983 : vector<16xi1> to vector<16xi1>
    %ne3A_985 = arith.xori %lt3A_980, %ne3A_984 : vector<16xi1>
    %and3A_986 = arith.andi %ne3A_985, %ne3A_977 : vector<16xi1>
    %add3A_987 = vector.broadcast %select_n3A_972 : i32 to vector<16xi32>
    %add3A_988 = arith.addi %rem3A_974, %add3A_987 : vector<16xi32>
    %select_n3A_989 = arith.select %and3A_986, %add3A_988, %rem3A_974 : vector<16xi1>, vector<16xi32>
    tpu.vector_store_idx %arg20[%select_n3A_967, %select_n3A_989], %gather3A_86 masked %lt3A_883 : memref<25x128xi32, #tpu.memory_space<vmem>>[vector<16xi32>, vector<16xi32>], vector<16xi32>, vector<16xi1>
    %jit3A_990 = arith.constant 128 : i32
    %div3A_991 = arith.divsi %mul3A_43, %jit3A_990 : i32
    %sign3A_992 = arith.constant 0 : i32
    %sign3A_993 = arith.cmpi sgt, %mul3A_43, %sign3A_992 : i32
    %sign3A_994 = arith.extui %sign3A_993 : i1 to i32
    %sign3A_995 = arith.constant 0 : i32
    %sign3A_996 = arith.cmpi slt, %mul3A_43, %sign3A_995 : i32
    %sign3A_997 = arith.extui %sign3A_996 : i1 to i32
    %sign3A_998 = arith.subi %sign3A_994, %sign3A_997 : i32
    %sign3A_999 = arith.constant 0 : i32
    %sign3A_1000 = arith.cmpi sgt, %jit3A_990, %sign3A_999 : i32
    %sign3A_1001 = arith.extui %sign3A_1000 : i1 to i32
    %sign3A_1002 = arith.constant 0 : i32
    %sign3A_1003 = arith.cmpi slt, %jit3A_990, %sign3A_1002 : i32
    %sign3A_1004 = arith.extui %sign3A_1003 : i1 to i32
    %sign3A_1005 = arith.subi %sign3A_1001, %sign3A_1004 : i32
    %ne3A_1006 = arith.cmpi ne, %sign3A_998, %sign3A_1005 : i32
    %rem3A_1007 = arith.remsi %mul3A_43, %jit3A_990 : i32
    %ne3A_1008 = arith.constant 0 : i32
    %ne3A_1009 = arith.cmpi ne, %rem3A_1007, %ne3A_1008 : i32
    %and3A_1010 = arith.andi %ne3A_1006, %ne3A_1009 : i1
    %sub3A_1011 = arith.constant 1 : i32
    %sub3A_1012 = arith.subi %div3A_991, %sub3A_1011 : i32
    %select_n3A_1013 = arith.select %and3A_1010, %sub3A_1012, %div3A_991 : i32
    %while3A = arith.constant 0 : i32
    %while3A_1014 = arith.constant 0 : i32
    %while3A_1015 = arith.subi %select_n3A_1013, %while3A : i32
    %while3A_1016 = arith.addi %while3A, %while3A_1015 : i32
    %while3A_1017 = arith.constant 1 : i32
    %while3A_1018 = arith.divsi %while3A_1015, %while3A_1017 : i32
    %while3A_1019 = arith.muli %while3A_1018, %while3A_1017 : i32
    %while3A_1020 = arith.addi %while3A, %while3A_1019 : i32
    %while3A_1021 = arith.constant 1 : i32
    %while3A_1022 = scf.for %while3A_2048 = %while3A to %while3A_1020 step %while3A_1021 iter_args(%while3A_2049 = %while3A_1014) -> (i32)  : i32 {
      %dma_start3A = arith.constant 0 : i32
      %dma_start3A_2050 = tpu.memref_slice %arg20[%while3A_2048, %dma_start3A] : memref<25x128xi32, #tpu.memory_space<vmem>> -> memref<1x128xi32, #tpu.memory_space<vmem>>
      %dma_start3A_2051 = tpu.memref_squeeze %dma_start3A_2050 : memref<1x128xi32, #tpu.memory_space<vmem>> -> memref<128xi32, #tpu.memory_space<vmem>>
      %dma_start3A_2052 = arith.constant 0 : i32
      %dma_start3A_2053 = arith.constant 0 : i32
      %dma_start3A_2054 = tpu.memref_slice %arg6[%dma_start3A_2052, %dma_start3A_2053] : memref<49152x128xf32, #tpu.memory_space<hbm>> -> memref<49152x128xf32, #tpu.memory_space<hbm>>
      tpu.enqueue_indirect_dma source(%dma_start3A_2054 : memref<49152x128xf32, #tpu.memory_space<hbm>>) target(%arg23 : memref<128x128xf32, #tpu.memory_space<vmem>>) offsets(%dma_start3A_2051 : memref<128xi32, #tpu.memory_space<vmem>>) semaphore(%arg24 : memref<!tpu.dma_semaphore, #tpu.memory_space<semaphore_mem>>)
      %dma_wait3A = arith.constant 0 : i32
      %dma_wait3A_2055 = tpu.memref_slice %arg20[%while3A_2048, %dma_wait3A] : memref<25x128xi32, #tpu.memory_space<vmem>> -> memref<1x128xi32, #tpu.memory_space<vmem>>
      %dma_wait3A_2056 = tpu.memref_squeeze %dma_wait3A_2055 : memref<1x128xi32, #tpu.memory_space<vmem>> -> memref<128xi32, #tpu.memory_space<vmem>>
      %dma_wait3A_2057 = arith.constant 0 : i32
      %dma_wait3A_2058 = arith.constant 0 : i32
      %dma_wait3A_2059 = tpu.memref_slice %arg6[%dma_wait3A_2057, %dma_wait3A_2058] : memref<49152x128xf32, #tpu.memory_space<hbm>> -> memref<49152x128xf32, #tpu.memory_space<hbm>>
      tpu.wait_indirect_dma semaphore(%arg24 : memref<!tpu.dma_semaphore, #tpu.memory_space<semaphore_mem>>) src(%dma_wait3A_2059 : memref<49152x128xf32, #tpu.memory_space<hbm>>) dst(%arg23 : memref<128x128xf32, #tpu.memory_space<vmem>>)
      %dma_start3A_2060 = arith.constant 0 : i32
      %dma_start3A_2061 = tpu.memref_slice %arg19[%while3A_2048, %dma_start3A_2060] : memref<25x128xi32, #tpu.memory_space<vmem>> -> memref<1x128xi32, #tpu.memory_space<vmem>>
      %dma_start3A_2062 = tpu.memref_squeeze %dma_start3A_2061 : memref<1x128xi32, #tpu.memory_space<vmem>> -> memref<128xi32, #tpu.memory_space<vmem>>
      %dma_start3A_2063 = arith.constant 0 : i32
      %dma_start3A_2064 = arith.constant 0 : i32
      %dma_start3A_2065 = tpu.memref_slice %arg7[%dma_start3A_2063, %dma_start3A_2064] : memref<100000x128xf32, #tpu.memory_space<hbm>> -> memref<100000x128xf32, #tpu.memory_space<hbm>>
      tpu.enqueue_indirect_dma source(%arg23 : memref<128x128xf32, #tpu.memory_space<vmem>>) target(%dma_start3A_2065 : memref<100000x128xf32, #tpu.memory_space<hbm>>) offsets(%dma_start3A_2062 : memref<128xi32, #tpu.memory_space<vmem>>) semaphore(%arg24 : memref<!tpu.dma_semaphore, #tpu.memory_space<semaphore_mem>>)
      %dma_wait3A_2066 = arith.constant 0 : i32
      %dma_wait3A_2067 = tpu.memref_slice %arg19[%while3A_2048, %dma_wait3A_2066] : memref<25x128xi32, #tpu.memory_space<vmem>> -> memref<1x128xi32, #tpu.memory_space<vmem>>
      %dma_wait3A_2068 = tpu.memref_squeeze %dma_wait3A_2067 : memref<1x128xi32, #tpu.memory_space<vmem>> -> memref<128xi32, #tpu.memory_space<vmem>>
      %dma_wait3A_2069 = arith.constant 0 : i32
      %dma_wait3A_2070 = arith.constant 0 : i32
      %dma_wait3A_2071 = tpu.memref_slice %arg7[%dma_wait3A_2069, %dma_wait3A_2070] : memref<100000x128xf32, #tpu.memory_space<hbm>> -> memref<100000x128xf32, #tpu.memory_space<hbm>>
      tpu.wait_indirect_dma semaphore(%arg24 : memref<!tpu.dma_semaphore, #tpu.memory_space<semaphore_mem>>) src(%arg23 : memref<128x128xf32, #tpu.memory_space<vmem>>) dst(%dma_wait3A_2071 : memref<100000x128xf32, #tpu.memory_space<hbm>>)
      %while3A_2072 = arith.constant 0 : i32
      scf.yield %while3A_2072 : i32
    }
    %while3A_1023 = arith.constant 1 : i32
    %while3A_1024 = scf.for %while3A_2048 = %while3A_1020 to %while3A_1016 step %while3A_1023 iter_args(%while3A_2049 = %while3A_1022) -> (i32)  : i32 {
      %dma_start3A = arith.constant 0 : i32
      %dma_start3A_2050 = tpu.memref_slice %arg20[%while3A_2048, %dma_start3A] : memref<25x128xi32, #tpu.memory_space<vmem>> -> memref<1x128xi32, #tpu.memory_space<vmem>>
      %dma_start3A_2051 = tpu.memref_squeeze %dma_start3A_2050 : memref<1x128xi32, #tpu.memory_space<vmem>> -> memref<128xi32, #tpu.memory_space<vmem>>
      %dma_start3A_2052 = arith.constant 0 : i32
      %dma_start3A_2053 = arith.constant 0 : i32
      %dma_start3A_2054 = tpu.memref_slice %arg6[%dma_start3A_2052, %dma_start3A_2053] : memref<49152x128xf32, #tpu.memory_space<hbm>> -> memref<49152x128xf32, #tpu.memory_space<hbm>>
      tpu.enqueue_indirect_dma source(%dma_start3A_2054 : memref<49152x128xf32, #tpu.memory_space<hbm>>) target(%arg23 : memref<128x128xf32, #tpu.memory_space<vmem>>) offsets(%dma_start3A_2051 : memref<128xi32, #tpu.memory_space<vmem>>) semaphore(%arg24 : memref<!tpu.dma_semaphore, #tpu.memory_space<semaphore_mem>>)
      %dma_wait3A = arith.constant 0 : i32
      %dma_wait3A_2055 = tpu.memref_slice %arg20[%while3A_2048, %dma_wait3A] : memref<25x128xi32, #tpu.memory_space<vmem>> -> memref<1x128xi32, #tpu.memory_space<vmem>>
      %dma_wait3A_2056 = tpu.memref_squeeze %dma_wait3A_2055 : memref<1x128xi32, #tpu.memory_space<vmem>> -> memref<128xi32, #tpu.memory_space<vmem>>
      %dma_wait3A_2057 = arith.constant 0 : i32
      %dma_wait3A_2058 = arith.constant 0 : i32
      %dma_wait3A_2059 = tpu.memref_slice %arg6[%dma_wait3A_2057, %dma_wait3A_2058] : memref<49152x128xf32, #tpu.memory_space<hbm>> -> memref<49152x128xf32, #tpu.memory_space<hbm>>
      tpu.wait_indirect_dma semaphore(%arg24 : memref<!tpu.dma_semaphore, #tpu.memory_space<semaphore_mem>>) src(%dma_wait3A_2059 : memref<49152x128xf32, #tpu.memory_space<hbm>>) dst(%arg23 : memref<128x128xf32, #tpu.memory_space<vmem>>)
      %dma_start3A_2060 = arith.constant 0 : i32
      %dma_start3A_2061 = tpu.memref_slice %arg19[%while3A_2048, %dma_start3A_2060] : memref<25x128xi32, #tpu.memory_space<vmem>> -> memref<1x128xi32, #tpu.memory_space<vmem>>
      %dma_start3A_2062 = tpu.memref_squeeze %dma_start3A_2061 : memref<1x128xi32, #tpu.memory_space<vmem>> -> memref<128xi32, #tpu.memory_space<vmem>>
      %dma_start3A_2063 = arith.constant 0 : i32
      %dma_start3A_2064 = arith.constant 0 : i32
      %dma_start3A_2065 = tpu.memref_slice %arg7[%dma_start3A_2063, %dma_start3A_2064] : memref<100000x128xf32, #tpu.memory_space<hbm>> -> memref<100000x128xf32, #tpu.memory_space<hbm>>
      tpu.enqueue_indirect_dma source(%arg23 : memref<128x128xf32, #tpu.memory_space<vmem>>) target(%dma_start3A_2065 : memref<100000x128xf32, #tpu.memory_space<hbm>>) offsets(%dma_start3A_2062 : memref<128xi32, #tpu.memory_space<vmem>>) semaphore(%arg24 : memref<!tpu.dma_semaphore, #tpu.memory_space<semaphore_mem>>)
      %dma_wait3A_2066 = arith.constant 0 : i32
      %dma_wait3A_2067 = tpu.memref_slice %arg19[%while3A_2048, %dma_wait3A_2066] : memref<25x128xi32, #tpu.memory_space<vmem>> -> memref<1x128xi32, #tpu.memory_space<vmem>>
      %dma_wait3A_2068 = tpu.memref_squeeze %dma_wait3A_2067 : memref<1x128xi32, #tpu.memory_space<vmem>> -> memref<128xi32, #tpu.memory_space<vmem>>
      %dma_wait3A_2069 = arith.constant 0 : i32
      %dma_wait3A_2070 = arith.constant 0 : i32
      %dma_wait3A_2071 = tpu.memref_slice %arg7[%dma_wait3A_2069, %dma_wait3A_2070] : memref<100000x128xf32, #tpu.memory_space<hbm>> -> memref<100000x128xf32, #tpu.memory_space<hbm>>
      tpu.wait_indirect_dma semaphore(%arg24 : memref<!tpu.dma_semaphore, #tpu.memory_space<semaphore_mem>>) src(%arg23 : memref<128x128xf32, #tpu.memory_space<vmem>>) dst(%dma_wait3A_2071 : memref<100000x128xf32, #tpu.memory_space<hbm>>)
      %while3A_2072 = arith.constant 0 : i32
      scf.yield %while3A_2072 : i32
    }
    %scan3A_1025 = arith.constant 0 : i32
    %scan3A_1026 = arith.constant 0 : i32
    %scan3A_1027 = arith.constant 16 : i32
    %scan3A_1028 = arith.addi %scan3A_1026, %scan3A_1027 : i32
    %scan3A_1029 = arith.constant 1 : i32
    %scan3A_1030 = scf.for %scan3A_2048 = %scan3A_1026 to %scan3A_1028 step %scan3A_1029 iter_args(%scan3A_2049 = %scan3A_1025) -> (i32)  : i32 {
      "tpu.region"() ({
        %run_scoped3A = tpu.sem_alloc : memref<!tpu.dma_semaphore, #tpu.memory_space<semaphore_mem>>
        %dma_start3A = arith.constant 0 : i32
        %dma_start3A_2056 = tpu.memref_slice %arg2[%scan3A_2048, %dma_start3A] : memref<32x1024xi32, #tpu.memory_space<hbm>> -> memref<1x1024xi32, #tpu.memory_space<hbm>>
        %dma_start3A_2057 = tpu.memref_squeeze %dma_start3A_2056 : memref<1x1024xi32, #tpu.memory_space<hbm>> -> memref<1024xi32, #tpu.memory_space<hbm>>
        %dma_start3A_2058 = arith.constant 0 : i32
        %dma_start3A_2059 = tpu.memref_slice %arg2[%scan3A_2048, %dma_start3A_2058] : memref<32x1024xi32, #tpu.memory_space<hbm>> -> memref<1x1024xi32, #tpu.memory_space<hbm>>
        %dma_start3A_2060 = tpu.memref_squeeze %dma_start3A_2059 : memref<1x1024xi32, #tpu.memory_space<hbm>> -> memref<1024xi32, #tpu.memory_space<hbm>>
        tpu.enqueue_dma source(%dma_start3A_2060 : memref<1024xi32, #tpu.memory_space<hbm>>) target(%arg17 : memref<1024xi32, #tpu.memory_space<vmem>>) target_semaphore(%run_scoped3A : memref<!tpu.dma_semaphore, #tpu.memory_space<semaphore_mem>>)
        %dma_wait3A = arith.constant 0 : i32
        %dma_wait3A_2061 = tpu.memref_slice %arg2[%scan3A_2048, %dma_wait3A] : memref<32x1024xi32, #tpu.memory_space<hbm>> -> memref<1x1024xi32, #tpu.memory_space<hbm>>
        %dma_wait3A_2062 = tpu.memref_squeeze %dma_wait3A_2061 : memref<1x1024xi32, #tpu.memory_space<hbm>> -> memref<1024xi32, #tpu.memory_space<hbm>>
        %dma_wait3A_2063 = arith.constant 0 : i32
        %dma_wait3A_2064 = tpu.memref_slice %arg2[%scan3A_2048, %dma_wait3A_2063] : memref<32x1024xi32, #tpu.memory_space<hbm>> -> memref<1x1024xi32, #tpu.memory_space<hbm>>
        %dma_wait3A_2065 = tpu.memref_squeeze %dma_wait3A_2064 : memref<1x1024xi32, #tpu.memory_space<hbm>> -> memref<1024xi32, #tpu.memory_space<hbm>>
        tpu.wait_dma2 semaphore(%run_scoped3A : memref<!tpu.dma_semaphore, #tpu.memory_space<semaphore_mem>>) src(%dma_wait3A_2065 : memref<1024xi32, #tpu.memory_space<hbm>>) dst(%arg17 : memref<1024xi32, #tpu.memory_space<vmem>>)
        tpu.yield
      }) : () -> ()
      %scan3A_2050 = arith.constant 0 : i32
      %scan3A_2051 = arith.constant 64 : i32
      %scan3A_2052 = arith.addi %scan3A_2050, %scan3A_2051 : i32
      %scan3A_2053 = arith.constant 1 : i32
      %scan3A_2054 = scf.for %scan3A_2056 = %scan3A_2050 to %scan3A_2052 step %scan3A_2053 iter_args(%scan3A_2057 = %scan3A_2049) -> (i32)  : i32 {
        %mul3A_2058 = arith.constant 16 : i32
        %mul3A_2059 = arith.muli %scan3A_2056, %mul3A_2058 : i32
        %get3A = arith.index_cast %mul3A_2059 : i32 to index
        %get3A_2060 = tpu.vector_load %arg17[%get3A] {strides = array<i32>} : memref<1024xi32, #tpu.memory_space<vmem>>, vector<16xi32>,
        %mul3A_2061 = arith.constant 1024 : i32
        %mul3A_2062 = arith.muli %scan3A_2048, %mul3A_2061 : i32
        %mul3A_2063 = arith.constant 16 : i32
        %mul3A_2064 = arith.muli %scan3A_2056, %mul3A_2063 : i32
        %add3A_2065 = arith.addi %mul3A_2062, %mul3A_2064 : i32
        %iota3A_2066 = tpu.iota {dimensions = array<i32: 0>} : vector<16xi32>
        %add3A_2067 = vector.broadcast %add3A_2065 : i32 to vector<16xi32>
        %add3A_2068 = arith.addi %add3A_2067, %iota3A_2066 : vector<16xi32>
        %ge3A = vector.broadcast %mul3A_2 : i32 to vector<16xi32>
        %ge3A_2069 = arith.cmpi sge, %get3A_2060, %ge3A : vector<16xi32>
        %add3A_2070 = arith.constant 3200 : i32
        %add3A_2071 = arith.addi %mul3A_2, %add3A_2070 : i32
        %lt3A_2072 = vector.broadcast %add3A_2071 : i32 to vector<16xi32>
        %lt3A_2073 = arith.cmpi slt, %get3A_2060, %lt3A_2072 : vector<16xi32>
        %and3A_2074 = arith.andi %ge3A_2069, %lt3A_2073 : vector<16xi1>
        %sub3A_2075 = vector.broadcast %mul3A_2 : i32 to vector<16xi32>
        %sub3A_2076 = arith.subi %get3A_2060, %sub3A_2075 : vector<16xi32>
        %jit3A_2077 = arith.constant 0 : i32
        %jit3A_2078 = arith.constant 3199 : i32
        %max3A_2079 = vector.broadcast %jit3A_2077 : i32 to vector<16xi32>
        %max3A_2080 = arith.maxsi %max3A_2079, %sub3A_2076 : vector<16xi32>
        %min3A = vector.broadcast %jit3A_2078 : i32 to vector<16xi32>
        %min3A_2081 = arith.minsi %min3A, %max3A_2080 : vector<16xi32>
        %gather3A_2082 = tpu.vector_load_idx %arg13[%min3A_2081] : memref<3200xi32, #tpu.memory_space<vmem>>[vector<16xi32>], vector<16xi32>,
        %convert_element_type3A = arith.extui %and3A_2074 : vector<16xi1> to vector<16xi32>
        %broadcast_in_dim3A_2083 = arith.constant true
        %broadcast_in_dim3A_2084 = vector.broadcast %broadcast_in_dim3A_2083 : i1 to vector<16xi1>
        %masked_cumsum3A = tpu.scan <sum>, %convert_element_type3A masked %broadcast_in_dim3A_2084 : vector<16xi32>, vector<16xi1> -> vector<16xi32>
        %add3A_2085 = vector.broadcast %scan3A_2057 : i32 to vector<16xi32>
        %add3A_2086 = arith.addi %add3A_2085, %masked_cumsum3A : vector<16xi32>
        %sub3A_2087 = arith.constant 1 : i32
        %sub3A_2088 = vector.broadcast %sub3A_2087 : i32 to vector<16xi32>
        %sub3A_2089 = arith.subi %add3A_2086, %sub3A_2088 : vector<16xi32>
        %jit3A_2090 = arith.constant 128 : i32
        %div3A_2091 = vector.broadcast %jit3A_2090 : i32 to vector<16xi32>
        %div3A_2092 = arith.divsi %sub3A_2089, %div3A_2091 : vector<16xi32>
        %sign3A_2093 = arith.constant 0 : i32
        %sign3A_2094 = vector.broadcast %sign3A_2093 : i32 to vector<16xi32>
        %sign3A_2095 = arith.cmpi sgt, %sub3A_2089, %sign3A_2094 : vector<16xi32>
        %sign3A_2096 = arith.extui %sign3A_2095 : vector<16xi1> to vector<16xi32>
        %sign3A_2097 = arith.constant 0 : i32
        %sign3A_2098 = vector.broadcast %sign3A_2097 : i32 to vector<16xi32>
        %sign3A_2099 = arith.cmpi slt, %sub3A_2089, %sign3A_2098 : vector<16xi32>
        %sign3A_2100 = arith.extui %sign3A_2099 : vector<16xi1> to vector<16xi32>
        %sign3A_2101 = arith.subi %sign3A_2096, %sign3A_2100 : vector<16xi32>
        %sign3A_2102 = arith.constant 0 : i32
        %sign3A_2103 = arith.cmpi sgt, %jit3A_2090, %sign3A_2102 : i32
        %sign3A_2104 = arith.extui %sign3A_2103 : i1 to i32
        %sign3A_2105 = arith.constant 0 : i32
        %sign3A_2106 = arith.cmpi slt, %jit3A_2090, %sign3A_2105 : i32
        %sign3A_2107 = arith.extui %sign3A_2106 : i1 to i32
        %sign3A_2108 = arith.subi %sign3A_2104, %sign3A_2107 : i32
        %ne3A_2109 = vector.broadcast %sign3A_2108 : i32 to vector<16xi32>
        %ne3A_2110 = arith.cmpi ne, %sign3A_2101, %ne3A_2109 : vector<16xi32>
        %rem3A_2111 = vector.broadcast %jit3A_2090 : i32 to vector<16xi32>
        %rem3A_2112 = arith.remsi %sub3A_2089, %rem3A_2111 : vector<16xi32>
        %ne3A_2113 = arith.constant 0 : i32
        %ne3A_2114 = vector.broadcast %ne3A_2113 : i32 to vector<16xi32>
        %ne3A_2115 = arith.cmpi ne, %rem3A_2112, %ne3A_2114 : vector<16xi32>
        %and3A_2116 = arith.andi %ne3A_2110, %ne3A_2115 : vector<16xi1>
        %sub3A_2117 = arith.constant 1 : i32
        %sub3A_2118 = vector.broadcast %sub3A_2117 : i32 to vector<16xi32>
        %sub3A_2119 = arith.subi %div3A_2092, %sub3A_2118 : vector<16xi32>
        %select_n3A_2120 = arith.select %and3A_2116, %sub3A_2119, %div3A_2092 : vector<16xi1>, vector<16xi32>
        %jit3A_2121 = arith.constant 128 : i32
        %eq3A_2122 = arith.constant 0 : i32
        %eq3A_2123 = arith.cmpi eq, %jit3A_2121, %eq3A_2122 : i32
        %jit3A_2124 = arith.constant 1 : i32
        %select_n3A_2125 = arith.select %eq3A_2123, %jit3A_2124, %jit3A_2121 : i32
        %rem3A_2126 = vector.broadcast %select_n3A_2125 : i32 to vector<16xi32>
        %rem3A_2127 = arith.remsi %sub3A_2089, %rem3A_2126 : vector<16xi32>
        %ne3A_2128 = arith.constant 0 : i32
        %ne3A_2129 = vector.broadcast %ne3A_2128 : i32 to vector<16xi32>
        %ne3A_2130 = arith.cmpi ne, %rem3A_2127, %ne3A_2129 : vector<16xi32>
        %lt3A_2131 = arith.constant 0 : i32
        %lt3A_2132 = vector.broadcast %lt3A_2131 : i32 to vector<16xi32>
        %lt3A_2133 = arith.cmpi slt, %rem3A_2127, %lt3A_2132 : vector<16xi32>
        %lt3A_2134 = arith.constant 0 : i32
        %lt3A_2135 = arith.cmpi slt, %select_n3A_2125, %lt3A_2134 : i32
        %ne3A_2136 = vector.broadcast %lt3A_2135 : i1 to vector<16xi1>
        %ne3A_2137 = vector.broadcast %ne3A_2136 : vector<16xi1> to vector<16xi1>
        %ne3A_2138 = arith.xori %lt3A_2133, %ne3A_2137 : vector<16xi1>
        %and3A_2139 = arith.andi %ne3A_2138, %ne3A_2130 : vector<16xi1>
        %add3A_2140 = vector.broadcast %select_n3A_2125 : i32 to vector<16xi32>
        %add3A_2141 = arith.addi %rem3A_2127, %add3A_2140 : vector<16xi32>
        %select_n3A_2142 = arith.select %and3A_2139, %add3A_2141, %rem3A_2127 : vector<16xi1>, vector<16xi32>
        tpu.vector_store_idx %arg21[%select_n3A_2120, %select_n3A_2142], %add3A_2068 masked %and3A_2074 : memref<128x128xi32, #tpu.memory_space<vmem>>[vector<16xi32>, vector<16xi32>], vector<16xi32>, vector<16xi1>
        %jit3A_2143 = arith.constant 128 : i32
        %div3A_2144 = vector.broadcast %jit3A_2143 : i32 to vector<16xi32>
        %div3A_2145 = arith.divsi %sub3A_2089, %div3A_2144 : vector<16xi32>
        %sign3A_2146 = arith.constant 0 : i32
        %sign3A_2147 = vector.broadcast %sign3A_2146 : i32 to vector<16xi32>
        %sign3A_2148 = arith.cmpi sgt, %sub3A_2089, %sign3A_2147 : vector<16xi32>
        %sign3A_2149 = arith.extui %sign3A_2148 : vector<16xi1> to vector<16xi32>
        %sign3A_2150 = arith.constant 0 : i32
        %sign3A_2151 = vector.broadcast %sign3A_2150 : i32 to vector<16xi32>
        %sign3A_2152 = arith.cmpi slt, %sub3A_2089, %sign3A_2151 : vector<16xi32>
        %sign3A_2153 = arith.extui %sign3A_2152 : vector<16xi1> to vector<16xi32>
        %sign3A_2154 = arith.subi %sign3A_2149, %sign3A_2153 : vector<16xi32>
        %sign3A_2155 = arith.constant 0 : i32
        %sign3A_2156 = arith.cmpi sgt, %jit3A_2143, %sign3A_2155 : i32
        %sign3A_2157 = arith.extui %sign3A_2156 : i1 to i32
        %sign3A_2158 = arith.constant 0 : i32
        %sign3A_2159 = arith.cmpi slt, %jit3A_2143, %sign3A_2158 : i32
        %sign3A_2160 = arith.extui %sign3A_2159 : i1 to i32
        %sign3A_2161 = arith.subi %sign3A_2157, %sign3A_2160 : i32
        %ne3A_2162 = vector.broadcast %sign3A_2161 : i32 to vector<16xi32>
        %ne3A_2163 = arith.cmpi ne, %sign3A_2154, %ne3A_2162 : vector<16xi32>
        %rem3A_2164 = vector.broadcast %jit3A_2143 : i32 to vector<16xi32>
        %rem3A_2165 = arith.remsi %sub3A_2089, %rem3A_2164 : vector<16xi32>
        %ne3A_2166 = arith.constant 0 : i32
        %ne3A_2167 = vector.broadcast %ne3A_2166 : i32 to vector<16xi32>
        %ne3A_2168 = arith.cmpi ne, %rem3A_2165, %ne3A_2167 : vector<16xi32>
        %and3A_2169 = arith.andi %ne3A_2163, %ne3A_2168 : vector<16xi1>
        %sub3A_2170 = arith.constant 1 : i32
        %sub3A_2171 = vector.broadcast %sub3A_2170 : i32 to vector<16xi32>
        %sub3A_2172 = arith.subi %div3A_2145, %sub3A_2171 : vector<16xi32>
        %select_n3A_2173 = arith.select %and3A_2169, %sub3A_2172, %div3A_2145 : vector<16xi1>, vector<16xi32>
        %jit3A_2174 = arith.constant 128 : i32
        %eq3A_2175 = arith.constant 0 : i32
        %eq3A_2176 = arith.cmpi eq, %jit3A_2174, %eq3A_2175 : i32
        %jit3A_2177 = arith.constant 1 : i32
        %select_n3A_2178 = arith.select %eq3A_2176, %jit3A_2177, %jit3A_2174 : i32
        %rem3A_2179 = vector.broadcast %select_n3A_2178 : i32 to vector<16xi32>
        %rem3A_2180 = arith.remsi %sub3A_2089, %rem3A_2179 : vector<16xi32>
        %ne3A_2181 = arith.constant 0 : i32
        %ne3A_2182 = vector.broadcast %ne3A_2181 : i32 to vector<16xi32>
        %ne3A_2183 = arith.cmpi ne, %rem3A_2180, %ne3A_2182 : vector<16xi32>
        %lt3A_2184 = arith.constant 0 : i32
        %lt3A_2185 = vector.broadcast %lt3A_2184 : i32 to vector<16xi32>
        %lt3A_2186 = arith.cmpi slt, %rem3A_2180, %lt3A_2185 : vector<16xi32>
        %lt3A_2187 = arith.constant 0 : i32
        %lt3A_2188 = arith.cmpi slt, %select_n3A_2178, %lt3A_2187 : i32
        %ne3A_2189 = vector.broadcast %lt3A_2188 : i1 to vector<16xi1>
        %ne3A_2190 = vector.broadcast %ne3A_2189 : vector<16xi1> to vector<16xi1>
        %ne3A_2191 = arith.xori %lt3A_2186, %ne3A_2190 : vector<16xi1>
        %and3A_2192 = arith.andi %ne3A_2191, %ne3A_2183 : vector<16xi1>
        %add3A_2193 = vector.broadcast %select_n3A_2178 : i32 to vector<16xi32>
        %add3A_2194 = arith.addi %rem3A_2180, %add3A_2193 : vector<16xi32>
        %select_n3A_2195 = arith.select %and3A_2192, %add3A_2194, %rem3A_2180 : vector<16xi1>, vector<16xi32>
        tpu.vector_store_idx %arg22[%select_n3A_2173, %select_n3A_2195], %gather3A_2082 masked %and3A_2074 : memref<128x128xi32, #tpu.memory_space<vmem>>[vector<16xi32>, vector<16xi32>], vector<16xi32>, vector<16xi1>
        %convert_element_type3A_2196 = arith.extui %and3A_2074 : vector<16xi1> to vector<16xi32>
        %reduce_sum3A = arith.constant true
        %reduce_sum3A_2197 = vector.broadcast %reduce_sum3A : i1 to vector<16xi1>
        %reduce_sum3A_2198 = tpu.scan <sum>, %convert_element_type3A_2196 masked %reduce_sum3A_2197 : vector<16xi32>, vector<16xi1> -> vector<16xi32>
        %reduce_sum3A_2199 = vector.extract %reduce_sum3A_2198[15] : i32 from vector<16xi32>
        %add3A_2200 = arith.addi %scan3A_2057, %reduce_sum3A_2199 : i32
        scf.yield %add3A_2200 : i32
      }
      %scan3A_2055 = arith.constant 64 : i32
      scf.yield %scan3A_2054 : i32
    }
    %scan3A_1031 = arith.constant 16 : i32
    %add3A_1032 = arith.constant 127 : i32
    %add3A_1033 = arith.addi %scan3A_1030, %add3A_1032 : i32
    %jit3A_1034 = arith.constant 128 : i32
    %div3A_1035 = arith.divsi %add3A_1033, %jit3A_1034 : i32
    %sign3A_1036 = arith.constant 0 : i32
    %sign3A_1037 = arith.cmpi sgt, %add3A_1033, %sign3A_1036 : i32
    %sign3A_1038 = arith.extui %sign3A_1037 : i1 to i32
    %sign3A_1039 = arith.constant 0 : i32
    %sign3A_1040 = arith.cmpi slt, %add3A_1033, %sign3A_1039 : i32
    %sign3A_1041 = arith.extui %sign3A_1040 : i1 to i32
    %sign3A_1042 = arith.subi %sign3A_1038, %sign3A_1041 : i32
    %sign3A_1043 = arith.constant 0 : i32
    %sign3A_1044 = arith.cmpi sgt, %jit3A_1034, %sign3A_1043 : i32
    %sign3A_1045 = arith.extui %sign3A_1044 : i1 to i32
    %sign3A_1046 = arith.constant 0 : i32
    %sign3A_1047 = arith.cmpi slt, %jit3A_1034, %sign3A_1046 : i32
    %sign3A_1048 = arith.extui %sign3A_1047 : i1 to i32
    %sign3A_1049 = arith.subi %sign3A_1045, %sign3A_1048 : i32
    %ne3A_1050 = arith.cmpi ne, %sign3A_1042, %sign3A_1049 : i32
    %rem3A_1051 = arith.remsi %add3A_1033, %jit3A_1034 : i32
    %ne3A_1052 = arith.constant 0 : i32
    %ne3A_1053 = arith.cmpi ne, %rem3A_1051, %ne3A_1052 : i32
    %and3A_1054 = arith.andi %ne3A_1050, %ne3A_1053 : i1
    %sub3A_1055 = arith.constant 1 : i32
    %sub3A_1056 = arith.subi %div3A_1035, %sub3A_1055 : i32
    %select_n3A_1057 = arith.select %and3A_1054, %sub3A_1056, %div3A_1035 : i32
    %mul3A_1058 = arith.constant 128 : i32
    %mul3A_1059 = arith.muli %select_n3A_1057, %mul3A_1058 : i32
    %sub3A_1060 = arith.constant 1 : i32
    %sub3A_1061 = arith.subi %scan3A_1030, %sub3A_1060 : i32
    %max3A_1062 = arith.constant 0 : i32
    %max3A_1063 = arith.maxsi %sub3A_1061, %max3A_1062 : i32
    %jit3A_1064 = arith.constant 128 : i32
    %div3A_1065 = arith.divsi %max3A_1063, %jit3A_1064 : i32
    %sign3A_1066 = arith.constant 0 : i32
    %sign3A_1067 = arith.cmpi sgt, %max3A_1063, %sign3A_1066 : i32
    %sign3A_1068 = arith.extui %sign3A_1067 : i1 to i32
    %sign3A_1069 = arith.constant 0 : i32
    %sign3A_1070 = arith.cmpi slt, %max3A_1063, %sign3A_1069 : i32
    %sign3A_1071 = arith.extui %sign3A_1070 : i1 to i32
    %sign3A_1072 = arith.subi %sign3A_1068, %sign3A_1071 : i32
    %sign3A_1073 = arith.constant 0 : i32
    %sign3A_1074 = arith.cmpi sgt, %jit3A_1064, %sign3A_1073 : i32
    %sign3A_1075 = arith.extui %sign3A_1074 : i1 to i32
    %sign3A_1076 = arith.constant 0 : i32
    %sign3A_1077 = arith.cmpi slt, %jit3A_1064, %sign3A_1076 : i32
    %sign3A_1078 = arith.extui %sign3A_1077 : i1 to i32
    %sign3A_1079 = arith.subi %sign3A_1075, %sign3A_1078 : i32
    %ne3A_1080 = arith.cmpi ne, %sign3A_1072, %sign3A_1079 : i32
    %rem3A_1081 = arith.remsi %max3A_1063, %jit3A_1064 : i32
    %ne3A_1082 = arith.constant 0 : i32
    %ne3A_1083 = arith.cmpi ne, %rem3A_1081, %ne3A_1082 : i32
    %and3A_1084 = arith.andi %ne3A_1080, %ne3A_1083 : i1
    %sub3A_1085 = arith.constant 1 : i32
    %sub3A_1086 = arith.subi %div3A_1065, %sub3A_1085 : i32
    %select_n3A_1087 = arith.select %and3A_1084, %sub3A_1086, %div3A_1065 : i32
    %broadcast_in_dim3A_1088 = vector.broadcast %select_n3A_1087 : i32 to vector<16xi32>
    %jit3A_1089 = arith.constant 128 : i32
    %eq3A_1090 = arith.constant 0 : i32
    %eq3A_1091 = arith.cmpi eq, %jit3A_1089, %eq3A_1090 : i32
    %jit3A_1092 = arith.constant 1 : i32
    %select_n3A_1093 = arith.select %eq3A_1091, %jit3A_1092, %jit3A_1089 : i32
    %rem3A_1094 = arith.remsi %max3A_1063, %select_n3A_1093 : i32
    %ne3A_1095 = arith.constant 0 : i32
    %ne3A_1096 = arith.cmpi ne, %rem3A_1094, %ne3A_1095 : i32
    %lt3A_1097 = arith.constant 0 : i32
    %lt3A_1098 = arith.cmpi slt, %rem3A_1094, %lt3A_1097 : i32
    %lt3A_1099 = arith.constant 0 : i32
    %lt3A_1100 = arith.cmpi slt, %select_n3A_1093, %lt3A_1099 : i32
    %ne3A_1101 = arith.xori %lt3A_1098, %lt3A_1100 : i1
    %and3A_1102 = arith.andi %ne3A_1101, %ne3A_1096 : i1
    %add3A_1103 = arith.addi %rem3A_1094, %select_n3A_1093 : i32
    %select_n3A_1104 = arith.select %and3A_1102, %add3A_1103, %rem3A_1094 : i32
    %broadcast_in_dim3A_1105 = vector.broadcast %select_n3A_1104 : i32 to vector<16xi32>
    %gather3A_1106 = tpu.vector_load_idx %arg21[%broadcast_in_dim3A_1088, %broadcast_in_dim3A_1105] : memref<128x128xi32, #tpu.memory_space<vmem>>[vector<16xi32>, vector<16xi32>], vector<16xi32>,
    %gather3A_1107 = tpu.vector_load_idx %arg22[%broadcast_in_dim3A_1088, %broadcast_in_dim3A_1105] : memref<128x128xi32, #tpu.memory_space<vmem>>[vector<16xi32>, vector<16xi32>], vector<16xi32>,
    %add3A_1108 = arith.constant 0 : i32
    %add3A_1109 = arith.addi %scan3A_1030, %add3A_1108 : i32
    %iota3A_1110 = tpu.iota {dimensions = array<i32: 0>} : vector<16xi32>
    %add3A_1111 = vector.broadcast %add3A_1109 : i32 to vector<16xi32>
    %add3A_1112 = arith.addi %add3A_1111, %iota3A_1110 : vector<16xi32>
    %lt3A_1113 = vector.broadcast %mul3A_1059 : i32 to vector<16xi32>
    %lt3A_1114 = arith.cmpi slt, %add3A_1112, %lt3A_1113 : vector<16xi32>
    %jit3A_1115 = arith.constant 128 : i32
    %div3A_1116 = vector.broadcast %jit3A_1115 : i32 to vector<16xi32>
    %div3A_1117 = arith.divsi %add3A_1112, %div3A_1116 : vector<16xi32>
    %sign3A_1118 = arith.constant 0 : i32
    %sign3A_1119 = vector.broadcast %sign3A_1118 : i32 to vector<16xi32>
    %sign3A_1120 = arith.cmpi sgt, %add3A_1112, %sign3A_1119 : vector<16xi32>
    %sign3A_1121 = arith.extui %sign3A_1120 : vector<16xi1> to vector<16xi32>
    %sign3A_1122 = arith.constant 0 : i32
    %sign3A_1123 = vector.broadcast %sign3A_1122 : i32 to vector<16xi32>
    %sign3A_1124 = arith.cmpi slt, %add3A_1112, %sign3A_1123 : vector<16xi32>
    %sign3A_1125 = arith.extui %sign3A_1124 : vector<16xi1> to vector<16xi32>
    %sign3A_1126 = arith.subi %sign3A_1121, %sign3A_1125 : vector<16xi32>
    %sign3A_1127 = arith.constant 0 : i32
    %sign3A_1128 = arith.cmpi sgt, %jit3A_1115, %sign3A_1127 : i32
    %sign3A_1129 = arith.extui %sign3A_1128 : i1 to i32
    %sign3A_1130 = arith.constant 0 : i32
    %sign3A_1131 = arith.cmpi slt, %jit3A_1115, %sign3A_1130 : i32
    %sign3A_1132 = arith.extui %sign3A_1131 : i1 to i32
    %sign3A_1133 = arith.subi %sign3A_1129, %sign3A_1132 : i32
    %ne3A_1134 = vector.broadcast %sign3A_1133 : i32 to vector<16xi32>
    %ne3A_1135 = arith.cmpi ne, %sign3A_1126, %ne3A_1134 : vector<16xi32>
    %rem3A_1136 = vector.broadcast %jit3A_1115 : i32 to vector<16xi32>
    %rem3A_1137 = arith.remsi %add3A_1112, %rem3A_1136 : vector<16xi32>
    %ne3A_1138 = arith.constant 0 : i32
    %ne3A_1139 = vector.broadcast %ne3A_1138 : i32 to vector<16xi32>
    %ne3A_1140 = arith.cmpi ne, %rem3A_1137, %ne3A_1139 : vector<16xi32>
    %and3A_1141 = arith.andi %ne3A_1135, %ne3A_1140 : vector<16xi1>
    %sub3A_1142 = arith.constant 1 : i32
    %sub3A_1143 = vector.broadcast %sub3A_1142 : i32 to vector<16xi32>
    %sub3A_1144 = arith.subi %div3A_1117, %sub3A_1143 : vector<16xi32>
    %select_n3A_1145 = arith.select %and3A_1141, %sub3A_1144, %div3A_1117 : vector<16xi1>, vector<16xi32>
    %jit3A_1146 = arith.constant 128 : i32
    %eq3A_1147 = arith.constant 0 : i32
    %eq3A_1148 = arith.cmpi eq, %jit3A_1146, %eq3A_1147 : i32
    %jit3A_1149 = arith.constant 1 : i32
    %select_n3A_1150 = arith.select %eq3A_1148, %jit3A_1149, %jit3A_1146 : i32
    %rem3A_1151 = vector.broadcast %select_n3A_1150 : i32 to vector<16xi32>
    %rem3A_1152 = arith.remsi %add3A_1112, %rem3A_1151 : vector<16xi32>
    %ne3A_1153 = arith.constant 0 : i32
    %ne3A_1154 = vector.broadcast %ne3A_1153 : i32 to vector<16xi32>
    %ne3A_1155 = arith.cmpi ne, %rem3A_1152, %ne3A_1154 : vector<16xi32>
    %lt3A_1156 = arith.constant 0 : i32
    %lt3A_1157 = vector.broadcast %lt3A_1156 : i32 to vector<16xi32>
    %lt3A_1158 = arith.cmpi slt, %rem3A_1152, %lt3A_1157 : vector<16xi32>
    %lt3A_1159 = arith.constant 0 : i32
    %lt3A_1160 = arith.cmpi slt, %select_n3A_1150, %lt3A_1159 : i32
    %ne3A_1161 = vector.broadcast %lt3A_1160 : i1 to vector<16xi1>
    %ne3A_1162 = vector.broadcast %ne3A_1161 : vector<16xi1> to vector<16xi1>
    %ne3A_1163 = arith.xori %lt3A_1158, %ne3A_1162 : vector<16xi1>
    %and3A_1164 = arith.andi %ne3A_1163, %ne3A_1155 : vector<16xi1>
    %add3A_1165 = vector.broadcast %select_n3A_1150 : i32 to vector<16xi32>
    %add3A_1166 = arith.addi %rem3A_1152, %add3A_1165 : vector<16xi32>
    %select_n3A_1167 = arith.select %and3A_1164, %add3A_1166, %rem3A_1152 : vector<16xi1>, vector<16xi32>
    tpu.vector_store_idx %arg21[%select_n3A_1145, %select_n3A_1167], %gather3A_1106 masked %lt3A_1114 : memref<128x128xi32, #tpu.memory_space<vmem>>[vector<16xi32>, vector<16xi32>], vector<16xi32>, vector<16xi1>
    %jit3A_1168 = arith.constant 128 : i32
    %div3A_1169 = vector.broadcast %jit3A_1168 : i32 to vector<16xi32>
    %div3A_1170 = arith.divsi %add3A_1112, %div3A_1169 : vector<16xi32>
    %sign3A_1171 = arith.constant 0 : i32
    %sign3A_1172 = vector.broadcast %sign3A_1171 : i32 to vector<16xi32>
    %sign3A_1173 = arith.cmpi sgt, %add3A_1112, %sign3A_1172 : vector<16xi32>
    %sign3A_1174 = arith.extui %sign3A_1173 : vector<16xi1> to vector<16xi32>
    %sign3A_1175 = arith.constant 0 : i32
    %sign3A_1176 = vector.broadcast %sign3A_1175 : i32 to vector<16xi32>
    %sign3A_1177 = arith.cmpi slt, %add3A_1112, %sign3A_1176 : vector<16xi32>
    %sign3A_1178 = arith.extui %sign3A_1177 : vector<16xi1> to vector<16xi32>
    %sign3A_1179 = arith.subi %sign3A_1174, %sign3A_1178 : vector<16xi32>
    %sign3A_1180 = arith.constant 0 : i32
    %sign3A_1181 = arith.cmpi sgt, %jit3A_1168, %sign3A_1180 : i32
    %sign3A_1182 = arith.extui %sign3A_1181 : i1 to i32
    %sign3A_1183 = arith.constant 0 : i32
    %sign3A_1184 = arith.cmpi slt, %jit3A_1168, %sign3A_1183 : i32
    %sign3A_1185 = arith.extui %sign3A_1184 : i1 to i32
    %sign3A_1186 = arith.subi %sign3A_1182, %sign3A_1185 : i32
    %ne3A_1187 = vector.broadcast %sign3A_1186 : i32 to vector<16xi32>
    %ne3A_1188 = arith.cmpi ne, %sign3A_1179, %ne3A_1187 : vector<16xi32>
    %rem3A_1189 = vector.broadcast %jit3A_1168 : i32 to vector<16xi32>
    %rem3A_1190 = arith.remsi %add3A_1112, %rem3A_1189 : vector<16xi32>
    %ne3A_1191 = arith.constant 0 : i32
    %ne3A_1192 = vector.broadcast %ne3A_1191 : i32 to vector<16xi32>
    %ne3A_1193 = arith.cmpi ne, %rem3A_1190, %ne3A_1192 : vector<16xi32>
    %and3A_1194 = arith.andi %ne3A_1188, %ne3A_1193 : vector<16xi1>
    %sub3A_1195 = arith.constant 1 : i32
    %sub3A_1196 = vector.broadcast %sub3A_1195 : i32 to vector<16xi32>
    %sub3A_1197 = arith.subi %div3A_1170, %sub3A_1196 : vector<16xi32>
    %select_n3A_1198 = arith.select %and3A_1194, %sub3A_1197, %div3A_1170 : vector<16xi1>, vector<16xi32>
    %jit3A_1199 = arith.constant 128 : i32
    %eq3A_1200 = arith.constant 0 : i32
    %eq3A_1201 = arith.cmpi eq, %jit3A_1199, %eq3A_1200 : i32
    %jit3A_1202 = arith.constant 1 : i32
    %select_n3A_1203 = arith.select %eq3A_1201, %jit3A_1202, %jit3A_1199 : i32
    %rem3A_1204 = vector.broadcast %select_n3A_1203 : i32 to vector<16xi32>
    %rem3A_1205 = arith.remsi %add3A_1112, %rem3A_1204 : vector<16xi32>
    %ne3A_1206 = arith.constant 0 : i32
    %ne3A_1207 = vector.broadcast %ne3A_1206 : i32 to vector<16xi32>
    %ne3A_1208 = arith.cmpi ne, %rem3A_1205, %ne3A_1207 : vector<16xi32>
    %lt3A_1209 = arith.constant 0 : i32
    %lt3A_1210 = vector.broadcast %lt3A_1209 : i32 to vector<16xi32>
    %lt3A_1211 = arith.cmpi slt, %rem3A_1205, %lt3A_1210 : vector<16xi32>
    %lt3A_1212 = arith.constant 0 : i32
    %lt3A_1213 = arith.cmpi slt, %select_n3A_1203, %lt3A_1212 : i32
    %ne3A_1214 = vector.broadcast %lt3A_1213 : i1 to vector<16xi1>
    %ne3A_1215 = vector.broadcast %ne3A_1214 : vector<16xi1> to vector<16xi1>
    %ne3A_1216 = arith.xori %lt3A_1211, %ne3A_1215 : vector<16xi1>
    %and3A_1217 = arith.andi %ne3A_1216, %ne3A_1208 : vector<16xi1>
    %add3A_1218 = vector.broadcast %select_n3A_1203 : i32 to vector<16xi32>
    %add3A_1219 = arith.addi %rem3A_1205, %add3A_1218 : vector<16xi32>
    %select_n3A_1220 = arith.select %and3A_1217, %add3A_1219, %rem3A_1205 : vector<16xi1>, vector<16xi32>
    tpu.vector_store_idx %arg22[%select_n3A_1198, %select_n3A_1220], %gather3A_1107 masked %lt3A_1114 : memref<128x128xi32, #tpu.memory_space<vmem>>[vector<16xi32>, vector<16xi32>], vector<16xi32>, vector<16xi1>
    %add3A_1221 = arith.constant 16 : i32
    %add3A_1222 = arith.addi %scan3A_1030, %add3A_1221 : i32
    %iota3A_1223 = tpu.iota {dimensions = array<i32: 0>} : vector<16xi32>
    %add3A_1224 = vector.broadcast %add3A_1222 : i32 to vector<16xi32>
    %add3A_1225 = arith.addi %add3A_1224, %iota3A_1223 : vector<16xi32>
    %lt3A_1226 = vector.broadcast %mul3A_1059 : i32 to vector<16xi32>
    %lt3A_1227 = arith.cmpi slt, %add3A_1225, %lt3A_1226 : vector<16xi32>
    %jit3A_1228 = arith.constant 128 : i32
    %div3A_1229 = vector.broadcast %jit3A_1228 : i32 to vector<16xi32>
    %div3A_1230 = arith.divsi %add3A_1225, %div3A_1229 : vector<16xi32>
    %sign3A_1231 = arith.constant 0 : i32
    %sign3A_1232 = vector.broadcast %sign3A_1231 : i32 to vector<16xi32>
    %sign3A_1233 = arith.cmpi sgt, %add3A_1225, %sign3A_1232 : vector<16xi32>
    %sign3A_1234 = arith.extui %sign3A_1233 : vector<16xi1> to vector<16xi32>
    %sign3A_1235 = arith.constant 0 : i32
    %sign3A_1236 = vector.broadcast %sign3A_1235 : i32 to vector<16xi32>
    %sign3A_1237 = arith.cmpi slt, %add3A_1225, %sign3A_1236 : vector<16xi32>
    %sign3A_1238 = arith.extui %sign3A_1237 : vector<16xi1> to vector<16xi32>
    %sign3A_1239 = arith.subi %sign3A_1234, %sign3A_1238 : vector<16xi32>
    %sign3A_1240 = arith.constant 0 : i32
    %sign3A_1241 = arith.cmpi sgt, %jit3A_1228, %sign3A_1240 : i32
    %sign3A_1242 = arith.extui %sign3A_1241 : i1 to i32
    %sign3A_1243 = arith.constant 0 : i32
    %sign3A_1244 = arith.cmpi slt, %jit3A_1228, %sign3A_1243 : i32
    %sign3A_1245 = arith.extui %sign3A_1244 : i1 to i32
    %sign3A_1246 = arith.subi %sign3A_1242, %sign3A_1245 : i32
    %ne3A_1247 = vector.broadcast %sign3A_1246 : i32 to vector<16xi32>
    %ne3A_1248 = arith.cmpi ne, %sign3A_1239, %ne3A_1247 : vector<16xi32>
    %rem3A_1249 = vector.broadcast %jit3A_1228 : i32 to vector<16xi32>
    %rem3A_1250 = arith.remsi %add3A_1225, %rem3A_1249 : vector<16xi32>
    %ne3A_1251 = arith.constant 0 : i32
    %ne3A_1252 = vector.broadcast %ne3A_1251 : i32 to vector<16xi32>
    %ne3A_1253 = arith.cmpi ne, %rem3A_1250, %ne3A_1252 : vector<16xi32>
    %and3A_1254 = arith.andi %ne3A_1248, %ne3A_1253 : vector<16xi1>
    %sub3A_1255 = arith.constant 1 : i32
    %sub3A_1256 = vector.broadcast %sub3A_1255 : i32 to vector<16xi32>
    %sub3A_1257 = arith.subi %div3A_1230, %sub3A_1256 : vector<16xi32>
    %select_n3A_1258 = arith.select %and3A_1254, %sub3A_1257, %div3A_1230 : vector<16xi1>, vector<16xi32>
    %jit3A_1259 = arith.constant 128 : i32
    %eq3A_1260 = arith.constant 0 : i32
    %eq3A_1261 = arith.cmpi eq, %jit3A_1259, %eq3A_1260 : i32
    %jit3A_1262 = arith.constant 1 : i32
    %select_n3A_1263 = arith.select %eq3A_1261, %jit3A_1262, %jit3A_1259 : i32
    %rem3A_1264 = vector.broadcast %select_n3A_1263 : i32 to vector<16xi32>
    %rem3A_1265 = arith.remsi %add3A_1225, %rem3A_1264 : vector<16xi32>
    %ne3A_1266 = arith.constant 0 : i32
    %ne3A_1267 = vector.broadcast %ne3A_1266 : i32 to vector<16xi32>
    %ne3A_1268 = arith.cmpi ne, %rem3A_1265, %ne3A_1267 : vector<16xi32>
    %lt3A_1269 = arith.constant 0 : i32
    %lt3A_1270 = vector.broadcast %lt3A_1269 : i32 to vector<16xi32>
    %lt3A_1271 = arith.cmpi slt, %rem3A_1265, %lt3A_1270 : vector<16xi32>
    %lt3A_1272 = arith.constant 0 : i32
    %lt3A_1273 = arith.cmpi slt, %select_n3A_1263, %lt3A_1272 : i32
    %ne3A_1274 = vector.broadcast %lt3A_1273 : i1 to vector<16xi1>
    %ne3A_1275 = vector.broadcast %ne3A_1274 : vector<16xi1> to vector<16xi1>
    %ne3A_1276 = arith.xori %lt3A_1271, %ne3A_1275 : vector<16xi1>
    %and3A_1277 = arith.andi %ne3A_1276, %ne3A_1268 : vector<16xi1>
    %add3A_1278 = vector.broadcast %select_n3A_1263 : i32 to vector<16xi32>
    %add3A_1279 = arith.addi %rem3A_1265, %add3A_1278 : vector<16xi32>
    %select_n3A_1280 = arith.select %and3A_1277, %add3A_1279, %rem3A_1265 : vector<16xi1>, vector<16xi32>
    tpu.vector_store_idx %arg21[%select_n3A_1258, %select_n3A_1280], %gather3A_1106 masked %lt3A_1227 : memref<128x128xi32, #tpu.memory_space<vmem>>[vector<16xi32>, vector<16xi32>], vector<16xi32>, vector<16xi1>
    %jit3A_1281 = arith.constant 128 : i32
    %div3A_1282 = vector.broadcast %jit3A_1281 : i32 to vector<16xi32>
    %div3A_1283 = arith.divsi %add3A_1225, %div3A_1282 : vector<16xi32>
    %sign3A_1284 = arith.constant 0 : i32
    %sign3A_1285 = vector.broadcast %sign3A_1284 : i32 to vector<16xi32>
    %sign3A_1286 = arith.cmpi sgt, %add3A_1225, %sign3A_1285 : vector<16xi32>
    %sign3A_1287 = arith.extui %sign3A_1286 : vector<16xi1> to vector<16xi32>
    %sign3A_1288 = arith.constant 0 : i32
    %sign3A_1289 = vector.broadcast %sign3A_1288 : i32 to vector<16xi32>
    %sign3A_1290 = arith.cmpi slt, %add3A_1225, %sign3A_1289 : vector<16xi32>
    %sign3A_1291 = arith.extui %sign3A_1290 : vector<16xi1> to vector<16xi32>
    %sign3A_1292 = arith.subi %sign3A_1287, %sign3A_1291 : vector<16xi32>
    %sign3A_1293 = arith.constant 0 : i32
    %sign3A_1294 = arith.cmpi sgt, %jit3A_1281, %sign3A_1293 : i32
    %sign3A_1295 = arith.extui %sign3A_1294 : i1 to i32
    %sign3A_1296 = arith.constant 0 : i32
    %sign3A_1297 = arith.cmpi slt, %jit3A_1281, %sign3A_1296 : i32
    %sign3A_1298 = arith.extui %sign3A_1297 : i1 to i32
    %sign3A_1299 = arith.subi %sign3A_1295, %sign3A_1298 : i32
    %ne3A_1300 = vector.broadcast %sign3A_1299 : i32 to vector<16xi32>
    %ne3A_1301 = arith.cmpi ne, %sign3A_1292, %ne3A_1300 : vector<16xi32>
    %rem3A_1302 = vector.broadcast %jit3A_1281 : i32 to vector<16xi32>
    %rem3A_1303 = arith.remsi %add3A_1225, %rem3A_1302 : vector<16xi32>
    %ne3A_1304 = arith.constant 0 : i32
    %ne3A_1305 = vector.broadcast %ne3A_1304 : i32 to vector<16xi32>
    %ne3A_1306 = arith.cmpi ne, %rem3A_1303, %ne3A_1305 : vector<16xi32>
    %and3A_1307 = arith.andi %ne3A_1301, %ne3A_1306 : vector<16xi1>
    %sub3A_1308 = arith.constant 1 : i32
    %sub3A_1309 = vector.broadcast %sub3A_1308 : i32 to vector<16xi32>
    %sub3A_1310 = arith.subi %div3A_1283, %sub3A_1309 : vector<16xi32>
    %select_n3A_1311 = arith.select %and3A_1307, %sub3A_1310, %div3A_1283 : vector<16xi1>, vector<16xi32>
    %jit3A_1312 = arith.constant 128 : i32
    %eq3A_1313 = arith.constant 0 : i32
    %eq3A_1314 = arith.cmpi eq, %jit3A_1312, %eq3A_1313 : i32
    %jit3A_1315 = arith.constant 1 : i32
    %select_n3A_1316 = arith.select %eq3A_1314, %jit3A_1315, %jit3A_1312 : i32
    %rem3A_1317 = vector.broadcast %select_n3A_1316 : i32 to vector<16xi32>
    %rem3A_1318 = arith.remsi %add3A_1225, %rem3A_1317 : vector<16xi32>
    %ne3A_1319 = arith.constant 0 : i32
    %ne3A_1320 = vector.broadcast %ne3A_1319 : i32 to vector<16xi32>
    %ne3A_1321 = arith.cmpi ne, %rem3A_1318, %ne3A_1320 : vector<16xi32>
    %lt3A_1322 = arith.constant 0 : i32
    %lt3A_1323 = vector.broadcast %lt3A_1322 : i32 to vector<16xi32>
    %lt3A_1324 = arith.cmpi slt, %rem3A_1318, %lt3A_1323 : vector<16xi32>
    %lt3A_1325 = arith.constant 0 : i32
    %lt3A_1326 = arith.cmpi slt, %select_n3A_1316, %lt3A_1325 : i32
    %ne3A_1327 = vector.broadcast %lt3A_1326 : i1 to vector<16xi1>
    %ne3A_1328 = vector.broadcast %ne3A_1327 : vector<16xi1> to vector<16xi1>
    %ne3A_1329 = arith.xori %lt3A_1324, %ne3A_1328 : vector<16xi1>
    %and3A_1330 = arith.andi %ne3A_1329, %ne3A_1321 : vector<16xi1>
    %add3A_1331 = vector.broadcast %select_n3A_1316 : i32 to vector<16xi32>
    %add3A_1332 = arith.addi %rem3A_1318, %add3A_1331 : vector<16xi32>
    %select_n3A_1333 = arith.select %and3A_1330, %add3A_1332, %rem3A_1318 : vector<16xi1>, vector<16xi32>
    tpu.vector_store_idx %arg22[%select_n3A_1311, %select_n3A_1333], %gather3A_1107 masked %lt3A_1227 : memref<128x128xi32, #tpu.memory_space<vmem>>[vector<16xi32>, vector<16xi32>], vector<16xi32>, vector<16xi1>
    %add3A_1334 = arith.constant 32 : i32
    %add3A_1335 = arith.addi %scan3A_1030, %add3A_1334 : i32
    %iota3A_1336 = tpu.iota {dimensions = array<i32: 0>} : vector<16xi32>
    %add3A_1337 = vector.broadcast %add3A_1335 : i32 to vector<16xi32>
    %add3A_1338 = arith.addi %add3A_1337, %iota3A_1336 : vector<16xi32>
    %lt3A_1339 = vector.broadcast %mul3A_1059 : i32 to vector<16xi32>
    %lt3A_1340 = arith.cmpi slt, %add3A_1338, %lt3A_1339 : vector<16xi32>
    %jit3A_1341 = arith.constant 128 : i32
    %div3A_1342 = vector.broadcast %jit3A_1341 : i32 to vector<16xi32>
    %div3A_1343 = arith.divsi %add3A_1338, %div3A_1342 : vector<16xi32>
    %sign3A_1344 = arith.constant 0 : i32
    %sign3A_1345 = vector.broadcast %sign3A_1344 : i32 to vector<16xi32>
    %sign3A_1346 = arith.cmpi sgt, %add3A_1338, %sign3A_1345 : vector<16xi32>
    %sign3A_1347 = arith.extui %sign3A_1346 : vector<16xi1> to vector<16xi32>
    %sign3A_1348 = arith.constant 0 : i32
    %sign3A_1349 = vector.broadcast %sign3A_1348 : i32 to vector<16xi32>
    %sign3A_1350 = arith.cmpi slt, %add3A_1338, %sign3A_1349 : vector<16xi32>
    %sign3A_1351 = arith.extui %sign3A_1350 : vector<16xi1> to vector<16xi32>
    %sign3A_1352 = arith.subi %sign3A_1347, %sign3A_1351 : vector<16xi32>
    %sign3A_1353 = arith.constant 0 : i32
    %sign3A_1354 = arith.cmpi sgt, %jit3A_1341, %sign3A_1353 : i32
    %sign3A_1355 = arith.extui %sign3A_1354 : i1 to i32
    %sign3A_1356 = arith.constant 0 : i32
    %sign3A_1357 = arith.cmpi slt, %jit3A_1341, %sign3A_1356 : i32
    %sign3A_1358 = arith.extui %sign3A_1357 : i1 to i32
    %sign3A_1359 = arith.subi %sign3A_1355, %sign3A_1358 : i32
    %ne3A_1360 = vector.broadcast %sign3A_1359 : i32 to vector<16xi32>
    %ne3A_1361 = arith.cmpi ne, %sign3A_1352, %ne3A_1360 : vector<16xi32>
    %rem3A_1362 = vector.broadcast %jit3A_1341 : i32 to vector<16xi32>
    %rem3A_1363 = arith.remsi %add3A_1338, %rem3A_1362 : vector<16xi32>
    %ne3A_1364 = arith.constant 0 : i32
    %ne3A_1365 = vector.broadcast %ne3A_1364 : i32 to vector<16xi32>
    %ne3A_1366 = arith.cmpi ne, %rem3A_1363, %ne3A_1365 : vector<16xi32>
    %and3A_1367 = arith.andi %ne3A_1361, %ne3A_1366 : vector<16xi1>
    %sub3A_1368 = arith.constant 1 : i32
    %sub3A_1369 = vector.broadcast %sub3A_1368 : i32 to vector<16xi32>
    %sub3A_1370 = arith.subi %div3A_1343, %sub3A_1369 : vector<16xi32>
    %select_n3A_1371 = arith.select %and3A_1367, %sub3A_1370, %div3A_1343 : vector<16xi1>, vector<16xi32>
    %jit3A_1372 = arith.constant 128 : i32
    %eq3A_1373 = arith.constant 0 : i32
    %eq3A_1374 = arith.cmpi eq, %jit3A_1372, %eq3A_1373 : i32
    %jit3A_1375 = arith.constant 1 : i32
    %select_n3A_1376 = arith.select %eq3A_1374, %jit3A_1375, %jit3A_1372 : i32
    %rem3A_1377 = vector.broadcast %select_n3A_1376 : i32 to vector<16xi32>
    %rem3A_1378 = arith.remsi %add3A_1338, %rem3A_1377 : vector<16xi32>
    %ne3A_1379 = arith.constant 0 : i32
    %ne3A_1380 = vector.broadcast %ne3A_1379 : i32 to vector<16xi32>
    %ne3A_1381 = arith.cmpi ne, %rem3A_1378, %ne3A_1380 : vector<16xi32>
    %lt3A_1382 = arith.constant 0 : i32
    %lt3A_1383 = vector.broadcast %lt3A_1382 : i32 to vector<16xi32>
    %lt3A_1384 = arith.cmpi slt, %rem3A_1378, %lt3A_1383 : vector<16xi32>
    %lt3A_1385 = arith.constant 0 : i32
    %lt3A_1386 = arith.cmpi slt, %select_n3A_1376, %lt3A_1385 : i32
    %ne3A_1387 = vector.broadcast %lt3A_1386 : i1 to vector<16xi1>
    %ne3A_1388 = vector.broadcast %ne3A_1387 : vector<16xi1> to vector<16xi1>
    %ne3A_1389 = arith.xori %lt3A_1384, %ne3A_1388 : vector<16xi1>
    %and3A_1390 = arith.andi %ne3A_1389, %ne3A_1381 : vector<16xi1>
    %add3A_1391 = vector.broadcast %select_n3A_1376 : i32 to vector<16xi32>
    %add3A_1392 = arith.addi %rem3A_1378, %add3A_1391 : vector<16xi32>
    %select_n3A_1393 = arith.select %and3A_1390, %add3A_1392, %rem3A_1378 : vector<16xi1>, vector<16xi32>
    tpu.vector_store_idx %arg21[%select_n3A_1371, %select_n3A_1393], %gather3A_1106 masked %lt3A_1340 : memref<128x128xi32, #tpu.memory_space<vmem>>[vector<16xi32>, vector<16xi32>], vector<16xi32>, vector<16xi1>
    %jit3A_1394 = arith.constant 128 : i32
    %div3A_1395 = vector.broadcast %jit3A_1394 : i32 to vector<16xi32>
    %div3A_1396 = arith.divsi %add3A_1338, %div3A_1395 : vector<16xi32>
    %sign3A_1397 = arith.constant 0 : i32
    %sign3A_1398 = vector.broadcast %sign3A_1397 : i32 to vector<16xi32>
    %sign3A_1399 = arith.cmpi sgt, %add3A_1338, %sign3A_1398 : vector<16xi32>
    %sign3A_1400 = arith.extui %sign3A_1399 : vector<16xi1> to vector<16xi32>
    %sign3A_1401 = arith.constant 0 : i32
    %sign3A_1402 = vector.broadcast %sign3A_1401 : i32 to vector<16xi32>
    %sign3A_1403 = arith.cmpi slt, %add3A_1338, %sign3A_1402 : vector<16xi32>
    %sign3A_1404 = arith.extui %sign3A_1403 : vector<16xi1> to vector<16xi32>
    %sign3A_1405 = arith.subi %sign3A_1400, %sign3A_1404 : vector<16xi32>
    %sign3A_1406 = arith.constant 0 : i32
    %sign3A_1407 = arith.cmpi sgt, %jit3A_1394, %sign3A_1406 : i32
    %sign3A_1408 = arith.extui %sign3A_1407 : i1 to i32
    %sign3A_1409 = arith.constant 0 : i32
    %sign3A_1410 = arith.cmpi slt, %jit3A_1394, %sign3A_1409 : i32
    %sign3A_1411 = arith.extui %sign3A_1410 : i1 to i32
    %sign3A_1412 = arith.subi %sign3A_1408, %sign3A_1411 : i32
    %ne3A_1413 = vector.broadcast %sign3A_1412 : i32 to vector<16xi32>
    %ne3A_1414 = arith.cmpi ne, %sign3A_1405, %ne3A_1413 : vector<16xi32>
    %rem3A_1415 = vector.broadcast %jit3A_1394 : i32 to vector<16xi32>
    %rem3A_1416 = arith.remsi %add3A_1338, %rem3A_1415 : vector<16xi32>
    %ne3A_1417 = arith.constant 0 : i32
    %ne3A_1418 = vector.broadcast %ne3A_1417 : i32 to vector<16xi32>
    %ne3A_1419 = arith.cmpi ne, %rem3A_1416, %ne3A_1418 : vector<16xi32>
    %and3A_1420 = arith.andi %ne3A_1414, %ne3A_1419 : vector<16xi1>
    %sub3A_1421 = arith.constant 1 : i32
    %sub3A_1422 = vector.broadcast %sub3A_1421 : i32 to vector<16xi32>
    %sub3A_1423 = arith.subi %div3A_1396, %sub3A_1422 : vector<16xi32>
    %select_n3A_1424 = arith.select %and3A_1420, %sub3A_1423, %div3A_1396 : vector<16xi1>, vector<16xi32>
    %jit3A_1425 = arith.constant 128 : i32
    %eq3A_1426 = arith.constant 0 : i32
    %eq3A_1427 = arith.cmpi eq, %jit3A_1425, %eq3A_1426 : i32
    %jit3A_1428 = arith.constant 1 : i32
    %select_n3A_1429 = arith.select %eq3A_1427, %jit3A_1428, %jit3A_1425 : i32
    %rem3A_1430 = vector.broadcast %select_n3A_1429 : i32 to vector<16xi32>
    %rem3A_1431 = arith.remsi %add3A_1338, %rem3A_1430 : vector<16xi32>
    %ne3A_1432 = arith.constant 0 : i32
    %ne3A_1433 = vector.broadcast %ne3A_1432 : i32 to vector<16xi32>
    %ne3A_1434 = arith.cmpi ne, %rem3A_1431, %ne3A_1433 : vector<16xi32>
    %lt3A_1435 = arith.constant 0 : i32
    %lt3A_1436 = vector.broadcast %lt3A_1435 : i32 to vector<16xi32>
    %lt3A_1437 = arith.cmpi slt, %rem3A_1431, %lt3A_1436 : vector<16xi32>
    %lt3A_1438 = arith.constant 0 : i32
    %lt3A_1439 = arith.cmpi slt, %select_n3A_1429, %lt3A_1438 : i32
    %ne3A_1440 = vector.broadcast %lt3A_1439 : i1 to vector<16xi1>
    %ne3A_1441 = vector.broadcast %ne3A_1440 : vector<16xi1> to vector<16xi1>
    %ne3A_1442 = arith.xori %lt3A_1437, %ne3A_1441 : vector<16xi1>
    %and3A_1443 = arith.andi %ne3A_1442, %ne3A_1434 : vector<16xi1>
    %add3A_1444 = vector.broadcast %select_n3A_1429 : i32 to vector<16xi32>
    %add3A_1445 = arith.addi %rem3A_1431, %add3A_1444 : vector<16xi32>
    %select_n3A_1446 = arith.select %and3A_1443, %add3A_1445, %rem3A_1431 : vector<16xi1>, vector<16xi32>
    tpu.vector_store_idx %arg22[%select_n3A_1424, %select_n3A_1446], %gather3A_1107 masked %lt3A_1340 : memref<128x128xi32, #tpu.memory_space<vmem>>[vector<16xi32>, vector<16xi32>], vector<16xi32>, vector<16xi1>
    %add3A_1447 = arith.constant 48 : i32
    %add3A_1448 = arith.addi %scan3A_1030, %add3A_1447 : i32
    %iota3A_1449 = tpu.iota {dimensions = array<i32: 0>} : vector<16xi32>
    %add3A_1450 = vector.broadcast %add3A_1448 : i32 to vector<16xi32>
    %add3A_1451 = arith.addi %add3A_1450, %iota3A_1449 : vector<16xi32>
    %lt3A_1452 = vector.broadcast %mul3A_1059 : i32 to vector<16xi32>
    %lt3A_1453 = arith.cmpi slt, %add3A_1451, %lt3A_1452 : vector<16xi32>
    %jit3A_1454 = arith.constant 128 : i32
    %div3A_1455 = vector.broadcast %jit3A_1454 : i32 to vector<16xi32>
    %div3A_1456 = arith.divsi %add3A_1451, %div3A_1455 : vector<16xi32>
    %sign3A_1457 = arith.constant 0 : i32
    %sign3A_1458 = vector.broadcast %sign3A_1457 : i32 to vector<16xi32>
    %sign3A_1459 = arith.cmpi sgt, %add3A_1451, %sign3A_1458 : vector<16xi32>
    %sign3A_1460 = arith.extui %sign3A_1459 : vector<16xi1> to vector<16xi32>
    %sign3A_1461 = arith.constant 0 : i32
    %sign3A_1462 = vector.broadcast %sign3A_1461 : i32 to vector<16xi32>
    %sign3A_1463 = arith.cmpi slt, %add3A_1451, %sign3A_1462 : vector<16xi32>
    %sign3A_1464 = arith.extui %sign3A_1463 : vector<16xi1> to vector<16xi32>
    %sign3A_1465 = arith.subi %sign3A_1460, %sign3A_1464 : vector<16xi32>
    %sign3A_1466 = arith.constant 0 : i32
    %sign3A_1467 = arith.cmpi sgt, %jit3A_1454, %sign3A_1466 : i32
    %sign3A_1468 = arith.extui %sign3A_1467 : i1 to i32
    %sign3A_1469 = arith.constant 0 : i32
    %sign3A_1470 = arith.cmpi slt, %jit3A_1454, %sign3A_1469 : i32
    %sign3A_1471 = arith.extui %sign3A_1470 : i1 to i32
    %sign3A_1472 = arith.subi %sign3A_1468, %sign3A_1471 : i32
    %ne3A_1473 = vector.broadcast %sign3A_1472 : i32 to vector<16xi32>
    %ne3A_1474 = arith.cmpi ne, %sign3A_1465, %ne3A_1473 : vector<16xi32>
    %rem3A_1475 = vector.broadcast %jit3A_1454 : i32 to vector<16xi32>
    %rem3A_1476 = arith.remsi %add3A_1451, %rem3A_1475 : vector<16xi32>
    %ne3A_1477 = arith.constant 0 : i32
    %ne3A_1478 = vector.broadcast %ne3A_1477 : i32 to vector<16xi32>
    %ne3A_1479 = arith.cmpi ne, %rem3A_1476, %ne3A_1478 : vector<16xi32>
    %and3A_1480 = arith.andi %ne3A_1474, %ne3A_1479 : vector<16xi1>
    %sub3A_1481 = arith.constant 1 : i32
    %sub3A_1482 = vector.broadcast %sub3A_1481 : i32 to vector<16xi32>
    %sub3A_1483 = arith.subi %div3A_1456, %sub3A_1482 : vector<16xi32>
    %select_n3A_1484 = arith.select %and3A_1480, %sub3A_1483, %div3A_1456 : vector<16xi1>, vector<16xi32>
    %jit3A_1485 = arith.constant 128 : i32
    %eq3A_1486 = arith.constant 0 : i32
    %eq3A_1487 = arith.cmpi eq, %jit3A_1485, %eq3A_1486 : i32
    %jit3A_1488 = arith.constant 1 : i32
    %select_n3A_1489 = arith.select %eq3A_1487, %jit3A_1488, %jit3A_1485 : i32
    %rem3A_1490 = vector.broadcast %select_n3A_1489 : i32 to vector<16xi32>
    %rem3A_1491 = arith.remsi %add3A_1451, %rem3A_1490 : vector<16xi32>
    %ne3A_1492 = arith.constant 0 : i32
    %ne3A_1493 = vector.broadcast %ne3A_1492 : i32 to vector<16xi32>
    %ne3A_1494 = arith.cmpi ne, %rem3A_1491, %ne3A_1493 : vector<16xi32>
    %lt3A_1495 = arith.constant 0 : i32
    %lt3A_1496 = vector.broadcast %lt3A_1495 : i32 to vector<16xi32>
    %lt3A_1497 = arith.cmpi slt, %rem3A_1491, %lt3A_1496 : vector<16xi32>
    %lt3A_1498 = arith.constant 0 : i32
    %lt3A_1499 = arith.cmpi slt, %select_n3A_1489, %lt3A_1498 : i32
    %ne3A_1500 = vector.broadcast %lt3A_1499 : i1 to vector<16xi1>
    %ne3A_1501 = vector.broadcast %ne3A_1500 : vector<16xi1> to vector<16xi1>
    %ne3A_1502 = arith.xori %lt3A_1497, %ne3A_1501 : vector<16xi1>
    %and3A_1503 = arith.andi %ne3A_1502, %ne3A_1494 : vector<16xi1>
    %add3A_1504 = vector.broadcast %select_n3A_1489 : i32 to vector<16xi32>
    %add3A_1505 = arith.addi %rem3A_1491, %add3A_1504 : vector<16xi32>
    %select_n3A_1506 = arith.select %and3A_1503, %add3A_1505, %rem3A_1491 : vector<16xi1>, vector<16xi32>
    tpu.vector_store_idx %arg21[%select_n3A_1484, %select_n3A_1506], %gather3A_1106 masked %lt3A_1453 : memref<128x128xi32, #tpu.memory_space<vmem>>[vector<16xi32>, vector<16xi32>], vector<16xi32>, vector<16xi1>
    %jit3A_1507 = arith.constant 128 : i32
    %div3A_1508 = vector.broadcast %jit3A_1507 : i32 to vector<16xi32>
    %div3A_1509 = arith.divsi %add3A_1451, %div3A_1508 : vector<16xi32>
    %sign3A_1510 = arith.constant 0 : i32
    %sign3A_1511 = vector.broadcast %sign3A_1510 : i32 to vector<16xi32>
    %sign3A_1512 = arith.cmpi sgt, %add3A_1451, %sign3A_1511 : vector<16xi32>
    %sign3A_1513 = arith.extui %sign3A_1512 : vector<16xi1> to vector<16xi32>
    %sign3A_1514 = arith.constant 0 : i32
    %sign3A_1515 = vector.broadcast %sign3A_1514 : i32 to vector<16xi32>
    %sign3A_1516 = arith.cmpi slt, %add3A_1451, %sign3A_1515 : vector<16xi32>
    %sign3A_1517 = arith.extui %sign3A_1516 : vector<16xi1> to vector<16xi32>
    %sign3A_1518 = arith.subi %sign3A_1513, %sign3A_1517 : vector<16xi32>
    %sign3A_1519 = arith.constant 0 : i32
    %sign3A_1520 = arith.cmpi sgt, %jit3A_1507, %sign3A_1519 : i32
    %sign3A_1521 = arith.extui %sign3A_1520 : i1 to i32
    %sign3A_1522 = arith.constant 0 : i32
    %sign3A_1523 = arith.cmpi slt, %jit3A_1507, %sign3A_1522 : i32
    %sign3A_1524 = arith.extui %sign3A_1523 : i1 to i32
    %sign3A_1525 = arith.subi %sign3A_1521, %sign3A_1524 : i32
    %ne3A_1526 = vector.broadcast %sign3A_1525 : i32 to vector<16xi32>
    %ne3A_1527 = arith.cmpi ne, %sign3A_1518, %ne3A_1526 : vector<16xi32>
    %rem3A_1528 = vector.broadcast %jit3A_1507 : i32 to vector<16xi32>
    %rem3A_1529 = arith.remsi %add3A_1451, %rem3A_1528 : vector<16xi32>
    %ne3A_1530 = arith.constant 0 : i32
    %ne3A_1531 = vector.broadcast %ne3A_1530 : i32 to vector<16xi32>
    %ne3A_1532 = arith.cmpi ne, %rem3A_1529, %ne3A_1531 : vector<16xi32>
    %and3A_1533 = arith.andi %ne3A_1527, %ne3A_1532 : vector<16xi1>
    %sub3A_1534 = arith.constant 1 : i32
    %sub3A_1535 = vector.broadcast %sub3A_1534 : i32 to vector<16xi32>
    %sub3A_1536 = arith.subi %div3A_1509, %sub3A_1535 : vector<16xi32>
    %select_n3A_1537 = arith.select %and3A_1533, %sub3A_1536, %div3A_1509 : vector<16xi1>, vector<16xi32>
    %jit3A_1538 = arith.constant 128 : i32
    %eq3A_1539 = arith.constant 0 : i32
    %eq3A_1540 = arith.cmpi eq, %jit3A_1538, %eq3A_1539 : i32
    %jit3A_1541 = arith.constant 1 : i32
    %select_n3A_1542 = arith.select %eq3A_1540, %jit3A_1541, %jit3A_1538 : i32
    %rem3A_1543 = vector.broadcast %select_n3A_1542 : i32 to vector<16xi32>
    %rem3A_1544 = arith.remsi %add3A_1451, %rem3A_1543 : vector<16xi32>
    %ne3A_1545 = arith.constant 0 : i32
    %ne3A_1546 = vector.broadcast %ne3A_1545 : i32 to vector<16xi32>
    %ne3A_1547 = arith.cmpi ne, %rem3A_1544, %ne3A_1546 : vector<16xi32>
    %lt3A_1548 = arith.constant 0 : i32
    %lt3A_1549 = vector.broadcast %lt3A_1548 : i32 to vector<16xi32>
    %lt3A_1550 = arith.cmpi slt, %rem3A_1544, %lt3A_1549 : vector<16xi32>
    %lt3A_1551 = arith.constant 0 : i32
    %lt3A_1552 = arith.cmpi slt, %select_n3A_1542, %lt3A_1551 : i32
    %ne3A_1553 = vector.broadcast %lt3A_1552 : i1 to vector<16xi1>
    %ne3A_1554 = vector.broadcast %ne3A_1553 : vector<16xi1> to vector<16xi1>
    %ne3A_1555 = arith.xori %lt3A_1550, %ne3A_1554 : vector<16xi1>
    %and3A_1556 = arith.andi %ne3A_1555, %ne3A_1547 : vector<16xi1>
    %add3A_1557 = vector.broadcast %select_n3A_1542 : i32 to vector<16xi32>
    %add3A_1558 = arith.addi %rem3A_1544, %add3A_1557 : vector<16xi32>
    %select_n3A_1559 = arith.select %and3A_1556, %add3A_1558, %rem3A_1544 : vector<16xi1>, vector<16xi32>
    tpu.vector_store_idx %arg22[%select_n3A_1537, %select_n3A_1559], %gather3A_1107 masked %lt3A_1453 : memref<128x128xi32, #tpu.memory_space<vmem>>[vector<16xi32>, vector<16xi32>], vector<16xi32>, vector<16xi1>
    %add3A_1560 = arith.constant 64 : i32
    %add3A_1561 = arith.addi %scan3A_1030, %add3A_1560 : i32
    %iota3A_1562 = tpu.iota {dimensions = array<i32: 0>} : vector<16xi32>
    %add3A_1563 = vector.broadcast %add3A_1561 : i32 to vector<16xi32>
    %add3A_1564 = arith.addi %add3A_1563, %iota3A_1562 : vector<16xi32>
    %lt3A_1565 = vector.broadcast %mul3A_1059 : i32 to vector<16xi32>
    %lt3A_1566 = arith.cmpi slt, %add3A_1564, %lt3A_1565 : vector<16xi32>
    %jit3A_1567 = arith.constant 128 : i32
    %div3A_1568 = vector.broadcast %jit3A_1567 : i32 to vector<16xi32>
    %div3A_1569 = arith.divsi %add3A_1564, %div3A_1568 : vector<16xi32>
    %sign3A_1570 = arith.constant 0 : i32
    %sign3A_1571 = vector.broadcast %sign3A_1570 : i32 to vector<16xi32>
    %sign3A_1572 = arith.cmpi sgt, %add3A_1564, %sign3A_1571 : vector<16xi32>
    %sign3A_1573 = arith.extui %sign3A_1572 : vector<16xi1> to vector<16xi32>
    %sign3A_1574 = arith.constant 0 : i32
    %sign3A_1575 = vector.broadcast %sign3A_1574 : i32 to vector<16xi32>
    %sign3A_1576 = arith.cmpi slt, %add3A_1564, %sign3A_1575 : vector<16xi32>
    %sign3A_1577 = arith.extui %sign3A_1576 : vector<16xi1> to vector<16xi32>
    %sign3A_1578 = arith.subi %sign3A_1573, %sign3A_1577 : vector<16xi32>
    %sign3A_1579 = arith.constant 0 : i32
    %sign3A_1580 = arith.cmpi sgt, %jit3A_1567, %sign3A_1579 : i32
    %sign3A_1581 = arith.extui %sign3A_1580 : i1 to i32
    %sign3A_1582 = arith.constant 0 : i32
    %sign3A_1583 = arith.cmpi slt, %jit3A_1567, %sign3A_1582 : i32
    %sign3A_1584 = arith.extui %sign3A_1583 : i1 to i32
    %sign3A_1585 = arith.subi %sign3A_1581, %sign3A_1584 : i32
    %ne3A_1586 = vector.broadcast %sign3A_1585 : i32 to vector<16xi32>
    %ne3A_1587 = arith.cmpi ne, %sign3A_1578, %ne3A_1586 : vector<16xi32>
    %rem3A_1588 = vector.broadcast %jit3A_1567 : i32 to vector<16xi32>
    %rem3A_1589 = arith.remsi %add3A_1564, %rem3A_1588 : vector<16xi32>
    %ne3A_1590 = arith.constant 0 : i32
    %ne3A_1591 = vector.broadcast %ne3A_1590 : i32 to vector<16xi32>
    %ne3A_1592 = arith.cmpi ne, %rem3A_1589, %ne3A_1591 : vector<16xi32>
    %and3A_1593 = arith.andi %ne3A_1587, %ne3A_1592 : vector<16xi1>
    %sub3A_1594 = arith.constant 1 : i32
    %sub3A_1595 = vector.broadcast %sub3A_1594 : i32 to vector<16xi32>
    %sub3A_1596 = arith.subi %div3A_1569, %sub3A_1595 : vector<16xi32>
    %select_n3A_1597 = arith.select %and3A_1593, %sub3A_1596, %div3A_1569 : vector<16xi1>, vector<16xi32>
    %jit3A_1598 = arith.constant 128 : i32
    %eq3A_1599 = arith.constant 0 : i32
    %eq3A_1600 = arith.cmpi eq, %jit3A_1598, %eq3A_1599 : i32
    %jit3A_1601 = arith.constant 1 : i32
    %select_n3A_1602 = arith.select %eq3A_1600, %jit3A_1601, %jit3A_1598 : i32
    %rem3A_1603 = vector.broadcast %select_n3A_1602 : i32 to vector<16xi32>
    %rem3A_1604 = arith.remsi %add3A_1564, %rem3A_1603 : vector<16xi32>
    %ne3A_1605 = arith.constant 0 : i32
    %ne3A_1606 = vector.broadcast %ne3A_1605 : i32 to vector<16xi32>
    %ne3A_1607 = arith.cmpi ne, %rem3A_1604, %ne3A_1606 : vector<16xi32>
    %lt3A_1608 = arith.constant 0 : i32
    %lt3A_1609 = vector.broadcast %lt3A_1608 : i32 to vector<16xi32>
    %lt3A_1610 = arith.cmpi slt, %rem3A_1604, %lt3A_1609 : vector<16xi32>
    %lt3A_1611 = arith.constant 0 : i32
    %lt3A_1612 = arith.cmpi slt, %select_n3A_1602, %lt3A_1611 : i32
    %ne3A_1613 = vector.broadcast %lt3A_1612 : i1 to vector<16xi1>
    %ne3A_1614 = vector.broadcast %ne3A_1613 : vector<16xi1> to vector<16xi1>
    %ne3A_1615 = arith.xori %lt3A_1610, %ne3A_1614 : vector<16xi1>
    %and3A_1616 = arith.andi %ne3A_1615, %ne3A_1607 : vector<16xi1>
    %add3A_1617 = vector.broadcast %select_n3A_1602 : i32 to vector<16xi32>
    %add3A_1618 = arith.addi %rem3A_1604, %add3A_1617 : vector<16xi32>
    %select_n3A_1619 = arith.select %and3A_1616, %add3A_1618, %rem3A_1604 : vector<16xi1>, vector<16xi32>
    tpu.vector_store_idx %arg21[%select_n3A_1597, %select_n3A_1619], %gather3A_1106 masked %lt3A_1566 : memref<128x128xi32, #tpu.memory_space<vmem>>[vector<16xi32>, vector<16xi32>], vector<16xi32>, vector<16xi1>
    %jit3A_1620 = arith.constant 128 : i32
    %div3A_1621 = vector.broadcast %jit3A_1620 : i32 to vector<16xi32>
    %div3A_1622 = arith.divsi %add3A_1564, %div3A_1621 : vector<16xi32>
    %sign3A_1623 = arith.constant 0 : i32
    %sign3A_1624 = vector.broadcast %sign3A_1623 : i32 to vector<16xi32>
    %sign3A_1625 = arith.cmpi sgt, %add3A_1564, %sign3A_1624 : vector<16xi32>
    %sign3A_1626 = arith.extui %sign3A_1625 : vector<16xi1> to vector<16xi32>
    %sign3A_1627 = arith.constant 0 : i32
    %sign3A_1628 = vector.broadcast %sign3A_1627 : i32 to vector<16xi32>
    %sign3A_1629 = arith.cmpi slt, %add3A_1564, %sign3A_1628 : vector<16xi32>
    %sign3A_1630 = arith.extui %sign3A_1629 : vector<16xi1> to vector<16xi32>
    %sign3A_1631 = arith.subi %sign3A_1626, %sign3A_1630 : vector<16xi32>
    %sign3A_1632 = arith.constant 0 : i32
    %sign3A_1633 = arith.cmpi sgt, %jit3A_1620, %sign3A_1632 : i32
    %sign3A_1634 = arith.extui %sign3A_1633 : i1 to i32
    %sign3A_1635 = arith.constant 0 : i32
    %sign3A_1636 = arith.cmpi slt, %jit3A_1620, %sign3A_1635 : i32
    %sign3A_1637 = arith.extui %sign3A_1636 : i1 to i32
    %sign3A_1638 = arith.subi %sign3A_1634, %sign3A_1637 : i32
    %ne3A_1639 = vector.broadcast %sign3A_1638 : i32 to vector<16xi32>
    %ne3A_1640 = arith.cmpi ne, %sign3A_1631, %ne3A_1639 : vector<16xi32>
    %rem3A_1641 = vector.broadcast %jit3A_1620 : i32 to vector<16xi32>
    %rem3A_1642 = arith.remsi %add3A_1564, %rem3A_1641 : vector<16xi32>
    %ne3A_1643 = arith.constant 0 : i32
    %ne3A_1644 = vector.broadcast %ne3A_1643 : i32 to vector<16xi32>
    %ne3A_1645 = arith.cmpi ne, %rem3A_1642, %ne3A_1644 : vector<16xi32>
    %and3A_1646 = arith.andi %ne3A_1640, %ne3A_1645 : vector<16xi1>
    %sub3A_1647 = arith.constant 1 : i32
    %sub3A_1648 = vector.broadcast %sub3A_1647 : i32 to vector<16xi32>
    %sub3A_1649 = arith.subi %div3A_1622, %sub3A_1648 : vector<16xi32>
    %select_n3A_1650 = arith.select %and3A_1646, %sub3A_1649, %div3A_1622 : vector<16xi1>, vector<16xi32>
    %jit3A_1651 = arith.constant 128 : i32
    %eq3A_1652 = arith.constant 0 : i32
    %eq3A_1653 = arith.cmpi eq, %jit3A_1651, %eq3A_1652 : i32
    %jit3A_1654 = arith.constant 1 : i32
    %select_n3A_1655 = arith.select %eq3A_1653, %jit3A_1654, %jit3A_1651 : i32
    %rem3A_1656 = vector.broadcast %select_n3A_1655 : i32 to vector<16xi32>
    %rem3A_1657 = arith.remsi %add3A_1564, %rem3A_1656 : vector<16xi32>
    %ne3A_1658 = arith.constant 0 : i32
    %ne3A_1659 = vector.broadcast %ne3A_1658 : i32 to vector<16xi32>
    %ne3A_1660 = arith.cmpi ne, %rem3A_1657, %ne3A_1659 : vector<16xi32>
    %lt3A_1661 = arith.constant 0 : i32
    %lt3A_1662 = vector.broadcast %lt3A_1661 : i32 to vector<16xi32>
    %lt3A_1663 = arith.cmpi slt, %rem3A_1657, %lt3A_1662 : vector<16xi32>
    %lt3A_1664 = arith.constant 0 : i32
    %lt3A_1665 = arith.cmpi slt, %select_n3A_1655, %lt3A_1664 : i32
    %ne3A_1666 = vector.broadcast %lt3A_1665 : i1 to vector<16xi1>
    %ne3A_1667 = vector.broadcast %ne3A_1666 : vector<16xi1> to vector<16xi1>
    %ne3A_1668 = arith.xori %lt3A_1663, %ne3A_1667 : vector<16xi1>
    %and3A_1669 = arith.andi %ne3A_1668, %ne3A_1660 : vector<16xi1>
    %add3A_1670 = vector.broadcast %select_n3A_1655 : i32 to vector<16xi32>
    %add3A_1671 = arith.addi %rem3A_1657, %add3A_1670 : vector<16xi32>
    %select_n3A_1672 = arith.select %and3A_1669, %add3A_1671, %rem3A_1657 : vector<16xi1>, vector<16xi32>
    tpu.vector_store_idx %arg22[%select_n3A_1650, %select_n3A_1672], %gather3A_1107 masked %lt3A_1566 : memref<128x128xi32, #tpu.memory_space<vmem>>[vector<16xi32>, vector<16xi32>], vector<16xi32>, vector<16xi1>
    %add3A_1673 = arith.constant 80 : i32
    %add3A_1674 = arith.addi %scan3A_1030, %add3A_1673 : i32
    %iota3A_1675 = tpu.iota {dimensions = array<i32: 0>} : vector<16xi32>
    %add3A_1676 = vector.broadcast %add3A_1674 : i32 to vector<16xi32>
    %add3A_1677 = arith.addi %add3A_1676, %iota3A_1675 : vector<16xi32>
    %lt3A_1678 = vector.broadcast %mul3A_1059 : i32 to vector<16xi32>
    %lt3A_1679 = arith.cmpi slt, %add3A_1677, %lt3A_1678 : vector<16xi32>
    %jit3A_1680 = arith.constant 128 : i32
    %div3A_1681 = vector.broadcast %jit3A_1680 : i32 to vector<16xi32>
    %div3A_1682 = arith.divsi %add3A_1677, %div3A_1681 : vector<16xi32>
    %sign3A_1683 = arith.constant 0 : i32
    %sign3A_1684 = vector.broadcast %sign3A_1683 : i32 to vector<16xi32>
    %sign3A_1685 = arith.cmpi sgt, %add3A_1677, %sign3A_1684 : vector<16xi32>
    %sign3A_1686 = arith.extui %sign3A_1685 : vector<16xi1> to vector<16xi32>
    %sign3A_1687 = arith.constant 0 : i32
    %sign3A_1688 = vector.broadcast %sign3A_1687 : i32 to vector<16xi32>
    %sign3A_1689 = arith.cmpi slt, %add3A_1677, %sign3A_1688 : vector<16xi32>
    %sign3A_1690 = arith.extui %sign3A_1689 : vector<16xi1> to vector<16xi32>
    %sign3A_1691 = arith.subi %sign3A_1686, %sign3A_1690 : vector<16xi32>
    %sign3A_1692 = arith.constant 0 : i32
    %sign3A_1693 = arith.cmpi sgt, %jit3A_1680, %sign3A_1692 : i32
    %sign3A_1694 = arith.extui %sign3A_1693 : i1 to i32
    %sign3A_1695 = arith.constant 0 : i32
    %sign3A_1696 = arith.cmpi slt, %jit3A_1680, %sign3A_1695 : i32
    %sign3A_1697 = arith.extui %sign3A_1696 : i1 to i32
    %sign3A_1698 = arith.subi %sign3A_1694, %sign3A_1697 : i32
    %ne3A_1699 = vector.broadcast %sign3A_1698 : i32 to vector<16xi32>
    %ne3A_1700 = arith.cmpi ne, %sign3A_1691, %ne3A_1699 : vector<16xi32>
    %rem3A_1701 = vector.broadcast %jit3A_1680 : i32 to vector<16xi32>
    %rem3A_1702 = arith.remsi %add3A_1677, %rem3A_1701 : vector<16xi32>
    %ne3A_1703 = arith.constant 0 : i32
    %ne3A_1704 = vector.broadcast %ne3A_1703 : i32 to vector<16xi32>
    %ne3A_1705 = arith.cmpi ne, %rem3A_1702, %ne3A_1704 : vector<16xi32>
    %and3A_1706 = arith.andi %ne3A_1700, %ne3A_1705 : vector<16xi1>
    %sub3A_1707 = arith.constant 1 : i32
    %sub3A_1708 = vector.broadcast %sub3A_1707 : i32 to vector<16xi32>
    %sub3A_1709 = arith.subi %div3A_1682, %sub3A_1708 : vector<16xi32>
    %select_n3A_1710 = arith.select %and3A_1706, %sub3A_1709, %div3A_1682 : vector<16xi1>, vector<16xi32>
    %jit3A_1711 = arith.constant 128 : i32
    %eq3A_1712 = arith.constant 0 : i32
    %eq3A_1713 = arith.cmpi eq, %jit3A_1711, %eq3A_1712 : i32
    %jit3A_1714 = arith.constant 1 : i32
    %select_n3A_1715 = arith.select %eq3A_1713, %jit3A_1714, %jit3A_1711 : i32
    %rem3A_1716 = vector.broadcast %select_n3A_1715 : i32 to vector<16xi32>
    %rem3A_1717 = arith.remsi %add3A_1677, %rem3A_1716 : vector<16xi32>
    %ne3A_1718 = arith.constant 0 : i32
    %ne3A_1719 = vector.broadcast %ne3A_1718 : i32 to vector<16xi32>
    %ne3A_1720 = arith.cmpi ne, %rem3A_1717, %ne3A_1719 : vector<16xi32>
    %lt3A_1721 = arith.constant 0 : i32
    %lt3A_1722 = vector.broadcast %lt3A_1721 : i32 to vector<16xi32>
    %lt3A_1723 = arith.cmpi slt, %rem3A_1717, %lt3A_1722 : vector<16xi32>
    %lt3A_1724 = arith.constant 0 : i32
    %lt3A_1725 = arith.cmpi slt, %select_n3A_1715, %lt3A_1724 : i32
    %ne3A_1726 = vector.broadcast %lt3A_1725 : i1 to vector<16xi1>
    %ne3A_1727 = vector.broadcast %ne3A_1726 : vector<16xi1> to vector<16xi1>
    %ne3A_1728 = arith.xori %lt3A_1723, %ne3A_1727 : vector<16xi1>
    %and3A_1729 = arith.andi %ne3A_1728, %ne3A_1720 : vector<16xi1>
    %add3A_1730 = vector.broadcast %select_n3A_1715 : i32 to vector<16xi32>
    %add3A_1731 = arith.addi %rem3A_1717, %add3A_1730 : vector<16xi32>
    %select_n3A_1732 = arith.select %and3A_1729, %add3A_1731, %rem3A_1717 : vector<16xi1>, vector<16xi32>
    tpu.vector_store_idx %arg21[%select_n3A_1710, %select_n3A_1732], %gather3A_1106 masked %lt3A_1679 : memref<128x128xi32, #tpu.memory_space<vmem>>[vector<16xi32>, vector<16xi32>], vector<16xi32>, vector<16xi1>
    %jit3A_1733 = arith.constant 128 : i32
    %div3A_1734 = vector.broadcast %jit3A_1733 : i32 to vector<16xi32>
    %div3A_1735 = arith.divsi %add3A_1677, %div3A_1734 : vector<16xi32>
    %sign3A_1736 = arith.constant 0 : i32
    %sign3A_1737 = vector.broadcast %sign3A_1736 : i32 to vector<16xi32>
    %sign3A_1738 = arith.cmpi sgt, %add3A_1677, %sign3A_1737 : vector<16xi32>
    %sign3A_1739 = arith.extui %sign3A_1738 : vector<16xi1> to vector<16xi32>
    %sign3A_1740 = arith.constant 0 : i32
    %sign3A_1741 = vector.broadcast %sign3A_1740 : i32 to vector<16xi32>
    %sign3A_1742 = arith.cmpi slt, %add3A_1677, %sign3A_1741 : vector<16xi32>
    %sign3A_1743 = arith.extui %sign3A_1742 : vector<16xi1> to vector<16xi32>
    %sign3A_1744 = arith.subi %sign3A_1739, %sign3A_1743 : vector<16xi32>
    %sign3A_1745 = arith.constant 0 : i32
    %sign3A_1746 = arith.cmpi sgt, %jit3A_1733, %sign3A_1745 : i32
    %sign3A_1747 = arith.extui %sign3A_1746 : i1 to i32
    %sign3A_1748 = arith.constant 0 : i32
    %sign3A_1749 = arith.cmpi slt, %jit3A_1733, %sign3A_1748 : i32
    %sign3A_1750 = arith.extui %sign3A_1749 : i1 to i32
    %sign3A_1751 = arith.subi %sign3A_1747, %sign3A_1750 : i32
    %ne3A_1752 = vector.broadcast %sign3A_1751 : i32 to vector<16xi32>
    %ne3A_1753 = arith.cmpi ne, %sign3A_1744, %ne3A_1752 : vector<16xi32>
    %rem3A_1754 = vector.broadcast %jit3A_1733 : i32 to vector<16xi32>
    %rem3A_1755 = arith.remsi %add3A_1677, %rem3A_1754 : vector<16xi32>
    %ne3A_1756 = arith.constant 0 : i32
    %ne3A_1757 = vector.broadcast %ne3A_1756 : i32 to vector<16xi32>
    %ne3A_1758 = arith.cmpi ne, %rem3A_1755, %ne3A_1757 : vector<16xi32>
    %and3A_1759 = arith.andi %ne3A_1753, %ne3A_1758 : vector<16xi1>
    %sub3A_1760 = arith.constant 1 : i32
    %sub3A_1761 = vector.broadcast %sub3A_1760 : i32 to vector<16xi32>
    %sub3A_1762 = arith.subi %div3A_1735, %sub3A_1761 : vector<16xi32>
    %select_n3A_1763 = arith.select %and3A_1759, %sub3A_1762, %div3A_1735 : vector<16xi1>, vector<16xi32>
    %jit3A_1764 = arith.constant 128 : i32
    %eq3A_1765 = arith.constant 0 : i32
    %eq3A_1766 = arith.cmpi eq, %jit3A_1764, %eq3A_1765 : i32
    %jit3A_1767 = arith.constant 1 : i32
    %select_n3A_1768 = arith.select %eq3A_1766, %jit3A_1767, %jit3A_1764 : i32
    %rem3A_1769 = vector.broadcast %select_n3A_1768 : i32 to vector<16xi32>
    %rem3A_1770 = arith.remsi %add3A_1677, %rem3A_1769 : vector<16xi32>
    %ne3A_1771 = arith.constant 0 : i32
    %ne3A_1772 = vector.broadcast %ne3A_1771 : i32 to vector<16xi32>
    %ne3A_1773 = arith.cmpi ne, %rem3A_1770, %ne3A_1772 : vector<16xi32>
    %lt3A_1774 = arith.constant 0 : i32
    %lt3A_1775 = vector.broadcast %lt3A_1774 : i32 to vector<16xi32>
    %lt3A_1776 = arith.cmpi slt, %rem3A_1770, %lt3A_1775 : vector<16xi32>
    %lt3A_1777 = arith.constant 0 : i32
    %lt3A_1778 = arith.cmpi slt, %select_n3A_1768, %lt3A_1777 : i32
    %ne3A_1779 = vector.broadcast %lt3A_1778 : i1 to vector<16xi1>
    %ne3A_1780 = vector.broadcast %ne3A_1779 : vector<16xi1> to vector<16xi1>
    %ne3A_1781 = arith.xori %lt3A_1776, %ne3A_1780 : vector<16xi1>
    %and3A_1782 = arith.andi %ne3A_1781, %ne3A_1773 : vector<16xi1>
    %add3A_1783 = vector.broadcast %select_n3A_1768 : i32 to vector<16xi32>
    %add3A_1784 = arith.addi %rem3A_1770, %add3A_1783 : vector<16xi32>
    %select_n3A_1785 = arith.select %and3A_1782, %add3A_1784, %rem3A_1770 : vector<16xi1>, vector<16xi32>
    tpu.vector_store_idx %arg22[%select_n3A_1763, %select_n3A_1785], %gather3A_1107 masked %lt3A_1679 : memref<128x128xi32, #tpu.memory_space<vmem>>[vector<16xi32>, vector<16xi32>], vector<16xi32>, vector<16xi1>
    %add3A_1786 = arith.constant 96 : i32
    %add3A_1787 = arith.addi %scan3A_1030, %add3A_1786 : i32
    %iota3A_1788 = tpu.iota {dimensions = array<i32: 0>} : vector<16xi32>
    %add3A_1789 = vector.broadcast %add3A_1787 : i32 to vector<16xi32>
    %add3A_1790 = arith.addi %add3A_1789, %iota3A_1788 : vector<16xi32>
    %lt3A_1791 = vector.broadcast %mul3A_1059 : i32 to vector<16xi32>
    %lt3A_1792 = arith.cmpi slt, %add3A_1790, %lt3A_1791 : vector<16xi32>
    %jit3A_1793 = arith.constant 128 : i32
    %div3A_1794 = vector.broadcast %jit3A_1793 : i32 to vector<16xi32>
    %div3A_1795 = arith.divsi %add3A_1790, %div3A_1794 : vector<16xi32>
    %sign3A_1796 = arith.constant 0 : i32
    %sign3A_1797 = vector.broadcast %sign3A_1796 : i32 to vector<16xi32>
    %sign3A_1798 = arith.cmpi sgt, %add3A_1790, %sign3A_1797 : vector<16xi32>
    %sign3A_1799 = arith.extui %sign3A_1798 : vector<16xi1> to vector<16xi32>
    %sign3A_1800 = arith.constant 0 : i32
    %sign3A_1801 = vector.broadcast %sign3A_1800 : i32 to vector<16xi32>
    %sign3A_1802 = arith.cmpi slt, %add3A_1790, %sign3A_1801 : vector<16xi32>
    %sign3A_1803 = arith.extui %sign3A_1802 : vector<16xi1> to vector<16xi32>
    %sign3A_1804 = arith.subi %sign3A_1799, %sign3A_1803 : vector<16xi32>
    %sign3A_1805 = arith.constant 0 : i32
    %sign3A_1806 = arith.cmpi sgt, %jit3A_1793, %sign3A_1805 : i32
    %sign3A_1807 = arith.extui %sign3A_1806 : i1 to i32
    %sign3A_1808 = arith.constant 0 : i32
    %sign3A_1809 = arith.cmpi slt, %jit3A_1793, %sign3A_1808 : i32
    %sign3A_1810 = arith.extui %sign3A_1809 : i1 to i32
    %sign3A_1811 = arith.subi %sign3A_1807, %sign3A_1810 : i32
    %ne3A_1812 = vector.broadcast %sign3A_1811 : i32 to vector<16xi32>
    %ne3A_1813 = arith.cmpi ne, %sign3A_1804, %ne3A_1812 : vector<16xi32>
    %rem3A_1814 = vector.broadcast %jit3A_1793 : i32 to vector<16xi32>
    %rem3A_1815 = arith.remsi %add3A_1790, %rem3A_1814 : vector<16xi32>
    %ne3A_1816 = arith.constant 0 : i32
    %ne3A_1817 = vector.broadcast %ne3A_1816 : i32 to vector<16xi32>
    %ne3A_1818 = arith.cmpi ne, %rem3A_1815, %ne3A_1817 : vector<16xi32>
    %and3A_1819 = arith.andi %ne3A_1813, %ne3A_1818 : vector<16xi1>
    %sub3A_1820 = arith.constant 1 : i32
    %sub3A_1821 = vector.broadcast %sub3A_1820 : i32 to vector<16xi32>
    %sub3A_1822 = arith.subi %div3A_1795, %sub3A_1821 : vector<16xi32>
    %select_n3A_1823 = arith.select %and3A_1819, %sub3A_1822, %div3A_1795 : vector<16xi1>, vector<16xi32>
    %jit3A_1824 = arith.constant 128 : i32
    %eq3A_1825 = arith.constant 0 : i32
    %eq3A_1826 = arith.cmpi eq, %jit3A_1824, %eq3A_1825 : i32
    %jit3A_1827 = arith.constant 1 : i32
    %select_n3A_1828 = arith.select %eq3A_1826, %jit3A_1827, %jit3A_1824 : i32
    %rem3A_1829 = vector.broadcast %select_n3A_1828 : i32 to vector<16xi32>
    %rem3A_1830 = arith.remsi %add3A_1790, %rem3A_1829 : vector<16xi32>
    %ne3A_1831 = arith.constant 0 : i32
    %ne3A_1832 = vector.broadcast %ne3A_1831 : i32 to vector<16xi32>
    %ne3A_1833 = arith.cmpi ne, %rem3A_1830, %ne3A_1832 : vector<16xi32>
    %lt3A_1834 = arith.constant 0 : i32
    %lt3A_1835 = vector.broadcast %lt3A_1834 : i32 to vector<16xi32>
    %lt3A_1836 = arith.cmpi slt, %rem3A_1830, %lt3A_1835 : vector<16xi32>
    %lt3A_1837 = arith.constant 0 : i32
    %lt3A_1838 = arith.cmpi slt, %select_n3A_1828, %lt3A_1837 : i32
    %ne3A_1839 = vector.broadcast %lt3A_1838 : i1 to vector<16xi1>
    %ne3A_1840 = vector.broadcast %ne3A_1839 : vector<16xi1> to vector<16xi1>
    %ne3A_1841 = arith.xori %lt3A_1836, %ne3A_1840 : vector<16xi1>
    %and3A_1842 = arith.andi %ne3A_1841, %ne3A_1833 : vector<16xi1>
    %add3A_1843 = vector.broadcast %select_n3A_1828 : i32 to vector<16xi32>
    %add3A_1844 = arith.addi %rem3A_1830, %add3A_1843 : vector<16xi32>
    %select_n3A_1845 = arith.select %and3A_1842, %add3A_1844, %rem3A_1830 : vector<16xi1>, vector<16xi32>
    tpu.vector_store_idx %arg21[%select_n3A_1823, %select_n3A_1845], %gather3A_1106 masked %lt3A_1792 : memref<128x128xi32, #tpu.memory_space<vmem>>[vector<16xi32>, vector<16xi32>], vector<16xi32>, vector<16xi1>
    %jit3A_1846 = arith.constant 128 : i32
    %div3A_1847 = vector.broadcast %jit3A_1846 : i32 to vector<16xi32>
    %div3A_1848 = arith.divsi %add3A_1790, %div3A_1847 : vector<16xi32>
    %sign3A_1849 = arith.constant 0 : i32
    %sign3A_1850 = vector.broadcast %sign3A_1849 : i32 to vector<16xi32>
    %sign3A_1851 = arith.cmpi sgt, %add3A_1790, %sign3A_1850 : vector<16xi32>
    %sign3A_1852 = arith.extui %sign3A_1851 : vector<16xi1> to vector<16xi32>
    %sign3A_1853 = arith.constant 0 : i32
    %sign3A_1854 = vector.broadcast %sign3A_1853 : i32 to vector<16xi32>
    %sign3A_1855 = arith.cmpi slt, %add3A_1790, %sign3A_1854 : vector<16xi32>
    %sign3A_1856 = arith.extui %sign3A_1855 : vector<16xi1> to vector<16xi32>
    %sign3A_1857 = arith.subi %sign3A_1852, %sign3A_1856 : vector<16xi32>
    %sign3A_1858 = arith.constant 0 : i32
    %sign3A_1859 = arith.cmpi sgt, %jit3A_1846, %sign3A_1858 : i32
    %sign3A_1860 = arith.extui %sign3A_1859 : i1 to i32
    %sign3A_1861 = arith.constant 0 : i32
    %sign3A_1862 = arith.cmpi slt, %jit3A_1846, %sign3A_1861 : i32
    %sign3A_1863 = arith.extui %sign3A_1862 : i1 to i32
    %sign3A_1864 = arith.subi %sign3A_1860, %sign3A_1863 : i32
    %ne3A_1865 = vector.broadcast %sign3A_1864 : i32 to vector<16xi32>
    %ne3A_1866 = arith.cmpi ne, %sign3A_1857, %ne3A_1865 : vector<16xi32>
    %rem3A_1867 = vector.broadcast %jit3A_1846 : i32 to vector<16xi32>
    %rem3A_1868 = arith.remsi %add3A_1790, %rem3A_1867 : vector<16xi32>
    %ne3A_1869 = arith.constant 0 : i32
    %ne3A_1870 = vector.broadcast %ne3A_1869 : i32 to vector<16xi32>
    %ne3A_1871 = arith.cmpi ne, %rem3A_1868, %ne3A_1870 : vector<16xi32>
    %and3A_1872 = arith.andi %ne3A_1866, %ne3A_1871 : vector<16xi1>
    %sub3A_1873 = arith.constant 1 : i32
    %sub3A_1874 = vector.broadcast %sub3A_1873 : i32 to vector<16xi32>
    %sub3A_1875 = arith.subi %div3A_1848, %sub3A_1874 : vector<16xi32>
    %select_n3A_1876 = arith.select %and3A_1872, %sub3A_1875, %div3A_1848 : vector<16xi1>, vector<16xi32>
    %jit3A_1877 = arith.constant 128 : i32
    %eq3A_1878 = arith.constant 0 : i32
    %eq3A_1879 = arith.cmpi eq, %jit3A_1877, %eq3A_1878 : i32
    %jit3A_1880 = arith.constant 1 : i32
    %select_n3A_1881 = arith.select %eq3A_1879, %jit3A_1880, %jit3A_1877 : i32
    %rem3A_1882 = vector.broadcast %select_n3A_1881 : i32 to vector<16xi32>
    %rem3A_1883 = arith.remsi %add3A_1790, %rem3A_1882 : vector<16xi32>
    %ne3A_1884 = arith.constant 0 : i32
    %ne3A_1885 = vector.broadcast %ne3A_1884 : i32 to vector<16xi32>
    %ne3A_1886 = arith.cmpi ne, %rem3A_1883, %ne3A_1885 : vector<16xi32>
    %lt3A_1887 = arith.constant 0 : i32
    %lt3A_1888 = vector.broadcast %lt3A_1887 : i32 to vector<16xi32>
    %lt3A_1889 = arith.cmpi slt, %rem3A_1883, %lt3A_1888 : vector<16xi32>
    %lt3A_1890 = arith.constant 0 : i32
    %lt3A_1891 = arith.cmpi slt, %select_n3A_1881, %lt3A_1890 : i32
    %ne3A_1892 = vector.broadcast %lt3A_1891 : i1 to vector<16xi1>
    %ne3A_1893 = vector.broadcast %ne3A_1892 : vector<16xi1> to vector<16xi1>
    %ne3A_1894 = arith.xori %lt3A_1889, %ne3A_1893 : vector<16xi1>
    %and3A_1895 = arith.andi %ne3A_1894, %ne3A_1886 : vector<16xi1>
    %add3A_1896 = vector.broadcast %select_n3A_1881 : i32 to vector<16xi32>
    %add3A_1897 = arith.addi %rem3A_1883, %add3A_1896 : vector<16xi32>
    %select_n3A_1898 = arith.select %and3A_1895, %add3A_1897, %rem3A_1883 : vector<16xi1>, vector<16xi32>
    tpu.vector_store_idx %arg22[%select_n3A_1876, %select_n3A_1898], %gather3A_1107 masked %lt3A_1792 : memref<128x128xi32, #tpu.memory_space<vmem>>[vector<16xi32>, vector<16xi32>], vector<16xi32>, vector<16xi1>
    %add3A_1899 = arith.constant 112 : i32
    %add3A_1900 = arith.addi %scan3A_1030, %add3A_1899 : i32
    %iota3A_1901 = tpu.iota {dimensions = array<i32: 0>} : vector<16xi32>
    %add3A_1902 = vector.broadcast %add3A_1900 : i32 to vector<16xi32>
    %add3A_1903 = arith.addi %add3A_1902, %iota3A_1901 : vector<16xi32>
    %lt3A_1904 = vector.broadcast %mul3A_1059 : i32 to vector<16xi32>
    %lt3A_1905 = arith.cmpi slt, %add3A_1903, %lt3A_1904 : vector<16xi32>
    %jit3A_1906 = arith.constant 128 : i32
    %div3A_1907 = vector.broadcast %jit3A_1906 : i32 to vector<16xi32>
    %div3A_1908 = arith.divsi %add3A_1903, %div3A_1907 : vector<16xi32>
    %sign3A_1909 = arith.constant 0 : i32
    %sign3A_1910 = vector.broadcast %sign3A_1909 : i32 to vector<16xi32>
    %sign3A_1911 = arith.cmpi sgt, %add3A_1903, %sign3A_1910 : vector<16xi32>
    %sign3A_1912 = arith.extui %sign3A_1911 : vector<16xi1> to vector<16xi32>
    %sign3A_1913 = arith.constant 0 : i32
    %sign3A_1914 = vector.broadcast %sign3A_1913 : i32 to vector<16xi32>
    %sign3A_1915 = arith.cmpi slt, %add3A_1903, %sign3A_1914 : vector<16xi32>
    %sign3A_1916 = arith.extui %sign3A_1915 : vector<16xi1> to vector<16xi32>
    %sign3A_1917 = arith.subi %sign3A_1912, %sign3A_1916 : vector<16xi32>
    %sign3A_1918 = arith.constant 0 : i32
    %sign3A_1919 = arith.cmpi sgt, %jit3A_1906, %sign3A_1918 : i32
    %sign3A_1920 = arith.extui %sign3A_1919 : i1 to i32
    %sign3A_1921 = arith.constant 0 : i32
    %sign3A_1922 = arith.cmpi slt, %jit3A_1906, %sign3A_1921 : i32
    %sign3A_1923 = arith.extui %sign3A_1922 : i1 to i32
    %sign3A_1924 = arith.subi %sign3A_1920, %sign3A_1923 : i32
    %ne3A_1925 = vector.broadcast %sign3A_1924 : i32 to vector<16xi32>
    %ne3A_1926 = arith.cmpi ne, %sign3A_1917, %ne3A_1925 : vector<16xi32>
    %rem3A_1927 = vector.broadcast %jit3A_1906 : i32 to vector<16xi32>
    %rem3A_1928 = arith.remsi %add3A_1903, %rem3A_1927 : vector<16xi32>
    %ne3A_1929 = arith.constant 0 : i32
    %ne3A_1930 = vector.broadcast %ne3A_1929 : i32 to vector<16xi32>
    %ne3A_1931 = arith.cmpi ne, %rem3A_1928, %ne3A_1930 : vector<16xi32>
    %and3A_1932 = arith.andi %ne3A_1926, %ne3A_1931 : vector<16xi1>
    %sub3A_1933 = arith.constant 1 : i32
    %sub3A_1934 = vector.broadcast %sub3A_1933 : i32 to vector<16xi32>
    %sub3A_1935 = arith.subi %div3A_1908, %sub3A_1934 : vector<16xi32>
    %select_n3A_1936 = arith.select %and3A_1932, %sub3A_1935, %div3A_1908 : vector<16xi1>, vector<16xi32>
    %jit3A_1937 = arith.constant 128 : i32
    %eq3A_1938 = arith.constant 0 : i32
    %eq3A_1939 = arith.cmpi eq, %jit3A_1937, %eq3A_1938 : i32
    %jit3A_1940 = arith.constant 1 : i32
    %select_n3A_1941 = arith.select %eq3A_1939, %jit3A_1940, %jit3A_1937 : i32
    %rem3A_1942 = vector.broadcast %select_n3A_1941 : i32 to vector<16xi32>
    %rem3A_1943 = arith.remsi %add3A_1903, %rem3A_1942 : vector<16xi32>
    %ne3A_1944 = arith.constant 0 : i32
    %ne3A_1945 = vector.broadcast %ne3A_1944 : i32 to vector<16xi32>
    %ne3A_1946 = arith.cmpi ne, %rem3A_1943, %ne3A_1945 : vector<16xi32>
    %lt3A_1947 = arith.constant 0 : i32
    %lt3A_1948 = vector.broadcast %lt3A_1947 : i32 to vector<16xi32>
    %lt3A_1949 = arith.cmpi slt, %rem3A_1943, %lt3A_1948 : vector<16xi32>
    %lt3A_1950 = arith.constant 0 : i32
    %lt3A_1951 = arith.cmpi slt, %select_n3A_1941, %lt3A_1950 : i32
    %ne3A_1952 = vector.broadcast %lt3A_1951 : i1 to vector<16xi1>
    %ne3A_1953 = vector.broadcast %ne3A_1952 : vector<16xi1> to vector<16xi1>
    %ne3A_1954 = arith.xori %lt3A_1949, %ne3A_1953 : vector<16xi1>
    %and3A_1955 = arith.andi %ne3A_1954, %ne3A_1946 : vector<16xi1>
    %add3A_1956 = vector.broadcast %select_n3A_1941 : i32 to vector<16xi32>
    %add3A_1957 = arith.addi %rem3A_1943, %add3A_1956 : vector<16xi32>
    %select_n3A_1958 = arith.select %and3A_1955, %add3A_1957, %rem3A_1943 : vector<16xi1>, vector<16xi32>
    tpu.vector_store_idx %arg21[%select_n3A_1936, %select_n3A_1958], %gather3A_1106 masked %lt3A_1905 : memref<128x128xi32, #tpu.memory_space<vmem>>[vector<16xi32>, vector<16xi32>], vector<16xi32>, vector<16xi1>
    %jit3A_1959 = arith.constant 128 : i32
    %div3A_1960 = vector.broadcast %jit3A_1959 : i32 to vector<16xi32>
    %div3A_1961 = arith.divsi %add3A_1903, %div3A_1960 : vector<16xi32>
    %sign3A_1962 = arith.constant 0 : i32
    %sign3A_1963 = vector.broadcast %sign3A_1962 : i32 to vector<16xi32>
    %sign3A_1964 = arith.cmpi sgt, %add3A_1903, %sign3A_1963 : vector<16xi32>
    %sign3A_1965 = arith.extui %sign3A_1964 : vector<16xi1> to vector<16xi32>
    %sign3A_1966 = arith.constant 0 : i32
    %sign3A_1967 = vector.broadcast %sign3A_1966 : i32 to vector<16xi32>
    %sign3A_1968 = arith.cmpi slt, %add3A_1903, %sign3A_1967 : vector<16xi32>
    %sign3A_1969 = arith.extui %sign3A_1968 : vector<16xi1> to vector<16xi32>
    %sign3A_1970 = arith.subi %sign3A_1965, %sign3A_1969 : vector<16xi32>
    %sign3A_1971 = arith.constant 0 : i32
    %sign3A_1972 = arith.cmpi sgt, %jit3A_1959, %sign3A_1971 : i32
    %sign3A_1973 = arith.extui %sign3A_1972 : i1 to i32
    %sign3A_1974 = arith.constant 0 : i32
    %sign3A_1975 = arith.cmpi slt, %jit3A_1959, %sign3A_1974 : i32
    %sign3A_1976 = arith.extui %sign3A_1975 : i1 to i32
    %sign3A_1977 = arith.subi %sign3A_1973, %sign3A_1976 : i32
    %ne3A_1978 = vector.broadcast %sign3A_1977 : i32 to vector<16xi32>
    %ne3A_1979 = arith.cmpi ne, %sign3A_1970, %ne3A_1978 : vector<16xi32>
    %rem3A_1980 = vector.broadcast %jit3A_1959 : i32 to vector<16xi32>
    %rem3A_1981 = arith.remsi %add3A_1903, %rem3A_1980 : vector<16xi32>
    %ne3A_1982 = arith.constant 0 : i32
    %ne3A_1983 = vector.broadcast %ne3A_1982 : i32 to vector<16xi32>
    %ne3A_1984 = arith.cmpi ne, %rem3A_1981, %ne3A_1983 : vector<16xi32>
    %and3A_1985 = arith.andi %ne3A_1979, %ne3A_1984 : vector<16xi1>
    %sub3A_1986 = arith.constant 1 : i32
    %sub3A_1987 = vector.broadcast %sub3A_1986 : i32 to vector<16xi32>
    %sub3A_1988 = arith.subi %div3A_1961, %sub3A_1987 : vector<16xi32>
    %select_n3A_1989 = arith.select %and3A_1985, %sub3A_1988, %div3A_1961 : vector<16xi1>, vector<16xi32>
    %jit3A_1990 = arith.constant 128 : i32
    %eq3A_1991 = arith.constant 0 : i32
    %eq3A_1992 = arith.cmpi eq, %jit3A_1990, %eq3A_1991 : i32
    %jit3A_1993 = arith.constant 1 : i32
    %select_n3A_1994 = arith.select %eq3A_1992, %jit3A_1993, %jit3A_1990 : i32
    %rem3A_1995 = vector.broadcast %select_n3A_1994 : i32 to vector<16xi32>
    %rem3A_1996 = arith.remsi %add3A_1903, %rem3A_1995 : vector<16xi32>
    %ne3A_1997 = arith.constant 0 : i32
    %ne3A_1998 = vector.broadcast %ne3A_1997 : i32 to vector<16xi32>
    %ne3A_1999 = arith.cmpi ne, %rem3A_1996, %ne3A_1998 : vector<16xi32>
    %lt3A_2000 = arith.constant 0 : i32
    %lt3A_2001 = vector.broadcast %lt3A_2000 : i32 to vector<16xi32>
    %lt3A_2002 = arith.cmpi slt, %rem3A_1996, %lt3A_2001 : vector<16xi32>
    %lt3A_2003 = arith.constant 0 : i32
    %lt3A_2004 = arith.cmpi slt, %select_n3A_1994, %lt3A_2003 : i32
    %ne3A_2005 = vector.broadcast %lt3A_2004 : i1 to vector<16xi1>
    %ne3A_2006 = vector.broadcast %ne3A_2005 : vector<16xi1> to vector<16xi1>
    %ne3A_2007 = arith.xori %lt3A_2002, %ne3A_2006 : vector<16xi1>
    %and3A_2008 = arith.andi %ne3A_2007, %ne3A_1999 : vector<16xi1>
    %add3A_2009 = vector.broadcast %select_n3A_1994 : i32 to vector<16xi32>
    %add3A_2010 = arith.addi %rem3A_1996, %add3A_2009 : vector<16xi32>
    %select_n3A_2011 = arith.select %and3A_2008, %add3A_2010, %rem3A_1996 : vector<16xi1>, vector<16xi32>
    tpu.vector_store_idx %arg22[%select_n3A_1989, %select_n3A_2011], %gather3A_1107 masked %lt3A_1905 : memref<128x128xi32, #tpu.memory_space<vmem>>[vector<16xi32>, vector<16xi32>], vector<16xi32>, vector<16xi1>
    %jit3A_2012 = arith.constant 128 : i32
    %div3A_2013 = arith.divsi %mul3A_1059, %jit3A_2012 : i32
    %sign3A_2014 = arith.constant 0 : i32
    %sign3A_2015 = arith.cmpi sgt, %mul3A_1059, %sign3A_2014 : i32
    %sign3A_2016 = arith.extui %sign3A_2015 : i1 to i32
    %sign3A_2017 = arith.constant 0 : i32
    %sign3A_2018 = arith.cmpi slt, %mul3A_1059, %sign3A_2017 : i32
    %sign3A_2019 = arith.extui %sign3A_2018 : i1 to i32
    %sign3A_2020 = arith.subi %sign3A_2016, %sign3A_2019 : i32
    %sign3A_2021 = arith.constant 0 : i32
    %sign3A_2022 = arith.cmpi sgt, %jit3A_2012, %sign3A_2021 : i32
    %sign3A_2023 = arith.extui %sign3A_2022 : i1 to i32
    %sign3A_2024 = arith.constant 0 : i32
    %sign3A_2025 = arith.cmpi slt, %jit3A_2012, %sign3A_2024 : i32
    %sign3A_2026 = arith.extui %sign3A_2025 : i1 to i32
    %sign3A_2027 = arith.subi %sign3A_2023, %sign3A_2026 : i32
    %ne3A_2028 = arith.cmpi ne, %sign3A_2020, %sign3A_2027 : i32
    %rem3A_2029 = arith.remsi %mul3A_1059, %jit3A_2012 : i32
    %ne3A_2030 = arith.constant 0 : i32
    %ne3A_2031 = arith.cmpi ne, %rem3A_2029, %ne3A_2030 : i32
    %and3A_2032 = arith.andi %ne3A_2028, %ne3A_2031 : i1
    %sub3A_2033 = arith.constant 1 : i32
    %sub3A_2034 = arith.subi %div3A_2013, %sub3A_2033 : i32
    %select_n3A_2035 = arith.select %and3A_2032, %sub3A_2034, %div3A_2013 : i32
    %while3A_2036 = arith.constant 0 : i32
    %while3A_2037 = arith.constant 0 : i32
    %while3A_2038 = arith.subi %select_n3A_2035, %while3A_2036 : i32
    %while3A_2039 = arith.addi %while3A_2036, %while3A_2038 : i32
    %while3A_2040 = arith.constant 1 : i32
    %while3A_2041 = arith.divsi %while3A_2038, %while3A_2040 : i32
    %while3A_2042 = arith.muli %while3A_2041, %while3A_2040 : i32
    %while3A_2043 = arith.addi %while3A_2036, %while3A_2042 : i32
    %while3A_2044 = arith.constant 1 : i32
    %while3A_2045 = scf.for %while3A_2048 = %while3A_2036 to %while3A_2043 step %while3A_2044 iter_args(%while3A_2049 = %while3A_2037) -> (i32)  : i32 {
      %dma_start3A = arith.constant 0 : i32
      %dma_start3A_2050 = tpu.memref_slice %arg22[%while3A_2048, %dma_start3A] : memref<128x128xi32, #tpu.memory_space<vmem>> -> memref<1x128xi32, #tpu.memory_space<vmem>>
      %dma_start3A_2051 = tpu.memref_squeeze %dma_start3A_2050 : memref<1x128xi32, #tpu.memory_space<vmem>> -> memref<128xi32, #tpu.memory_space<vmem>>
      %dma_start3A_2052 = arith.constant 0 : i32
      %dma_start3A_2053 = arith.constant 0 : i32
      %dma_start3A_2054 = tpu.memref_slice %arg6[%dma_start3A_2052, %dma_start3A_2053] : memref<49152x128xf32, #tpu.memory_space<hbm>> -> memref<49152x128xf32, #tpu.memory_space<hbm>>
      tpu.enqueue_indirect_dma source(%dma_start3A_2054 : memref<49152x128xf32, #tpu.memory_space<hbm>>) target(%arg23 : memref<128x128xf32, #tpu.memory_space<vmem>>) offsets(%dma_start3A_2051 : memref<128xi32, #tpu.memory_space<vmem>>) semaphore(%arg24 : memref<!tpu.dma_semaphore, #tpu.memory_space<semaphore_mem>>)
      %dma_wait3A = arith.constant 0 : i32
      %dma_wait3A_2055 = tpu.memref_slice %arg22[%while3A_2048, %dma_wait3A] : memref<128x128xi32, #tpu.memory_space<vmem>> -> memref<1x128xi32, #tpu.memory_space<vmem>>
      %dma_wait3A_2056 = tpu.memref_squeeze %dma_wait3A_2055 : memref<1x128xi32, #tpu.memory_space<vmem>> -> memref<128xi32, #tpu.memory_space<vmem>>
      %dma_wait3A_2057 = arith.constant 0 : i32
      %dma_wait3A_2058 = arith.constant 0 : i32
      %dma_wait3A_2059 = tpu.memref_slice %arg6[%dma_wait3A_2057, %dma_wait3A_2058] : memref<49152x128xf32, #tpu.memory_space<hbm>> -> memref<49152x128xf32, #tpu.memory_space<hbm>>
      tpu.wait_indirect_dma semaphore(%arg24 : memref<!tpu.dma_semaphore, #tpu.memory_space<semaphore_mem>>) src(%dma_wait3A_2059 : memref<49152x128xf32, #tpu.memory_space<hbm>>) dst(%arg23 : memref<128x128xf32, #tpu.memory_space<vmem>>)
      %dma_start3A_2060 = arith.constant 0 : i32
      %dma_start3A_2061 = tpu.memref_slice %arg21[%while3A_2048, %dma_start3A_2060] : memref<128x128xi32, #tpu.memory_space<vmem>> -> memref<1x128xi32, #tpu.memory_space<vmem>>
      %dma_start3A_2062 = tpu.memref_squeeze %dma_start3A_2061 : memref<1x128xi32, #tpu.memory_space<vmem>> -> memref<128xi32, #tpu.memory_space<vmem>>
      %dma_start3A_2063 = arith.constant 0 : i32
      %dma_start3A_2064 = arith.constant 0 : i32
      %dma_start3A_2065 = tpu.memref_slice %arg8[%dma_start3A_2063, %dma_start3A_2064] : memref<16384x128xf32, #tpu.memory_space<hbm>> -> memref<16384x128xf32, #tpu.memory_space<hbm>>
      tpu.enqueue_indirect_dma source(%arg23 : memref<128x128xf32, #tpu.memory_space<vmem>>) target(%dma_start3A_2065 : memref<16384x128xf32, #tpu.memory_space<hbm>>) offsets(%dma_start3A_2062 : memref<128xi32, #tpu.memory_space<vmem>>) semaphore(%arg24 : memref<!tpu.dma_semaphore, #tpu.memory_space<semaphore_mem>>)
      %dma_wait3A_2066 = arith.constant 0 : i32
      %dma_wait3A_2067 = tpu.memref_slice %arg21[%while3A_2048, %dma_wait3A_2066] : memref<128x128xi32, #tpu.memory_space<vmem>> -> memref<1x128xi32, #tpu.memory_space<vmem>>
      %dma_wait3A_2068 = tpu.memref_squeeze %dma_wait3A_2067 : memref<1x128xi32, #tpu.memory_space<vmem>> -> memref<128xi32, #tpu.memory_space<vmem>>
      %dma_wait3A_2069 = arith.constant 0 : i32
      %dma_wait3A_2070 = arith.constant 0 : i32
      %dma_wait3A_2071 = tpu.memref_slice %arg8[%dma_wait3A_2069, %dma_wait3A_2070] : memref<16384x128xf32, #tpu.memory_space<hbm>> -> memref<16384x128xf32, #tpu.memory_space<hbm>>
      tpu.wait_indirect_dma semaphore(%arg24 : memref<!tpu.dma_semaphore, #tpu.memory_space<semaphore_mem>>) src(%arg23 : memref<128x128xf32, #tpu.memory_space<vmem>>) dst(%dma_wait3A_2071 : memref<16384x128xf32, #tpu.memory_space<hbm>>)
      %while3A_2072 = arith.constant 0 : i32
      scf.yield %while3A_2072 : i32
    }
    %while3A_2046 = arith.constant 1 : i32
    %while3A_2047 = scf.for %while3A_2048 = %while3A_2043 to %while3A_2039 step %while3A_2046 iter_args(%while3A_2049 = %while3A_2045) -> (i32)  : i32 {
      %dma_start3A = arith.constant 0 : i32
      %dma_start3A_2050 = tpu.memref_slice %arg22[%while3A_2048, %dma_start3A] : memref<128x128xi32, #tpu.memory_space<vmem>> -> memref<1x128xi32, #tpu.memory_space<vmem>>
      %dma_start3A_2051 = tpu.memref_squeeze %dma_start3A_2050 : memref<1x128xi32, #tpu.memory_space<vmem>> -> memref<128xi32, #tpu.memory_space<vmem>>
      %dma_start3A_2052 = arith.constant 0 : i32
      %dma_start3A_2053 = arith.constant 0 : i32
      %dma_start3A_2054 = tpu.memref_slice %arg6[%dma_start3A_2052, %dma_start3A_2053] : memref<49152x128xf32, #tpu.memory_space<hbm>> -> memref<49152x128xf32, #tpu.memory_space<hbm>>
      tpu.enqueue_indirect_dma source(%dma_start3A_2054 : memref<49152x128xf32, #tpu.memory_space<hbm>>) target(%arg23 : memref<128x128xf32, #tpu.memory_space<vmem>>) offsets(%dma_start3A_2051 : memref<128xi32, #tpu.memory_space<vmem>>) semaphore(%arg24 : memref<!tpu.dma_semaphore, #tpu.memory_space<semaphore_mem>>)
      %dma_wait3A = arith.constant 0 : i32
      %dma_wait3A_2055 = tpu.memref_slice %arg22[%while3A_2048, %dma_wait3A] : memref<128x128xi32, #tpu.memory_space<vmem>> -> memref<1x128xi32, #tpu.memory_space<vmem>>
      %dma_wait3A_2056 = tpu.memref_squeeze %dma_wait3A_2055 : memref<1x128xi32, #tpu.memory_space<vmem>> -> memref<128xi32, #tpu.memory_space<vmem>>
      %dma_wait3A_2057 = arith.constant 0 : i32
      %dma_wait3A_2058 = arith.constant 0 : i32
      %dma_wait3A_2059 = tpu.memref_slice %arg6[%dma_wait3A_2057, %dma_wait3A_2058] : memref<49152x128xf32, #tpu.memory_space<hbm>> -> memref<49152x128xf32, #tpu.memory_space<hbm>>
      tpu.wait_indirect_dma semaphore(%arg24 : memref<!tpu.dma_semaphore, #tpu.memory_space<semaphore_mem>>) src(%dma_wait3A_2059 : memref<49152x128xf32, #tpu.memory_space<hbm>>) dst(%arg23 : memref<128x128xf32, #tpu.memory_space<vmem>>)
      %dma_start3A_2060 = arith.constant 0 : i32
      %dma_start3A_2061 = tpu.memref_slice %arg21[%while3A_2048, %dma_start3A_2060] : memref<128x128xi32, #tpu.memory_space<vmem>> -> memref<1x128xi32, #tpu.memory_space<vmem>>
      %dma_start3A_2062 = tpu.memref_squeeze %dma_start3A_2061 : memref<1x128xi32, #tpu.memory_space<vmem>> -> memref<128xi32, #tpu.memory_space<vmem>>
      %dma_start3A_2063 = arith.constant 0 : i32
      %dma_start3A_2064 = arith.constant 0 : i32
      %dma_start3A_2065 = tpu.memref_slice %arg8[%dma_start3A_2063, %dma_start3A_2064] : memref<16384x128xf32, #tpu.memory_space<hbm>> -> memref<16384x128xf32, #tpu.memory_space<hbm>>
      tpu.enqueue_indirect_dma source(%arg23 : memref<128x128xf32, #tpu.memory_space<vmem>>) target(%dma_start3A_2065 : memref<16384x128xf32, #tpu.memory_space<hbm>>) offsets(%dma_start3A_2062 : memref<128xi32, #tpu.memory_space<vmem>>) semaphore(%arg24 : memref<!tpu.dma_semaphore, #tpu.memory_space<semaphore_mem>>)
      %dma_wait3A_2066 = arith.constant 0 : i32
      %dma_wait3A_2067 = tpu.memref_slice %arg21[%while3A_2048, %dma_wait3A_2066] : memref<128x128xi32, #tpu.memory_space<vmem>> -> memref<1x128xi32, #tpu.memory_space<vmem>>
      %dma_wait3A_2068 = tpu.memref_squeeze %dma_wait3A_2067 : memref<1x128xi32, #tpu.memory_space<vmem>> -> memref<128xi32, #tpu.memory_space<vmem>>
      %dma_wait3A_2069 = arith.constant 0 : i32
      %dma_wait3A_2070 = arith.constant 0 : i32
      %dma_wait3A_2071 = tpu.memref_slice %arg8[%dma_wait3A_2069, %dma_wait3A_2070] : memref<16384x128xf32, #tpu.memory_space<hbm>> -> memref<16384x128xf32, #tpu.memory_space<hbm>>
      tpu.wait_indirect_dma semaphore(%arg24 : memref<!tpu.dma_semaphore, #tpu.memory_space<semaphore_mem>>) src(%arg23 : memref<128x128xf32, #tpu.memory_space<vmem>>) dst(%dma_wait3A_2071 : memref<16384x128xf32, #tpu.memory_space<hbm>>)
      %while3A_2072 = arith.constant 0 : i32
      scf.yield %while3A_2072 : i32
    }
    return
  }
}

#map = affine_map<(d0, d1) -> (0, 0)>
module attributes {stable_mosaic.version = 14 : i64} {
  func.func @k(%arg0: i32, %arg1: i32, %arg2: memref<16384x128xf32, #tpu.memory_space<hbm>>, %arg3: memref<16384x16xf32, #tpu.memory_space<hbm>>, %arg4: memref<32x3200xi32, #tpu.memory_space<hbm>>, %arg5: memref<100000x128xf32, #tpu.memory_space<hbm>>, %arg6: memref<100000x16xf32, #tpu.memory_space<hbm>>, %arg7: memref<3200xi32, #tpu.memory_space<vmem>>, %arg8: memref<25x128xi32, #tpu.memory_space<vmem>>, %arg9: memref<25x128xi32, #tpu.memory_space<vmem>>, %arg10: memref<128x128xf32, #tpu.memory_space<vmem>>, %arg11: memref<128x16xf32, #tpu.memory_space<vmem>>, %arg12: memref<!tpu.dma_semaphore, #tpu.memory_space<semaphore_mem>>) attributes {dimension_semantics = [#tpu.dimension_semantics<core_parallel>, #tpu.dimension_semantics<subcore_parallel>], iteration_bounds = array<i64: 2, 16>, scalar_prefetch = 0 : i64, scratch_operands = 6 : i64, tpu.core_type = #tpu.core_type<sc_vector_subcore>, window_params = [{transform_indices = #map}, {transform_indices = #map}, {transform_indices = #map}, {transform_indices = #map}, {transform_indices = #map}]} {
    %mul3A = arith.constant 2 : i32
    %mul3A_0 = arith.muli %arg1, %mul3A : i32
    %add3A = arith.addi %mul3A_0, %arg0 : i32
    %mul3A_1 = arith.constant 3200 : i32
    %mul3A_2 = arith.muli %add3A, %mul3A_1 : i32
    "tpu.region"() ({
      %run_scoped3A = tpu.sem_alloc : memref<!tpu.dma_semaphore, #tpu.memory_space<semaphore_mem>>
      %dma_start3A = arith.constant 0 : i32
      %dma_start3A_1010 = tpu.memref_slice %arg4[%add3A, %dma_start3A] : memref<32x3200xi32, #tpu.memory_space<hbm>> -> memref<1x3200xi32, #tpu.memory_space<hbm>>
      %dma_start3A_1011 = tpu.memref_squeeze %dma_start3A_1010 : memref<1x3200xi32, #tpu.memory_space<hbm>> -> memref<3200xi32, #tpu.memory_space<hbm>>
      %dma_start3A_1012 = arith.constant 0 : i32
      %dma_start3A_1013 = tpu.memref_slice %arg4[%add3A, %dma_start3A_1012] : memref<32x3200xi32, #tpu.memory_space<hbm>> -> memref<1x3200xi32, #tpu.memory_space<hbm>>
      %dma_start3A_1014 = tpu.memref_squeeze %dma_start3A_1013 : memref<1x3200xi32, #tpu.memory_space<hbm>> -> memref<3200xi32, #tpu.memory_space<hbm>>
      tpu.enqueue_dma source(%dma_start3A_1014 : memref<3200xi32, #tpu.memory_space<hbm>>) target(%arg7 : memref<3200xi32, #tpu.memory_space<vmem>>) target_semaphore(%run_scoped3A : memref<!tpu.dma_semaphore, #tpu.memory_space<semaphore_mem>>)
      %dma_wait3A = arith.constant 0 : i32
      %dma_wait3A_1015 = tpu.memref_slice %arg4[%add3A, %dma_wait3A] : memref<32x3200xi32, #tpu.memory_space<hbm>> -> memref<1x3200xi32, #tpu.memory_space<hbm>>
      %dma_wait3A_1016 = tpu.memref_squeeze %dma_wait3A_1015 : memref<1x3200xi32, #tpu.memory_space<hbm>> -> memref<3200xi32, #tpu.memory_space<hbm>>
      %dma_wait3A_1017 = arith.constant 0 : i32
      %dma_wait3A_1018 = tpu.memref_slice %arg4[%add3A, %dma_wait3A_1017] : memref<32x3200xi32, #tpu.memory_space<hbm>> -> memref<1x3200xi32, #tpu.memory_space<hbm>>
      %dma_wait3A_1019 = tpu.memref_squeeze %dma_wait3A_1018 : memref<1x3200xi32, #tpu.memory_space<hbm>> -> memref<3200xi32, #tpu.memory_space<hbm>>
      tpu.wait_dma2 semaphore(%run_scoped3A : memref<!tpu.dma_semaphore, #tpu.memory_space<semaphore_mem>>) src(%dma_wait3A_1019 : memref<3200xi32, #tpu.memory_space<hbm>>) dst(%arg7 : memref<3200xi32, #tpu.memory_space<vmem>>)
      tpu.yield
    }) : () -> ()
    %scan3A = arith.constant 0 : i32
    %scan3A_3 = arith.constant 0 : i32
    %scan3A_4 = arith.constant 200 : i32
    %scan3A_5 = arith.addi %scan3A_3, %scan3A_4 : i32
    %scan3A_6 = arith.constant 1 : i32
    %scan3A_7 = scf.for %scan3A_1010 = %scan3A_3 to %scan3A_5 step %scan3A_6 iter_args(%scan3A_1011 = %scan3A) -> (i32)  : i32 {
      %mul3A_1012 = arith.constant 16 : i32
      %mul3A_1013 = arith.muli %scan3A_1010, %mul3A_1012 : i32
      %get3A = arith.index_cast %mul3A_1013 : i32 to index
      %get3A_1014 = tpu.vector_load %arg7[%get3A] {strides = array<i32>} : memref<3200xi32, #tpu.memory_space<vmem>>, vector<16xi32>,
      %ge3A = arith.constant 0 : i32
      %ge3A_1015 = vector.broadcast %ge3A : i32 to vector<16xi32>
      %ge3A_1016 = arith.cmpi sge, %get3A_1014, %ge3A_1015 : vector<16xi32>
      %mul3A_1017 = arith.constant 1 : i32
      %mul3A_1018 = arith.muli %mul3A_2, %mul3A_1017 : i32
      %mul3A_1019 = arith.constant 16 : i32
      %mul3A_1020 = arith.muli %scan3A_1010, %mul3A_1019 : i32
      %add3A_1021 = arith.addi %mul3A_1018, %mul3A_1020 : i32
      %iota3A_1022 = tpu.iota {dimensions = array<i32: 0>} : vector<16xi32>
      %add3A_1023 = vector.broadcast %add3A_1021 : i32 to vector<16xi32>
      %add3A_1024 = arith.addi %add3A_1023, %iota3A_1022 : vector<16xi32>
      %convert_element_type3A = arith.extui %ge3A_1016 : vector<16xi1> to vector<16xi32>
      %broadcast_in_dim3A_1025 = arith.constant true
      %broadcast_in_dim3A_1026 = vector.broadcast %broadcast_in_dim3A_1025 : i1 to vector<16xi1>
      %masked_cumsum3A = tpu.scan <sum>, %convert_element_type3A masked %broadcast_in_dim3A_1026 : vector<16xi32>, vector<16xi1> -> vector<16xi32>
      %add3A_1027 = vector.broadcast %scan3A_1011 : i32 to vector<16xi32>
      %add3A_1028 = arith.addi %add3A_1027, %masked_cumsum3A : vector<16xi32>
      %sub3A_1029 = arith.constant 1 : i32
      %sub3A_1030 = vector.broadcast %sub3A_1029 : i32 to vector<16xi32>
      %sub3A_1031 = arith.subi %add3A_1028, %sub3A_1030 : vector<16xi32>
      %jit3A_1032 = arith.constant 128 : i32
      %div3A_1033 = vector.broadcast %jit3A_1032 : i32 to vector<16xi32>
      %div3A_1034 = arith.divsi %sub3A_1031, %div3A_1033 : vector<16xi32>
      %sign3A_1035 = arith.constant 0 : i32
      %sign3A_1036 = vector.broadcast %sign3A_1035 : i32 to vector<16xi32>
      %sign3A_1037 = arith.cmpi sgt, %sub3A_1031, %sign3A_1036 : vector<16xi32>
      %sign3A_1038 = arith.extui %sign3A_1037 : vector<16xi1> to vector<16xi32>
      %sign3A_1039 = arith.constant 0 : i32
      %sign3A_1040 = vector.broadcast %sign3A_1039 : i32 to vector<16xi32>
      %sign3A_1041 = arith.cmpi slt, %sub3A_1031, %sign3A_1040 : vector<16xi32>
      %sign3A_1042 = arith.extui %sign3A_1041 : vector<16xi1> to vector<16xi32>
      %sign3A_1043 = arith.subi %sign3A_1038, %sign3A_1042 : vector<16xi32>
      %sign3A_1044 = arith.constant 0 : i32
      %sign3A_1045 = arith.cmpi sgt, %jit3A_1032, %sign3A_1044 : i32
      %sign3A_1046 = arith.extui %sign3A_1045 : i1 to i32
      %sign3A_1047 = arith.constant 0 : i32
      %sign3A_1048 = arith.cmpi slt, %jit3A_1032, %sign3A_1047 : i32
      %sign3A_1049 = arith.extui %sign3A_1048 : i1 to i32
      %sign3A_1050 = arith.subi %sign3A_1046, %sign3A_1049 : i32
      %ne3A_1051 = vector.broadcast %sign3A_1050 : i32 to vector<16xi32>
      %ne3A_1052 = arith.cmpi ne, %sign3A_1043, %ne3A_1051 : vector<16xi32>
      %rem3A_1053 = vector.broadcast %jit3A_1032 : i32 to vector<16xi32>
      %rem3A_1054 = arith.remsi %sub3A_1031, %rem3A_1053 : vector<16xi32>
      %ne3A_1055 = arith.constant 0 : i32
      %ne3A_1056 = vector.broadcast %ne3A_1055 : i32 to vector<16xi32>
      %ne3A_1057 = arith.cmpi ne, %rem3A_1054, %ne3A_1056 : vector<16xi32>
      %and3A_1058 = arith.andi %ne3A_1052, %ne3A_1057 : vector<16xi1>
      %sub3A_1059 = arith.constant 1 : i32
      %sub3A_1060 = vector.broadcast %sub3A_1059 : i32 to vector<16xi32>
      %sub3A_1061 = arith.subi %div3A_1034, %sub3A_1060 : vector<16xi32>
      %select_n3A_1062 = arith.select %and3A_1058, %sub3A_1061, %div3A_1034 : vector<16xi1>, vector<16xi32>
      %jit3A_1063 = arith.constant 128 : i32
      %eq3A_1064 = arith.constant 0 : i32
      %eq3A_1065 = arith.cmpi eq, %jit3A_1063, %eq3A_1064 : i32
      %jit3A_1066 = arith.constant 1 : i32
      %select_n3A_1067 = arith.select %eq3A_1065, %jit3A_1066, %jit3A_1063 : i32
      %rem3A_1068 = vector.broadcast %select_n3A_1067 : i32 to vector<16xi32>
      %rem3A_1069 = arith.remsi %sub3A_1031, %rem3A_1068 : vector<16xi32>
      %ne3A_1070 = arith.constant 0 : i32
      %ne3A_1071 = vector.broadcast %ne3A_1070 : i32 to vector<16xi32>
      %ne3A_1072 = arith.cmpi ne, %rem3A_1069, %ne3A_1071 : vector<16xi32>
      %lt3A_1073 = arith.constant 0 : i32
      %lt3A_1074 = vector.broadcast %lt3A_1073 : i32 to vector<16xi32>
      %lt3A_1075 = arith.cmpi slt, %rem3A_1069, %lt3A_1074 : vector<16xi32>
      %lt3A_1076 = arith.constant 0 : i32
      %lt3A_1077 = arith.cmpi slt, %select_n3A_1067, %lt3A_1076 : i32
      %ne3A_1078 = vector.broadcast %lt3A_1077 : i1 to vector<16xi1>
      %ne3A_1079 = vector.broadcast %ne3A_1078 : vector<16xi1> to vector<16xi1>
      %ne3A_1080 = arith.xori %lt3A_1075, %ne3A_1079 : vector<16xi1>
      %and3A_1081 = arith.andi %ne3A_1080, %ne3A_1072 : vector<16xi1>
      %add3A_1082 = vector.broadcast %select_n3A_1067 : i32 to vector<16xi32>
      %add3A_1083 = arith.addi %rem3A_1069, %add3A_1082 : vector<16xi32>
      %select_n3A_1084 = arith.select %and3A_1081, %add3A_1083, %rem3A_1069 : vector<16xi1>, vector<16xi32>
      tpu.vector_store_idx %arg8[%select_n3A_1062, %select_n3A_1084], %add3A_1024 masked %ge3A_1016 : memref<25x128xi32, #tpu.memory_space<vmem>>[vector<16xi32>, vector<16xi32>], vector<16xi32>, vector<16xi1>
      %jit3A_1085 = arith.constant 128 : i32
      %div3A_1086 = vector.broadcast %jit3A_1085 : i32 to vector<16xi32>
      %div3A_1087 = arith.divsi %sub3A_1031, %div3A_1086 : vector<16xi32>
      %sign3A_1088 = arith.constant 0 : i32
      %sign3A_1089 = vector.broadcast %sign3A_1088 : i32 to vector<16xi32>
      %sign3A_1090 = arith.cmpi sgt, %sub3A_1031, %sign3A_1089 : vector<16xi32>
      %sign3A_1091 = arith.extui %sign3A_1090 : vector<16xi1> to vector<16xi32>
      %sign3A_1092 = arith.constant 0 : i32
      %sign3A_1093 = vector.broadcast %sign3A_1092 : i32 to vector<16xi32>
      %sign3A_1094 = arith.cmpi slt, %sub3A_1031, %sign3A_1093 : vector<16xi32>
      %sign3A_1095 = arith.extui %sign3A_1094 : vector<16xi1> to vector<16xi32>
      %sign3A_1096 = arith.subi %sign3A_1091, %sign3A_1095 : vector<16xi32>
      %sign3A_1097 = arith.constant 0 : i32
      %sign3A_1098 = arith.cmpi sgt, %jit3A_1085, %sign3A_1097 : i32
      %sign3A_1099 = arith.extui %sign3A_1098 : i1 to i32
      %sign3A_1100 = arith.constant 0 : i32
      %sign3A_1101 = arith.cmpi slt, %jit3A_1085, %sign3A_1100 : i32
      %sign3A_1102 = arith.extui %sign3A_1101 : i1 to i32
      %sign3A_1103 = arith.subi %sign3A_1099, %sign3A_1102 : i32
      %ne3A_1104 = vector.broadcast %sign3A_1103 : i32 to vector<16xi32>
      %ne3A_1105 = arith.cmpi ne, %sign3A_1096, %ne3A_1104 : vector<16xi32>
      %rem3A_1106 = vector.broadcast %jit3A_1085 : i32 to vector<16xi32>
      %rem3A_1107 = arith.remsi %sub3A_1031, %rem3A_1106 : vector<16xi32>
      %ne3A_1108 = arith.constant 0 : i32
      %ne3A_1109 = vector.broadcast %ne3A_1108 : i32 to vector<16xi32>
      %ne3A_1110 = arith.cmpi ne, %rem3A_1107, %ne3A_1109 : vector<16xi32>
      %and3A_1111 = arith.andi %ne3A_1105, %ne3A_1110 : vector<16xi1>
      %sub3A_1112 = arith.constant 1 : i32
      %sub3A_1113 = vector.broadcast %sub3A_1112 : i32 to vector<16xi32>
      %sub3A_1114 = arith.subi %div3A_1087, %sub3A_1113 : vector<16xi32>
      %select_n3A_1115 = arith.select %and3A_1111, %sub3A_1114, %div3A_1087 : vector<16xi1>, vector<16xi32>
      %jit3A_1116 = arith.constant 128 : i32
      %eq3A_1117 = arith.constant 0 : i32
      %eq3A_1118 = arith.cmpi eq, %jit3A_1116, %eq3A_1117 : i32
      %jit3A_1119 = arith.constant 1 : i32
      %select_n3A_1120 = arith.select %eq3A_1118, %jit3A_1119, %jit3A_1116 : i32
      %rem3A_1121 = vector.broadcast %select_n3A_1120 : i32 to vector<16xi32>
      %rem3A_1122 = arith.remsi %sub3A_1031, %rem3A_1121 : vector<16xi32>
      %ne3A_1123 = arith.constant 0 : i32
      %ne3A_1124 = vector.broadcast %ne3A_1123 : i32 to vector<16xi32>
      %ne3A_1125 = arith.cmpi ne, %rem3A_1122, %ne3A_1124 : vector<16xi32>
      %lt3A_1126 = arith.constant 0 : i32
      %lt3A_1127 = vector.broadcast %lt3A_1126 : i32 to vector<16xi32>
      %lt3A_1128 = arith.cmpi slt, %rem3A_1122, %lt3A_1127 : vector<16xi32>
      %lt3A_1129 = arith.constant 0 : i32
      %lt3A_1130 = arith.cmpi slt, %select_n3A_1120, %lt3A_1129 : i32
      %ne3A_1131 = vector.broadcast %lt3A_1130 : i1 to vector<16xi1>
      %ne3A_1132 = vector.broadcast %ne3A_1131 : vector<16xi1> to vector<16xi1>
      %ne3A_1133 = arith.xori %lt3A_1128, %ne3A_1132 : vector<16xi1>
      %and3A_1134 = arith.andi %ne3A_1133, %ne3A_1125 : vector<16xi1>
      %add3A_1135 = vector.broadcast %select_n3A_1120 : i32 to vector<16xi32>
      %add3A_1136 = arith.addi %rem3A_1122, %add3A_1135 : vector<16xi32>
      %select_n3A_1137 = arith.select %and3A_1134, %add3A_1136, %rem3A_1122 : vector<16xi1>, vector<16xi32>
      tpu.vector_store_idx %arg9[%select_n3A_1115, %select_n3A_1137], %get3A_1014 masked %ge3A_1016 : memref<25x128xi32, #tpu.memory_space<vmem>>[vector<16xi32>, vector<16xi32>], vector<16xi32>, vector<16xi1>
      %convert_element_type3A_1138 = arith.extui %ge3A_1016 : vector<16xi1> to vector<16xi32>
      %reduce_sum3A = arith.constant true
      %reduce_sum3A_1139 = vector.broadcast %reduce_sum3A : i1 to vector<16xi1>
      %reduce_sum3A_1140 = tpu.scan <sum>, %convert_element_type3A_1138 masked %reduce_sum3A_1139 : vector<16xi32>, vector<16xi1> -> vector<16xi32>
      %reduce_sum3A_1141 = vector.extract %reduce_sum3A_1140[15] : i32 from vector<16xi32>
      %add3A_1142 = arith.addi %scan3A_1011, %reduce_sum3A_1141 : i32
      scf.yield %add3A_1142 : i32
    }
    %scan3A_8 = arith.constant 200 : i32
    %add3A_9 = arith.constant 127 : i32
    %add3A_10 = arith.addi %scan3A_7, %add3A_9 : i32
    %jit3A = arith.constant 128 : i32
    %div3A = arith.divsi %add3A_10, %jit3A : i32
    %sign3A = arith.constant 0 : i32
    %sign3A_11 = arith.cmpi sgt, %add3A_10, %sign3A : i32
    %sign3A_12 = arith.extui %sign3A_11 : i1 to i32
    %sign3A_13 = arith.constant 0 : i32
    %sign3A_14 = arith.cmpi slt, %add3A_10, %sign3A_13 : i32
    %sign3A_15 = arith.extui %sign3A_14 : i1 to i32
    %sign3A_16 = arith.subi %sign3A_12, %sign3A_15 : i32
    %sign3A_17 = arith.constant 0 : i32
    %sign3A_18 = arith.cmpi sgt, %jit3A, %sign3A_17 : i32
    %sign3A_19 = arith.extui %sign3A_18 : i1 to i32
    %sign3A_20 = arith.constant 0 : i32
    %sign3A_21 = arith.cmpi slt, %jit3A, %sign3A_20 : i32
    %sign3A_22 = arith.extui %sign3A_21 : i1 to i32
    %sign3A_23 = arith.subi %sign3A_19, %sign3A_22 : i32
    %ne3A = arith.cmpi ne, %sign3A_16, %sign3A_23 : i32
    %rem3A = arith.remsi %add3A_10, %jit3A : i32
    %ne3A_24 = arith.constant 0 : i32
    %ne3A_25 = arith.cmpi ne, %rem3A, %ne3A_24 : i32
    %and3A = arith.andi %ne3A, %ne3A_25 : i1
    %sub3A = arith.constant 1 : i32
    %sub3A_26 = arith.subi %div3A, %sub3A : i32
    %select_n3A = arith.select %and3A, %sub3A_26, %div3A : i32
    %mul3A_27 = arith.constant 128 : i32
    %mul3A_28 = arith.muli %select_n3A, %mul3A_27 : i32
    %sub3A_29 = arith.constant 1 : i32
    %sub3A_30 = arith.subi %scan3A_7, %sub3A_29 : i32
    %max3A = arith.constant 0 : i32
    %max3A_31 = arith.maxsi %sub3A_30, %max3A : i32
    %jit3A_32 = arith.constant 128 : i32
    %div3A_33 = arith.divsi %max3A_31, %jit3A_32 : i32
    %sign3A_34 = arith.constant 0 : i32
    %sign3A_35 = arith.cmpi sgt, %max3A_31, %sign3A_34 : i32
    %sign3A_36 = arith.extui %sign3A_35 : i1 to i32
    %sign3A_37 = arith.constant 0 : i32
    %sign3A_38 = arith.cmpi slt, %max3A_31, %sign3A_37 : i32
    %sign3A_39 = arith.extui %sign3A_38 : i1 to i32
    %sign3A_40 = arith.subi %sign3A_36, %sign3A_39 : i32
    %sign3A_41 = arith.constant 0 : i32
    %sign3A_42 = arith.cmpi sgt, %jit3A_32, %sign3A_41 : i32
    %sign3A_43 = arith.extui %sign3A_42 : i1 to i32
    %sign3A_44 = arith.constant 0 : i32
    %sign3A_45 = arith.cmpi slt, %jit3A_32, %sign3A_44 : i32
    %sign3A_46 = arith.extui %sign3A_45 : i1 to i32
    %sign3A_47 = arith.subi %sign3A_43, %sign3A_46 : i32
    %ne3A_48 = arith.cmpi ne, %sign3A_40, %sign3A_47 : i32
    %rem3A_49 = arith.remsi %max3A_31, %jit3A_32 : i32
    %ne3A_50 = arith.constant 0 : i32
    %ne3A_51 = arith.cmpi ne, %rem3A_49, %ne3A_50 : i32
    %and3A_52 = arith.andi %ne3A_48, %ne3A_51 : i1
    %sub3A_53 = arith.constant 1 : i32
    %sub3A_54 = arith.subi %div3A_33, %sub3A_53 : i32
    %select_n3A_55 = arith.select %and3A_52, %sub3A_54, %div3A_33 : i32
    %broadcast_in_dim3A = vector.broadcast %select_n3A_55 : i32 to vector<16xi32>
    %jit3A_56 = arith.constant 128 : i32
    %eq3A = arith.constant 0 : i32
    %eq3A_57 = arith.cmpi eq, %jit3A_56, %eq3A : i32
    %jit3A_58 = arith.constant 1 : i32
    %select_n3A_59 = arith.select %eq3A_57, %jit3A_58, %jit3A_56 : i32
    %rem3A_60 = arith.remsi %max3A_31, %select_n3A_59 : i32
    %ne3A_61 = arith.constant 0 : i32
    %ne3A_62 = arith.cmpi ne, %rem3A_60, %ne3A_61 : i32
    %lt3A = arith.constant 0 : i32
    %lt3A_63 = arith.cmpi slt, %rem3A_60, %lt3A : i32
    %lt3A_64 = arith.constant 0 : i32
    %lt3A_65 = arith.cmpi slt, %select_n3A_59, %lt3A_64 : i32
    %ne3A_66 = arith.xori %lt3A_63, %lt3A_65 : i1
    %and3A_67 = arith.andi %ne3A_66, %ne3A_62 : i1
    %add3A_68 = arith.addi %rem3A_60, %select_n3A_59 : i32
    %select_n3A_69 = arith.select %and3A_67, %add3A_68, %rem3A_60 : i32
    %broadcast_in_dim3A_70 = vector.broadcast %select_n3A_69 : i32 to vector<16xi32>
    %gather3A = tpu.vector_load_idx %arg8[%broadcast_in_dim3A, %broadcast_in_dim3A_70] : memref<25x128xi32, #tpu.memory_space<vmem>>[vector<16xi32>, vector<16xi32>], vector<16xi32>,
    %gather3A_71 = tpu.vector_load_idx %arg9[%broadcast_in_dim3A, %broadcast_in_dim3A_70] : memref<25x128xi32, #tpu.memory_space<vmem>>[vector<16xi32>, vector<16xi32>], vector<16xi32>,
    %add3A_72 = arith.constant 0 : i32
    %add3A_73 = arith.addi %scan3A_7, %add3A_72 : i32
    %iota3A = tpu.iota {dimensions = array<i32: 0>} : vector<16xi32>
    %add3A_74 = vector.broadcast %add3A_73 : i32 to vector<16xi32>
    %add3A_75 = arith.addi %add3A_74, %iota3A : vector<16xi32>
    %lt3A_76 = vector.broadcast %mul3A_28 : i32 to vector<16xi32>
    %lt3A_77 = arith.cmpi slt, %add3A_75, %lt3A_76 : vector<16xi32>
    %jit3A_78 = arith.constant 128 : i32
    %div3A_79 = vector.broadcast %jit3A_78 : i32 to vector<16xi32>
    %div3A_80 = arith.divsi %add3A_75, %div3A_79 : vector<16xi32>
    %sign3A_81 = arith.constant 0 : i32
    %sign3A_82 = vector.broadcast %sign3A_81 : i32 to vector<16xi32>
    %sign3A_83 = arith.cmpi sgt, %add3A_75, %sign3A_82 : vector<16xi32>
    %sign3A_84 = arith.extui %sign3A_83 : vector<16xi1> to vector<16xi32>
    %sign3A_85 = arith.constant 0 : i32
    %sign3A_86 = vector.broadcast %sign3A_85 : i32 to vector<16xi32>
    %sign3A_87 = arith.cmpi slt, %add3A_75, %sign3A_86 : vector<16xi32>
    %sign3A_88 = arith.extui %sign3A_87 : vector<16xi1> to vector<16xi32>
    %sign3A_89 = arith.subi %sign3A_84, %sign3A_88 : vector<16xi32>
    %sign3A_90 = arith.constant 0 : i32
    %sign3A_91 = arith.cmpi sgt, %jit3A_78, %sign3A_90 : i32
    %sign3A_92 = arith.extui %sign3A_91 : i1 to i32
    %sign3A_93 = arith.constant 0 : i32
    %sign3A_94 = arith.cmpi slt, %jit3A_78, %sign3A_93 : i32
    %sign3A_95 = arith.extui %sign3A_94 : i1 to i32
    %sign3A_96 = arith.subi %sign3A_92, %sign3A_95 : i32
    %ne3A_97 = vector.broadcast %sign3A_96 : i32 to vector<16xi32>
    %ne3A_98 = arith.cmpi ne, %sign3A_89, %ne3A_97 : vector<16xi32>
    %rem3A_99 = vector.broadcast %jit3A_78 : i32 to vector<16xi32>
    %rem3A_100 = arith.remsi %add3A_75, %rem3A_99 : vector<16xi32>
    %ne3A_101 = arith.constant 0 : i32
    %ne3A_102 = vector.broadcast %ne3A_101 : i32 to vector<16xi32>
    %ne3A_103 = arith.cmpi ne, %rem3A_100, %ne3A_102 : vector<16xi32>
    %and3A_104 = arith.andi %ne3A_98, %ne3A_103 : vector<16xi1>
    %sub3A_105 = arith.constant 1 : i32
    %sub3A_106 = vector.broadcast %sub3A_105 : i32 to vector<16xi32>
    %sub3A_107 = arith.subi %div3A_80, %sub3A_106 : vector<16xi32>
    %select_n3A_108 = arith.select %and3A_104, %sub3A_107, %div3A_80 : vector<16xi1>, vector<16xi32>
    %jit3A_109 = arith.constant 128 : i32
    %eq3A_110 = arith.constant 0 : i32
    %eq3A_111 = arith.cmpi eq, %jit3A_109, %eq3A_110 : i32
    %jit3A_112 = arith.constant 1 : i32
    %select_n3A_113 = arith.select %eq3A_111, %jit3A_112, %jit3A_109 : i32
    %rem3A_114 = vector.broadcast %select_n3A_113 : i32 to vector<16xi32>
    %rem3A_115 = arith.remsi %add3A_75, %rem3A_114 : vector<16xi32>
    %ne3A_116 = arith.constant 0 : i32
    %ne3A_117 = vector.broadcast %ne3A_116 : i32 to vector<16xi32>
    %ne3A_118 = arith.cmpi ne, %rem3A_115, %ne3A_117 : vector<16xi32>
    %lt3A_119 = arith.constant 0 : i32
    %lt3A_120 = vector.broadcast %lt3A_119 : i32 to vector<16xi32>
    %lt3A_121 = arith.cmpi slt, %rem3A_115, %lt3A_120 : vector<16xi32>
    %lt3A_122 = arith.constant 0 : i32
    %lt3A_123 = arith.cmpi slt, %select_n3A_113, %lt3A_122 : i32
    %ne3A_124 = vector.broadcast %lt3A_123 : i1 to vector<16xi1>
    %ne3A_125 = vector.broadcast %ne3A_124 : vector<16xi1> to vector<16xi1>
    %ne3A_126 = arith.xori %lt3A_121, %ne3A_125 : vector<16xi1>
    %and3A_127 = arith.andi %ne3A_126, %ne3A_118 : vector<16xi1>
    %add3A_128 = vector.broadcast %select_n3A_113 : i32 to vector<16xi32>
    %add3A_129 = arith.addi %rem3A_115, %add3A_128 : vector<16xi32>
    %select_n3A_130 = arith.select %and3A_127, %add3A_129, %rem3A_115 : vector<16xi1>, vector<16xi32>
    tpu.vector_store_idx %arg8[%select_n3A_108, %select_n3A_130], %gather3A masked %lt3A_77 : memref<25x128xi32, #tpu.memory_space<vmem>>[vector<16xi32>, vector<16xi32>], vector<16xi32>, vector<16xi1>
    %jit3A_131 = arith.constant 128 : i32
    %div3A_132 = vector.broadcast %jit3A_131 : i32 to vector<16xi32>
    %div3A_133 = arith.divsi %add3A_75, %div3A_132 : vector<16xi32>
    %sign3A_134 = arith.constant 0 : i32
    %sign3A_135 = vector.broadcast %sign3A_134 : i32 to vector<16xi32>
    %sign3A_136 = arith.cmpi sgt, %add3A_75, %sign3A_135 : vector<16xi32>
    %sign3A_137 = arith.extui %sign3A_136 : vector<16xi1> to vector<16xi32>
    %sign3A_138 = arith.constant 0 : i32
    %sign3A_139 = vector.broadcast %sign3A_138 : i32 to vector<16xi32>
    %sign3A_140 = arith.cmpi slt, %add3A_75, %sign3A_139 : vector<16xi32>
    %sign3A_141 = arith.extui %sign3A_140 : vector<16xi1> to vector<16xi32>
    %sign3A_142 = arith.subi %sign3A_137, %sign3A_141 : vector<16xi32>
    %sign3A_143 = arith.constant 0 : i32
    %sign3A_144 = arith.cmpi sgt, %jit3A_131, %sign3A_143 : i32
    %sign3A_145 = arith.extui %sign3A_144 : i1 to i32
    %sign3A_146 = arith.constant 0 : i32
    %sign3A_147 = arith.cmpi slt, %jit3A_131, %sign3A_146 : i32
    %sign3A_148 = arith.extui %sign3A_147 : i1 to i32
    %sign3A_149 = arith.subi %sign3A_145, %sign3A_148 : i32
    %ne3A_150 = vector.broadcast %sign3A_149 : i32 to vector<16xi32>
    %ne3A_151 = arith.cmpi ne, %sign3A_142, %ne3A_150 : vector<16xi32>
    %rem3A_152 = vector.broadcast %jit3A_131 : i32 to vector<16xi32>
    %rem3A_153 = arith.remsi %add3A_75, %rem3A_152 : vector<16xi32>
    %ne3A_154 = arith.constant 0 : i32
    %ne3A_155 = vector.broadcast %ne3A_154 : i32 to vector<16xi32>
    %ne3A_156 = arith.cmpi ne, %rem3A_153, %ne3A_155 : vector<16xi32>
    %and3A_157 = arith.andi %ne3A_151, %ne3A_156 : vector<16xi1>
    %sub3A_158 = arith.constant 1 : i32
    %sub3A_159 = vector.broadcast %sub3A_158 : i32 to vector<16xi32>
    %sub3A_160 = arith.subi %div3A_133, %sub3A_159 : vector<16xi32>
    %select_n3A_161 = arith.select %and3A_157, %sub3A_160, %div3A_133 : vector<16xi1>, vector<16xi32>
    %jit3A_162 = arith.constant 128 : i32
    %eq3A_163 = arith.constant 0 : i32
    %eq3A_164 = arith.cmpi eq, %jit3A_162, %eq3A_163 : i32
    %jit3A_165 = arith.constant 1 : i32
    %select_n3A_166 = arith.select %eq3A_164, %jit3A_165, %jit3A_162 : i32
    %rem3A_167 = vector.broadcast %select_n3A_166 : i32 to vector<16xi32>
    %rem3A_168 = arith.remsi %add3A_75, %rem3A_167 : vector<16xi32>
    %ne3A_169 = arith.constant 0 : i32
    %ne3A_170 = vector.broadcast %ne3A_169 : i32 to vector<16xi32>
    %ne3A_171 = arith.cmpi ne, %rem3A_168, %ne3A_170 : vector<16xi32>
    %lt3A_172 = arith.constant 0 : i32
    %lt3A_173 = vector.broadcast %lt3A_172 : i32 to vector<16xi32>
    %lt3A_174 = arith.cmpi slt, %rem3A_168, %lt3A_173 : vector<16xi32>
    %lt3A_175 = arith.constant 0 : i32
    %lt3A_176 = arith.cmpi slt, %select_n3A_166, %lt3A_175 : i32
    %ne3A_177 = vector.broadcast %lt3A_176 : i1 to vector<16xi1>
    %ne3A_178 = vector.broadcast %ne3A_177 : vector<16xi1> to vector<16xi1>
    %ne3A_179 = arith.xori %lt3A_174, %ne3A_178 : vector<16xi1>
    %and3A_180 = arith.andi %ne3A_179, %ne3A_171 : vector<16xi1>
    %add3A_181 = vector.broadcast %select_n3A_166 : i32 to vector<16xi32>
    %add3A_182 = arith.addi %rem3A_168, %add3A_181 : vector<16xi32>
    %select_n3A_183 = arith.select %and3A_180, %add3A_182, %rem3A_168 : vector<16xi1>, vector<16xi32>
    tpu.vector_store_idx %arg9[%select_n3A_161, %select_n3A_183], %gather3A_71 masked %lt3A_77 : memref<25x128xi32, #tpu.memory_space<vmem>>[vector<16xi32>, vector<16xi32>], vector<16xi32>, vector<16xi1>
    %add3A_184 = arith.constant 16 : i32
    %add3A_185 = arith.addi %scan3A_7, %add3A_184 : i32
    %iota3A_186 = tpu.iota {dimensions = array<i32: 0>} : vector<16xi32>
    %add3A_187 = vector.broadcast %add3A_185 : i32 to vector<16xi32>
    %add3A_188 = arith.addi %add3A_187, %iota3A_186 : vector<16xi32>
    %lt3A_189 = vector.broadcast %mul3A_28 : i32 to vector<16xi32>
    %lt3A_190 = arith.cmpi slt, %add3A_188, %lt3A_189 : vector<16xi32>
    %jit3A_191 = arith.constant 128 : i32
    %div3A_192 = vector.broadcast %jit3A_191 : i32 to vector<16xi32>
    %div3A_193 = arith.divsi %add3A_188, %div3A_192 : vector<16xi32>
    %sign3A_194 = arith.constant 0 : i32
    %sign3A_195 = vector.broadcast %sign3A_194 : i32 to vector<16xi32>
    %sign3A_196 = arith.cmpi sgt, %add3A_188, %sign3A_195 : vector<16xi32>
    %sign3A_197 = arith.extui %sign3A_196 : vector<16xi1> to vector<16xi32>
    %sign3A_198 = arith.constant 0 : i32
    %sign3A_199 = vector.broadcast %sign3A_198 : i32 to vector<16xi32>
    %sign3A_200 = arith.cmpi slt, %add3A_188, %sign3A_199 : vector<16xi32>
    %sign3A_201 = arith.extui %sign3A_200 : vector<16xi1> to vector<16xi32>
    %sign3A_202 = arith.subi %sign3A_197, %sign3A_201 : vector<16xi32>
    %sign3A_203 = arith.constant 0 : i32
    %sign3A_204 = arith.cmpi sgt, %jit3A_191, %sign3A_203 : i32
    %sign3A_205 = arith.extui %sign3A_204 : i1 to i32
    %sign3A_206 = arith.constant 0 : i32
    %sign3A_207 = arith.cmpi slt, %jit3A_191, %sign3A_206 : i32
    %sign3A_208 = arith.extui %sign3A_207 : i1 to i32
    %sign3A_209 = arith.subi %sign3A_205, %sign3A_208 : i32
    %ne3A_210 = vector.broadcast %sign3A_209 : i32 to vector<16xi32>
    %ne3A_211 = arith.cmpi ne, %sign3A_202, %ne3A_210 : vector<16xi32>
    %rem3A_212 = vector.broadcast %jit3A_191 : i32 to vector<16xi32>
    %rem3A_213 = arith.remsi %add3A_188, %rem3A_212 : vector<16xi32>
    %ne3A_214 = arith.constant 0 : i32
    %ne3A_215 = vector.broadcast %ne3A_214 : i32 to vector<16xi32>
    %ne3A_216 = arith.cmpi ne, %rem3A_213, %ne3A_215 : vector<16xi32>
    %and3A_217 = arith.andi %ne3A_211, %ne3A_216 : vector<16xi1>
    %sub3A_218 = arith.constant 1 : i32
    %sub3A_219 = vector.broadcast %sub3A_218 : i32 to vector<16xi32>
    %sub3A_220 = arith.subi %div3A_193, %sub3A_219 : vector<16xi32>
    %select_n3A_221 = arith.select %and3A_217, %sub3A_220, %div3A_193 : vector<16xi1>, vector<16xi32>
    %jit3A_222 = arith.constant 128 : i32
    %eq3A_223 = arith.constant 0 : i32
    %eq3A_224 = arith.cmpi eq, %jit3A_222, %eq3A_223 : i32
    %jit3A_225 = arith.constant 1 : i32
    %select_n3A_226 = arith.select %eq3A_224, %jit3A_225, %jit3A_222 : i32
    %rem3A_227 = vector.broadcast %select_n3A_226 : i32 to vector<16xi32>
    %rem3A_228 = arith.remsi %add3A_188, %rem3A_227 : vector<16xi32>
    %ne3A_229 = arith.constant 0 : i32
    %ne3A_230 = vector.broadcast %ne3A_229 : i32 to vector<16xi32>
    %ne3A_231 = arith.cmpi ne, %rem3A_228, %ne3A_230 : vector<16xi32>
    %lt3A_232 = arith.constant 0 : i32
    %lt3A_233 = vector.broadcast %lt3A_232 : i32 to vector<16xi32>
    %lt3A_234 = arith.cmpi slt, %rem3A_228, %lt3A_233 : vector<16xi32>
    %lt3A_235 = arith.constant 0 : i32
    %lt3A_236 = arith.cmpi slt, %select_n3A_226, %lt3A_235 : i32
    %ne3A_237 = vector.broadcast %lt3A_236 : i1 to vector<16xi1>
    %ne3A_238 = vector.broadcast %ne3A_237 : vector<16xi1> to vector<16xi1>
    %ne3A_239 = arith.xori %lt3A_234, %ne3A_238 : vector<16xi1>
    %and3A_240 = arith.andi %ne3A_239, %ne3A_231 : vector<16xi1>
    %add3A_241 = vector.broadcast %select_n3A_226 : i32 to vector<16xi32>
    %add3A_242 = arith.addi %rem3A_228, %add3A_241 : vector<16xi32>
    %select_n3A_243 = arith.select %and3A_240, %add3A_242, %rem3A_228 : vector<16xi1>, vector<16xi32>
    tpu.vector_store_idx %arg8[%select_n3A_221, %select_n3A_243], %gather3A masked %lt3A_190 : memref<25x128xi32, #tpu.memory_space<vmem>>[vector<16xi32>, vector<16xi32>], vector<16xi32>, vector<16xi1>
    %jit3A_244 = arith.constant 128 : i32
    %div3A_245 = vector.broadcast %jit3A_244 : i32 to vector<16xi32>
    %div3A_246 = arith.divsi %add3A_188, %div3A_245 : vector<16xi32>
    %sign3A_247 = arith.constant 0 : i32
    %sign3A_248 = vector.broadcast %sign3A_247 : i32 to vector<16xi32>
    %sign3A_249 = arith.cmpi sgt, %add3A_188, %sign3A_248 : vector<16xi32>
    %sign3A_250 = arith.extui %sign3A_249 : vector<16xi1> to vector<16xi32>
    %sign3A_251 = arith.constant 0 : i32
    %sign3A_252 = vector.broadcast %sign3A_251 : i32 to vector<16xi32>
    %sign3A_253 = arith.cmpi slt, %add3A_188, %sign3A_252 : vector<16xi32>
    %sign3A_254 = arith.extui %sign3A_253 : vector<16xi1> to vector<16xi32>
    %sign3A_255 = arith.subi %sign3A_250, %sign3A_254 : vector<16xi32>
    %sign3A_256 = arith.constant 0 : i32
    %sign3A_257 = arith.cmpi sgt, %jit3A_244, %sign3A_256 : i32
    %sign3A_258 = arith.extui %sign3A_257 : i1 to i32
    %sign3A_259 = arith.constant 0 : i32
    %sign3A_260 = arith.cmpi slt, %jit3A_244, %sign3A_259 : i32
    %sign3A_261 = arith.extui %sign3A_260 : i1 to i32
    %sign3A_262 = arith.subi %sign3A_258, %sign3A_261 : i32
    %ne3A_263 = vector.broadcast %sign3A_262 : i32 to vector<16xi32>
    %ne3A_264 = arith.cmpi ne, %sign3A_255, %ne3A_263 : vector<16xi32>
    %rem3A_265 = vector.broadcast %jit3A_244 : i32 to vector<16xi32>
    %rem3A_266 = arith.remsi %add3A_188, %rem3A_265 : vector<16xi32>
    %ne3A_267 = arith.constant 0 : i32
    %ne3A_268 = vector.broadcast %ne3A_267 : i32 to vector<16xi32>
    %ne3A_269 = arith.cmpi ne, %rem3A_266, %ne3A_268 : vector<16xi32>
    %and3A_270 = arith.andi %ne3A_264, %ne3A_269 : vector<16xi1>
    %sub3A_271 = arith.constant 1 : i32
    %sub3A_272 = vector.broadcast %sub3A_271 : i32 to vector<16xi32>
    %sub3A_273 = arith.subi %div3A_246, %sub3A_272 : vector<16xi32>
    %select_n3A_274 = arith.select %and3A_270, %sub3A_273, %div3A_246 : vector<16xi1>, vector<16xi32>
    %jit3A_275 = arith.constant 128 : i32
    %eq3A_276 = arith.constant 0 : i32
    %eq3A_277 = arith.cmpi eq, %jit3A_275, %eq3A_276 : i32
    %jit3A_278 = arith.constant 1 : i32
    %select_n3A_279 = arith.select %eq3A_277, %jit3A_278, %jit3A_275 : i32
    %rem3A_280 = vector.broadcast %select_n3A_279 : i32 to vector<16xi32>
    %rem3A_281 = arith.remsi %add3A_188, %rem3A_280 : vector<16xi32>
    %ne3A_282 = arith.constant 0 : i32
    %ne3A_283 = vector.broadcast %ne3A_282 : i32 to vector<16xi32>
    %ne3A_284 = arith.cmpi ne, %rem3A_281, %ne3A_283 : vector<16xi32>
    %lt3A_285 = arith.constant 0 : i32
    %lt3A_286 = vector.broadcast %lt3A_285 : i32 to vector<16xi32>
    %lt3A_287 = arith.cmpi slt, %rem3A_281, %lt3A_286 : vector<16xi32>
    %lt3A_288 = arith.constant 0 : i32
    %lt3A_289 = arith.cmpi slt, %select_n3A_279, %lt3A_288 : i32
    %ne3A_290 = vector.broadcast %lt3A_289 : i1 to vector<16xi1>
    %ne3A_291 = vector.broadcast %ne3A_290 : vector<16xi1> to vector<16xi1>
    %ne3A_292 = arith.xori %lt3A_287, %ne3A_291 : vector<16xi1>
    %and3A_293 = arith.andi %ne3A_292, %ne3A_284 : vector<16xi1>
    %add3A_294 = vector.broadcast %select_n3A_279 : i32 to vector<16xi32>
    %add3A_295 = arith.addi %rem3A_281, %add3A_294 : vector<16xi32>
    %select_n3A_296 = arith.select %and3A_293, %add3A_295, %rem3A_281 : vector<16xi1>, vector<16xi32>
    tpu.vector_store_idx %arg9[%select_n3A_274, %select_n3A_296], %gather3A_71 masked %lt3A_190 : memref<25x128xi32, #tpu.memory_space<vmem>>[vector<16xi32>, vector<16xi32>], vector<16xi32>, vector<16xi1>
    %add3A_297 = arith.constant 32 : i32
    %add3A_298 = arith.addi %scan3A_7, %add3A_297 : i32
    %iota3A_299 = tpu.iota {dimensions = array<i32: 0>} : vector<16xi32>
    %add3A_300 = vector.broadcast %add3A_298 : i32 to vector<16xi32>
    %add3A_301 = arith.addi %add3A_300, %iota3A_299 : vector<16xi32>
    %lt3A_302 = vector.broadcast %mul3A_28 : i32 to vector<16xi32>
    %lt3A_303 = arith.cmpi slt, %add3A_301, %lt3A_302 : vector<16xi32>
    %jit3A_304 = arith.constant 128 : i32
    %div3A_305 = vector.broadcast %jit3A_304 : i32 to vector<16xi32>
    %div3A_306 = arith.divsi %add3A_301, %div3A_305 : vector<16xi32>
    %sign3A_307 = arith.constant 0 : i32
    %sign3A_308 = vector.broadcast %sign3A_307 : i32 to vector<16xi32>
    %sign3A_309 = arith.cmpi sgt, %add3A_301, %sign3A_308 : vector<16xi32>
    %sign3A_310 = arith.extui %sign3A_309 : vector<16xi1> to vector<16xi32>
    %sign3A_311 = arith.constant 0 : i32
    %sign3A_312 = vector.broadcast %sign3A_311 : i32 to vector<16xi32>
    %sign3A_313 = arith.cmpi slt, %add3A_301, %sign3A_312 : vector<16xi32>
    %sign3A_314 = arith.extui %sign3A_313 : vector<16xi1> to vector<16xi32>
    %sign3A_315 = arith.subi %sign3A_310, %sign3A_314 : vector<16xi32>
    %sign3A_316 = arith.constant 0 : i32
    %sign3A_317 = arith.cmpi sgt, %jit3A_304, %sign3A_316 : i32
    %sign3A_318 = arith.extui %sign3A_317 : i1 to i32
    %sign3A_319 = arith.constant 0 : i32
    %sign3A_320 = arith.cmpi slt, %jit3A_304, %sign3A_319 : i32
    %sign3A_321 = arith.extui %sign3A_320 : i1 to i32
    %sign3A_322 = arith.subi %sign3A_318, %sign3A_321 : i32
    %ne3A_323 = vector.broadcast %sign3A_322 : i32 to vector<16xi32>
    %ne3A_324 = arith.cmpi ne, %sign3A_315, %ne3A_323 : vector<16xi32>
    %rem3A_325 = vector.broadcast %jit3A_304 : i32 to vector<16xi32>
    %rem3A_326 = arith.remsi %add3A_301, %rem3A_325 : vector<16xi32>
    %ne3A_327 = arith.constant 0 : i32
    %ne3A_328 = vector.broadcast %ne3A_327 : i32 to vector<16xi32>
    %ne3A_329 = arith.cmpi ne, %rem3A_326, %ne3A_328 : vector<16xi32>
    %and3A_330 = arith.andi %ne3A_324, %ne3A_329 : vector<16xi1>
    %sub3A_331 = arith.constant 1 : i32
    %sub3A_332 = vector.broadcast %sub3A_331 : i32 to vector<16xi32>
    %sub3A_333 = arith.subi %div3A_306, %sub3A_332 : vector<16xi32>
    %select_n3A_334 = arith.select %and3A_330, %sub3A_333, %div3A_306 : vector<16xi1>, vector<16xi32>
    %jit3A_335 = arith.constant 128 : i32
    %eq3A_336 = arith.constant 0 : i32
    %eq3A_337 = arith.cmpi eq, %jit3A_335, %eq3A_336 : i32
    %jit3A_338 = arith.constant 1 : i32
    %select_n3A_339 = arith.select %eq3A_337, %jit3A_338, %jit3A_335 : i32
    %rem3A_340 = vector.broadcast %select_n3A_339 : i32 to vector<16xi32>
    %rem3A_341 = arith.remsi %add3A_301, %rem3A_340 : vector<16xi32>
    %ne3A_342 = arith.constant 0 : i32
    %ne3A_343 = vector.broadcast %ne3A_342 : i32 to vector<16xi32>
    %ne3A_344 = arith.cmpi ne, %rem3A_341, %ne3A_343 : vector<16xi32>
    %lt3A_345 = arith.constant 0 : i32
    %lt3A_346 = vector.broadcast %lt3A_345 : i32 to vector<16xi32>
    %lt3A_347 = arith.cmpi slt, %rem3A_341, %lt3A_346 : vector<16xi32>
    %lt3A_348 = arith.constant 0 : i32
    %lt3A_349 = arith.cmpi slt, %select_n3A_339, %lt3A_348 : i32
    %ne3A_350 = vector.broadcast %lt3A_349 : i1 to vector<16xi1>
    %ne3A_351 = vector.broadcast %ne3A_350 : vector<16xi1> to vector<16xi1>
    %ne3A_352 = arith.xori %lt3A_347, %ne3A_351 : vector<16xi1>
    %and3A_353 = arith.andi %ne3A_352, %ne3A_344 : vector<16xi1>
    %add3A_354 = vector.broadcast %select_n3A_339 : i32 to vector<16xi32>
    %add3A_355 = arith.addi %rem3A_341, %add3A_354 : vector<16xi32>
    %select_n3A_356 = arith.select %and3A_353, %add3A_355, %rem3A_341 : vector<16xi1>, vector<16xi32>
    tpu.vector_store_idx %arg8[%select_n3A_334, %select_n3A_356], %gather3A masked %lt3A_303 : memref<25x128xi32, #tpu.memory_space<vmem>>[vector<16xi32>, vector<16xi32>], vector<16xi32>, vector<16xi1>
    %jit3A_357 = arith.constant 128 : i32
    %div3A_358 = vector.broadcast %jit3A_357 : i32 to vector<16xi32>
    %div3A_359 = arith.divsi %add3A_301, %div3A_358 : vector<16xi32>
    %sign3A_360 = arith.constant 0 : i32
    %sign3A_361 = vector.broadcast %sign3A_360 : i32 to vector<16xi32>
    %sign3A_362 = arith.cmpi sgt, %add3A_301, %sign3A_361 : vector<16xi32>
    %sign3A_363 = arith.extui %sign3A_362 : vector<16xi1> to vector<16xi32>
    %sign3A_364 = arith.constant 0 : i32
    %sign3A_365 = vector.broadcast %sign3A_364 : i32 to vector<16xi32>
    %sign3A_366 = arith.cmpi slt, %add3A_301, %sign3A_365 : vector<16xi32>
    %sign3A_367 = arith.extui %sign3A_366 : vector<16xi1> to vector<16xi32>
    %sign3A_368 = arith.subi %sign3A_363, %sign3A_367 : vector<16xi32>
    %sign3A_369 = arith.constant 0 : i32
    %sign3A_370 = arith.cmpi sgt, %jit3A_357, %sign3A_369 : i32
    %sign3A_371 = arith.extui %sign3A_370 : i1 to i32
    %sign3A_372 = arith.constant 0 : i32
    %sign3A_373 = arith.cmpi slt, %jit3A_357, %sign3A_372 : i32
    %sign3A_374 = arith.extui %sign3A_373 : i1 to i32
    %sign3A_375 = arith.subi %sign3A_371, %sign3A_374 : i32
    %ne3A_376 = vector.broadcast %sign3A_375 : i32 to vector<16xi32>
    %ne3A_377 = arith.cmpi ne, %sign3A_368, %ne3A_376 : vector<16xi32>
    %rem3A_378 = vector.broadcast %jit3A_357 : i32 to vector<16xi32>
    %rem3A_379 = arith.remsi %add3A_301, %rem3A_378 : vector<16xi32>
    %ne3A_380 = arith.constant 0 : i32
    %ne3A_381 = vector.broadcast %ne3A_380 : i32 to vector<16xi32>
    %ne3A_382 = arith.cmpi ne, %rem3A_379, %ne3A_381 : vector<16xi32>
    %and3A_383 = arith.andi %ne3A_377, %ne3A_382 : vector<16xi1>
    %sub3A_384 = arith.constant 1 : i32
    %sub3A_385 = vector.broadcast %sub3A_384 : i32 to vector<16xi32>
    %sub3A_386 = arith.subi %div3A_359, %sub3A_385 : vector<16xi32>
    %select_n3A_387 = arith.select %and3A_383, %sub3A_386, %div3A_359 : vector<16xi1>, vector<16xi32>
    %jit3A_388 = arith.constant 128 : i32
    %eq3A_389 = arith.constant 0 : i32
    %eq3A_390 = arith.cmpi eq, %jit3A_388, %eq3A_389 : i32
    %jit3A_391 = arith.constant 1 : i32
    %select_n3A_392 = arith.select %eq3A_390, %jit3A_391, %jit3A_388 : i32
    %rem3A_393 = vector.broadcast %select_n3A_392 : i32 to vector<16xi32>
    %rem3A_394 = arith.remsi %add3A_301, %rem3A_393 : vector<16xi32>
    %ne3A_395 = arith.constant 0 : i32
    %ne3A_396 = vector.broadcast %ne3A_395 : i32 to vector<16xi32>
    %ne3A_397 = arith.cmpi ne, %rem3A_394, %ne3A_396 : vector<16xi32>
    %lt3A_398 = arith.constant 0 : i32
    %lt3A_399 = vector.broadcast %lt3A_398 : i32 to vector<16xi32>
    %lt3A_400 = arith.cmpi slt, %rem3A_394, %lt3A_399 : vector<16xi32>
    %lt3A_401 = arith.constant 0 : i32
    %lt3A_402 = arith.cmpi slt, %select_n3A_392, %lt3A_401 : i32
    %ne3A_403 = vector.broadcast %lt3A_402 : i1 to vector<16xi1>
    %ne3A_404 = vector.broadcast %ne3A_403 : vector<16xi1> to vector<16xi1>
    %ne3A_405 = arith.xori %lt3A_400, %ne3A_404 : vector<16xi1>
    %and3A_406 = arith.andi %ne3A_405, %ne3A_397 : vector<16xi1>
    %add3A_407 = vector.broadcast %select_n3A_392 : i32 to vector<16xi32>
    %add3A_408 = arith.addi %rem3A_394, %add3A_407 : vector<16xi32>
    %select_n3A_409 = arith.select %and3A_406, %add3A_408, %rem3A_394 : vector<16xi1>, vector<16xi32>
    tpu.vector_store_idx %arg9[%select_n3A_387, %select_n3A_409], %gather3A_71 masked %lt3A_303 : memref<25x128xi32, #tpu.memory_space<vmem>>[vector<16xi32>, vector<16xi32>], vector<16xi32>, vector<16xi1>
    %add3A_410 = arith.constant 48 : i32
    %add3A_411 = arith.addi %scan3A_7, %add3A_410 : i32
    %iota3A_412 = tpu.iota {dimensions = array<i32: 0>} : vector<16xi32>
    %add3A_413 = vector.broadcast %add3A_411 : i32 to vector<16xi32>
    %add3A_414 = arith.addi %add3A_413, %iota3A_412 : vector<16xi32>
    %lt3A_415 = vector.broadcast %mul3A_28 : i32 to vector<16xi32>
    %lt3A_416 = arith.cmpi slt, %add3A_414, %lt3A_415 : vector<16xi32>
    %jit3A_417 = arith.constant 128 : i32
    %div3A_418 = vector.broadcast %jit3A_417 : i32 to vector<16xi32>
    %div3A_419 = arith.divsi %add3A_414, %div3A_418 : vector<16xi32>
    %sign3A_420 = arith.constant 0 : i32
    %sign3A_421 = vector.broadcast %sign3A_420 : i32 to vector<16xi32>
    %sign3A_422 = arith.cmpi sgt, %add3A_414, %sign3A_421 : vector<16xi32>
    %sign3A_423 = arith.extui %sign3A_422 : vector<16xi1> to vector<16xi32>
    %sign3A_424 = arith.constant 0 : i32
    %sign3A_425 = vector.broadcast %sign3A_424 : i32 to vector<16xi32>
    %sign3A_426 = arith.cmpi slt, %add3A_414, %sign3A_425 : vector<16xi32>
    %sign3A_427 = arith.extui %sign3A_426 : vector<16xi1> to vector<16xi32>
    %sign3A_428 = arith.subi %sign3A_423, %sign3A_427 : vector<16xi32>
    %sign3A_429 = arith.constant 0 : i32
    %sign3A_430 = arith.cmpi sgt, %jit3A_417, %sign3A_429 : i32
    %sign3A_431 = arith.extui %sign3A_430 : i1 to i32
    %sign3A_432 = arith.constant 0 : i32
    %sign3A_433 = arith.cmpi slt, %jit3A_417, %sign3A_432 : i32
    %sign3A_434 = arith.extui %sign3A_433 : i1 to i32
    %sign3A_435 = arith.subi %sign3A_431, %sign3A_434 : i32
    %ne3A_436 = vector.broadcast %sign3A_435 : i32 to vector<16xi32>
    %ne3A_437 = arith.cmpi ne, %sign3A_428, %ne3A_436 : vector<16xi32>
    %rem3A_438 = vector.broadcast %jit3A_417 : i32 to vector<16xi32>
    %rem3A_439 = arith.remsi %add3A_414, %rem3A_438 : vector<16xi32>
    %ne3A_440 = arith.constant 0 : i32
    %ne3A_441 = vector.broadcast %ne3A_440 : i32 to vector<16xi32>
    %ne3A_442 = arith.cmpi ne, %rem3A_439, %ne3A_441 : vector<16xi32>
    %and3A_443 = arith.andi %ne3A_437, %ne3A_442 : vector<16xi1>
    %sub3A_444 = arith.constant 1 : i32
    %sub3A_445 = vector.broadcast %sub3A_444 : i32 to vector<16xi32>
    %sub3A_446 = arith.subi %div3A_419, %sub3A_445 : vector<16xi32>
    %select_n3A_447 = arith.select %and3A_443, %sub3A_446, %div3A_419 : vector<16xi1>, vector<16xi32>
    %jit3A_448 = arith.constant 128 : i32
    %eq3A_449 = arith.constant 0 : i32
    %eq3A_450 = arith.cmpi eq, %jit3A_448, %eq3A_449 : i32
    %jit3A_451 = arith.constant 1 : i32
    %select_n3A_452 = arith.select %eq3A_450, %jit3A_451, %jit3A_448 : i32
    %rem3A_453 = vector.broadcast %select_n3A_452 : i32 to vector<16xi32>
    %rem3A_454 = arith.remsi %add3A_414, %rem3A_453 : vector<16xi32>
    %ne3A_455 = arith.constant 0 : i32
    %ne3A_456 = vector.broadcast %ne3A_455 : i32 to vector<16xi32>
    %ne3A_457 = arith.cmpi ne, %rem3A_454, %ne3A_456 : vector<16xi32>
    %lt3A_458 = arith.constant 0 : i32
    %lt3A_459 = vector.broadcast %lt3A_458 : i32 to vector<16xi32>
    %lt3A_460 = arith.cmpi slt, %rem3A_454, %lt3A_459 : vector<16xi32>
    %lt3A_461 = arith.constant 0 : i32
    %lt3A_462 = arith.cmpi slt, %select_n3A_452, %lt3A_461 : i32
    %ne3A_463 = vector.broadcast %lt3A_462 : i1 to vector<16xi1>
    %ne3A_464 = vector.broadcast %ne3A_463 : vector<16xi1> to vector<16xi1>
    %ne3A_465 = arith.xori %lt3A_460, %ne3A_464 : vector<16xi1>
    %and3A_466 = arith.andi %ne3A_465, %ne3A_457 : vector<16xi1>
    %add3A_467 = vector.broadcast %select_n3A_452 : i32 to vector<16xi32>
    %add3A_468 = arith.addi %rem3A_454, %add3A_467 : vector<16xi32>
    %select_n3A_469 = arith.select %and3A_466, %add3A_468, %rem3A_454 : vector<16xi1>, vector<16xi32>
    tpu.vector_store_idx %arg8[%select_n3A_447, %select_n3A_469], %gather3A masked %lt3A_416 : memref<25x128xi32, #tpu.memory_space<vmem>>[vector<16xi32>, vector<16xi32>], vector<16xi32>, vector<16xi1>
    %jit3A_470 = arith.constant 128 : i32
    %div3A_471 = vector.broadcast %jit3A_470 : i32 to vector<16xi32>
    %div3A_472 = arith.divsi %add3A_414, %div3A_471 : vector<16xi32>
    %sign3A_473 = arith.constant 0 : i32
    %sign3A_474 = vector.broadcast %sign3A_473 : i32 to vector<16xi32>
    %sign3A_475 = arith.cmpi sgt, %add3A_414, %sign3A_474 : vector<16xi32>
    %sign3A_476 = arith.extui %sign3A_475 : vector<16xi1> to vector<16xi32>
    %sign3A_477 = arith.constant 0 : i32
    %sign3A_478 = vector.broadcast %sign3A_477 : i32 to vector<16xi32>
    %sign3A_479 = arith.cmpi slt, %add3A_414, %sign3A_478 : vector<16xi32>
    %sign3A_480 = arith.extui %sign3A_479 : vector<16xi1> to vector<16xi32>
    %sign3A_481 = arith.subi %sign3A_476, %sign3A_480 : vector<16xi32>
    %sign3A_482 = arith.constant 0 : i32
    %sign3A_483 = arith.cmpi sgt, %jit3A_470, %sign3A_482 : i32
    %sign3A_484 = arith.extui %sign3A_483 : i1 to i32
    %sign3A_485 = arith.constant 0 : i32
    %sign3A_486 = arith.cmpi slt, %jit3A_470, %sign3A_485 : i32
    %sign3A_487 = arith.extui %sign3A_486 : i1 to i32
    %sign3A_488 = arith.subi %sign3A_484, %sign3A_487 : i32
    %ne3A_489 = vector.broadcast %sign3A_488 : i32 to vector<16xi32>
    %ne3A_490 = arith.cmpi ne, %sign3A_481, %ne3A_489 : vector<16xi32>
    %rem3A_491 = vector.broadcast %jit3A_470 : i32 to vector<16xi32>
    %rem3A_492 = arith.remsi %add3A_414, %rem3A_491 : vector<16xi32>
    %ne3A_493 = arith.constant 0 : i32
    %ne3A_494 = vector.broadcast %ne3A_493 : i32 to vector<16xi32>
    %ne3A_495 = arith.cmpi ne, %rem3A_492, %ne3A_494 : vector<16xi32>
    %and3A_496 = arith.andi %ne3A_490, %ne3A_495 : vector<16xi1>
    %sub3A_497 = arith.constant 1 : i32
    %sub3A_498 = vector.broadcast %sub3A_497 : i32 to vector<16xi32>
    %sub3A_499 = arith.subi %div3A_472, %sub3A_498 : vector<16xi32>
    %select_n3A_500 = arith.select %and3A_496, %sub3A_499, %div3A_472 : vector<16xi1>, vector<16xi32>
    %jit3A_501 = arith.constant 128 : i32
    %eq3A_502 = arith.constant 0 : i32
    %eq3A_503 = arith.cmpi eq, %jit3A_501, %eq3A_502 : i32
    %jit3A_504 = arith.constant 1 : i32
    %select_n3A_505 = arith.select %eq3A_503, %jit3A_504, %jit3A_501 : i32
    %rem3A_506 = vector.broadcast %select_n3A_505 : i32 to vector<16xi32>
    %rem3A_507 = arith.remsi %add3A_414, %rem3A_506 : vector<16xi32>
    %ne3A_508 = arith.constant 0 : i32
    %ne3A_509 = vector.broadcast %ne3A_508 : i32 to vector<16xi32>
    %ne3A_510 = arith.cmpi ne, %rem3A_507, %ne3A_509 : vector<16xi32>
    %lt3A_511 = arith.constant 0 : i32
    %lt3A_512 = vector.broadcast %lt3A_511 : i32 to vector<16xi32>
    %lt3A_513 = arith.cmpi slt, %rem3A_507, %lt3A_512 : vector<16xi32>
    %lt3A_514 = arith.constant 0 : i32
    %lt3A_515 = arith.cmpi slt, %select_n3A_505, %lt3A_514 : i32
    %ne3A_516 = vector.broadcast %lt3A_515 : i1 to vector<16xi1>
    %ne3A_517 = vector.broadcast %ne3A_516 : vector<16xi1> to vector<16xi1>
    %ne3A_518 = arith.xori %lt3A_513, %ne3A_517 : vector<16xi1>
    %and3A_519 = arith.andi %ne3A_518, %ne3A_510 : vector<16xi1>
    %add3A_520 = vector.broadcast %select_n3A_505 : i32 to vector<16xi32>
    %add3A_521 = arith.addi %rem3A_507, %add3A_520 : vector<16xi32>
    %select_n3A_522 = arith.select %and3A_519, %add3A_521, %rem3A_507 : vector<16xi1>, vector<16xi32>
    tpu.vector_store_idx %arg9[%select_n3A_500, %select_n3A_522], %gather3A_71 masked %lt3A_416 : memref<25x128xi32, #tpu.memory_space<vmem>>[vector<16xi32>, vector<16xi32>], vector<16xi32>, vector<16xi1>
    %add3A_523 = arith.constant 64 : i32
    %add3A_524 = arith.addi %scan3A_7, %add3A_523 : i32
    %iota3A_525 = tpu.iota {dimensions = array<i32: 0>} : vector<16xi32>
    %add3A_526 = vector.broadcast %add3A_524 : i32 to vector<16xi32>
    %add3A_527 = arith.addi %add3A_526, %iota3A_525 : vector<16xi32>
    %lt3A_528 = vector.broadcast %mul3A_28 : i32 to vector<16xi32>
    %lt3A_529 = arith.cmpi slt, %add3A_527, %lt3A_528 : vector<16xi32>
    %jit3A_530 = arith.constant 128 : i32
    %div3A_531 = vector.broadcast %jit3A_530 : i32 to vector<16xi32>
    %div3A_532 = arith.divsi %add3A_527, %div3A_531 : vector<16xi32>
    %sign3A_533 = arith.constant 0 : i32
    %sign3A_534 = vector.broadcast %sign3A_533 : i32 to vector<16xi32>
    %sign3A_535 = arith.cmpi sgt, %add3A_527, %sign3A_534 : vector<16xi32>
    %sign3A_536 = arith.extui %sign3A_535 : vector<16xi1> to vector<16xi32>
    %sign3A_537 = arith.constant 0 : i32
    %sign3A_538 = vector.broadcast %sign3A_537 : i32 to vector<16xi32>
    %sign3A_539 = arith.cmpi slt, %add3A_527, %sign3A_538 : vector<16xi32>
    %sign3A_540 = arith.extui %sign3A_539 : vector<16xi1> to vector<16xi32>
    %sign3A_541 = arith.subi %sign3A_536, %sign3A_540 : vector<16xi32>
    %sign3A_542 = arith.constant 0 : i32
    %sign3A_543 = arith.cmpi sgt, %jit3A_530, %sign3A_542 : i32
    %sign3A_544 = arith.extui %sign3A_543 : i1 to i32
    %sign3A_545 = arith.constant 0 : i32
    %sign3A_546 = arith.cmpi slt, %jit3A_530, %sign3A_545 : i32
    %sign3A_547 = arith.extui %sign3A_546 : i1 to i32
    %sign3A_548 = arith.subi %sign3A_544, %sign3A_547 : i32
    %ne3A_549 = vector.broadcast %sign3A_548 : i32 to vector<16xi32>
    %ne3A_550 = arith.cmpi ne, %sign3A_541, %ne3A_549 : vector<16xi32>
    %rem3A_551 = vector.broadcast %jit3A_530 : i32 to vector<16xi32>
    %rem3A_552 = arith.remsi %add3A_527, %rem3A_551 : vector<16xi32>
    %ne3A_553 = arith.constant 0 : i32
    %ne3A_554 = vector.broadcast %ne3A_553 : i32 to vector<16xi32>
    %ne3A_555 = arith.cmpi ne, %rem3A_552, %ne3A_554 : vector<16xi32>
    %and3A_556 = arith.andi %ne3A_550, %ne3A_555 : vector<16xi1>
    %sub3A_557 = arith.constant 1 : i32
    %sub3A_558 = vector.broadcast %sub3A_557 : i32 to vector<16xi32>
    %sub3A_559 = arith.subi %div3A_532, %sub3A_558 : vector<16xi32>
    %select_n3A_560 = arith.select %and3A_556, %sub3A_559, %div3A_532 : vector<16xi1>, vector<16xi32>
    %jit3A_561 = arith.constant 128 : i32
    %eq3A_562 = arith.constant 0 : i32
    %eq3A_563 = arith.cmpi eq, %jit3A_561, %eq3A_562 : i32
    %jit3A_564 = arith.constant 1 : i32
    %select_n3A_565 = arith.select %eq3A_563, %jit3A_564, %jit3A_561 : i32
    %rem3A_566 = vector.broadcast %select_n3A_565 : i32 to vector<16xi32>
    %rem3A_567 = arith.remsi %add3A_527, %rem3A_566 : vector<16xi32>
    %ne3A_568 = arith.constant 0 : i32
    %ne3A_569 = vector.broadcast %ne3A_568 : i32 to vector<16xi32>
    %ne3A_570 = arith.cmpi ne, %rem3A_567, %ne3A_569 : vector<16xi32>
    %lt3A_571 = arith.constant 0 : i32
    %lt3A_572 = vector.broadcast %lt3A_571 : i32 to vector<16xi32>
    %lt3A_573 = arith.cmpi slt, %rem3A_567, %lt3A_572 : vector<16xi32>
    %lt3A_574 = arith.constant 0 : i32
    %lt3A_575 = arith.cmpi slt, %select_n3A_565, %lt3A_574 : i32
    %ne3A_576 = vector.broadcast %lt3A_575 : i1 to vector<16xi1>
    %ne3A_577 = vector.broadcast %ne3A_576 : vector<16xi1> to vector<16xi1>
    %ne3A_578 = arith.xori %lt3A_573, %ne3A_577 : vector<16xi1>
    %and3A_579 = arith.andi %ne3A_578, %ne3A_570 : vector<16xi1>
    %add3A_580 = vector.broadcast %select_n3A_565 : i32 to vector<16xi32>
    %add3A_581 = arith.addi %rem3A_567, %add3A_580 : vector<16xi32>
    %select_n3A_582 = arith.select %and3A_579, %add3A_581, %rem3A_567 : vector<16xi1>, vector<16xi32>
    tpu.vector_store_idx %arg8[%select_n3A_560, %select_n3A_582], %gather3A masked %lt3A_529 : memref<25x128xi32, #tpu.memory_space<vmem>>[vector<16xi32>, vector<16xi32>], vector<16xi32>, vector<16xi1>
    %jit3A_583 = arith.constant 128 : i32
    %div3A_584 = vector.broadcast %jit3A_583 : i32 to vector<16xi32>
    %div3A_585 = arith.divsi %add3A_527, %div3A_584 : vector<16xi32>
    %sign3A_586 = arith.constant 0 : i32
    %sign3A_587 = vector.broadcast %sign3A_586 : i32 to vector<16xi32>
    %sign3A_588 = arith.cmpi sgt, %add3A_527, %sign3A_587 : vector<16xi32>
    %sign3A_589 = arith.extui %sign3A_588 : vector<16xi1> to vector<16xi32>
    %sign3A_590 = arith.constant 0 : i32
    %sign3A_591 = vector.broadcast %sign3A_590 : i32 to vector<16xi32>
    %sign3A_592 = arith.cmpi slt, %add3A_527, %sign3A_591 : vector<16xi32>
    %sign3A_593 = arith.extui %sign3A_592 : vector<16xi1> to vector<16xi32>
    %sign3A_594 = arith.subi %sign3A_589, %sign3A_593 : vector<16xi32>
    %sign3A_595 = arith.constant 0 : i32
    %sign3A_596 = arith.cmpi sgt, %jit3A_583, %sign3A_595 : i32
    %sign3A_597 = arith.extui %sign3A_596 : i1 to i32
    %sign3A_598 = arith.constant 0 : i32
    %sign3A_599 = arith.cmpi slt, %jit3A_583, %sign3A_598 : i32
    %sign3A_600 = arith.extui %sign3A_599 : i1 to i32
    %sign3A_601 = arith.subi %sign3A_597, %sign3A_600 : i32
    %ne3A_602 = vector.broadcast %sign3A_601 : i32 to vector<16xi32>
    %ne3A_603 = arith.cmpi ne, %sign3A_594, %ne3A_602 : vector<16xi32>
    %rem3A_604 = vector.broadcast %jit3A_583 : i32 to vector<16xi32>
    %rem3A_605 = arith.remsi %add3A_527, %rem3A_604 : vector<16xi32>
    %ne3A_606 = arith.constant 0 : i32
    %ne3A_607 = vector.broadcast %ne3A_606 : i32 to vector<16xi32>
    %ne3A_608 = arith.cmpi ne, %rem3A_605, %ne3A_607 : vector<16xi32>
    %and3A_609 = arith.andi %ne3A_603, %ne3A_608 : vector<16xi1>
    %sub3A_610 = arith.constant 1 : i32
    %sub3A_611 = vector.broadcast %sub3A_610 : i32 to vector<16xi32>
    %sub3A_612 = arith.subi %div3A_585, %sub3A_611 : vector<16xi32>
    %select_n3A_613 = arith.select %and3A_609, %sub3A_612, %div3A_585 : vector<16xi1>, vector<16xi32>
    %jit3A_614 = arith.constant 128 : i32
    %eq3A_615 = arith.constant 0 : i32
    %eq3A_616 = arith.cmpi eq, %jit3A_614, %eq3A_615 : i32
    %jit3A_617 = arith.constant 1 : i32
    %select_n3A_618 = arith.select %eq3A_616, %jit3A_617, %jit3A_614 : i32
    %rem3A_619 = vector.broadcast %select_n3A_618 : i32 to vector<16xi32>
    %rem3A_620 = arith.remsi %add3A_527, %rem3A_619 : vector<16xi32>
    %ne3A_621 = arith.constant 0 : i32
    %ne3A_622 = vector.broadcast %ne3A_621 : i32 to vector<16xi32>
    %ne3A_623 = arith.cmpi ne, %rem3A_620, %ne3A_622 : vector<16xi32>
    %lt3A_624 = arith.constant 0 : i32
    %lt3A_625 = vector.broadcast %lt3A_624 : i32 to vector<16xi32>
    %lt3A_626 = arith.cmpi slt, %rem3A_620, %lt3A_625 : vector<16xi32>
    %lt3A_627 = arith.constant 0 : i32
    %lt3A_628 = arith.cmpi slt, %select_n3A_618, %lt3A_627 : i32
    %ne3A_629 = vector.broadcast %lt3A_628 : i1 to vector<16xi1>
    %ne3A_630 = vector.broadcast %ne3A_629 : vector<16xi1> to vector<16xi1>
    %ne3A_631 = arith.xori %lt3A_626, %ne3A_630 : vector<16xi1>
    %and3A_632 = arith.andi %ne3A_631, %ne3A_623 : vector<16xi1>
    %add3A_633 = vector.broadcast %select_n3A_618 : i32 to vector<16xi32>
    %add3A_634 = arith.addi %rem3A_620, %add3A_633 : vector<16xi32>
    %select_n3A_635 = arith.select %and3A_632, %add3A_634, %rem3A_620 : vector<16xi1>, vector<16xi32>
    tpu.vector_store_idx %arg9[%select_n3A_613, %select_n3A_635], %gather3A_71 masked %lt3A_529 : memref<25x128xi32, #tpu.memory_space<vmem>>[vector<16xi32>, vector<16xi32>], vector<16xi32>, vector<16xi1>
    %add3A_636 = arith.constant 80 : i32
    %add3A_637 = arith.addi %scan3A_7, %add3A_636 : i32
    %iota3A_638 = tpu.iota {dimensions = array<i32: 0>} : vector<16xi32>
    %add3A_639 = vector.broadcast %add3A_637 : i32 to vector<16xi32>
    %add3A_640 = arith.addi %add3A_639, %iota3A_638 : vector<16xi32>
    %lt3A_641 = vector.broadcast %mul3A_28 : i32 to vector<16xi32>
    %lt3A_642 = arith.cmpi slt, %add3A_640, %lt3A_641 : vector<16xi32>
    %jit3A_643 = arith.constant 128 : i32
    %div3A_644 = vector.broadcast %jit3A_643 : i32 to vector<16xi32>
    %div3A_645 = arith.divsi %add3A_640, %div3A_644 : vector<16xi32>
    %sign3A_646 = arith.constant 0 : i32
    %sign3A_647 = vector.broadcast %sign3A_646 : i32 to vector<16xi32>
    %sign3A_648 = arith.cmpi sgt, %add3A_640, %sign3A_647 : vector<16xi32>
    %sign3A_649 = arith.extui %sign3A_648 : vector<16xi1> to vector<16xi32>
    %sign3A_650 = arith.constant 0 : i32
    %sign3A_651 = vector.broadcast %sign3A_650 : i32 to vector<16xi32>
    %sign3A_652 = arith.cmpi slt, %add3A_640, %sign3A_651 : vector<16xi32>
    %sign3A_653 = arith.extui %sign3A_652 : vector<16xi1> to vector<16xi32>
    %sign3A_654 = arith.subi %sign3A_649, %sign3A_653 : vector<16xi32>
    %sign3A_655 = arith.constant 0 : i32
    %sign3A_656 = arith.cmpi sgt, %jit3A_643, %sign3A_655 : i32
    %sign3A_657 = arith.extui %sign3A_656 : i1 to i32
    %sign3A_658 = arith.constant 0 : i32
    %sign3A_659 = arith.cmpi slt, %jit3A_643, %sign3A_658 : i32
    %sign3A_660 = arith.extui %sign3A_659 : i1 to i32
    %sign3A_661 = arith.subi %sign3A_657, %sign3A_660 : i32
    %ne3A_662 = vector.broadcast %sign3A_661 : i32 to vector<16xi32>
    %ne3A_663 = arith.cmpi ne, %sign3A_654, %ne3A_662 : vector<16xi32>
    %rem3A_664 = vector.broadcast %jit3A_643 : i32 to vector<16xi32>
    %rem3A_665 = arith.remsi %add3A_640, %rem3A_664 : vector<16xi32>
    %ne3A_666 = arith.constant 0 : i32
    %ne3A_667 = vector.broadcast %ne3A_666 : i32 to vector<16xi32>
    %ne3A_668 = arith.cmpi ne, %rem3A_665, %ne3A_667 : vector<16xi32>
    %and3A_669 = arith.andi %ne3A_663, %ne3A_668 : vector<16xi1>
    %sub3A_670 = arith.constant 1 : i32
    %sub3A_671 = vector.broadcast %sub3A_670 : i32 to vector<16xi32>
    %sub3A_672 = arith.subi %div3A_645, %sub3A_671 : vector<16xi32>
    %select_n3A_673 = arith.select %and3A_669, %sub3A_672, %div3A_645 : vector<16xi1>, vector<16xi32>
    %jit3A_674 = arith.constant 128 : i32
    %eq3A_675 = arith.constant 0 : i32
    %eq3A_676 = arith.cmpi eq, %jit3A_674, %eq3A_675 : i32
    %jit3A_677 = arith.constant 1 : i32
    %select_n3A_678 = arith.select %eq3A_676, %jit3A_677, %jit3A_674 : i32
    %rem3A_679 = vector.broadcast %select_n3A_678 : i32 to vector<16xi32>
    %rem3A_680 = arith.remsi %add3A_640, %rem3A_679 : vector<16xi32>
    %ne3A_681 = arith.constant 0 : i32
    %ne3A_682 = vector.broadcast %ne3A_681 : i32 to vector<16xi32>
    %ne3A_683 = arith.cmpi ne, %rem3A_680, %ne3A_682 : vector<16xi32>
    %lt3A_684 = arith.constant 0 : i32
    %lt3A_685 = vector.broadcast %lt3A_684 : i32 to vector<16xi32>
    %lt3A_686 = arith.cmpi slt, %rem3A_680, %lt3A_685 : vector<16xi32>
    %lt3A_687 = arith.constant 0 : i32
    %lt3A_688 = arith.cmpi slt, %select_n3A_678, %lt3A_687 : i32
    %ne3A_689 = vector.broadcast %lt3A_688 : i1 to vector<16xi1>
    %ne3A_690 = vector.broadcast %ne3A_689 : vector<16xi1> to vector<16xi1>
    %ne3A_691 = arith.xori %lt3A_686, %ne3A_690 : vector<16xi1>
    %and3A_692 = arith.andi %ne3A_691, %ne3A_683 : vector<16xi1>
    %add3A_693 = vector.broadcast %select_n3A_678 : i32 to vector<16xi32>
    %add3A_694 = arith.addi %rem3A_680, %add3A_693 : vector<16xi32>
    %select_n3A_695 = arith.select %and3A_692, %add3A_694, %rem3A_680 : vector<16xi1>, vector<16xi32>
    tpu.vector_store_idx %arg8[%select_n3A_673, %select_n3A_695], %gather3A masked %lt3A_642 : memref<25x128xi32, #tpu.memory_space<vmem>>[vector<16xi32>, vector<16xi32>], vector<16xi32>, vector<16xi1>
    %jit3A_696 = arith.constant 128 : i32
    %div3A_697 = vector.broadcast %jit3A_696 : i32 to vector<16xi32>
    %div3A_698 = arith.divsi %add3A_640, %div3A_697 : vector<16xi32>
    %sign3A_699 = arith.constant 0 : i32
    %sign3A_700 = vector.broadcast %sign3A_699 : i32 to vector<16xi32>
    %sign3A_701 = arith.cmpi sgt, %add3A_640, %sign3A_700 : vector<16xi32>
    %sign3A_702 = arith.extui %sign3A_701 : vector<16xi1> to vector<16xi32>
    %sign3A_703 = arith.constant 0 : i32
    %sign3A_704 = vector.broadcast %sign3A_703 : i32 to vector<16xi32>
    %sign3A_705 = arith.cmpi slt, %add3A_640, %sign3A_704 : vector<16xi32>
    %sign3A_706 = arith.extui %sign3A_705 : vector<16xi1> to vector<16xi32>
    %sign3A_707 = arith.subi %sign3A_702, %sign3A_706 : vector<16xi32>
    %sign3A_708 = arith.constant 0 : i32
    %sign3A_709 = arith.cmpi sgt, %jit3A_696, %sign3A_708 : i32
    %sign3A_710 = arith.extui %sign3A_709 : i1 to i32
    %sign3A_711 = arith.constant 0 : i32
    %sign3A_712 = arith.cmpi slt, %jit3A_696, %sign3A_711 : i32
    %sign3A_713 = arith.extui %sign3A_712 : i1 to i32
    %sign3A_714 = arith.subi %sign3A_710, %sign3A_713 : i32
    %ne3A_715 = vector.broadcast %sign3A_714 : i32 to vector<16xi32>
    %ne3A_716 = arith.cmpi ne, %sign3A_707, %ne3A_715 : vector<16xi32>
    %rem3A_717 = vector.broadcast %jit3A_696 : i32 to vector<16xi32>
    %rem3A_718 = arith.remsi %add3A_640, %rem3A_717 : vector<16xi32>
    %ne3A_719 = arith.constant 0 : i32
    %ne3A_720 = vector.broadcast %ne3A_719 : i32 to vector<16xi32>
    %ne3A_721 = arith.cmpi ne, %rem3A_718, %ne3A_720 : vector<16xi32>
    %and3A_722 = arith.andi %ne3A_716, %ne3A_721 : vector<16xi1>
    %sub3A_723 = arith.constant 1 : i32
    %sub3A_724 = vector.broadcast %sub3A_723 : i32 to vector<16xi32>
    %sub3A_725 = arith.subi %div3A_698, %sub3A_724 : vector<16xi32>
    %select_n3A_726 = arith.select %and3A_722, %sub3A_725, %div3A_698 : vector<16xi1>, vector<16xi32>
    %jit3A_727 = arith.constant 128 : i32
    %eq3A_728 = arith.constant 0 : i32
    %eq3A_729 = arith.cmpi eq, %jit3A_727, %eq3A_728 : i32
    %jit3A_730 = arith.constant 1 : i32
    %select_n3A_731 = arith.select %eq3A_729, %jit3A_730, %jit3A_727 : i32
    %rem3A_732 = vector.broadcast %select_n3A_731 : i32 to vector<16xi32>
    %rem3A_733 = arith.remsi %add3A_640, %rem3A_732 : vector<16xi32>
    %ne3A_734 = arith.constant 0 : i32
    %ne3A_735 = vector.broadcast %ne3A_734 : i32 to vector<16xi32>
    %ne3A_736 = arith.cmpi ne, %rem3A_733, %ne3A_735 : vector<16xi32>
    %lt3A_737 = arith.constant 0 : i32
    %lt3A_738 = vector.broadcast %lt3A_737 : i32 to vector<16xi32>
    %lt3A_739 = arith.cmpi slt, %rem3A_733, %lt3A_738 : vector<16xi32>
    %lt3A_740 = arith.constant 0 : i32
    %lt3A_741 = arith.cmpi slt, %select_n3A_731, %lt3A_740 : i32
    %ne3A_742 = vector.broadcast %lt3A_741 : i1 to vector<16xi1>
    %ne3A_743 = vector.broadcast %ne3A_742 : vector<16xi1> to vector<16xi1>
    %ne3A_744 = arith.xori %lt3A_739, %ne3A_743 : vector<16xi1>
    %and3A_745 = arith.andi %ne3A_744, %ne3A_736 : vector<16xi1>
    %add3A_746 = vector.broadcast %select_n3A_731 : i32 to vector<16xi32>
    %add3A_747 = arith.addi %rem3A_733, %add3A_746 : vector<16xi32>
    %select_n3A_748 = arith.select %and3A_745, %add3A_747, %rem3A_733 : vector<16xi1>, vector<16xi32>
    tpu.vector_store_idx %arg9[%select_n3A_726, %select_n3A_748], %gather3A_71 masked %lt3A_642 : memref<25x128xi32, #tpu.memory_space<vmem>>[vector<16xi32>, vector<16xi32>], vector<16xi32>, vector<16xi1>
    %add3A_749 = arith.constant 96 : i32
    %add3A_750 = arith.addi %scan3A_7, %add3A_749 : i32
    %iota3A_751 = tpu.iota {dimensions = array<i32: 0>} : vector<16xi32>
    %add3A_752 = vector.broadcast %add3A_750 : i32 to vector<16xi32>
    %add3A_753 = arith.addi %add3A_752, %iota3A_751 : vector<16xi32>
    %lt3A_754 = vector.broadcast %mul3A_28 : i32 to vector<16xi32>
    %lt3A_755 = arith.cmpi slt, %add3A_753, %lt3A_754 : vector<16xi32>
    %jit3A_756 = arith.constant 128 : i32
    %div3A_757 = vector.broadcast %jit3A_756 : i32 to vector<16xi32>
    %div3A_758 = arith.divsi %add3A_753, %div3A_757 : vector<16xi32>
    %sign3A_759 = arith.constant 0 : i32
    %sign3A_760 = vector.broadcast %sign3A_759 : i32 to vector<16xi32>
    %sign3A_761 = arith.cmpi sgt, %add3A_753, %sign3A_760 : vector<16xi32>
    %sign3A_762 = arith.extui %sign3A_761 : vector<16xi1> to vector<16xi32>
    %sign3A_763 = arith.constant 0 : i32
    %sign3A_764 = vector.broadcast %sign3A_763 : i32 to vector<16xi32>
    %sign3A_765 = arith.cmpi slt, %add3A_753, %sign3A_764 : vector<16xi32>
    %sign3A_766 = arith.extui %sign3A_765 : vector<16xi1> to vector<16xi32>
    %sign3A_767 = arith.subi %sign3A_762, %sign3A_766 : vector<16xi32>
    %sign3A_768 = arith.constant 0 : i32
    %sign3A_769 = arith.cmpi sgt, %jit3A_756, %sign3A_768 : i32
    %sign3A_770 = arith.extui %sign3A_769 : i1 to i32
    %sign3A_771 = arith.constant 0 : i32
    %sign3A_772 = arith.cmpi slt, %jit3A_756, %sign3A_771 : i32
    %sign3A_773 = arith.extui %sign3A_772 : i1 to i32
    %sign3A_774 = arith.subi %sign3A_770, %sign3A_773 : i32
    %ne3A_775 = vector.broadcast %sign3A_774 : i32 to vector<16xi32>
    %ne3A_776 = arith.cmpi ne, %sign3A_767, %ne3A_775 : vector<16xi32>
    %rem3A_777 = vector.broadcast %jit3A_756 : i32 to vector<16xi32>
    %rem3A_778 = arith.remsi %add3A_753, %rem3A_777 : vector<16xi32>
    %ne3A_779 = arith.constant 0 : i32
    %ne3A_780 = vector.broadcast %ne3A_779 : i32 to vector<16xi32>
    %ne3A_781 = arith.cmpi ne, %rem3A_778, %ne3A_780 : vector<16xi32>
    %and3A_782 = arith.andi %ne3A_776, %ne3A_781 : vector<16xi1>
    %sub3A_783 = arith.constant 1 : i32
    %sub3A_784 = vector.broadcast %sub3A_783 : i32 to vector<16xi32>
    %sub3A_785 = arith.subi %div3A_758, %sub3A_784 : vector<16xi32>
    %select_n3A_786 = arith.select %and3A_782, %sub3A_785, %div3A_758 : vector<16xi1>, vector<16xi32>
    %jit3A_787 = arith.constant 128 : i32
    %eq3A_788 = arith.constant 0 : i32
    %eq3A_789 = arith.cmpi eq, %jit3A_787, %eq3A_788 : i32
    %jit3A_790 = arith.constant 1 : i32
    %select_n3A_791 = arith.select %eq3A_789, %jit3A_790, %jit3A_787 : i32
    %rem3A_792 = vector.broadcast %select_n3A_791 : i32 to vector<16xi32>
    %rem3A_793 = arith.remsi %add3A_753, %rem3A_792 : vector<16xi32>
    %ne3A_794 = arith.constant 0 : i32
    %ne3A_795 = vector.broadcast %ne3A_794 : i32 to vector<16xi32>
    %ne3A_796 = arith.cmpi ne, %rem3A_793, %ne3A_795 : vector<16xi32>
    %lt3A_797 = arith.constant 0 : i32
    %lt3A_798 = vector.broadcast %lt3A_797 : i32 to vector<16xi32>
    %lt3A_799 = arith.cmpi slt, %rem3A_793, %lt3A_798 : vector<16xi32>
    %lt3A_800 = arith.constant 0 : i32
    %lt3A_801 = arith.cmpi slt, %select_n3A_791, %lt3A_800 : i32
    %ne3A_802 = vector.broadcast %lt3A_801 : i1 to vector<16xi1>
    %ne3A_803 = vector.broadcast %ne3A_802 : vector<16xi1> to vector<16xi1>
    %ne3A_804 = arith.xori %lt3A_799, %ne3A_803 : vector<16xi1>
    %and3A_805 = arith.andi %ne3A_804, %ne3A_796 : vector<16xi1>
    %add3A_806 = vector.broadcast %select_n3A_791 : i32 to vector<16xi32>
    %add3A_807 = arith.addi %rem3A_793, %add3A_806 : vector<16xi32>
    %select_n3A_808 = arith.select %and3A_805, %add3A_807, %rem3A_793 : vector<16xi1>, vector<16xi32>
    tpu.vector_store_idx %arg8[%select_n3A_786, %select_n3A_808], %gather3A masked %lt3A_755 : memref<25x128xi32, #tpu.memory_space<vmem>>[vector<16xi32>, vector<16xi32>], vector<16xi32>, vector<16xi1>
    %jit3A_809 = arith.constant 128 : i32
    %div3A_810 = vector.broadcast %jit3A_809 : i32 to vector<16xi32>
    %div3A_811 = arith.divsi %add3A_753, %div3A_810 : vector<16xi32>
    %sign3A_812 = arith.constant 0 : i32
    %sign3A_813 = vector.broadcast %sign3A_812 : i32 to vector<16xi32>
    %sign3A_814 = arith.cmpi sgt, %add3A_753, %sign3A_813 : vector<16xi32>
    %sign3A_815 = arith.extui %sign3A_814 : vector<16xi1> to vector<16xi32>
    %sign3A_816 = arith.constant 0 : i32
    %sign3A_817 = vector.broadcast %sign3A_816 : i32 to vector<16xi32>
    %sign3A_818 = arith.cmpi slt, %add3A_753, %sign3A_817 : vector<16xi32>
    %sign3A_819 = arith.extui %sign3A_818 : vector<16xi1> to vector<16xi32>
    %sign3A_820 = arith.subi %sign3A_815, %sign3A_819 : vector<16xi32>
    %sign3A_821 = arith.constant 0 : i32
    %sign3A_822 = arith.cmpi sgt, %jit3A_809, %sign3A_821 : i32
    %sign3A_823 = arith.extui %sign3A_822 : i1 to i32
    %sign3A_824 = arith.constant 0 : i32
    %sign3A_825 = arith.cmpi slt, %jit3A_809, %sign3A_824 : i32
    %sign3A_826 = arith.extui %sign3A_825 : i1 to i32
    %sign3A_827 = arith.subi %sign3A_823, %sign3A_826 : i32
    %ne3A_828 = vector.broadcast %sign3A_827 : i32 to vector<16xi32>
    %ne3A_829 = arith.cmpi ne, %sign3A_820, %ne3A_828 : vector<16xi32>
    %rem3A_830 = vector.broadcast %jit3A_809 : i32 to vector<16xi32>
    %rem3A_831 = arith.remsi %add3A_753, %rem3A_830 : vector<16xi32>
    %ne3A_832 = arith.constant 0 : i32
    %ne3A_833 = vector.broadcast %ne3A_832 : i32 to vector<16xi32>
    %ne3A_834 = arith.cmpi ne, %rem3A_831, %ne3A_833 : vector<16xi32>
    %and3A_835 = arith.andi %ne3A_829, %ne3A_834 : vector<16xi1>
    %sub3A_836 = arith.constant 1 : i32
    %sub3A_837 = vector.broadcast %sub3A_836 : i32 to vector<16xi32>
    %sub3A_838 = arith.subi %div3A_811, %sub3A_837 : vector<16xi32>
    %select_n3A_839 = arith.select %and3A_835, %sub3A_838, %div3A_811 : vector<16xi1>, vector<16xi32>
    %jit3A_840 = arith.constant 128 : i32
    %eq3A_841 = arith.constant 0 : i32
    %eq3A_842 = arith.cmpi eq, %jit3A_840, %eq3A_841 : i32
    %jit3A_843 = arith.constant 1 : i32
    %select_n3A_844 = arith.select %eq3A_842, %jit3A_843, %jit3A_840 : i32
    %rem3A_845 = vector.broadcast %select_n3A_844 : i32 to vector<16xi32>
    %rem3A_846 = arith.remsi %add3A_753, %rem3A_845 : vector<16xi32>
    %ne3A_847 = arith.constant 0 : i32
    %ne3A_848 = vector.broadcast %ne3A_847 : i32 to vector<16xi32>
    %ne3A_849 = arith.cmpi ne, %rem3A_846, %ne3A_848 : vector<16xi32>
    %lt3A_850 = arith.constant 0 : i32
    %lt3A_851 = vector.broadcast %lt3A_850 : i32 to vector<16xi32>
    %lt3A_852 = arith.cmpi slt, %rem3A_846, %lt3A_851 : vector<16xi32>
    %lt3A_853 = arith.constant 0 : i32
    %lt3A_854 = arith.cmpi slt, %select_n3A_844, %lt3A_853 : i32
    %ne3A_855 = vector.broadcast %lt3A_854 : i1 to vector<16xi1>
    %ne3A_856 = vector.broadcast %ne3A_855 : vector<16xi1> to vector<16xi1>
    %ne3A_857 = arith.xori %lt3A_852, %ne3A_856 : vector<16xi1>
    %and3A_858 = arith.andi %ne3A_857, %ne3A_849 : vector<16xi1>
    %add3A_859 = vector.broadcast %select_n3A_844 : i32 to vector<16xi32>
    %add3A_860 = arith.addi %rem3A_846, %add3A_859 : vector<16xi32>
    %select_n3A_861 = arith.select %and3A_858, %add3A_860, %rem3A_846 : vector<16xi1>, vector<16xi32>
    tpu.vector_store_idx %arg9[%select_n3A_839, %select_n3A_861], %gather3A_71 masked %lt3A_755 : memref<25x128xi32, #tpu.memory_space<vmem>>[vector<16xi32>, vector<16xi32>], vector<16xi32>, vector<16xi1>
    %add3A_862 = arith.constant 112 : i32
    %add3A_863 = arith.addi %scan3A_7, %add3A_862 : i32
    %iota3A_864 = tpu.iota {dimensions = array<i32: 0>} : vector<16xi32>
    %add3A_865 = vector.broadcast %add3A_863 : i32 to vector<16xi32>
    %add3A_866 = arith.addi %add3A_865, %iota3A_864 : vector<16xi32>
    %lt3A_867 = vector.broadcast %mul3A_28 : i32 to vector<16xi32>
    %lt3A_868 = arith.cmpi slt, %add3A_866, %lt3A_867 : vector<16xi32>
    %jit3A_869 = arith.constant 128 : i32
    %div3A_870 = vector.broadcast %jit3A_869 : i32 to vector<16xi32>
    %div3A_871 = arith.divsi %add3A_866, %div3A_870 : vector<16xi32>
    %sign3A_872 = arith.constant 0 : i32
    %sign3A_873 = vector.broadcast %sign3A_872 : i32 to vector<16xi32>
    %sign3A_874 = arith.cmpi sgt, %add3A_866, %sign3A_873 : vector<16xi32>
    %sign3A_875 = arith.extui %sign3A_874 : vector<16xi1> to vector<16xi32>
    %sign3A_876 = arith.constant 0 : i32
    %sign3A_877 = vector.broadcast %sign3A_876 : i32 to vector<16xi32>
    %sign3A_878 = arith.cmpi slt, %add3A_866, %sign3A_877 : vector<16xi32>
    %sign3A_879 = arith.extui %sign3A_878 : vector<16xi1> to vector<16xi32>
    %sign3A_880 = arith.subi %sign3A_875, %sign3A_879 : vector<16xi32>
    %sign3A_881 = arith.constant 0 : i32
    %sign3A_882 = arith.cmpi sgt, %jit3A_869, %sign3A_881 : i32
    %sign3A_883 = arith.extui %sign3A_882 : i1 to i32
    %sign3A_884 = arith.constant 0 : i32
    %sign3A_885 = arith.cmpi slt, %jit3A_869, %sign3A_884 : i32
    %sign3A_886 = arith.extui %sign3A_885 : i1 to i32
    %sign3A_887 = arith.subi %sign3A_883, %sign3A_886 : i32
    %ne3A_888 = vector.broadcast %sign3A_887 : i32 to vector<16xi32>
    %ne3A_889 = arith.cmpi ne, %sign3A_880, %ne3A_888 : vector<16xi32>
    %rem3A_890 = vector.broadcast %jit3A_869 : i32 to vector<16xi32>
    %rem3A_891 = arith.remsi %add3A_866, %rem3A_890 : vector<16xi32>
    %ne3A_892 = arith.constant 0 : i32
    %ne3A_893 = vector.broadcast %ne3A_892 : i32 to vector<16xi32>
    %ne3A_894 = arith.cmpi ne, %rem3A_891, %ne3A_893 : vector<16xi32>
    %and3A_895 = arith.andi %ne3A_889, %ne3A_894 : vector<16xi1>
    %sub3A_896 = arith.constant 1 : i32
    %sub3A_897 = vector.broadcast %sub3A_896 : i32 to vector<16xi32>
    %sub3A_898 = arith.subi %div3A_871, %sub3A_897 : vector<16xi32>
    %select_n3A_899 = arith.select %and3A_895, %sub3A_898, %div3A_871 : vector<16xi1>, vector<16xi32>
    %jit3A_900 = arith.constant 128 : i32
    %eq3A_901 = arith.constant 0 : i32
    %eq3A_902 = arith.cmpi eq, %jit3A_900, %eq3A_901 : i32
    %jit3A_903 = arith.constant 1 : i32
    %select_n3A_904 = arith.select %eq3A_902, %jit3A_903, %jit3A_900 : i32
    %rem3A_905 = vector.broadcast %select_n3A_904 : i32 to vector<16xi32>
    %rem3A_906 = arith.remsi %add3A_866, %rem3A_905 : vector<16xi32>
    %ne3A_907 = arith.constant 0 : i32
    %ne3A_908 = vector.broadcast %ne3A_907 : i32 to vector<16xi32>
    %ne3A_909 = arith.cmpi ne, %rem3A_906, %ne3A_908 : vector<16xi32>
    %lt3A_910 = arith.constant 0 : i32
    %lt3A_911 = vector.broadcast %lt3A_910 : i32 to vector<16xi32>
    %lt3A_912 = arith.cmpi slt, %rem3A_906, %lt3A_911 : vector<16xi32>
    %lt3A_913 = arith.constant 0 : i32
    %lt3A_914 = arith.cmpi slt, %select_n3A_904, %lt3A_913 : i32
    %ne3A_915 = vector.broadcast %lt3A_914 : i1 to vector<16xi1>
    %ne3A_916 = vector.broadcast %ne3A_915 : vector<16xi1> to vector<16xi1>
    %ne3A_917 = arith.xori %lt3A_912, %ne3A_916 : vector<16xi1>
    %and3A_918 = arith.andi %ne3A_917, %ne3A_909 : vector<16xi1>
    %add3A_919 = vector.broadcast %select_n3A_904 : i32 to vector<16xi32>
    %add3A_920 = arith.addi %rem3A_906, %add3A_919 : vector<16xi32>
    %select_n3A_921 = arith.select %and3A_918, %add3A_920, %rem3A_906 : vector<16xi1>, vector<16xi32>
    tpu.vector_store_idx %arg8[%select_n3A_899, %select_n3A_921], %gather3A masked %lt3A_868 : memref<25x128xi32, #tpu.memory_space<vmem>>[vector<16xi32>, vector<16xi32>], vector<16xi32>, vector<16xi1>
    %jit3A_922 = arith.constant 128 : i32
    %div3A_923 = vector.broadcast %jit3A_922 : i32 to vector<16xi32>
    %div3A_924 = arith.divsi %add3A_866, %div3A_923 : vector<16xi32>
    %sign3A_925 = arith.constant 0 : i32
    %sign3A_926 = vector.broadcast %sign3A_925 : i32 to vector<16xi32>
    %sign3A_927 = arith.cmpi sgt, %add3A_866, %sign3A_926 : vector<16xi32>
    %sign3A_928 = arith.extui %sign3A_927 : vector<16xi1> to vector<16xi32>
    %sign3A_929 = arith.constant 0 : i32
    %sign3A_930 = vector.broadcast %sign3A_929 : i32 to vector<16xi32>
    %sign3A_931 = arith.cmpi slt, %add3A_866, %sign3A_930 : vector<16xi32>
    %sign3A_932 = arith.extui %sign3A_931 : vector<16xi1> to vector<16xi32>
    %sign3A_933 = arith.subi %sign3A_928, %sign3A_932 : vector<16xi32>
    %sign3A_934 = arith.constant 0 : i32
    %sign3A_935 = arith.cmpi sgt, %jit3A_922, %sign3A_934 : i32
    %sign3A_936 = arith.extui %sign3A_935 : i1 to i32
    %sign3A_937 = arith.constant 0 : i32
    %sign3A_938 = arith.cmpi slt, %jit3A_922, %sign3A_937 : i32
    %sign3A_939 = arith.extui %sign3A_938 : i1 to i32
    %sign3A_940 = arith.subi %sign3A_936, %sign3A_939 : i32
    %ne3A_941 = vector.broadcast %sign3A_940 : i32 to vector<16xi32>
    %ne3A_942 = arith.cmpi ne, %sign3A_933, %ne3A_941 : vector<16xi32>
    %rem3A_943 = vector.broadcast %jit3A_922 : i32 to vector<16xi32>
    %rem3A_944 = arith.remsi %add3A_866, %rem3A_943 : vector<16xi32>
    %ne3A_945 = arith.constant 0 : i32
    %ne3A_946 = vector.broadcast %ne3A_945 : i32 to vector<16xi32>
    %ne3A_947 = arith.cmpi ne, %rem3A_944, %ne3A_946 : vector<16xi32>
    %and3A_948 = arith.andi %ne3A_942, %ne3A_947 : vector<16xi1>
    %sub3A_949 = arith.constant 1 : i32
    %sub3A_950 = vector.broadcast %sub3A_949 : i32 to vector<16xi32>
    %sub3A_951 = arith.subi %div3A_924, %sub3A_950 : vector<16xi32>
    %select_n3A_952 = arith.select %and3A_948, %sub3A_951, %div3A_924 : vector<16xi1>, vector<16xi32>
    %jit3A_953 = arith.constant 128 : i32
    %eq3A_954 = arith.constant 0 : i32
    %eq3A_955 = arith.cmpi eq, %jit3A_953, %eq3A_954 : i32
    %jit3A_956 = arith.constant 1 : i32
    %select_n3A_957 = arith.select %eq3A_955, %jit3A_956, %jit3A_953 : i32
    %rem3A_958 = vector.broadcast %select_n3A_957 : i32 to vector<16xi32>
    %rem3A_959 = arith.remsi %add3A_866, %rem3A_958 : vector<16xi32>
    %ne3A_960 = arith.constant 0 : i32
    %ne3A_961 = vector.broadcast %ne3A_960 : i32 to vector<16xi32>
    %ne3A_962 = arith.cmpi ne, %rem3A_959, %ne3A_961 : vector<16xi32>
    %lt3A_963 = arith.constant 0 : i32
    %lt3A_964 = vector.broadcast %lt3A_963 : i32 to vector<16xi32>
    %lt3A_965 = arith.cmpi slt, %rem3A_959, %lt3A_964 : vector<16xi32>
    %lt3A_966 = arith.constant 0 : i32
    %lt3A_967 = arith.cmpi slt, %select_n3A_957, %lt3A_966 : i32
    %ne3A_968 = vector.broadcast %lt3A_967 : i1 to vector<16xi1>
    %ne3A_969 = vector.broadcast %ne3A_968 : vector<16xi1> to vector<16xi1>
    %ne3A_970 = arith.xori %lt3A_965, %ne3A_969 : vector<16xi1>
    %and3A_971 = arith.andi %ne3A_970, %ne3A_962 : vector<16xi1>
    %add3A_972 = vector.broadcast %select_n3A_957 : i32 to vector<16xi32>
    %add3A_973 = arith.addi %rem3A_959, %add3A_972 : vector<16xi32>
    %select_n3A_974 = arith.select %and3A_971, %add3A_973, %rem3A_959 : vector<16xi1>, vector<16xi32>
    tpu.vector_store_idx %arg9[%select_n3A_952, %select_n3A_974], %gather3A_71 masked %lt3A_868 : memref<25x128xi32, #tpu.memory_space<vmem>>[vector<16xi32>, vector<16xi32>], vector<16xi32>, vector<16xi1>
    %jit3A_975 = arith.constant 128 : i32
    %div3A_976 = arith.divsi %mul3A_28, %jit3A_975 : i32
    %sign3A_977 = arith.constant 0 : i32
    %sign3A_978 = arith.cmpi sgt, %mul3A_28, %sign3A_977 : i32
    %sign3A_979 = arith.extui %sign3A_978 : i1 to i32
    %sign3A_980 = arith.constant 0 : i32
    %sign3A_981 = arith.cmpi slt, %mul3A_28, %sign3A_980 : i32
    %sign3A_982 = arith.extui %sign3A_981 : i1 to i32
    %sign3A_983 = arith.subi %sign3A_979, %sign3A_982 : i32
    %sign3A_984 = arith.constant 0 : i32
    %sign3A_985 = arith.cmpi sgt, %jit3A_975, %sign3A_984 : i32
    %sign3A_986 = arith.extui %sign3A_985 : i1 to i32
    %sign3A_987 = arith.constant 0 : i32
    %sign3A_988 = arith.cmpi slt, %jit3A_975, %sign3A_987 : i32
    %sign3A_989 = arith.extui %sign3A_988 : i1 to i32
    %sign3A_990 = arith.subi %sign3A_986, %sign3A_989 : i32
    %ne3A_991 = arith.cmpi ne, %sign3A_983, %sign3A_990 : i32
    %rem3A_992 = arith.remsi %mul3A_28, %jit3A_975 : i32
    %ne3A_993 = arith.constant 0 : i32
    %ne3A_994 = arith.cmpi ne, %rem3A_992, %ne3A_993 : i32
    %and3A_995 = arith.andi %ne3A_991, %ne3A_994 : i1
    %sub3A_996 = arith.constant 1 : i32
    %sub3A_997 = arith.subi %div3A_976, %sub3A_996 : i32
    %select_n3A_998 = arith.select %and3A_995, %sub3A_997, %div3A_976 : i32
    %while3A = arith.constant 0 : i32
    %while3A_999 = arith.constant 0 : i32
    %while3A_1000 = arith.subi %select_n3A_998, %while3A : i32
    %while3A_1001 = arith.addi %while3A, %while3A_1000 : i32
    %while3A_1002 = arith.constant 1 : i32
    %while3A_1003 = arith.divsi %while3A_1000, %while3A_1002 : i32
    %while3A_1004 = arith.muli %while3A_1003, %while3A_1002 : i32
    %while3A_1005 = arith.addi %while3A, %while3A_1004 : i32
    %while3A_1006 = arith.constant 1 : i32
    %while3A_1007 = scf.for %while3A_1010 = %while3A to %while3A_1005 step %while3A_1006 iter_args(%while3A_1011 = %while3A_999) -> (i32)  : i32 {
      %dma_start3A = arith.constant 0 : i32
      %dma_start3A_1012 = tpu.memref_slice %arg9[%while3A_1010, %dma_start3A] : memref<25x128xi32, #tpu.memory_space<vmem>> -> memref<1x128xi32, #tpu.memory_space<vmem>>
      %dma_start3A_1013 = tpu.memref_squeeze %dma_start3A_1012 : memref<1x128xi32, #tpu.memory_space<vmem>> -> memref<128xi32, #tpu.memory_space<vmem>>
      %dma_start3A_1014 = arith.constant 0 : i32
      %dma_start3A_1015 = arith.constant 0 : i32
      %dma_start3A_1016 = tpu.memref_slice %arg2[%dma_start3A_1014, %dma_start3A_1015] : memref<16384x128xf32, #tpu.memory_space<hbm>> -> memref<16384x128xf32, #tpu.memory_space<hbm>>
      tpu.enqueue_indirect_dma source(%dma_start3A_1016 : memref<16384x128xf32, #tpu.memory_space<hbm>>) target(%arg10 : memref<128x128xf32, #tpu.memory_space<vmem>>) offsets(%dma_start3A_1013 : memref<128xi32, #tpu.memory_space<vmem>>) semaphore(%arg12 : memref<!tpu.dma_semaphore, #tpu.memory_space<semaphore_mem>>)
      %dma_start3A_1017 = arith.constant 0 : i32
      %dma_start3A_1018 = tpu.memref_slice %arg9[%while3A_1010, %dma_start3A_1017] : memref<25x128xi32, #tpu.memory_space<vmem>> -> memref<1x128xi32, #tpu.memory_space<vmem>>
      %dma_start3A_1019 = tpu.memref_squeeze %dma_start3A_1018 : memref<1x128xi32, #tpu.memory_space<vmem>> -> memref<128xi32, #tpu.memory_space<vmem>>
      %dma_start3A_1020 = arith.constant 0 : i32
      %dma_start3A_1021 = arith.constant 0 : i32
      %dma_start3A_1022 = tpu.memref_slice %arg3[%dma_start3A_1020, %dma_start3A_1021] : memref<16384x16xf32, #tpu.memory_space<hbm>> -> memref<16384x16xf32, #tpu.memory_space<hbm>>
      tpu.enqueue_indirect_dma source(%dma_start3A_1022 : memref<16384x16xf32, #tpu.memory_space<hbm>>) target(%arg11 : memref<128x16xf32, #tpu.memory_space<vmem>>) offsets(%dma_start3A_1019 : memref<128xi32, #tpu.memory_space<vmem>>) semaphore(%arg12 : memref<!tpu.dma_semaphore, #tpu.memory_space<semaphore_mem>>)
      %dma_wait3A = arith.constant 0 : i32
      %dma_wait3A_1023 = tpu.memref_slice %arg9[%while3A_1010, %dma_wait3A] : memref<25x128xi32, #tpu.memory_space<vmem>> -> memref<1x128xi32, #tpu.memory_space<vmem>>
      %dma_wait3A_1024 = tpu.memref_squeeze %dma_wait3A_1023 : memref<1x128xi32, #tpu.memory_space<vmem>> -> memref<128xi32, #tpu.memory_space<vmem>>
      %dma_wait3A_1025 = arith.constant 0 : i32
      %dma_wait3A_1026 = arith.constant 0 : i32
      %dma_wait3A_1027 = tpu.memref_slice %arg2[%dma_wait3A_1025, %dma_wait3A_1026] : memref<16384x128xf32, #tpu.memory_space<hbm>> -> memref<16384x128xf32, #tpu.memory_space<hbm>>
      tpu.wait_indirect_dma semaphore(%arg12 : memref<!tpu.dma_semaphore, #tpu.memory_space<semaphore_mem>>) src(%dma_wait3A_1027 : memref<16384x128xf32, #tpu.memory_space<hbm>>) dst(%arg10 : memref<128x128xf32, #tpu.memory_space<vmem>>)
      %dma_wait3A_1028 = arith.constant 0 : i32
      %dma_wait3A_1029 = tpu.memref_slice %arg9[%while3A_1010, %dma_wait3A_1028] : memref<25x128xi32, #tpu.memory_space<vmem>> -> memref<1x128xi32, #tpu.memory_space<vmem>>
      %dma_wait3A_1030 = tpu.memref_squeeze %dma_wait3A_1029 : memref<1x128xi32, #tpu.memory_space<vmem>> -> memref<128xi32, #tpu.memory_space<vmem>>
      %dma_wait3A_1031 = arith.constant 0 : i32
      %dma_wait3A_1032 = arith.constant 0 : i32
      %dma_wait3A_1033 = tpu.memref_slice %arg3[%dma_wait3A_1031, %dma_wait3A_1032] : memref<16384x16xf32, #tpu.memory_space<hbm>> -> memref<16384x16xf32, #tpu.memory_space<hbm>>
      tpu.wait_indirect_dma semaphore(%arg12 : memref<!tpu.dma_semaphore, #tpu.memory_space<semaphore_mem>>) src(%dma_wait3A_1033 : memref<16384x16xf32, #tpu.memory_space<hbm>>) dst(%arg11 : memref<128x16xf32, #tpu.memory_space<vmem>>)
      %dma_start3A_1034 = arith.constant 0 : i32
      %dma_start3A_1035 = tpu.memref_slice %arg8[%while3A_1010, %dma_start3A_1034] : memref<25x128xi32, #tpu.memory_space<vmem>> -> memref<1x128xi32, #tpu.memory_space<vmem>>
      %dma_start3A_1036 = tpu.memref_squeeze %dma_start3A_1035 : memref<1x128xi32, #tpu.memory_space<vmem>> -> memref<128xi32, #tpu.memory_space<vmem>>
      %dma_start3A_1037 = arith.constant 0 : i32
      %dma_start3A_1038 = arith.constant 0 : i32
      %dma_start3A_1039 = tpu.memref_slice %arg5[%dma_start3A_1037, %dma_start3A_1038] : memref<100000x128xf32, #tpu.memory_space<hbm>> -> memref<100000x128xf32, #tpu.memory_space<hbm>>
      tpu.enqueue_indirect_dma source(%arg10 : memref<128x128xf32, #tpu.memory_space<vmem>>) target(%dma_start3A_1039 : memref<100000x128xf32, #tpu.memory_space<hbm>>) offsets(%dma_start3A_1036 : memref<128xi32, #tpu.memory_space<vmem>>) semaphore(%arg12 : memref<!tpu.dma_semaphore, #tpu.memory_space<semaphore_mem>>)
      %dma_start3A_1040 = arith.constant 0 : i32
      %dma_start3A_1041 = tpu.memref_slice %arg8[%while3A_1010, %dma_start3A_1040] : memref<25x128xi32, #tpu.memory_space<vmem>> -> memref<1x128xi32, #tpu.memory_space<vmem>>
      %dma_start3A_1042 = tpu.memref_squeeze %dma_start3A_1041 : memref<1x128xi32, #tpu.memory_space<vmem>> -> memref<128xi32, #tpu.memory_space<vmem>>
      %dma_start3A_1043 = arith.constant 0 : i32
      %dma_start3A_1044 = arith.constant 0 : i32
      %dma_start3A_1045 = tpu.memref_slice %arg6[%dma_start3A_1043, %dma_start3A_1044] : memref<100000x16xf32, #tpu.memory_space<hbm>> -> memref<100000x16xf32, #tpu.memory_space<hbm>>
      tpu.enqueue_indirect_dma source(%arg11 : memref<128x16xf32, #tpu.memory_space<vmem>>) target(%dma_start3A_1045 : memref<100000x16xf32, #tpu.memory_space<hbm>>) offsets(%dma_start3A_1042 : memref<128xi32, #tpu.memory_space<vmem>>) semaphore(%arg12 : memref<!tpu.dma_semaphore, #tpu.memory_space<semaphore_mem>>)
      %dma_wait3A_1046 = arith.constant 0 : i32
      %dma_wait3A_1047 = tpu.memref_slice %arg8[%while3A_1010, %dma_wait3A_1046] : memref<25x128xi32, #tpu.memory_space<vmem>> -> memref<1x128xi32, #tpu.memory_space<vmem>>
      %dma_wait3A_1048 = tpu.memref_squeeze %dma_wait3A_1047 : memref<1x128xi32, #tpu.memory_space<vmem>> -> memref<128xi32, #tpu.memory_space<vmem>>
      %dma_wait3A_1049 = arith.constant 0 : i32
      %dma_wait3A_1050 = arith.constant 0 : i32
      %dma_wait3A_1051 = tpu.memref_slice %arg5[%dma_wait3A_1049, %dma_wait3A_1050] : memref<100000x128xf32, #tpu.memory_space<hbm>> -> memref<100000x128xf32, #tpu.memory_space<hbm>>
      tpu.wait_indirect_dma semaphore(%arg12 : memref<!tpu.dma_semaphore, #tpu.memory_space<semaphore_mem>>) src(%arg10 : memref<128x128xf32, #tpu.memory_space<vmem>>) dst(%dma_wait3A_1051 : memref<100000x128xf32, #tpu.memory_space<hbm>>)
      %dma_wait3A_1052 = arith.constant 0 : i32
      %dma_wait3A_1053 = tpu.memref_slice %arg8[%while3A_1010, %dma_wait3A_1052] : memref<25x128xi32, #tpu.memory_space<vmem>> -> memref<1x128xi32, #tpu.memory_space<vmem>>
      %dma_wait3A_1054 = tpu.memref_squeeze %dma_wait3A_1053 : memref<1x128xi32, #tpu.memory_space<vmem>> -> memref<128xi32, #tpu.memory_space<vmem>>
      %dma_wait3A_1055 = arith.constant 0 : i32
      %dma_wait3A_1056 = arith.constant 0 : i32
      %dma_wait3A_1057 = tpu.memref_slice %arg6[%dma_wait3A_1055, %dma_wait3A_1056] : memref<100000x16xf32, #tpu.memory_space<hbm>> -> memref<100000x16xf32, #tpu.memory_space<hbm>>
      tpu.wait_indirect_dma semaphore(%arg12 : memref<!tpu.dma_semaphore, #tpu.memory_space<semaphore_mem>>) src(%arg11 : memref<128x16xf32, #tpu.memory_space<vmem>>) dst(%dma_wait3A_1057 : memref<100000x16xf32, #tpu.memory_space<hbm>>)
      %while3A_1058 = arith.constant 0 : i32
      scf.yield %while3A_1058 : i32
    }
    %while3A_1008 = arith.constant 1 : i32
    %while3A_1009 = scf.for %while3A_1010 = %while3A_1005 to %while3A_1001 step %while3A_1008 iter_args(%while3A_1011 = %while3A_1007) -> (i32)  : i32 {
      %dma_start3A = arith.constant 0 : i32
      %dma_start3A_1012 = tpu.memref_slice %arg9[%while3A_1010, %dma_start3A] : memref<25x128xi32, #tpu.memory_space<vmem>> -> memref<1x128xi32, #tpu.memory_space<vmem>>
      %dma_start3A_1013 = tpu.memref_squeeze %dma_start3A_1012 : memref<1x128xi32, #tpu.memory_space<vmem>> -> memref<128xi32, #tpu.memory_space<vmem>>
      %dma_start3A_1014 = arith.constant 0 : i32
      %dma_start3A_1015 = arith.constant 0 : i32
      %dma_start3A_1016 = tpu.memref_slice %arg2[%dma_start3A_1014, %dma_start3A_1015] : memref<16384x128xf32, #tpu.memory_space<hbm>> -> memref<16384x128xf32, #tpu.memory_space<hbm>>
      tpu.enqueue_indirect_dma source(%dma_start3A_1016 : memref<16384x128xf32, #tpu.memory_space<hbm>>) target(%arg10 : memref<128x128xf32, #tpu.memory_space<vmem>>) offsets(%dma_start3A_1013 : memref<128xi32, #tpu.memory_space<vmem>>) semaphore(%arg12 : memref<!tpu.dma_semaphore, #tpu.memory_space<semaphore_mem>>)
      %dma_start3A_1017 = arith.constant 0 : i32
      %dma_start3A_1018 = tpu.memref_slice %arg9[%while3A_1010, %dma_start3A_1017] : memref<25x128xi32, #tpu.memory_space<vmem>> -> memref<1x128xi32, #tpu.memory_space<vmem>>
      %dma_start3A_1019 = tpu.memref_squeeze %dma_start3A_1018 : memref<1x128xi32, #tpu.memory_space<vmem>> -> memref<128xi32, #tpu.memory_space<vmem>>
      %dma_start3A_1020 = arith.constant 0 : i32
      %dma_start3A_1021 = arith.constant 0 : i32
      %dma_start3A_1022 = tpu.memref_slice %arg3[%dma_start3A_1020, %dma_start3A_1021] : memref<16384x16xf32, #tpu.memory_space<hbm>> -> memref<16384x16xf32, #tpu.memory_space<hbm>>
      tpu.enqueue_indirect_dma source(%dma_start3A_1022 : memref<16384x16xf32, #tpu.memory_space<hbm>>) target(%arg11 : memref<128x16xf32, #tpu.memory_space<vmem>>) offsets(%dma_start3A_1019 : memref<128xi32, #tpu.memory_space<vmem>>) semaphore(%arg12 : memref<!tpu.dma_semaphore, #tpu.memory_space<semaphore_mem>>)
      %dma_wait3A = arith.constant 0 : i32
      %dma_wait3A_1023 = tpu.memref_slice %arg9[%while3A_1010, %dma_wait3A] : memref<25x128xi32, #tpu.memory_space<vmem>> -> memref<1x128xi32, #tpu.memory_space<vmem>>
      %dma_wait3A_1024 = tpu.memref_squeeze %dma_wait3A_1023 : memref<1x128xi32, #tpu.memory_space<vmem>> -> memref<128xi32, #tpu.memory_space<vmem>>
      %dma_wait3A_1025 = arith.constant 0 : i32
      %dma_wait3A_1026 = arith.constant 0 : i32
      %dma_wait3A_1027 = tpu.memref_slice %arg2[%dma_wait3A_1025, %dma_wait3A_1026] : memref<16384x128xf32, #tpu.memory_space<hbm>> -> memref<16384x128xf32, #tpu.memory_space<hbm>>
      tpu.wait_indirect_dma semaphore(%arg12 : memref<!tpu.dma_semaphore, #tpu.memory_space<semaphore_mem>>) src(%dma_wait3A_1027 : memref<16384x128xf32, #tpu.memory_space<hbm>>) dst(%arg10 : memref<128x128xf32, #tpu.memory_space<vmem>>)
      %dma_wait3A_1028 = arith.constant 0 : i32
      %dma_wait3A_1029 = tpu.memref_slice %arg9[%while3A_1010, %dma_wait3A_1028] : memref<25x128xi32, #tpu.memory_space<vmem>> -> memref<1x128xi32, #tpu.memory_space<vmem>>
      %dma_wait3A_1030 = tpu.memref_squeeze %dma_wait3A_1029 : memref<1x128xi32, #tpu.memory_space<vmem>> -> memref<128xi32, #tpu.memory_space<vmem>>
      %dma_wait3A_1031 = arith.constant 0 : i32
      %dma_wait3A_1032 = arith.constant 0 : i32
      %dma_wait3A_1033 = tpu.memref_slice %arg3[%dma_wait3A_1031, %dma_wait3A_1032] : memref<16384x16xf32, #tpu.memory_space<hbm>> -> memref<16384x16xf32, #tpu.memory_space<hbm>>
      tpu.wait_indirect_dma semaphore(%arg12 : memref<!tpu.dma_semaphore, #tpu.memory_space<semaphore_mem>>) src(%dma_wait3A_1033 : memref<16384x16xf32, #tpu.memory_space<hbm>>) dst(%arg11 : memref<128x16xf32, #tpu.memory_space<vmem>>)
      %dma_start3A_1034 = arith.constant 0 : i32
      %dma_start3A_1035 = tpu.memref_slice %arg8[%while3A_1010, %dma_start3A_1034] : memref<25x128xi32, #tpu.memory_space<vmem>> -> memref<1x128xi32, #tpu.memory_space<vmem>>
      %dma_start3A_1036 = tpu.memref_squeeze %dma_start3A_1035 : memref<1x128xi32, #tpu.memory_space<vmem>> -> memref<128xi32, #tpu.memory_space<vmem>>
      %dma_start3A_1037 = arith.constant 0 : i32
      %dma_start3A_1038 = arith.constant 0 : i32
      %dma_start3A_1039 = tpu.memref_slice %arg5[%dma_start3A_1037, %dma_start3A_1038] : memref<100000x128xf32, #tpu.memory_space<hbm>> -> memref<100000x128xf32, #tpu.memory_space<hbm>>
      tpu.enqueue_indirect_dma source(%arg10 : memref<128x128xf32, #tpu.memory_space<vmem>>) target(%dma_start3A_1039 : memref<100000x128xf32, #tpu.memory_space<hbm>>) offsets(%dma_start3A_1036 : memref<128xi32, #tpu.memory_space<vmem>>) semaphore(%arg12 : memref<!tpu.dma_semaphore, #tpu.memory_space<semaphore_mem>>)
      %dma_start3A_1040 = arith.constant 0 : i32
      %dma_start3A_1041 = tpu.memref_slice %arg8[%while3A_1010, %dma_start3A_1040] : memref<25x128xi32, #tpu.memory_space<vmem>> -> memref<1x128xi32, #tpu.memory_space<vmem>>
      %dma_start3A_1042 = tpu.memref_squeeze %dma_start3A_1041 : memref<1x128xi32, #tpu.memory_space<vmem>> -> memref<128xi32, #tpu.memory_space<vmem>>
      %dma_start3A_1043 = arith.constant 0 : i32
      %dma_start3A_1044 = arith.constant 0 : i32
      %dma_start3A_1045 = tpu.memref_slice %arg6[%dma_start3A_1043, %dma_start3A_1044] : memref<100000x16xf32, #tpu.memory_space<hbm>> -> memref<100000x16xf32, #tpu.memory_space<hbm>>
      tpu.enqueue_indirect_dma source(%arg11 : memref<128x16xf32, #tpu.memory_space<vmem>>) target(%dma_start3A_1045 : memref<100000x16xf32, #tpu.memory_space<hbm>>) offsets(%dma_start3A_1042 : memref<128xi32, #tpu.memory_space<vmem>>) semaphore(%arg12 : memref<!tpu.dma_semaphore, #tpu.memory_space<semaphore_mem>>)
      %dma_wait3A_1046 = arith.constant 0 : i32
      %dma_wait3A_1047 = tpu.memref_slice %arg8[%while3A_1010, %dma_wait3A_1046] : memref<25x128xi32, #tpu.memory_space<vmem>> -> memref<1x128xi32, #tpu.memory_space<vmem>>
      %dma_wait3A_1048 = tpu.memref_squeeze %dma_wait3A_1047 : memref<1x128xi32, #tpu.memory_space<vmem>> -> memref<128xi32, #tpu.memory_space<vmem>>
      %dma_wait3A_1049 = arith.constant 0 : i32
      %dma_wait3A_1050 = arith.constant 0 : i32
      %dma_wait3A_1051 = tpu.memref_slice %arg5[%dma_wait3A_1049, %dma_wait3A_1050] : memref<100000x128xf32, #tpu.memory_space<hbm>> -> memref<100000x128xf32, #tpu.memory_space<hbm>>
      tpu.wait_indirect_dma semaphore(%arg12 : memref<!tpu.dma_semaphore, #tpu.memory_space<semaphore_mem>>) src(%arg10 : memref<128x128xf32, #tpu.memory_space<vmem>>) dst(%dma_wait3A_1051 : memref<100000x128xf32, #tpu.memory_space<hbm>>)
      %dma_wait3A_1052 = arith.constant 0 : i32
      %dma_wait3A_1053 = tpu.memref_slice %arg8[%while3A_1010, %dma_wait3A_1052] : memref<25x128xi32, #tpu.memory_space<vmem>> -> memref<1x128xi32, #tpu.memory_space<vmem>>
      %dma_wait3A_1054 = tpu.memref_squeeze %dma_wait3A_1053 : memref<1x128xi32, #tpu.memory_space<vmem>> -> memref<128xi32, #tpu.memory_space<vmem>>
      %dma_wait3A_1055 = arith.constant 0 : i32
      %dma_wait3A_1056 = arith.constant 0 : i32
      %dma_wait3A_1057 = tpu.memref_slice %arg6[%dma_wait3A_1055, %dma_wait3A_1056] : memref<100000x16xf32, #tpu.memory_space<hbm>> -> memref<100000x16xf32, #tpu.memory_space<hbm>>
      tpu.wait_indirect_dma semaphore(%arg12 : memref<!tpu.dma_semaphore, #tpu.memory_space<semaphore_mem>>) src(%arg11 : memref<128x16xf32, #tpu.memory_space<vmem>>) dst(%dma_wait3A_1057 : memref<100000x16xf32, #tpu.memory_space<hbm>>)
      %while3A_1058 = arith.constant 0 : i32
      scf.yield %while3A_1058 : i32
    }
    return
  }
}

module attributes {stable_mosaic.version = 14 : i64} {
  func.func @body(%arg0: i32, %arg1: memref<4096xf32, #tpu.memory_space<vmem>>, %arg2: memref<4096xf32, #tpu.memory_space<vmem>>, %arg3: memref<4096x16xf32, #tpu.memory_space<vmem>>) attributes {dimension_semantics = [#tpu.dimension_semantics<arbitrary>], iteration_bounds = array<i64: 25>, scalar_prefetch = 0 : i64, scratch_operands = 0 : i64, tpu.core_type = #tpu.core_type<tc>, window_params = [{transform_indices = @transform_0, window_bounds = array<i64: 4096>}, {transform_indices = @transform_1, window_bounds = array<i64: 4096>}, {transform_indices = @transform_2, window_bounds = array<i64: 4096, 16>}]} {
    %get3A = arith.constant 0 : index
    %get3A_0 = vector.load %arg1[%get3A] : memref<4096xf32, #tpu.memory_space<vmem>>, vector<4096xf32>
    %broadcast_in_dim3A = vector.shape_cast %get3A_0 : vector<4096xf32> to vector<4096x1xf32>
    %get3A_1 = arith.constant 0 : index
    %get3A_2 = vector.load %arg2[%get3A_1] : memref<4096xf32, #tpu.memory_space<vmem>>, vector<4096xf32>
    %broadcast_in_dim3A_3 = vector.shape_cast %get3A_2 : vector<4096xf32> to vector<4096x1xf32>
    %broadcast_in_dim3A_4 = arith.constant 0.000000e+00 : f32
    %broadcast_in_dim3A_5 = vector.broadcast %broadcast_in_dim3A_4 : f32 to vector<4096x14xf32>
    %concatenate3A = tpu.concatenate %broadcast_in_dim3A, %broadcast_in_dim3A_3, %broadcast_in_dim3A_5 in 1 : vector<4096x1xf32>, vector<4096x1xf32>, vector<4096x14xf32> -> vector<4096x16xf32>
    %swap3A = arith.constant 0 : index
    %swap3A_6 = arith.constant 0 : index
    %swap3A_7 = vector.load %arg3[%swap3A, %swap3A_6] : memref<4096x16xf32, #tpu.memory_space<vmem>>, vector<4096x16xf32>
    tpu.vector_store %arg3[%swap3A, %swap3A_6], %concatenate3A {strides = array<i32>} : memref<4096x16xf32, #tpu.memory_space<vmem>>, vector<4096x16xf32>,
    return
  }
  func.func @transform_0(%arg0: i32) -> i32 {
    %c0_i32 = arith.constant 0 : i32
    return %arg0 : i32
  }
  func.func @transform_1(%arg0: i32) -> i32 {
    %c0_i32 = arith.constant 0 : i32
    return %arg0 : i32
  }
  func.func @transform_2(%arg0: i32) -> (i32, i32) {
    %c0_i32 = arith.constant 0 : i32
    %c0_i32_0 = arith.constant 0 : i32
    return %arg0, %c0_i32 : i32, i32
  }
}

module attributes {stable_mosaic.version = 14 : i64} {
  func.func @body(%arg0: i32, %arg1: memref<512x16xf32, #tpu.memory_space<vmem>>, %arg2: memref<512x144xf32, #tpu.memory_space<vmem>>, %arg3: memref<512x128xf32, #tpu.memory_space<vmem>>, %arg4: memref<512x128xf32, #tpu.memory_space<vmem>>, %arg5: memref<512xf32, #tpu.memory_space<vmem>>, %arg6: memref<128x160xf32, #tpu.memory_space<vmem>>, %arg7: memref<128x128xf32, #tpu.memory_space<vmem>>, %arg8: memref<1x128xf32, #tpu.memory_space<vmem>>, %arg9: memref<1x128xf32, #tpu.memory_space<vmem>>, %arg10: memref<1x16xf32, #tpu.memory_space<vmem>>, %arg11: memref<1x16xf32, #tpu.memory_space<vmem>>, %arg12: memref<1x128xf32, #tpu.memory_space<vmem>>, %arg13: memref<1x128xf32, #tpu.memory_space<vmem>>, %arg14: memref<1x128xf32, #tpu.memory_space<vmem>>, %arg15: memref<1x128xf32, #tpu.memory_space<vmem>>, %arg16: memref<512x128xf32, #tpu.memory_space<vmem>>, %arg17: memref<512x128xf32, #tpu.memory_space<vmem>>) attributes {dimension_semantics = [#tpu.dimension_semantics<arbitrary>], iteration_bounds = array<i64: 96>, scalar_prefetch = 0 : i64, scratch_operands = 0 : i64, tpu.core_type = #tpu.core_type<tc>, window_params = [{transform_indices = @transform_0, window_bounds = array<i64: 512, 16>}, {transform_indices = @transform_1, window_bounds = array<i64: 512, 144>}, {transform_indices = @transform_2, window_bounds = array<i64: 512, 128>}, {transform_indices = @transform_3, window_bounds = array<i64: 512, 128>}, {transform_indices = @transform_4, window_bounds = array<i64: 512>}, {pipeline_mode = #tpu.pipeline_mode<synchronous>, transform_indices = @transform_5, window_bounds = array<i64: 128, 160>}, {pipeline_mode = #tpu.pipeline_mode<synchronous>, transform_indices = @transform_6, window_bounds = array<i64: 128, 128>}, {pipeline_mode = #tpu.pipeline_mode<synchronous>, transform_indices = @transform_7, window_bounds = array<i64: 1, 128>}, {pipeline_mode = #tpu.pipeline_mode<synchronous>, transform_indices = @transform_8, window_bounds = array<i64: 1, 128>}, {pipeline_mode = #tpu.pipeline_mode<synchronous>, transform_indices = @transform_9, window_bounds = array<i64: 1, 16>}, {pipeline_mode = #tpu.pipeline_mode<synchronous>, transform_indices = @transform_10, window_bounds = array<i64: 1, 16>}, {pipeline_mode = #tpu.pipeline_mode<synchronous>, transform_indices = @transform_11, window_bounds = array<i64: 1, 128>}, {pipeline_mode = #tpu.pipeline_mode<synchronous>, transform_indices = @transform_12, window_bounds = array<i64: 1, 128>}, {pipeline_mode = #tpu.pipeline_mode<synchronous>, transform_indices = @transform_13, window_bounds = array<i64: 1, 128>}, {pipeline_mode = #tpu.pipeline_mode<synchronous>, transform_indices = @transform_14, window_bounds = array<i64: 1, 128>}, {transform_indices = @transform_15, window_bounds = array<i64: 512, 128>}, {transform_indices = @transform_16, window_bounds = array<i64: 512, 128>}]} {
    %get3A = arith.constant 0 : index
    %get3A_0 = arith.constant 0 : index
    %get3A_1 = vector.load %arg1[%get3A, %get3A_0] : memref<512x16xf32, #tpu.memory_space<vmem>>, vector<512x16xf32>
    %slice3A = vector.extract_strided_slice %get3A_1 {offsets = [0, 0], sizes = [512, 1], strides = [1, 1]} : vector<512x16xf32> to vector<512x1xf32>
    %squeeze3A = vector.shape_cast %slice3A : vector<512x1xf32> to vector<512xf32>
    %slice3A_2 = vector.extract_strided_slice %get3A_1 {offsets = [0, 1], sizes = [512, 1], strides = [1, 1]} : vector<512x16xf32> to vector<512x1xf32>
    %squeeze3A_3 = vector.shape_cast %slice3A_2 : vector<512x1xf32> to vector<512xf32>
    %sub3A = arith.subf %squeeze3A_3, %squeeze3A : vector<512xf32>
    %broadcast_in_dim3A = vector.shape_cast %sub3A : vector<512xf32> to vector<512x1xf32>
    %get3A_4 = arith.constant 0 : index
    %get3A_5 = arith.constant 0 : index
    %get3A_6 = vector.load %arg10[%get3A_4, %get3A_5] : memref<1x16xf32, #tpu.memory_space<vmem>>, vector<1x16xf32>
    %mul3A = vector.broadcast %broadcast_in_dim3A : vector<512x1xf32> to vector<512x16xf32>
    %mul3A_7 = vector.broadcast %get3A_6 : vector<1x16xf32> to vector<512x16xf32>
    %mul3A_8 = arith.mulf %mul3A, %mul3A_7 : vector<512x16xf32>
    %get3A_9 = arith.constant 0 : index
    %get3A_10 = arith.constant 0 : index
    %get3A_11 = vector.load %arg11[%get3A_9, %get3A_10] : memref<1x16xf32, #tpu.memory_space<vmem>>, vector<1x16xf32>
    %add3A = vector.broadcast %get3A_11 : vector<1x16xf32> to vector<512x16xf32>
    %add3A_12 = arith.addf %mul3A_8, %add3A : vector<512x16xf32>
    %cos3A = math.cos %add3A_12 : vector<512x16xf32>
    %get3A_13 = arith.constant 0 : index
    %get3A_14 = arith.constant 0 : index
    %get3A_15 = vector.load %arg2[%get3A_13, %get3A_14] : memref<512x144xf32, #tpu.memory_space<vmem>>, vector<512x144xf32>
    %concatenate3A = tpu.concatenate %get3A_15, %cos3A in 1 : vector<512x144xf32>, vector<512x16xf32> -> vector<512x160xf32>
    %get3A_16 = arith.constant 0 : index
    %get3A_17 = arith.constant 0 : index
    %get3A_18 = vector.load %arg6[%get3A_16, %get3A_17] : memref<128x160xf32, #tpu.memory_space<vmem>>, vector<128x160xf32>
    %dot_general3A = arith.constant dense<0.000000e+00> : vector<512x128xf32>
    %dot_general3A_19 = tpu.matmul %concatenate3A, %get3A_18, %dot_general3A {dimension_numbers = #tpu.dot_dimension_numbers<[1], [1], [0], [0], [0, 0, 1, 0], [], []>, transpose_lhs_hint = false} : vector<512x160xf32>, vector<128x160xf32>, vector<512x128xf32> -> vector<512x128xf32>
    %get3A_20 = arith.constant 0 : index
    %get3A_21 = arith.constant 0 : index
    %get3A_22 = vector.load %arg3[%get3A_20, %get3A_21] : memref<512x128xf32, #tpu.memory_space<vmem>>, vector<512x128xf32>
    %get3A_23 = arith.constant 0 : index
    %get3A_24 = arith.constant 0 : index
    %get3A_25 = vector.load %arg7[%get3A_23, %get3A_24] : memref<128x128xf32, #tpu.memory_space<vmem>>, vector<128x128xf32>
    %dot_general3A_26 = arith.constant dense<0.000000e+00> : vector<512x128xf32>
    %dot_general3A_27 = tpu.matmul %get3A_22, %get3A_25, %dot_general3A_26 {dimension_numbers = #tpu.dot_dimension_numbers<[1], [1], [0], [0], [0, 0, 1, 0], [], []>, transpose_lhs_hint = false} : vector<512x128xf32>, vector<128x128xf32>, vector<512x128xf32> -> vector<512x128xf32>
    %add3A_28 = arith.addf %dot_general3A_19, %dot_general3A_27 : vector<512x128xf32>
    %get3A_29 = arith.constant 0 : index
    %get3A_30 = arith.constant 0 : index
    %get3A_31 = vector.load %arg8[%get3A_29, %get3A_30] : memref<1x128xf32, #tpu.memory_space<vmem>>, vector<1x128xf32>
    %add3A_32 = vector.broadcast %get3A_31 : vector<1x128xf32> to vector<512x128xf32>
    %add3A_33 = arith.addf %add3A_28, %add3A_32 : vector<512x128xf32>
    %get3A_34 = arith.constant 0 : index
    %get3A_35 = arith.constant 0 : index
    %get3A_36 = vector.load %arg9[%get3A_34, %get3A_35] : memref<1x128xf32, #tpu.memory_space<vmem>>, vector<1x128xf32>
    %add3A_37 = vector.broadcast %get3A_36 : vector<1x128xf32> to vector<512x128xf32>
    %add3A_38 = arith.addf %add3A_33, %add3A_37 : vector<512x128xf32>
    %tanh3A = math.tanh %add3A_38 : vector<512x128xf32>
    %get3A_39 = arith.constant 0 : index
    %get3A_40 = arith.constant 0 : index
    %get3A_41 = vector.load %arg4[%get3A_39, %get3A_40] : memref<512x128xf32, #tpu.memory_space<vmem>>, vector<512x128xf32>
    %add3A_42 = arith.addf %tanh3A, %get3A_41 : vector<512x128xf32>
    %reduce_sum3A = arith.constant dense<0.000000e+00> : vector<512xf32>
    %reduce_sum3A_43 = vector.multi_reduction <add>, %add3A_42, %reduce_sum3A [1] : vector<512x128xf32> to vector<512xf32>
    %broadcast_in_dim3A_44 = vector.shape_cast %reduce_sum3A_43 : vector<512xf32> to vector<512x1xf32>
    %div3A = arith.constant 1.280000e+02 : f32
    %div3A_45 = vector.broadcast %div3A : f32 to vector<512x1xf32>
    %div3A_46 = arith.divf %broadcast_in_dim3A_44, %div3A_45 : vector<512x1xf32>
    %sub3A_47 = vector.broadcast %div3A_46 : vector<512x1xf32> to vector<512x128xf32>
    %sub3A_48 = arith.subf %add3A_42, %sub3A_47 : vector<512x128xf32>
    %integer_pow3A = arith.mulf %sub3A_48, %sub3A_48 : vector<512x128xf32>
    %reduce_sum3A_49 = arith.constant dense<0.000000e+00> : vector<512xf32>
    %reduce_sum3A_50 = vector.multi_reduction <add>, %integer_pow3A, %reduce_sum3A_49 [1] : vector<512x128xf32> to vector<512xf32>
    %broadcast_in_dim3A_51 = vector.shape_cast %reduce_sum3A_50 : vector<512xf32> to vector<512x1xf32>
    %div3A_52 = arith.constant 1.280000e+02 : f32
    %div3A_53 = vector.broadcast %div3A_52 : f32 to vector<512x1xf32>
    %div3A_54 = arith.divf %broadcast_in_dim3A_51, %div3A_53 : vector<512x1xf32>
    %sub3A_55 = vector.broadcast %div3A_46 : vector<512x1xf32> to vector<512x128xf32>
    %sub3A_56 = arith.subf %add3A_42, %sub3A_55 : vector<512x128xf32>
    %add3A_57 = arith.constant 9.99999974E-6 : f32
    %add3A_58 = vector.broadcast %add3A_57 : f32 to vector<512x1xf32>
    %add3A_59 = arith.addf %div3A_54, %add3A_58 : vector<512x1xf32>
    %sqrt3A = math.sqrt %add3A_59 : vector<512x1xf32>
    %div3A_60 = vector.broadcast %sqrt3A : vector<512x1xf32> to vector<512x128xf32>
    %div3A_61 = arith.divf %sub3A_56, %div3A_60 : vector<512x128xf32>
    %get3A_62 = arith.constant 0 : index
    %get3A_63 = arith.constant 0 : index
    %get3A_64 = vector.load %arg14[%get3A_62, %get3A_63] : memref<1x128xf32, #tpu.memory_space<vmem>>, vector<1x128xf32>
    %mul3A_65 = vector.broadcast %get3A_64 : vector<1x128xf32> to vector<512x128xf32>
    %mul3A_66 = arith.mulf %div3A_61, %mul3A_65 : vector<512x128xf32>
    %get3A_67 = arith.constant 0 : index
    %get3A_68 = arith.constant 0 : index
    %get3A_69 = vector.load %arg15[%get3A_67, %get3A_68] : memref<1x128xf32, #tpu.memory_space<vmem>>, vector<1x128xf32>
    %add3A_70 = vector.broadcast %get3A_69 : vector<1x128xf32> to vector<512x128xf32>
    %add3A_71 = arith.addf %mul3A_66, %add3A_70 : vector<512x128xf32>
    %swap3A = arith.constant 0 : index
    %swap3A_72 = arith.constant 0 : index
    %swap3A_73 = vector.load %arg16[%swap3A, %swap3A_72] : memref<512x128xf32, #tpu.memory_space<vmem>>, vector<512x128xf32>
    tpu.vector_store %arg16[%swap3A, %swap3A_72], %add3A_71 {strides = array<i32>} : memref<512x128xf32, #tpu.memory_space<vmem>>, vector<512x128xf32>,
    %get3A_74 = arith.constant 0 : index
    %get3A_75 = vector.load %arg5[%get3A_74] : memref<512xf32, #tpu.memory_space<vmem>>, vector<512xf32>
    %sub3A_76 = arith.subf %get3A_75, %squeeze3A_3 : vector<512xf32>
    %add3A_77 = arith.constant 1.000000e+00 : f32
    %add3A_78 = vector.broadcast %add3A_77 : f32 to vector<512xf32>
    %add3A_79 = arith.addf %get3A_75, %add3A_78 : vector<512xf32>
    %div3A_80 = arith.divf %sub3A_76, %add3A_79 : vector<512xf32>
    %broadcast_in_dim3A_81 = vector.shape_cast %div3A_80 : vector<512xf32> to vector<512x1xf32>
    %get3A_82 = arith.constant 0 : index
    %get3A_83 = arith.constant 0 : index
    %get3A_84 = vector.load %arg12[%get3A_82, %get3A_83] : memref<1x128xf32, #tpu.memory_space<vmem>>, vector<1x128xf32>
    %mul3A_85 = vector.broadcast %broadcast_in_dim3A_81 : vector<512x1xf32> to vector<512x128xf32>
    %mul3A_86 = vector.broadcast %get3A_84 : vector<1x128xf32> to vector<512x128xf32>
    %mul3A_87 = arith.mulf %mul3A_85, %mul3A_86 : vector<512x128xf32>
    %add3A_88 = arith.constant 1.000000e+00 : f32
    %add3A_89 = vector.broadcast %add3A_88 : f32 to vector<512x128xf32>
    %add3A_90 = arith.addf %add3A_89, %mul3A_87 : vector<512x128xf32>
    %get3A_91 = arith.constant 0 : index
    %get3A_92 = arith.constant 0 : index
    %get3A_93 = vector.load %arg13[%get3A_91, %get3A_92] : memref<1x128xf32, #tpu.memory_space<vmem>>, vector<1x128xf32>
    %add3A_94 = vector.broadcast %get3A_93 : vector<1x128xf32> to vector<512x128xf32>
    %add3A_95 = arith.addf %add3A_90, %add3A_94 : vector<512x128xf32>
    %mul3A_96 = arith.mulf %add3A_71, %add3A_95 : vector<512x128xf32>
    %swap3A_97 = arith.constant 0 : index
    %swap3A_98 = arith.constant 0 : index
    %swap3A_99 = vector.load %arg17[%swap3A_97, %swap3A_98] : memref<512x128xf32, #tpu.memory_space<vmem>>, vector<512x128xf32>
    tpu.vector_store %arg17[%swap3A_97, %swap3A_98], %mul3A_96 {strides = array<i32>} : memref<512x128xf32, #tpu.memory_space<vmem>>, vector<512x128xf32>,
    return
  }
  func.func @transform_0(%arg0: i32) -> (i32, i32) {
    %c0_i32 = arith.constant 0 : i32
    %c0_i32_0 = arith.constant 0 : i32
    return %arg0, %c0_i32 : i32, i32
  }
  func.func @transform_1(%arg0: i32) -> (i32, i32) {
    %c0_i32 = arith.constant 0 : i32
    %c0_i32_0 = arith.constant 0 : i32
    return %arg0, %c0_i32 : i32, i32
  }
  func.func @transform_2(%arg0: i32) -> (i32, i32) {
    %c0_i32 = arith.constant 0 : i32
    %c0_i32_0 = arith.constant 0 : i32
    return %arg0, %c0_i32 : i32, i32
  }
  func.func @transform_3(%arg0: i32) -> (i32, i32) {
    %c0_i32 = arith.constant 0 : i32
    %c0_i32_0 = arith.constant 0 : i32
    return %arg0, %c0_i32 : i32, i32
  }
  func.func @transform_4(%arg0: i32) -> i32 {
    %c0_i32 = arith.constant 0 : i32
    return %arg0 : i32
  }
  func.func @transform_5(%arg0: i32) -> (i32, i32) {
    %c0_i32 = arith.constant 0 : i32
    %c0_i32_0 = arith.constant 0 : i32
    %c0_i32_1 = arith.constant 0 : i32
    return %c0_i32, %c0_i32_0 : i32, i32
  }
  func.func @transform_6(%arg0: i32) -> (i32, i32) {
    %c0_i32 = arith.constant 0 : i32
    %c0_i32_0 = arith.constant 0 : i32
    %c0_i32_1 = arith.constant 0 : i32
    return %c0_i32, %c0_i32_0 : i32, i32
  }
  func.func @transform_7(%arg0: i32) -> (i32, i32) {
    %c0_i32 = arith.constant 0 : i32
    %c0_i32_0 = arith.constant 0 : i32
    %c0_i32_1 = arith.constant 0 : i32
    return %c0_i32, %c0_i32_0 : i32, i32
  }
  func.func @transform_8(%arg0: i32) -> (i32, i32) {
    %c0_i32 = arith.constant 0 : i32
    %c0_i32_0 = arith.constant 0 : i32
    %c0_i32_1 = arith.constant 0 : i32
    return %c0_i32, %c0_i32_0 : i32, i32
  }
  func.func @transform_9(%arg0: i32) -> (i32, i32) {
    %c0_i32 = arith.constant 0 : i32
    %c0_i32_0 = arith.constant 0 : i32
    %c0_i32_1 = arith.constant 0 : i32
    return %c0_i32, %c0_i32_0 : i32, i32
  }
  func.func @transform_10(%arg0: i32) -> (i32, i32) {
    %c0_i32 = arith.constant 0 : i32
    %c0_i32_0 = arith.constant 0 : i32
    %c0_i32_1 = arith.constant 0 : i32
    return %c0_i32, %c0_i32_0 : i32, i32
  }
  func.func @transform_11(%arg0: i32) -> (i32, i32) {
    %c0_i32 = arith.constant 0 : i32
    %c0_i32_0 = arith.constant 0 : i32
    %c0_i32_1 = arith.constant 0 : i32
    return %c0_i32, %c0_i32_0 : i32, i32
  }
  func.func @transform_12(%arg0: i32) -> (i32, i32) {
    %c0_i32 = arith.constant 0 : i32
    %c0_i32_0 = arith.constant 0 : i32
    %c0_i32_1 = arith.constant 0 : i32
    return %c0_i32, %c0_i32_0 : i32, i32
  }
  func.func @transform_13(%arg0: i32) -> (i32, i32) {
    %c0_i32 = arith.constant 0 : i32
    %c0_i32_0 = arith.constant 0 : i32
    %c0_i32_1 = arith.constant 0 : i32
    return %c0_i32, %c0_i32_0 : i32, i32
  }
  func.func @transform_14(%arg0: i32) -> (i32, i32) {
    %c0_i32 = arith.constant 0 : i32
    %c0_i32_0 = arith.constant 0 : i32
    %c0_i32_1 = arith.constant 0 : i32
    return %c0_i32, %c0_i32_0 : i32, i32
  }
  func.func @transform_15(%arg0: i32) -> (i32, i32) {
    %c0_i32 = arith.constant 0 : i32
    %c0_i32_0 = arith.constant 0 : i32
    return %arg0, %c0_i32 : i32, i32
  }
  func.func @transform_16(%arg0: i32) -> (i32, i32) {
    %c0_i32 = arith.constant 0 : i32
    %c0_i32_0 = arith.constant 0 : i32
    return %arg0, %c0_i32 : i32, i32
  }
}

module attributes {stable_mosaic.version = 14 : i64} {
  func.func @body(%arg0: i32, %arg1: memref<512x128xf32, #tpu.memory_space<vmem>>, %arg2: memref<512x128xf32, #tpu.memory_space<vmem>>, %arg3: memref<512x128xf32, #tpu.memory_space<vmem>>, %arg4: memref<128x128xf32, #tpu.memory_space<vmem>>, %arg5: memref<1x128xf32, #tpu.memory_space<vmem>>, %arg6: memref<128x128xf32, #tpu.memory_space<vmem>>, %arg7: memref<1x128xf32, #tpu.memory_space<vmem>>, %arg8: memref<1x128xf32, #tpu.memory_space<vmem>>, %arg9: memref<1x1xf32, #tpu.memory_space<vmem>>, %arg10: memref<512xf32, #tpu.memory_space<vmem>>, %arg11: memref<512xf32, #tpu.memory_space<vmem>>) attributes {dimension_semantics = [#tpu.dimension_semantics<arbitrary>], iteration_bounds = array<i64: 32>, scalar_prefetch = 0 : i64, scratch_operands = 0 : i64, tpu.core_type = #tpu.core_type<tc>, window_params = [{transform_indices = @transform_0, window_bounds = array<i64: 512, 128>}, {transform_indices = @transform_1, window_bounds = array<i64: 512, 128>}, {transform_indices = @transform_2, window_bounds = array<i64: 512, 128>}, {pipeline_mode = #tpu.pipeline_mode<synchronous>, transform_indices = @transform_3, window_bounds = array<i64: 128, 128>}, {pipeline_mode = #tpu.pipeline_mode<synchronous>, transform_indices = @transform_4, window_bounds = array<i64: 1, 128>}, {pipeline_mode = #tpu.pipeline_mode<synchronous>, transform_indices = @transform_5, window_bounds = array<i64: 128, 128>}, {pipeline_mode = #tpu.pipeline_mode<synchronous>, transform_indices = @transform_6, window_bounds = array<i64: 1, 128>}, {pipeline_mode = #tpu.pipeline_mode<synchronous>, transform_indices = @transform_7, window_bounds = array<i64: 1, 128>}, {pipeline_mode = #tpu.pipeline_mode<synchronous>, transform_indices = @transform_8, window_bounds = array<i64: 1, 1>}, {transform_indices = @transform_9, window_bounds = array<i64: 512>}, {transform_indices = @transform_10, window_bounds = array<i64: 512>}]} {
    %get3A = arith.constant 0 : index
    %get3A_0 = arith.constant 0 : index
    %get3A_1 = vector.load %arg1[%get3A, %get3A_0] : memref<512x128xf32, #tpu.memory_space<vmem>>, vector<512x128xf32>
    %get3A_2 = arith.constant 0 : index
    %get3A_3 = arith.constant 0 : index
    %get3A_4 = vector.load %arg4[%get3A_2, %get3A_3] : memref<128x128xf32, #tpu.memory_space<vmem>>, vector<128x128xf32>
    %dot_general3A = arith.constant dense<0.000000e+00> : vector<512x128xf32>
    %dot_general3A_5 = tpu.matmul %get3A_1, %get3A_4, %dot_general3A {dimension_numbers = #tpu.dot_dimension_numbers<[1], [1], [0], [0], [0, 0, 1, 0], [], []>, transpose_lhs_hint = false} : vector<512x128xf32>, vector<128x128xf32>, vector<512x128xf32> -> vector<512x128xf32>
    %get3A_6 = arith.constant 0 : index
    %get3A_7 = arith.constant 0 : index
    %get3A_8 = vector.load %arg5[%get3A_6, %get3A_7] : memref<1x128xf32, #tpu.memory_space<vmem>>, vector<1x128xf32>
    %add3A = vector.broadcast %get3A_8 : vector<1x128xf32> to vector<512x128xf32>
    %add3A_9 = arith.addf %dot_general3A_5, %add3A : vector<512x128xf32>
    %get3A_10 = arith.constant 0 : index
    %get3A_11 = arith.constant 0 : index
    %get3A_12 = vector.load %arg2[%get3A_10, %get3A_11] : memref<512x128xf32, #tpu.memory_space<vmem>>, vector<512x128xf32>
    %get3A_13 = arith.constant 0 : index
    %get3A_14 = arith.constant 0 : index
    %get3A_15 = vector.load %arg6[%get3A_13, %get3A_14] : memref<128x128xf32, #tpu.memory_space<vmem>>, vector<128x128xf32>
    %dot_general3A_16 = arith.constant dense<0.000000e+00> : vector<512x128xf32>
    %dot_general3A_17 = tpu.matmul %get3A_12, %get3A_15, %dot_general3A_16 {dimension_numbers = #tpu.dot_dimension_numbers<[1], [1], [0], [0], [0, 0, 1, 0], [], []>, transpose_lhs_hint = false} : vector<512x128xf32>, vector<128x128xf32>, vector<512x128xf32> -> vector<512x128xf32>
    %get3A_18 = arith.constant 0 : index
    %get3A_19 = arith.constant 0 : index
    %get3A_20 = vector.load %arg7[%get3A_18, %get3A_19] : memref<1x128xf32, #tpu.memory_space<vmem>>, vector<1x128xf32>
    %add3A_21 = vector.broadcast %get3A_20 : vector<1x128xf32> to vector<512x128xf32>
    %add3A_22 = arith.addf %dot_general3A_17, %add3A_21 : vector<512x128xf32>
    %get3A_23 = arith.constant 0 : index
    %get3A_24 = arith.constant 0 : index
    %get3A_25 = vector.load %arg3[%get3A_23, %get3A_24] : memref<512x128xf32, #tpu.memory_space<vmem>>, vector<512x128xf32>
    %get3A_26 = arith.constant 0 : index
    %get3A_27 = arith.constant 0 : index
    %get3A_28 = vector.load %arg6[%get3A_26, %get3A_27] : memref<128x128xf32, #tpu.memory_space<vmem>>, vector<128x128xf32>
    %dot_general3A_29 = arith.constant dense<0.000000e+00> : vector<512x128xf32>
    %dot_general3A_30 = tpu.matmul %get3A_25, %get3A_28, %dot_general3A_29 {dimension_numbers = #tpu.dot_dimension_numbers<[1], [1], [0], [0], [0, 0, 1, 0], [], []>, transpose_lhs_hint = false} : vector<512x128xf32>, vector<128x128xf32>, vector<512x128xf32> -> vector<512x128xf32>
    %get3A_31 = arith.constant 0 : index
    %get3A_32 = arith.constant 0 : index
    %get3A_33 = vector.load %arg7[%get3A_31, %get3A_32] : memref<1x128xf32, #tpu.memory_space<vmem>>, vector<1x128xf32>
    %add3A_34 = vector.broadcast %get3A_33 : vector<1x128xf32> to vector<512x128xf32>
    %add3A_35 = arith.addf %dot_general3A_30, %add3A_34 : vector<512x128xf32>
    %get3A_36 = arith.constant 0 : index
    %get3A_37 = arith.constant 0 : index
    %get3A_38 = vector.load %arg8[%get3A_36, %get3A_37] : memref<1x128xf32, #tpu.memory_space<vmem>>, vector<1x128xf32>
    %get3A_39 = arith.constant 0 : index
    %get3A_40 = arith.constant 0 : index
    %get3A_41 = vector.load %arg9[%get3A_39, %get3A_40] : memref<1x1xf32, #tpu.memory_space<vmem>>, vector<1x1xf32>
    %get3A_42 = vector.extract %get3A_41[0, 0] : f32 from vector<1x1xf32>
    %add3A_43 = arith.addf %add3A_9, %add3A_22 : vector<512x128xf32>
    %max3A = arith.constant 0.000000e+00 : f32
    %max3A_44 = vector.broadcast %max3A : f32 to vector<512x128xf32>
    %max3A_45 = arith.maximumf %add3A_43, %max3A_44 : vector<512x128xf32>
    %mul3A = vector.broadcast %get3A_38 : vector<1x128xf32> to vector<512x128xf32>
    %mul3A_46 = arith.mulf %max3A_45, %mul3A : vector<512x128xf32>
    %reduce_sum3A = arith.constant dense<0.000000e+00> : vector<512xf32>
    %reduce_sum3A_47 = vector.multi_reduction <add>, %mul3A_46, %reduce_sum3A [1] : vector<512x128xf32> to vector<512xf32>
    %add3A_48 = vector.broadcast %get3A_42 : f32 to vector<512xf32>
    %add3A_49 = arith.addf %reduce_sum3A_47, %add3A_48 : vector<512xf32>
    %swap3A = arith.constant 0 : index
    %swap3A_50 = vector.load %arg10[%swap3A] : memref<512xf32, #tpu.memory_space<vmem>>, vector<512xf32>
    tpu.vector_store %arg10[%swap3A], %add3A_49 {strides = array<i32>} : memref<512xf32, #tpu.memory_space<vmem>>, vector<512xf32>,
    %add3A_51 = arith.addf %add3A_9, %add3A_35 : vector<512x128xf32>
    %max3A_52 = arith.constant 0.000000e+00 : f32
    %max3A_53 = vector.broadcast %max3A_52 : f32 to vector<512x128xf32>
    %max3A_54 = arith.maximumf %add3A_51, %max3A_53 : vector<512x128xf32>
    %mul3A_55 = vector.broadcast %get3A_38 : vector<1x128xf32> to vector<512x128xf32>
    %mul3A_56 = arith.mulf %max3A_54, %mul3A_55 : vector<512x128xf32>
    %reduce_sum3A_57 = arith.constant dense<0.000000e+00> : vector<512xf32>
    %reduce_sum3A_58 = vector.multi_reduction <add>, %mul3A_56, %reduce_sum3A_57 [1] : vector<512x128xf32> to vector<512xf32>
    %add3A_59 = vector.broadcast %get3A_42 : f32 to vector<512xf32>
    %add3A_60 = arith.addf %reduce_sum3A_58, %add3A_59 : vector<512xf32>
    %swap3A_61 = arith.constant 0 : index
    %swap3A_62 = vector.load %arg11[%swap3A_61] : memref<512xf32, #tpu.memory_space<vmem>>, vector<512xf32>
    tpu.vector_store %arg11[%swap3A_61], %add3A_60 {strides = array<i32>} : memref<512xf32, #tpu.memory_space<vmem>>, vector<512xf32>,
    return
  }
  func.func @transform_0(%arg0: i32) -> (i32, i32) {
    %c0_i32 = arith.constant 0 : i32
    %c0_i32_0 = arith.constant 0 : i32
    return %arg0, %c0_i32 : i32, i32
  }
  func.func @transform_1(%arg0: i32) -> (i32, i32) {
    %add3A = arith.constant 32 : i32
    %add3A_0 = arith.addi %arg0, %add3A : i32
    %c0_i32 = arith.constant 0 : i32
    %c0_i32_1 = arith.constant 0 : i32
    return %add3A_0, %c0_i32 : i32, i32
  }
  func.func @transform_2(%arg0: i32) -> (i32, i32) {
    %add3A = arith.constant 64 : i32
    %add3A_0 = arith.addi %arg0, %add3A : i32
    %c0_i32 = arith.constant 0 : i32
    %c0_i32_1 = arith.constant 0 : i32
    return %add3A_0, %c0_i32 : i32, i32
  }
  func.func @transform_3(%arg0: i32) -> (i32, i32) {
    %c0_i32 = arith.constant 0 : i32
    %c0_i32_0 = arith.constant 0 : i32
    %c0_i32_1 = arith.constant 0 : i32
    return %c0_i32, %c0_i32_0 : i32, i32
  }
  func.func @transform_4(%arg0: i32) -> (i32, i32) {
    %c0_i32 = arith.constant 0 : i32
    %c0_i32_0 = arith.constant 0 : i32
    %c0_i32_1 = arith.constant 0 : i32
    return %c0_i32, %c0_i32_0 : i32, i32
  }
  func.func @transform_5(%arg0: i32) -> (i32, i32) {
    %c0_i32 = arith.constant 0 : i32
    %c0_i32_0 = arith.constant 0 : i32
    %c0_i32_1 = arith.constant 0 : i32
    return %c0_i32, %c0_i32_0 : i32, i32
  }
  func.func @transform_6(%arg0: i32) -> (i32, i32) {
    %c0_i32 = arith.constant 0 : i32
    %c0_i32_0 = arith.constant 0 : i32
    %c0_i32_1 = arith.constant 0 : i32
    return %c0_i32, %c0_i32_0 : i32, i32
  }
  func.func @transform_7(%arg0: i32) -> (i32, i32) {
    %c0_i32 = arith.constant 0 : i32
    %c0_i32_0 = arith.constant 0 : i32
    %c0_i32_1 = arith.constant 0 : i32
    return %c0_i32, %c0_i32_0 : i32, i32
  }
  func.func @transform_8(%arg0: i32) -> (i32, i32) {
    %c0_i32 = arith.constant 0 : i32
    %c0_i32_0 = arith.constant 0 : i32
    %c0_i32_1 = arith.constant 0 : i32
    return %c0_i32, %c0_i32_0 : i32, i32
  }
  func.func @transform_9(%arg0: i32) -> i32 {
    %c0_i32 = arith.constant 0 : i32
    return %arg0 : i32
  }
  func.func @transform_10(%arg0: i32) -> i32 {
    %c0_i32 = arith.constant 0 : i32
    return %arg0 : i32
  }
}

module attributes {stable_mosaic.version = 14 : i64} {
  func.func @body(%arg0: i32, %arg1: memref<4096xi32, #tpu.memory_space<vmem>>, %arg2: memref<4096xf32, #tpu.memory_space<vmem>>, %arg3: memref<4096xf32, #tpu.memory_space<vmem>>, %arg4: memref<4096xi32, #tpu.memory_space<vmem>>, %arg5: memref<4096xf32, #tpu.memory_space<vmem>>, %arg6: memref<4096xf32, #tpu.memory_space<vmem>>, %arg7: memref<4096xf32, #tpu.memory_space<vmem>>, %arg8: memref<4096xf32, #tpu.memory_space<vmem>>) attributes {dimension_semantics = [#tpu.dimension_semantics<arbitrary>], iteration_bounds = array<i64: 25>, scalar_prefetch = 0 : i64, scratch_operands = 0 : i64, tpu.core_type = #tpu.core_type<tc>, window_params = [{transform_indices = @transform_0, window_bounds = array<i64: 4096>}, {transform_indices = @transform_1, window_bounds = array<i64: 4096>}, {transform_indices = @transform_2, window_bounds = array<i64: 4096>}, {transform_indices = @transform_3, window_bounds = array<i64: 4096>}, {transform_indices = @transform_4, window_bounds = array<i64: 4096>}, {transform_indices = @transform_5, window_bounds = array<i64: 4096>}, {transform_indices = @transform_6, window_bounds = array<i64: 4096>}, {transform_indices = @transform_7, window_bounds = array<i64: 4096>}]} {
    %get3A = arith.constant 0 : index
    %get3A_0 = vector.load %arg1[%get3A] : memref<4096xi32, #tpu.memory_space<vmem>>, vector<4096xi32>
    %ge3A = arith.constant 0 : i32
    %ge3A_1 = vector.broadcast %ge3A : i32 to vector<4096xi32>
    %ge3A_2 = arith.cmpi sge, %get3A_0, %ge3A_1 : vector<4096xi32>
    %get3A_3 = arith.constant 0 : index
    %get3A_4 = vector.load %arg2[%get3A_3] : memref<4096xf32, #tpu.memory_space<vmem>>, vector<4096xf32>
    %get3A_5 = arith.constant 0 : index
    %get3A_6 = vector.load %arg3[%get3A_5] : memref<4096xf32, #tpu.memory_space<vmem>>, vector<4096xf32>
    %select_n3A = arith.select %ge3A_2, %get3A_4, %get3A_6 : vector<4096xi1>, vector<4096xf32>
    %swap3A = arith.constant 0 : index
    %swap3A_7 = vector.load %arg7[%swap3A] : memref<4096xf32, #tpu.memory_space<vmem>>, vector<4096xf32>
    tpu.vector_store %arg7[%swap3A], %select_n3A {strides = array<i32>} : memref<4096xf32, #tpu.memory_space<vmem>>, vector<4096xf32>,
    %get3A_8 = arith.constant 0 : index
    %get3A_9 = vector.load %arg4[%get3A_8] : memref<4096xi32, #tpu.memory_space<vmem>>, vector<4096xi32>
    %ge3A_10 = arith.constant 0 : i32
    %ge3A_11 = vector.broadcast %ge3A_10 : i32 to vector<4096xi32>
    %ge3A_12 = arith.cmpi sge, %get3A_9, %ge3A_11 : vector<4096xi32>
    %get3A_13 = arith.constant 0 : index
    %get3A_14 = vector.load %arg5[%get3A_13] : memref<4096xf32, #tpu.memory_space<vmem>>, vector<4096xf32>
    %get3A_15 = arith.constant 0 : index
    %get3A_16 = vector.load %arg6[%get3A_15] : memref<4096xf32, #tpu.memory_space<vmem>>, vector<4096xf32>
    %select_n3A_17 = arith.select %ge3A_12, %get3A_14, %get3A_16 : vector<4096xi1>, vector<4096xf32>
    %swap3A_18 = arith.constant 0 : index
    %swap3A_19 = vector.load %arg8[%swap3A_18] : memref<4096xf32, #tpu.memory_space<vmem>>, vector<4096xf32>
    tpu.vector_store %arg8[%swap3A_18], %select_n3A_17 {strides = array<i32>} : memref<4096xf32, #tpu.memory_space<vmem>>, vector<4096xf32>,
    return
  }
  func.func @transform_0(%arg0: i32) -> i32 {
    %c0_i32 = arith.constant 0 : i32
    return %arg0 : i32
  }
  func.func @transform_1(%arg0: i32) -> i32 {
    %c0_i32 = arith.constant 0 : i32
    return %arg0 : i32
  }
  func.func @transform_2(%arg0: i32) -> i32 {
    %c0_i32 = arith.constant 0 : i32
    return %arg0 : i32
  }
  func.func @transform_3(%arg0: i32) -> i32 {
    %c0_i32 = arith.constant 0 : i32
    return %arg0 : i32
  }
  func.func @transform_4(%arg0: i32) -> i32 {
    %c0_i32 = arith.constant 0 : i32
    return %arg0 : i32
  }
  func.func @transform_5(%arg0: i32) -> i32 {
    %c0_i32 = arith.constant 0 : i32
    return %arg0 : i32
  }
  func.func @transform_6(%arg0: i32) -> i32 {
    %c0_i32 = arith.constant 0 : i32
    return %arg0 : i32
  }
  func.func @transform_7(%arg0: i32) -> i32 {
    %c0_i32 = arith.constant 0 : i32
    return %arg0 : i32
  }
}

module attributes {stable_mosaic.version = 14 : i64} {
  func.func @body(%arg0: i32, %arg1: memref<4096x1xi32, #tpu.memory_space<vmem>>, %arg2: memref<4096x128xf32, #tpu.memory_space<vmem>>, %arg3: memref<4096x128xf32, #tpu.memory_space<vmem>>, %arg4: memref<4096x128xf32, #tpu.memory_space<vmem>>) attributes {dimension_semantics = [#tpu.dimension_semantics<arbitrary>], iteration_bounds = array<i64: 25>, scalar_prefetch = 0 : i64, scratch_operands = 0 : i64, tpu.core_type = #tpu.core_type<tc>, window_params = [{transform_indices = @transform_0, window_bounds = array<i64: 4096, 1>}, {transform_indices = @transform_1, window_bounds = array<i64: 4096, 128>}, {transform_indices = @transform_2, window_bounds = array<i64: 4096, 128>}, {transform_indices = @transform_3, window_bounds = array<i64: 4096, 128>}]} {
    %get3A = arith.constant 0 : index
    %get3A_0 = arith.constant 0 : index
    %get3A_1 = vector.load %arg1[%get3A, %get3A_0] : memref<4096x1xi32, #tpu.memory_space<vmem>>, vector<4096x1xi32>
    %ge3A = arith.constant 0 : i32
    %ge3A_2 = vector.broadcast %ge3A : i32 to vector<4096x1xi32>
    %ge3A_3 = arith.cmpi sge, %get3A_1, %ge3A_2 : vector<4096x1xi32>
    %get3A_4 = arith.constant 0 : index
    %get3A_5 = arith.constant 0 : index
    %get3A_6 = vector.load %arg2[%get3A_4, %get3A_5] : memref<4096x128xf32, #tpu.memory_space<vmem>>, vector<4096x128xf32>
    %get3A_7 = arith.constant 0 : index
    %get3A_8 = arith.constant 0 : index
    %get3A_9 = vector.load %arg3[%get3A_7, %get3A_8] : memref<4096x128xf32, #tpu.memory_space<vmem>>, vector<4096x128xf32>
    %broadcast_in_dim3A = vector.shape_cast %ge3A_3 : vector<4096x1xi1> to vector<4096x1xi1>
    %broadcast_in_dim3A_10 = vector.broadcast %broadcast_in_dim3A : vector<4096x1xi1> to vector<4096x128xi1>
    %select_n3A = arith.select %broadcast_in_dim3A_10, %get3A_6, %get3A_9 : vector<4096x128xi1>, vector<4096x128xf32>
    %swap3A = arith.constant 0 : index
    %swap3A_11 = arith.constant 0 : index
    %swap3A_12 = vector.load %arg4[%swap3A, %swap3A_11] : memref<4096x128xf32, #tpu.memory_space<vmem>>, vector<4096x128xf32>
    tpu.vector_store %arg4[%swap3A, %swap3A_11], %select_n3A {strides = array<i32>} : memref<4096x128xf32, #tpu.memory_space<vmem>>, vector<4096x128xf32>,
    return
  }
  func.func @transform_0(%arg0: i32) -> (i32, i32) {
    %c0_i32 = arith.constant 0 : i32
    %c0_i32_0 = arith.constant 0 : i32
    return %arg0, %c0_i32 : i32, i32
  }
  func.func @transform_1(%arg0: i32) -> (i32, i32) {
    %c0_i32 = arith.constant 0 : i32
    %c0_i32_0 = arith.constant 0 : i32
    return %arg0, %c0_i32 : i32, i32
  }
  func.func @transform_2(%arg0: i32) -> (i32, i32) {
    %c0_i32 = arith.constant 0 : i32
    %c0_i32_0 = arith.constant 0 : i32
    return %arg0, %c0_i32 : i32, i32
  }
  func.func @transform_3(%arg0: i32) -> (i32, i32) {
    %c0_i32 = arith.constant 0 : i32
    %c0_i32_0 = arith.constant 0 : i32
    return %arg0, %c0_i32 : i32, i32
  }
}

module attributes {stable_mosaic.version = 14 : i64} {
  func.func @body(%arg0: i32, %arg1: memref<4096x1xi32, #tpu.memory_space<vmem>>, %arg2: memref<4096x128xf32, #tpu.memory_space<vmem>>, %arg3: memref<4096x16xf32, #tpu.memory_space<vmem>>, %arg4: memref<4096x144xf32, #tpu.memory_space<vmem>>, %arg5: memref<4096x144xf32, #tpu.memory_space<vmem>>) attributes {dimension_semantics = [#tpu.dimension_semantics<arbitrary>], iteration_bounds = array<i64: 25>, scalar_prefetch = 0 : i64, scratch_operands = 0 : i64, tpu.core_type = #tpu.core_type<tc>, window_params = [{transform_indices = @transform_0, window_bounds = array<i64: 4096, 1>}, {transform_indices = @transform_1, window_bounds = array<i64: 4096, 128>}, {transform_indices = @transform_2, window_bounds = array<i64: 4096, 16>}, {transform_indices = @transform_3, window_bounds = array<i64: 4096, 144>}, {transform_indices = @transform_4, window_bounds = array<i64: 4096, 144>}]} {
    %get3A = arith.constant 0 : index
    %get3A_0 = arith.constant 0 : index
    %get3A_1 = vector.load %arg1[%get3A, %get3A_0] : memref<4096x1xi32, #tpu.memory_space<vmem>>, vector<4096x1xi32>
    %ge3A = arith.constant 0 : i32
    %ge3A_2 = vector.broadcast %ge3A : i32 to vector<4096x1xi32>
    %ge3A_3 = arith.cmpi sge, %get3A_1, %ge3A_2 : vector<4096x1xi32>
    %get3A_4 = arith.constant 0 : index
    %get3A_5 = arith.constant 0 : index
    %get3A_6 = vector.load %arg2[%get3A_4, %get3A_5] : memref<4096x128xf32, #tpu.memory_space<vmem>>, vector<4096x128xf32>
    %get3A_7 = arith.constant 0 : index
    %get3A_8 = arith.constant 0 : index
    %get3A_9 = vector.load %arg3[%get3A_7, %get3A_8] : memref<4096x16xf32, #tpu.memory_space<vmem>>, vector<4096x16xf32>
    %concatenate3A = tpu.concatenate %get3A_6, %get3A_9 in 1 : vector<4096x128xf32>, vector<4096x16xf32> -> vector<4096x144xf32>
    %get3A_10 = arith.constant 0 : index
    %get3A_11 = arith.constant 0 : index
    %get3A_12 = vector.load %arg4[%get3A_10, %get3A_11] : memref<4096x144xf32, #tpu.memory_space<vmem>>, vector<4096x144xf32>
    %broadcast_in_dim3A = vector.shape_cast %ge3A_3 : vector<4096x1xi1> to vector<4096x1xi1>
    %broadcast_in_dim3A_13 = vector.broadcast %broadcast_in_dim3A : vector<4096x1xi1> to vector<4096x144xi1>
    %select_n3A = arith.select %broadcast_in_dim3A_13, %concatenate3A, %get3A_12 : vector<4096x144xi1>, vector<4096x144xf32>
    %swap3A = arith.constant 0 : index
    %swap3A_14 = arith.constant 0 : index
    %swap3A_15 = vector.load %arg5[%swap3A, %swap3A_14] : memref<4096x144xf32, #tpu.memory_space<vmem>>, vector<4096x144xf32>
    tpu.vector_store %arg5[%swap3A, %swap3A_14], %select_n3A {strides = array<i32>} : memref<4096x144xf32, #tpu.memory_space<vmem>>, vector<4096x144xf32>,
    return
  }
  func.func @transform_0(%arg0: i32) -> (i32, i32) {
    %c0_i32 = arith.constant 0 : i32
    %c0_i32_0 = arith.constant 0 : i32
    return %arg0, %c0_i32 : i32, i32
  }
  func.func @transform_1(%arg0: i32) -> (i32, i32) {
    %c0_i32 = arith.constant 0 : i32
    %c0_i32_0 = arith.constant 0 : i32
    return %arg0, %c0_i32 : i32, i32
  }
  func.func @transform_2(%arg0: i32) -> (i32, i32) {
    %c0_i32 = arith.constant 0 : i32
    %c0_i32_0 = arith.constant 0 : i32
    return %arg0, %c0_i32 : i32, i32
  }
  func.func @transform_3(%arg0: i32) -> (i32, i32) {
    %c0_i32 = arith.constant 0 : i32
    %c0_i32_0 = arith.constant 0 : i32
    return %arg0, %c0_i32 : i32, i32
  }
  func.func @transform_4(%arg0: i32) -> (i32, i32) {
    %c0_i32 = arith.constant 0 : i32
    %c0_i32_0 = arith.constant 0 : i32
    return %arg0, %c0_i32 : i32, i32
  }
}

</mosaic_0001>

<sc_bundles>
// kernel: kernel.11.cloned.1.call-start
scs
__scs_entry_jumppad:
0x0: {  	(pc) =	sbr.rel $0x88, $3  }
0x1: {  	(tag) =	ssettag $0x0;
	lr =	simm.s32 $0x1  }
0x2: {  	[smem:$0x3F89] =	sst lr;
	_ =	strace $0xD0000000  }
0x3: {  	_ = 	snop  }
0x4: {  	_ = 	snop  }
0x5: {  	_ = 	snop  }
0x6: {  	_ = 	snop  }
0x7: {  	_ = 	snop  }
__scs_overlays_trampoline_lowered:
0x8: {  	[smem:$0x3F98] =	sst s0  }
0x9: {  	[smem:$0x3F99] =	sst s1  }
0xa: {  	[smem:$0x3F9A] =	sst s2  }
0xb: {  	[smem:$0x3F9B] =	sst s3  }
0xc: {  	[smem:$0x3F9C] =	sst s4  }
0xd: {  	[smem:$0x3F9D] =	sst s5  }
0xe: {  	[smem:$0x3F9E] =	sst s6  }
0xf: {  	[smem:$0x3F9F] =	sst s7  }
0x10: {  	[smem:$0x3FA0] =	sst s8  }
0x11: {  	[smem:$0x3FA1] =	sst s9;
	s0 =	simm.s32 @!p0 $0x0  }
0x12: {  	s1 =	sld [smem:$0x3F87];
	s0 =	simm.s32 @p0 $0x1  }
0x13: {  	[smem:$0x3FA2] =	sst s0;
	s0 =	simm.s32 @!p1 $0x0  }
0x14: {  	s2 =	sld [smem:$0x3F86];
	s0 =	simm.s32 @p1 $0x1  }
0x15: {  	[smem:$0x3FA3] =	sst s0;
	s0 =	simm.s32 @!p2 $0x0  }
0x16: {  	s3 =	sld [smem:$0x3FDB];
	s0 =	simm.s32 @p2 $0x1  }
0x17: {  	s4 =	simm.s32 $0x1BF5;
	[smem:$0x3FA5] =	sst s0  }
0x18: {  	s0 =	sld [smem:$0x3F88];
	_ =	swait.ge [sflag:s4], $0x0  }
0x19: {  	s7 =	sld [smem:$0x3F89]  }
0x1a: {  	s8 =	sadd.s32 $0xFFFFE003, lr  }
0x1b: {  	s9 =	sadd.s32 $0xFFFFFEF7, lr;
	s5 =	simm.s32 $0xFFFFFFFF;
	p2 =	slt.u32 s8, $0xFFFFF086  }
0x1c: {  	p1 =	slt.u32 s9, $0xF7A;
	s5 =	simm.s32 @!p2 $0x0  }
0x1d: {  	s5 =	simm.s32 @p1 $0x1;
	p0 =	seq.s32 s7, s2  }
0x1e: {  	s7 =	smul.u32 @!p0 $0xF7A, s2;
	p2 =	seq.s32 @!p0 s5, $0x0  }
0x1f: {  	s9 =	smul.u32 $0xF7A, s1;
	s8 =	simm.s32 @!p0 $0x1BF5;
	p2 =	por !p2, p0  }
0x20: {  	[sflag:s8] =	ssyncset.s32 @!p0 $0xFFFFF086;
	s6 =	sadd.s32 @!p0 s3, s7;
	s7 =	simm.s32 @!p0 $0x108  }
0x21: {  	s3 =	sadd.s32 s3, s9;
	s6 =	sadd.s32 @!p0 $0x88, s6;
	s7 =	simm.s32 @p2 $0x1082  }
0x22: {  	[simem:s7], [sflag:s8] =	dma.local @!p0 [hbm:s6], $0xF7A  }
0x23: {  	s9 =	sor.u32 $0xD0000000, s2;
	s6 =	simm.s32 $0x108;
	_ =	swait.ge @!p0 [sflag:s8], $0x0  }
0x24: {  	s3 =	sadd.s32 $0x88, s3;
	s6 =	simm.s32 @!p1 $0x1082;
	[sflag:s4] =	ssyncset.s32 $0xFFFFF086  }
0x25: {  	[simem:s6], [sflag:s4] =	dma.local [hbm:s3], $0xF7A  }
0x26: {  	[smem:$0x3F89] =	sst s1;
	(tag) =	ssettag s2;
	_ =	strace s9  }
0x27: {  	s1 =	sld [smem:$0x3F99]  }
0x28: {  	s2 =	sld [smem:$0x3F9A]  }
0x29: {  	s4 =	sld [smem:$0x3F9C]  }
0x2a: {  	p0 =	seq.s32 s5, $0x0;
	s5 =	sld [smem:$0x3F9D]  }
0x2b: {  	s6 =	sld [smem:$0x3F9E]  }
0x2c: {  	s7 =	sld [smem:$0x3F9F]  }
0x2d: {  	s3 =	simm.s32 $0x108;
	s8 =	sld [smem:$0x3FA0]  }
0x2e: {  	s3 =	simm.s32 @!p0 $0x1082;
	s9 =	sld [smem:$0x3FA1]  }
0x2f: {  	lr =	sadd.s32 s0, s3;
	s0 =	sld [smem:$0x3F98]  }
0x30: {  	s3 =	sld [smem:$0x3F9B]  }
0x31: {  	[smem:$0x3FA4] =	sst s10  }
0x32: {  	s10 =	sld [smem:$0x3FA2];
	_ =	sdelay $0x3  }
0x33: {  	p0 =	seq.s32 s10, $0x1;
	s10 =	sld [smem:$0x3FA4];
	_ =	sdelay $0x3  }
0x34: {  	[smem:$0x3FA4] =	sst s10  }
0x35: {  	s10 =	sld [smem:$0x3FA3];
	_ =	sdelay $0x3  }
0x36: {  	p1 =	seq.s32 s10, $0x1;
	s10 =	sld [smem:$0x3FA4];
	_ =	sdelay $0x3  }
0x37: {  	[smem:$0x3FA4] =	sst s10  }
0x38: {  	s10 =	sld [smem:$0x3FA5]  }
0x39: {  	_ = 	snop;
	(pc) =	sbr.ind lr, $3  }
0x3a: {  	_ = 	snop  }
0x3b: {  	_ = 	snop  }
0x3c: {  	p2 =	seq.s32 s10, $0x1;
	s10 =	sld [smem:$0x3FA4]  }
0x3d: {  	_ =	shalt  }
0x3e: {  	_ =	shalt  }
0x3f: {  	_ =	shalt  }
0x40: {  	_ =	shalt  }
0x41: {  	_ =	shalt  }
0x42: {  	_ =	shalt  }
0x43: {  	_ =	shalt  }
0x44: {  	_ =	shalt  }
0x45: {  	_ =	shalt  }
0x46: {  	_ =	shalt  }
0x47: {  	_ =	shalt  }
0x48: {  	_ =	shalt  }
0x49: {  	_ =	shalt  }
0x4a: {  	_ =	shalt  }
0x4b: {  	_ =	shalt  }
0x4c: {  	_ =	shalt  }
0x4d: {  	_ =	shalt  }
0x4e: {  	_ =	shalt  }
0x4f: {  	_ =	shalt  }
0x50: {  	_ =	shalt  }
0x51: {  	_ =	shalt  }
0x52: {  	_ =	shalt  }
0x53: {  	_ =	shalt  }
0x54: {  	_ =	shalt  }
0x55: {  	_ =	shalt  }
0x56: {  	_ =	shalt  }
0x57: {  	_ =	shalt  }
0x58: {  	_ =	shalt  }
0x59: {  	_ =	shalt  }
0x5a: {  	_ =	shalt  }
0x5b: {  	_ =	shalt  }
0x5c: {  	_ =	shalt  }
0x5d: {  	_ =	shalt  }
0x5e: {  	_ =	shalt  }
0x5f: {  	_ =	shalt  }
0x60: {  	_ =	shalt  }
0x61: {  	_ =	shalt  }
0x62: {  	_ =	shalt  }
0x63: {  	_ =	shalt  }
0x64: {  	_ =	shalt  }
0x65: {  	_ =	shalt  }
0x66: {  	_ =	shalt  }
0x67: {  	_ =	shalt  }
0x68: {  	_ =	shalt  }
0x69: {  	_ =	shalt  }
0x6a: {  	_ =	shalt  }
0x6b: {  	_ =	shalt  }
0x6c: {  	_ =	shalt  }
0x6d: {  	_ =	shalt  }
0x6e: {  	_ =	shalt  }
0x6f: {  	_ =	shalt  }
0x70: {  	_ =	shalt  }
0x71: {  	_ =	shalt  }
0x72: {  	_ =	shalt  }
0x73: {  	_ =	shalt  }
0x74: {  	_ =	shalt  }
0x75: {  	_ =	shalt  }
0x76: {  	_ =	shalt  }
0x77: {  	_ =	shalt  }
0x78: {  	_ =	shalt  }
0x79: {  	_ =	shalt  }
0x7a: {  	_ =	shalt  }
0x7b: {  	_ =	shalt  }
0x7c: {  	_ =	shalt  }
0x7d: {  	_ =	shalt  }
0x7e: {  	_ =	shalt  }
0x7f: {  	_ =	shalt  }
0x80: {  	_ =	shalt  }
0x81: {  	_ =	shalt  }
0x82: {  	_ =	shalt  }
0x83: {  	_ =	shalt  }
0x84: {  	_ =	shalt  }
0x85: {  	_ =	shalt  }
0x86: {  	_ =	shalt  }
0x87: {  	_ =	shalt  }
.Lfunc_end0:
.L_simem_size_0:
called_computation_lowered:
.L_overlay_start_0:
0x88: {  	s2 =	sld [smem:$0x3FD9]  }
0x89: {  	s3 =	sld [smem:$0x3FFE];
	_ =	sdelay $0x1  }
0x8a: {  	s1 =	srdreg.scid  }
0x8b: {  	s0 =	sand.u32 $0x1, s1  }
0x8c: {  	s14 =	sshll.u32 s0, $0xA;
	s2 =	sadd.s32 s3, s2  }
0x8d: {  	s2 =	sadd.s32 s2, s14  }
0x8e: {  	[smem:$0x3FB0] =	sst s2  }
0x8f: {  	_ = 	snop  }
0x90: {  	s2 =	sld [smem:$0x3FD0]  }
0x91: {  	s15 =	sld [smem:$0x3FC9]  }
0x92: {  	s4 =	sld [smem:$0x3FC7]  }
0x93: {  	s6 =	simm.s32 $0xA;
	s7 =	simm.s32 $0x10;
	s5 =	sld [smem:$0x3FC3]  }
0x94: {  	[smem:s7], [sflag:s6] =	dma.local [hbm:s2], $0x1  }
0x95: {  	_ =	swait.eq [sflag:s6], $0x1  }
0x96: {  	[sflag:s6] =	ssyncset.done $0x0  }
0x97: {  	s16 =	sld [smem:$0x12];
	[sflag:s6] =	ssyncadd.s32 $0xFFFFFFFF  }
0x98: {  	s17 =	sld [smem:$0x14];
	(tm) =	ssettm $0x1  }
0x99: {  	s18 =	sld [smem:$0x3FFB];
	_ =	sdelay $0x3  }
0x9a: {  	_ =	strace s18  }
0x9b: {  	s7 =	sld [smem:$0x3FFC];
	_ =	sdelay $0x3  }
0x9c: {  	_ =	strace s7  }
0x9d: {  	s7 =	sld [smem:$0x3FFD];
	_ =	sdelay $0x3  }
0x9e: {  	_ =	strace s7  }
0x9f: {  	_ =	strace $0x8FFFFFFF  }
0xa0: {  	s19 =	sld [smem:$0x3FDB];
	_ =	sdelay $0x1  }
0xa1: {  	s8 =	simm.s32 $_scs_section_size  }
0xa2: {  	s9 =	simm.s32 $_size__tile_overlayer_lowered;
	s10 =	simm.s32 $_tile_overlayer_lowered  }
0xa3: {  	s22 =	simm.s32 $0x1BFF;
	s21 =	sshll.u32 s10, $0x1;
	s7 =	sadd.s32 s8, s19  }
0xa4: {  	s11 =	simm.s32 $0x0;
	s20 =	sshll.u32 s9, $0x1;
	s9 =	sadd.s32 s21, s7  }
0xa5: {  	[timem:s11], [sflag:s22] =	dma.local [hbm:s9], s20  }
0xa6: {  	_ =	swait.ge [sflag:s22], s20  }
0xa7: {  	s8 =	ssub.s32 $0x0, s20;
	[sflag:s22] =	ssyncset.done $0x0  }
0xa8: {  	[sflag:s22] =	ssyncadd.s32 s8;
	_ =	sdelay $0x1  }
0xa9: {  	s23 =	simm.s32 $0x1B8B  }
0xaa: {  	_ =	swait.ge [sflag:s23], $0x1  }
0xab: {  	[sflag:s23] =	ssyncset.done $0x0  }
0xac: {  	s25 =	simm.s32 $0x1B8E;
	s24 =	sld [smem:$0x3FFE];
	[sflag:s23] =	ssyncadd.s32 $0xFFFFFFFF  }
0xad: {  	s26 =	simm.s32 $execute0_lowered;
	[smem:$0x3FD2] =	sst s25  }
0xae: {  	s9 =	sshll.u32 s26, $0x1;
	_ =	strace $0x80000046;
	[dreg:$0x1] =	wrdreg $0xFFFFFFFF  }
0xaf: {  	s28 =	simm.s32 $_size_execute0_lowered;
	s7 =	sadd.s32 s7, s9;
	[dreg:$0x0] =	wrdreg $0x0  }
0xb0: {  	s9 =	sshll.u32 s28, $0x1;
	[dreg:$0x2] =	wrdreg s7  }
0xb1: {  	[dreg:$0x3] =	wrdreg s9  }
0xb2: {  	[dreg:$0x4] =	wrdreg $0xC0  }
0xb3: {  	_ =	task [dreg:s11], $0x5FFFF  }
0xb4: {  	[dreg:$0x1] =	wrdreg $0xFFFFFFFF  }
0xb5: {  	[dreg:$0x0] =	wrdreg $0x60  }
0xb6: {  	[dreg:$0x2] =	wrdreg s15  }
0xb7: {  	[dreg:$0x3] =	wrdreg s24  }
0xb8: {  	[dreg:$0x4] =	wrdreg s4  }
0xb9: {  	[dreg:$0x5] =	wrdreg s17  }
0xba: {  	[dreg:$0x6] =	wrdreg s5  }
0xbb: {  	[dreg:$0x7] =	wrdreg s16  }
0xbc: {  	[dreg:$0x8] =	wrdreg $0x9  }
0xbd: {  	_ =	task.clear_ibuf [dreg:s11], $0x9FFFF;
	_ =	strace $0x90000046  }
0xbe: {  	s29 =	simm.s32 $0x9;
	_ =	strace $0x80000048  }
0xbf: {  	_ =	swait.ge [sflag:s29], $0x1  }
0xc0: {  	[sflag:s29] =	ssyncadd.s32 $0xFFFFFFFF  }
0xc1: {  	_ =	strace $0x90000048  }
0xc2: {  	_ =	sfence  }
0xc3: {  	s30 =	sld [smem:$0x0];
	_ =	sdelay $0x2  }
0xc4: {  	s31 =	sshll.u32 s1, $0xD;
	s1 =	sshrl.u32 s1, $0x2  }
0xc5: {  	s3 =	sand.u32 $0x4000, s31;
	s1 =	sadd.s32 s1, s30  }
0xc6: {  	s0 =	sor.u32 s3, s0;
	s1 =	sshll.u32 s1, $0x11  }
0xc7: {  	s0 =	sor.u32 s1, s0  }
0xc8: {  	s0 =	sadd.s32 $0x8F2B, s0  }
0xc9: {  	[sflag:s0] =	ssyncadd.remote.s32 $0x1  }
0xca: {  	_ =	sfence.sel $0xFFFF  }
0xcb: {  	[dreg:$0x0] =	wrdreg $0xFFFFFFFF;
	(pc) =	sbr.abs _section_cstart, $3  }
0xcc: {  	[dreg:$0x1] =	wrdreg $0xFFFFFFFF  }
0xcd: {  	_ =	task.clear_ibuf [dreg:s11], $0x2FFFF;
	_ =	strace $0x9FFFFFFF  }
0xce: {  	(tm) =	ssettm $0x7FFFFFFF  }
0xcf: {  	_ =	shalt  }
tec
execute0_lowered:
.L_overlay_start_1:
0x0: {  	(tag) =	ssettag $0x1  }
0x1: {  	s7 =	rddreg [dreg:$0x0]  }
0x2: {  	s8 =	rddreg [dreg:$0x1]  }
0x3: {  	s1 =	rddreg [dreg:$0x2]  }
0x4: {  	s2 =	rddreg [dreg:$0x3]  }
0x5: {  	s4 =	rddreg [dreg:$0x4]  }
0x6: {  	s12 =	rddreg [dreg:$0x5]  }
0x7: {  	s0 =	rddreg [dreg:$0x6]  }
0x8: {  	s5 =	simm.s32 $0x0;
	s3 =	stileid.u32;
	s6 =	srdreg.scid  }
0x9: {  	s16 =	simm.s32 $0xE00;
	s17 =	simm.s32 $0x4E00;
	s9 =	smul.u32 $0xC000, s3  }
0xa: {  	s18 =	simm.s32 $0x9600;
	s19 =	simm.s32 $0x1;
	s11 =	smul.u32 $0xD800, s3  }
0xb: {  	s20 =	simm.s32 $0x0;
	s10 =	sand.u32 $0x1, s6;
	s30 =	smul.u32 $0x1800, s3  }
0xc: {  	s24 =	sshll.u32 s3, $0x1;
	[smem:$0x7FF] =	sst s5;
	s15 =	smul.u32 $0x6C00, s10  }
0xd: {  	s6 =	sadd.s32 $0x5000, s8;
	s13 =	sor.u32 s10, s24;
	s29 =	smul.u32 $0x6000, s10  }
0xe: {  	_ =	strace $0x80000047;
	s26 =	ssub.s32 $0x2, s10;
	s31 =	smul.u32 $0xC00, s10  }
0xf: {  	s13 =	smul.u32 $0x600, s13;
	s14 =	sadd.s32 s9, s8;
	s28 =	sshrl.u32 s26, $0x1  }
0x10: {  	s25 =	sadd.s32 s11, s8;
	s12 =	sadd.s32 s30, s12;
	s8 =	ssub.s32 s26, s28  }
0x11: {  	s9 =	sadd.s32 s15, s25;
	s11 =	sadd.s32 s29, s14;
	s12 =	sadd.s32 s31, s12  }
0x12: {  	s14 =	simm.s32 $0x80;
	s15 =	simm.s32 $0x600;
	s13 =	sshrl.u32 s13, $0x3  }
0x13: {  	s8 =	smax.u32 s8, $0x1;
	s9 =	sadd.s32 $0x343200, s9;
	s10 =	sadd.s32 $0x4DB200, s11  }
0x14: {  	s11 =	sadd.s32 $0x41B200, s11;
	s7 =	sadd.s32 s7, s13;
	s13 =	simm.s32 $0x2  }
.LBB2_1:
0x15: {  	[tilespmem:s5], [sflag:$0x2] =	stream.linear.gather [hbm4b:s7+s5], $0x600, $0x38;
	[tilespmem:$0xD600] =	vst v63  }
0x16: {  	_ =	swait.ge [sflag:s13], $0x600  }
0x17: {  	[sflag:s13] =	ssyncset.done $0x0  }
0x18: {  	[sflag:s13] =	ssyncadd.s32 $0xFFFFFA00  }
0x19: {  	[tilespmem:s15], [sflag:$0x1] =	stream.indirect.gather [hbm4b:s6+s14], $0x10, s5, s14, $0xb8;
	[tilespmem:$0xD600] =	vst v63  }
0x1a: {  	_ = 	snop  }
0x1b: {  	[tilespmem:s16], [sflag:$0x1] =	stream.indirect.gather [hbm4b:s1+s14], $0x80, s5, s14, $0xb8;
	[tilespmem:$0xD600] =	vst v63  }
0x1c: {  	_ = 	snop  }
0x1d: {  	[tilespmem:s17], [sflag:$0x1] =	stream.indirect.gather [hbm4b:s2+s14], $0x90, s5, s14, $0xb8;
	[tilespmem:$0xD600] =	vst v63  }
0x1e: {  	_ = 	snop  }
0x1f: {  	[tilespmem:s18], [sflag:$0x1] =	stream.indirect.gather [hbm4b:s4+s14], $0x80, s5, s14, $0xb8;
	[tilespmem:$0xD600] =	vst v63  }
0x20: {  	_ =	swait.ge [sflag:s19], $0x800  }
0x21: {  	[sflag:s19] =	ssyncset.done $0x0  }
0x22: {  	[sflag:s19] =	ssyncadd.s32 $0xFFFFF800  }
0x23: {  	_ =	swait.ge [sflag:s19], $0x4000  }
0x24: {  	[sflag:s19] =	ssyncset.done $0x0  }
0x25: {  	[sflag:s19] =	ssyncadd.s32 $0xFFFFC000  }
0x26: {  	_ =	swait.ge [sflag:s19], $0x4800  }
0x27: {  	[sflag:s19] =	ssyncset.done $0x0  }
0x28: {  	[sflag:s19] =	ssyncadd.s32 $0xFFFFB800  }
0x29: {  	_ =	swait.ge [sflag:s19], $0x4000  }
0x2a: {  	[sflag:s19] =	ssyncset.done $0x0  }
0x2b: {  	[sflag:s19] =	ssyncadd.s32 $0xFFFFC000  }
0x2c: {  	[hbm4b:s12+s5] =	stream.linear.scatter [tilespmem:s15], [sflag:$0x2], $0x800, $0x38;
	[tilespmem:$0xD600] =	vst v63  }
0x2d: {  	_ =	swait.ge [sflag:s13], $0x800  }
0x2e: {  	[sflag:s13] =	ssyncset.done $0x0  }
0x2f: {  	s21 =	sadd.s32 $0x0, s11;
	[sflag:s13] =	ssyncadd.s32 $0xFFFFF800  }
0x30: {  	[hbm4b:s21+s5] =	stream.linear.scatter [tilespmem:s16], [sflag:$0x2], $0x4000, $0x38;
	[tilespmem:$0xD600] =	vst v63  }
0x31: {  	_ =	swait.ge [sflag:s13], $0x4000  }
0x32: {  	[sflag:s13] =	ssyncset.done $0x0  }
0x33: {  	[sflag:s13] =	ssyncadd.s32 $0xFFFFC000  }
0x34: {  	[hbm4b:s9+s5] =	stream.linear.scatter [tilespmem:s17], [sflag:$0x2], $0x4800, $0x38;
	[tilespmem:$0xD600] =	vst v63  }
0x35: {  	_ =	swait.ge [sflag:s13], $0x4800  }
0x36: {  	[sflag:s13] =	ssyncset.done $0x0  }
0x37: {  	s31 =	sadd.s32 $0x0, s10;
	[sflag:s13] =	ssyncadd.s32 $0xFFFFB800  }
0x38: {  	[hbm4b:s31+s5] =	stream.linear.scatter [tilespmem:s18], [sflag:$0x2], $0x4000, $0x38;
	[tilespmem:$0xD600] =	vst v63  }
0x39: {  	s22 =	simm.s32 $0x80;
	s23 =	smov.u32 s9;
	_ =	swait.ge [sflag:s13], $0x4000  }
0x3a: {  	s24 =	smov.u32 s12;
	s21 =	simm.s32 $0x800;
	[sflag:s13] =	ssyncset.done $0x0  }
.LBB2_2:
0x3b: {  	[sflag:s13] =	ssyncadd.s32 $0xFFFFC000;
	s23 =	sadd.s32 $0x900, s23;
	s24 =	sadd.s32 $0x100, s24  }
0x3c: {  	[tilespmem:s15], [sflag:$0x1] =	stream.indirect.gather [hbm4b:s6+s14], $0x10, s22, s14, $0xb8;
	[tilespmem:$0xD600] =	vst v63  }
0x3d: {  	p0 =	sne.s32 s21, $0x5800;
	s25 =	smov.u32 s21;
	s21 =	sadd.s32 $0x800, s21  }
0x3e: {  	[tilespmem:s16], [sflag:$0x1] =	stream.indirect.gather [hbm4b:s1+s14], $0x80, s22, s14, $0xb8;
	[tilespmem:$0xD600] =	vst v63  }
0x3f: {  	_ = 	snop  }
0x40: {  	[tilespmem:s17], [sflag:$0x1] =	stream.indirect.gather [hbm4b:s2+s14], $0x90, s22, s14, $0xb8;
	[tilespmem:$0xD600] =	vst v63  }
0x41: {  	_ = 	snop  }
0x42: {  	[tilespmem:s18], [sflag:$0x1] =	stream.indirect.gather [hbm4b:s4+s14], $0x80, s22, s14, $0xb8;
	[tilespmem:$0xD600] =	vst v63  }
0x43: {  	_ =	swait.ge [sflag:s19], $0x800  }
0x44: {  	[sflag:s19] =	ssyncset.done $0x0  }
0x45: {  	[sflag:s19] =	ssyncadd.s32 $0xFFFFF800  }
0x46: {  	_ =	swait.ge [sflag:s19], $0x4000  }
0x47: {  	[sflag:s19] =	ssyncset.done $0x0  }
0x48: {  	[sflag:s19] =	ssyncadd.s32 $0xFFFFC000  }
0x49: {  	_ =	swait.ge [sflag:s19], $0x4800  }
0x4a: {  	[sflag:s19] =	ssyncset.done $0x0  }
0x4b: {  	[sflag:s19] =	ssyncadd.s32 $0xFFFFB800  }
0x4c: {  	_ =	swait.ge [sflag:s19], $0x4000  }
0x4d: {  	[sflag:s19] =	ssyncset.done $0x0  }
0x4e: {  	[sflag:s19] =	ssyncadd.s32 $0xFFFFC000  }
0x4f: {  	[hbm4b:s24+s5] =	stream.linear.scatter [tilespmem:s15], [sflag:$0x2], $0x800, $0x38;
	[tilespmem:$0xD600] =	vst v63  }
0x50: {  	_ =	swait.ge [sflag:s13], $0x800  }
0x51: {  	[sflag:s13] =	ssyncset.done $0x0  }
0x52: {  	s26 =	sadd.s32 s25, s11;
	[sflag:s13] =	ssyncadd.s32 $0xFFFFF800  }
0x53: {  	[hbm4b:s26+s5] =	stream.linear.scatter [tilespmem:s16], [sflag:$0x2], $0x4000, $0x38;
	[tilespmem:$0xD600] =	vst v63  }
0x54: {  	_ =	swait.ge [sflag:s13], $0x4000  }
0x55: {  	[sflag:s13] =	ssyncset.done $0x0  }
0x56: {  	[sflag:s13] =	ssyncadd.s32 $0xFFFFC000  }
0x57: {  	[hbm4b:s23+s5] =	stream.linear.scatter [tilespmem:s17], [sflag:$0x2], $0x4800, $0x38;
	[tilespmem:$0xD600] =	vst v63  }
0x58: {  	_ =	swait.ge [sflag:s13], $0x4800  }
.Ltmp0:
0x59: {  	[sflag:s13] =	ssyncset.done $0x0;
	(pc) =	sbr.rel @p0 .LBB2_2-.Ltmp0, $4  }
0x5a: {  	s25 =	sadd.s32 s25, s10;
	[sflag:s13] =	ssyncadd.s32 $0xFFFFB800  }
0x5b: {  	[hbm4b:s25+s5] =	stream.linear.scatter [tilespmem:s18], [sflag:$0x2], $0x4000, $0x38;
	[tilespmem:$0xD600] =	vst v63  }
0x5c: {  	_ =	swait.ge [sflag:s13], $0x4000  }
0x5d: {  	s22 =	sadd.s32 $0x80, s22;
	[sflag:s13] =	ssyncset.done $0x0  }
0x5e: {  	s20 =	sadd.s32 $0x1, s20  }
0x5f: {  	p0 =	sne.s32 s20, s8  }
.Ltmp1:
0x60: {  	_ = 	snop;
	(pc) =	sbr.rel @p0 .LBB2_1-.Ltmp1, $2  }
0x61: {  	_ =	sdelay $0x2  }
0x62: {  	[sflag:s13] =	ssyncadd.s32 $0xFFFFC000  }
0x63: {  	_ =	sfence.sel $0x180000  }
0x64: {  	[bflag:$0x0] =	sbarrier.arrive $0xFFFF  }
0x65: {  	p0 =	sne.s32 s3, $0x0;
	_ =	strace $0x90000047  }
0x66: {  	s0 =	sadd.s32 @!p0 $0x100000, s0;
	[bflag:$0x2] =	sbarrier.arrive $0xFFFF  }
0x67: {  	[sflag:s0] =	ssyncadd.tile.s32 @!p0 $0x1;
	_ =	shalt  }
.Lfunc_end2:
_tile_overlayer_lowered:
.L_overlay_start_2:
0x68: {  	(tag) =	ssettag $0x2  }
0x69: {  	s0 =	rddreg [dreg:$0x0];
	s2 =	stileid.u32  }
0x6a: {  	s1 =	rddreg [dreg:$0x1];
	p0 =	sne.s32 s2, $0x0  }
0x6b: {  	s3 =	rddreg [dreg:$0x2];
	[bflag:$0x3] =	sbarrier.arrive $0xFFFF;
	s2 =	simm.s32 @!p0 $0x1C02  }
0x6c: {  	[timem:s3], [sflag:s2] =	dma.local @!p0 [hbm:s0], s1  }
0x6d: {  	s0 =	simm.s32 @!p0 $0x2  }
0x6e: {  	_ =	swait.ge @!p0 [sflag:s0], s1  }
0x6f: {  	s1 =	ssub.s32 @!p0 $0x0, s1;
	[sflag:s0] =	ssyncset.done @!p0 $0x0  }
0x70: {  	[sflag:s0] =	ssyncadd.s32 @!p0 s1  }
0x71: {  	[bflag:$0x3] =	sbarrier.arrive $0xFFFF  }
0x72: {  	_ =	shalt  }

// kernel: kernel.14.cloned.1.call-start
scs
__scs_entry_jumppad:
0x0: {  	(pc) =	sbr.rel $0x88, $3  }
0x1: {  	(tag) =	ssettag $0x0;
	lr =	simm.s32 $0x1  }
0x2: {  	[smem:$0x3F89] =	sst lr;
	_ =	strace $0xD0000000  }
0x3: {  	_ = 	snop  }
0x4: {  	_ = 	snop  }
0x5: {  	_ = 	snop  }
0x6: {  	_ = 	snop  }
0x7: {  	_ = 	snop  }
__scs_overlays_trampoline_lowered:
0x8: {  	[smem:$0x3F98] =	sst s0  }
0x9: {  	[smem:$0x3F99] =	sst s1  }
0xa: {  	[smem:$0x3F9A] =	sst s2  }
0xb: {  	[smem:$0x3F9B] =	sst s3  }
0xc: {  	[smem:$0x3F9C] =	sst s4  }
0xd: {  	[smem:$0x3F9D] =	sst s5  }
0xe: {  	[smem:$0x3F9E] =	sst s6  }
0xf: {  	[smem:$0x3F9F] =	sst s7  }
0x10: {  	[smem:$0x3FA0] =	sst s8  }
0x11: {  	[smem:$0x3FA1] =	sst s9;
	s0 =	simm.s32 @!p0 $0x0  }
0x12: {  	s1 =	sld [smem:$0x3F87];
	s0 =	simm.s32 @p0 $0x1  }
0x13: {  	[smem:$0x3FA2] =	sst s0;
	s0 =	simm.s32 @!p1 $0x0  }
0x14: {  	s2 =	sld [smem:$0x3F86];
	s0 =	simm.s32 @p1 $0x1  }
0x15: {  	[smem:$0x3FA3] =	sst s0;
	s0 =	simm.s32 @!p2 $0x0  }
0x16: {  	s3 =	sld [smem:$0x3FDB];
	s0 =	simm.s32 @p2 $0x1  }
0x17: {  	s4 =	simm.s32 $0x1BF5;
	[smem:$0x3FA5] =	sst s0  }
0x18: {  	s0 =	sld [smem:$0x3F88];
	_ =	swait.ge [sflag:s4], $0x0  }
0x19: {  	s7 =	sld [smem:$0x3F89]  }
0x1a: {  	s8 =	sadd.s32 $0xFFFFE003, lr  }
0x1b: {  	s9 =	sadd.s32 $0xFFFFFEF7, lr;
	s5 =	simm.s32 $0xFFFFFFFF;
	p2 =	slt.u32 s8, $0xFFFFF086  }
0x1c: {  	p1 =	slt.u32 s9, $0xF7A;
	s5 =	simm.s32 @!p2 $0x0  }
0x1d: {  	s5 =	simm.s32 @p1 $0x1;
	p0 =	seq.s32 s7, s2  }
0x1e: {  	s7 =	smul.u32 @!p0 $0xF7A, s2;
	p2 =	seq.s32 @!p0 s5, $0x0  }
0x1f: {  	s9 =	smul.u32 $0xF7A, s1;
	s8 =	simm.s32 @!p0 $0x1BF5;
	p2 =	por !p2, p0  }
0x20: {  	[sflag:s8] =	ssyncset.s32 @!p0 $0xFFFFF086;
	s6 =	sadd.s32 @!p0 s3, s7;
	s7 =	simm.s32 @!p0 $0x108  }
0x21: {  	s3 =	sadd.s32 s3, s9;
	s6 =	sadd.s32 @!p0 $0x88, s6;
	s7 =	simm.s32 @p2 $0x1082  }
0x22: {  	[simem:s7], [sflag:s8] =	dma.local @!p0 [hbm:s6], $0xF7A  }
0x23: {  	s9 =	sor.u32 $0xD0000000, s2;
	s6 =	simm.s32 $0x108;
	_ =	swait.ge @!p0 [sflag:s8], $0x0  }
0x24: {  	s3 =	sadd.s32 $0x88, s3;
	s6 =	simm.s32 @!p1 $0x1082;
	[sflag:s4] =	ssyncset.s32 $0xFFFFF086  }
0x25: {  	[simem:s6], [sflag:s4] =	dma.local [hbm:s3], $0xF7A  }
0x26: {  	[smem:$0x3F89] =	sst s1;
	(tag) =	ssettag s2;
	_ =	strace s9  }
0x27: {  	s1 =	sld [smem:$0x3F99]  }
0x28: {  	s2 =	sld [smem:$0x3F9A]  }
0x29: {  	s4 =	sld [smem:$0x3F9C]  }
0x2a: {  	p0 =	seq.s32 s5, $0x0;
	s5 =	sld [smem:$0x3F9D]  }
0x2b: {  	s6 =	sld [smem:$0x3F9E]  }
0x2c: {  	s7 =	sld [smem:$0x3F9F]  }
0x2d: {  	s3 =	simm.s32 $0x108;
	s8 =	sld [smem:$0x3FA0]  }
0x2e: {  	s3 =	simm.s32 @!p0 $0x1082;
	s9 =	sld [smem:$0x3FA1]  }
0x2f: {  	lr =	sadd.s32 s0, s3;
	s0 =	sld [smem:$0x3F98]  }
0x30: {  	s3 =	sld [smem:$0x3F9B]  }
0x31: {  	[smem:$0x3FA4] =	sst s10  }
0x32: {  	s10 =	sld [smem:$0x3FA2];
	_ =	sdelay $0x3  }
0x33: {  	p0 =	seq.s32 s10, $0x1;
	s10 =	sld [smem:$0x3FA4];
	_ =	sdelay $0x3  }
0x34: {  	[smem:$0x3FA4] =	sst s10  }
0x35: {  	s10 =	sld [smem:$0x3FA3];
	_ =	sdelay $0x3  }
0x36: {  	p1 =	seq.s32 s10, $0x1;
	s10 =	sld [smem:$0x3FA4];
	_ =	sdelay $0x3  }
0x37: {  	[smem:$0x3FA4] =	sst s10  }
0x38: {  	s10 =	sld [smem:$0x3FA5]  }
0x39: {  	_ = 	snop;
	(pc) =	sbr.ind lr, $3  }
0x3a: {  	_ = 	snop  }
0x3b: {  	_ = 	snop  }
0x3c: {  	p2 =	seq.s32 s10, $0x1;
	s10 =	sld [smem:$0x3FA4]  }
0x3d: {  	_ =	shalt  }
0x3e: {  	_ =	shalt  }
0x3f: {  	_ =	shalt  }
0x40: {  	_ =	shalt  }
0x41: {  	_ =	shalt  }
0x42: {  	_ =	shalt  }
0x43: {  	_ =	shalt  }
0x44: {  	_ =	shalt  }
0x45: {  	_ =	shalt  }
0x46: {  	_ =	shalt  }
0x47: {  	_ =	shalt  }
0x48: {  	_ =	shalt  }
0x49: {  	_ =	shalt  }
0x4a: {  	_ =	shalt  }
0x4b: {  	_ =	shalt  }
0x4c: {  	_ =	shalt  }
0x4d: {  	_ =	shalt  }
0x4e: {  	_ =	shalt  }
0x4f: {  	_ =	shalt  }
0x50: {  	_ =	shalt  }
0x51: {  	_ =	shalt  }
0x52: {  	_ =	shalt  }
0x53: {  	_ =	shalt  }
0x54: {  	_ =	shalt  }
0x55: {  	_ =	shalt  }
0x56: {  	_ =	shalt  }
0x57: {  	_ =	shalt  }
0x58: {  	_ =	shalt  }
0x59: {  	_ =	shalt  }
0x5a: {  	_ =	shalt  }
0x5b: {  	_ =	shalt  }
0x5c: {  	_ =	shalt  }
0x5d: {  	_ =	shalt  }
0x5e: {  	_ =	shalt  }
0x5f: {  	_ =	shalt  }
0x60: {  	_ =	shalt  }
0x61: {  	_ =	shalt  }
0x62: {  	_ =	shalt  }
0x63: {  	_ =	shalt  }
0x64: {  	_ =	shalt  }
0x65: {  	_ =	shalt  }
0x66: {  	_ =	shalt  }
0x67: {  	_ =	shalt  }
0x68: {  	_ =	shalt  }
0x69: {  	_ =	shalt  }
0x6a: {  	_ =	shalt  }
0x6b: {  	_ =	shalt  }
0x6c: {  	_ =	shalt  }
0x6d: {  	_ =	shalt  }
0x6e: {  	_ =	shalt  }
0x6f: {  	_ =	shalt  }
0x70: {  	_ =	shalt  }
0x71: {  	_ =	shalt  }
0x72: {  	_ =	shalt  }
0x73: {  	_ =	shalt  }
0x74: {  	_ =	shalt  }
0x75: {  	_ =	shalt  }
0x76: {  	_ =	shalt  }
0x77: {  	_ =	shalt  }
0x78: {  	_ =	shalt  }
0x79: {  	_ =	shalt  }
0x7a: {  	_ =	shalt  }
0x7b: {  	_ =	shalt  }
0x7c: {  	_ =	shalt  }
0x7d: {  	_ =	shalt  }
0x7e: {  	_ =	shalt  }
0x7f: {  	_ =	shalt  }
0x80: {  	_ =	shalt  }
0x81: {  	_ =	shalt  }
0x82: {  	_ =	shalt  }
0x83: {  	_ =	shalt  }
0x84: {  	_ =	shalt  }
0x85: {  	_ =	shalt  }
0x86: {  	_ =	shalt  }
0x87: {  	_ =	shalt  }
.Lfunc_end0:
.L_simem_size_0:
called_computation.1_lowered:
.L_overlay_start_0:
0x88: {  	s2 =	sld [smem:$0x3FD9]  }
0x89: {  	s3 =	sld [smem:$0x3FFE];
	_ =	sdelay $0x1  }
0x8a: {  	s1 =	srdreg.scid  }
0x8b: {  	s0 =	sand.u32 $0x1, s1  }
0x8c: {  	s14 =	sshll.u32 s0, $0xA;
	s2 =	sadd.s32 s3, s2  }
0x8d: {  	s2 =	sadd.s32 s2, s14  }
0x8e: {  	[smem:$0x3FB0] =	sst s2  }
0x8f: {  	_ = 	snop  }
0x90: {  	s2 =	sld [smem:$0x3FD0];
	_ =	sdelay $0x2  }
0x91: {  	s15 =	simm.s32 $0xA;
	s4 =	simm.s32 $0x10  }
0x92: {  	[smem:s4], [sflag:s15] =	dma.local [hbm:s2], $0x1  }
0x93: {  	_ =	swait.eq [sflag:s15], $0x1  }
0x94: {  	s16 =	sld [smem:$0x10]  }
0x95: {  	s17 =	sld [smem:$0x11]  }
0x96: {  	s5 =	sld [smem:$0x12];
	[sflag:s15] =	ssyncset.done $0x0  }
0x97: {  	s6 =	sld [smem:$0x13];
	[sflag:s15] =	ssyncadd.s32 $0xFFFFFFFF  }
0x98: {  	s18 =	sld [smem:$0x15];
	(tm) =	ssettm $0x1  }
0x99: {  	s7 =	sld [smem:$0x3FFB];
	_ =	sdelay $0x3  }
0x9a: {  	_ =	strace s7  }
0x9b: {  	s7 =	sld [smem:$0x3FFC];
	_ =	sdelay $0x3  }
0x9c: {  	_ =	strace s7  }
0x9d: {  	s7 =	sld [smem:$0x3FFD];
	_ =	sdelay $0x3  }
0x9e: {  	_ =	strace s7  }
0x9f: {  	_ =	strace $0x8FFFFFFF  }
0xa0: {  	s19 =	sld [smem:$0x3FDB];
	_ =	sdelay $0x1  }
0xa1: {  	s8 =	simm.s32 $_scs_section_size  }
0xa2: {  	s9 =	simm.s32 $_size__tile_overlayer_lowered;
	s10 =	simm.s32 $_tile_overlayer_lowered  }
0xa3: {  	s22 =	simm.s32 $0x1BFF;
	s21 =	sshll.u32 s10, $0x1;
	s7 =	sadd.s32 s8, s19  }
0xa4: {  	s11 =	simm.s32 $0x0;
	s20 =	sshll.u32 s9, $0x1;
	s9 =	sadd.s32 s21, s7  }
0xa5: {  	[timem:s11], [sflag:s22] =	dma.local [hbm:s9], s20  }
0xa6: {  	_ =	swait.ge [sflag:s22], s20  }
0xa7: {  	s8 =	ssub.s32 $0x0, s20;
	[sflag:s22] =	ssyncset.done $0x0  }
0xa8: {  	[sflag:s22] =	ssyncadd.s32 s8;
	_ =	sdelay $0x1  }
0xa9: {  	s23 =	simm.s32 $0x1B8B  }
0xaa: {  	_ =	swait.ge [sflag:s23], $0x1  }
0xab: {  	[sflag:s23] =	ssyncset.done $0x0  }
0xac: {  	s25 =	simm.s32 $0x1B8E;
	s24 =	sld [smem:$0x3FFE];
	[sflag:s23] =	ssyncadd.s32 $0xFFFFFFFF  }
0xad: {  	s26 =	simm.s32 $execute0_lowered;
	[smem:$0x3FD2] =	sst s25  }
0xae: {  	s9 =	sshll.u32 s26, $0x1;
	_ =	strace $0x80000049;
	[dreg:$0x1] =	wrdreg $0xFFFFFFFF  }
0xaf: {  	s28 =	simm.s32 $_size_execute0_lowered;
	s7 =	sadd.s32 s7, s9;
	[dreg:$0x0] =	wrdreg $0x0  }
0xb0: {  	s9 =	sshll.u32 s28, $0x1;
	[dreg:$0x2] =	wrdreg s7  }
0xb1: {  	[dreg:$0x3] =	wrdreg s9  }
0xb2: {  	[dreg:$0x4] =	wrdreg $0xC0  }
0xb3: {  	_ =	task [dreg:s11], $0x5FFFF  }
0xb4: {  	[dreg:$0x1] =	wrdreg $0xFFFFFFFF  }
0xb5: {  	[dreg:$0x0] =	wrdreg $0x60  }
0xb6: {  	[dreg:$0x2] =	wrdreg s18  }
0xb7: {  	[dreg:$0x3] =	wrdreg s6  }
0xb8: {  	[dreg:$0x4] =	wrdreg s17  }
0xb9: {  	[dreg:$0x5] =	wrdreg s16  }
0xba: {  	[dreg:$0x6] =	wrdreg s24  }
0xbb: {  	[dreg:$0x7] =	wrdreg s5  }
0xbc: {  	[dreg:$0x8] =	wrdreg $0x9  }
0xbd: {  	_ =	task.clear_ibuf [dreg:s11], $0x9FFFF;
	_ =	strace $0x90000049  }
0xbe: {  	s29 =	simm.s32 $0x9;
	_ =	strace $0x8000004B  }
0xbf: {  	_ =	swait.ge [sflag:s29], $0x1  }
0xc0: {  	[sflag:s29] =	ssyncadd.s32 $0xFFFFFFFF  }
0xc1: {  	_ =	strace $0x9000004B  }
0xc2: {  	_ =	sfence  }
0xc3: {  	s30 =	sld [smem:$0x0];
	_ =	sdelay $0x2  }
0xc4: {  	s31 =	sshll.u32 s1, $0xD;
	s1 =	sshrl.u32 s1, $0x2  }
0xc5: {  	s3 =	sand.u32 $0x4000, s31;
	s1 =	sadd.s32 s1, s30  }
0xc6: {  	s0 =	sor.u32 s3, s0;
	s1 =	sshll.u32 s1, $0x11  }
0xc7: {  	s0 =	sor.u32 s1, s0  }
0xc8: {  	s0 =	sadd.s32 $0x8F2B, s0  }
0xc9: {  	[sflag:s0] =	ssyncadd.remote.s32 $0x1  }
0xca: {  	_ =	sfence.sel $0xFFFF  }
0xcb: {  	[dreg:$0x0] =	wrdreg $0xFFFFFFFF;
	(pc) =	sbr.abs _section_cstart, $3  }
0xcc: {  	[dreg:$0x1] =	wrdreg $0xFFFFFFFF  }
0xcd: {  	_ =	task.clear_ibuf [dreg:s11], $0x2FFFF;
	_ =	strace $0x9FFFFFFF  }
0xce: {  	(tm) =	ssettm $0x7FFFFFFF  }
0xcf: {  	_ =	shalt  }
tec
execute0_lowered:
.L_overlay_start_1:
0x0: {  	(tag) =	ssettag $0x1  }
0x1: {  	s0 =	rddreg [dreg:$0x0]  }
0x2: {  	s1 =	rddreg [dreg:$0x1]  }
0x3: {  	s3 =	rddreg [dreg:$0x2]  }
0x4: {  	s4 =	rddreg [dreg:$0x3]  }
0x5: {  	s2 =	rddreg [dreg:$0x4]  }
0x6: {  	s5 =	srdreg.scid;
	s15 =	stileid.u32  }
0x7: {  	s10 =	rddreg [dreg:$0x5];
	s6 =	simm.s32 $0x0;
	s16 =	simm.s32 $0x3200  }
0x8: {  	s17 =	simm.s32 $0x2;
	s18 =	simm.s32 $0x3600;
	s19 =	simm.s32 $0xC80  }
0x9: {  	s20 =	simm.s32 $0x1900;
	s21 =	simm.s32 $0x2580;
	s22 =	simm.s32 $0x3A00  }
0xa: {  	s23 =	simm.s32 $0x4680;
	s28 =	simm.s32 $0x5300;
	s29 =	simm.s32 $0x9300  }
0xb: {  	s30 =	simm.s32 $0x0;
	s31 =	simm.s32 $0x0;
	s5 =	sand.u32 $0x1, s5  }
0xc: {  	s7 =	sshll.u32 s15, $0x1;
	s8 =	sadd.s32 $0x403200, s2;
	s15 =	smul.u32 $0x1900, s15  }
0xd: {  	s7 =	sor.u32 s5, s7;
	s13 =	ssub.s32 $0x2, s5;
	s5 =	smul.u32 $0xC80, s5  }
0xe: {  	[smem:$0x7FF] =	sst s6;
	s9 =	sadd.s32 $0x65B200, s2;
	s11 =	smul.u32 $0xC80, s7  }
0xf: {  	_ =	strace $0x8000004A;
	s7 =	sadd.s32 $0x343200, s2;
	s14 =	sshrl.u32 s13, $0x1  }
0x10: {  	s13 =	ssub.s32 s13, s14;
	s15 =	sadd.s32 s5, s15;
	s12 =	sshrl.u32 s11, $0x3  }
.Ltmp0:
0x11: {  	s2 =	sadd.s32 s12, s2;
	s10 =	sadd.s32 s10, s12;
	(pc) =	sbr.rel .LBB2_1-.Ltmp0, $4  }
0x12: {  	s24 =	sadd.s32 $0xC80, s11;
	[dreg:$0x7] =	wrdreg s10;
	s25 =	sadd.s32 $0x5000, s2  }
0x13: {  	s14 =	smax.u32 s13, $0x1;
	s26 =	sadd.s32 $0x589C00, s2;
	[dreg:$0x8] =	wrdreg s25  }
0x14: {  	v2 =	vimm.s32 $0xFFFFFFFF;
	v3 =	vlaneseq.u32;
	v1 =	vmov s24;
	s24 =	simm.s32 $0x1;
	s2 =	sadd.s32 $0x8200, s2;
	[dreg:$0x9] =	wrdreg s26  }
0x15: {  	v4 =	vimm.f32 $0.0e+00;
	v5 =	vimm.s32 $0x0;
	v0 =	vmov s11;
	[dreg:$0xa] =	wrdreg s2;
	s25 =	simm.s32 $0x80;
	s26 =	simm.s32 $0xD300  }
.LBB2_28:
0x16: {  	[sflag:s24] =	ssyncadd.s32 $0xFFFFC000  }
.LBB2_29:
0x17: {  	s30 =	sadd.s32 $0x1, s30  }
0x18: {  	p0 =	sne.s32 s30, s14  }
.Ltmp1:
0x19: {  	_ = 	snop;
	(pc) =	sbr.rel @!p0 .LBB2_30-.Ltmp1, $1  }
0x1a: {  	_ =	sdelay $0x3  }
.LBB2_1:
0x1b: {  	s2 =	simm.s32 $0x40;
	s10 =	simm.s32 $0x0  }
.LBB2_2:
0x1c: {  	p0 =	sne.s32 s2, $0x31C0;
	[tilespmem:s10+$0x0] =	vst v2;
	s5 =	smov.u32 s2;
	s2 =	sadd.s32 $0x40, s2  }
.Ltmp2:
0x1d: {  	[tilespmem:s10+$0x1900] =	vst v2;
	(pc) =	sbr.rel @p0 .LBB2_2-.Ltmp2, $2  }
0x1e: {  	_ =	sdelay $0x2  }
0x1f: {  	s10 =	sshra.s32 s5, $0x2  }
.Ltmp3:
0x20: {  	(pc) =	sbr.rel .LBB2_4-.Ltmp3, $3  }
0x21: {  	_ =	sdelay $0x1  }
0x22: {  	[tilespmem:s10+$0x0] =	vst v2  }
0x23: {  	s5 =	simm.s32 $0x0;
	[tilespmem:s10+$0x1900] =	vst v2;
	s10 =	simm.s32 $0x0  }
.LBB2_8:
0x24: {  	s10 =	sadd.s32 $0x1, s10  }
0x25: {  	p0 =	sne.s32 s10, $0x20  }
.Ltmp4:
0x26: {  	_ = 	snop;
	(pc) =	sbr.rel @!p0 .LBB2_9-.Ltmp4, $2  }
0x27: {  	_ =	sdelay $0x2  }
0x28: {  	s2 =	simm.s32 $0x0  }
.LBB2_4:
0x29: {  	s2 =	sshll.u32 s10, $0x7  }
0x2a: {  	s11 =	sadd.s32 s0, s2  }
0x2b: {  	[tilespmem:s16], [sflag:$0x2] =	stream.linear.gather [hbm4b:s11+s5], $0x400, $0x38;
	[tilespmem:$0x11300] =	vst v63  }
0x2c: {  	_ =	swait.ge [sflag:s17], $0x400  }
0x2d: {  	[sflag:s17] =	ssyncset.done $0x0  }
.Ltmp5:
0x2e: {  	s2 =	sadd.s32 s1, s2;
	[sflag:s17] =	ssyncadd.s32 $0xFFFFFC00;
	(pc) =	sbr.rel .LBB2_5-.Ltmp5, $4  }
0x2f: {  	[tilespmem:s18], [sflag:$0x2] =	stream.linear.gather [hbm4b:s2+s5], $0x400, $0x38;
	[tilespmem:$0x11300] =	vst v63  }
0x30: {  	_ =	swait.ge [sflag:s17], $0x400  }
0x31: {  	[sflag:s17] =	ssyncset.done $0x0  }
0x32: {  	s11 =	simm.s32 $0x0;
	s2 =	sshll.u32 s10, $0xA;
	[sflag:s17] =	ssyncadd.s32 $0xFFFFFC00  }
.LBB2_7:
0x33: {  	_ =	sdelay $0x3  }
0x34: {  	v9 =	vld.idx.msk [tilespmem:v6+s6+$0x0], $0xffff;
	_ =	sdelay $0x4  }
0x35: {  	vm1 =	veq.s32 v9, v8  }
0x36: {  	s11 =	sadd.s32 $0x1, s11;
	vm0 =	vmand vm0, vm1  }
0x37: {  	p0 =	sne.s32 s11, $0x40  }
.Ltmp6:
0x38: {  	_ = 	snop;
	(pc) =	sbr.rel @!p0 .LBB2_8-.Ltmp6, $2  }
0x39: {  	_ =	sdelay $0x2  }
0x3a: {  	[tilespmem:v6+s19+$0x0] =	vst.idx.msk vm0, v7  }
.LBB2_5:
0x3b: {  	s12 =	sshll.u32 s11, $0x4  }
0x3c: {  	v6 =	vld [tilespmem:s12+$0x3200];
	_ =	sdelay $0x4  }
0x3d: {  	v7 =	vsub.s32 v6, v0  }
0x3e: {  	vm0 =	vge.s32 v6, v0;
	vm1 =	vlt.s32 v6, v1;
	vm2 =	vgt.s32 v7, $0x0  }
0x3f: {  	vm0 =	vmand vm0, vm1;
	v6 =	vnsel vm2, $0x0, v7  }
0x40: {  	v6 =	vmin.u32 v6, $0xC7F;
	_ =	sdelay $0x2  }
0x41: {  	s13 =	sadd.s32 s2, s12  }
0x42: {  	v8 =	vor.u32 s13, v3  }
0x43: {  	v7 =	vld [tilespmem:s12+$0x3600];
	[tilespmem:v6+s6+$0x0] =	vst.idx.msk vm0, v8  }
0x44: {  	v9 =	vld.idx.msk [tilespmem:v6+s6+$0x0], $0xffff;
	_ =	sdelay $0x4  }
0x45: {  	vm1 =	vgt.s32 v8, v9  }
0x46: {  	vm1 =	vmand vm0, vm1  }
0x47: {  	v9 =	vsel vm1, $0x3F800000, v4  }
0x48: {  	(xrf0) =	vmax.scan.msk.f32 $0xffff, v9;
	_ =	sdelay $0x5  }
0x49: {  	v9, _, _ =	vpop (xrf0)  }
0x4a: {  	(v2sf) =	vpush v9, $0xF;
	_ =	sdelay $0xe  }
0x4b: {  	s13 =	spop (v2sf)  }
0x4c: {  	p0 =	sgt.f32 s13, $0.0e+00  }
.Ltmp7:
0x4d: {  	_ = 	snop;
	(pc) =	sbr.rel @!p0 .LBB2_7-.Ltmp7, $1  }
0x4e: {  	_ =	sdelay $0x3  }
.LBB2_6:
0x4f: {  	[tilespmem:v6+s6+$0x0] =	vst.idx.msk vm1, v8  }
0x50: {  	v9 =	vld.idx.msk [tilespmem:v6+s6+$0x0], $0xffff;
	_ =	sdelay $0x4  }
0x51: {  	vm1 =	vgt.s32 v8, v9  }
0x52: {  	vm1 =	vmand vm0, vm1  }
0x53: {  	v9 =	vsel vm1, $0x3F800000, v4  }
0x54: {  	(xrf0) =	vmax.scan.msk.f32 $0xffff, v9;
	_ =	sdelay $0x5  }
0x55: {  	v9, _, _ =	vpop (xrf0)  }
0x56: {  	(v2sf) =	vpush v9, $0xF;
	_ =	sdelay $0xe  }
0x57: {  	s12 =	spop (v2sf)  }
0x58: {  	p0 =	sgt.f32 s12, $0.0e+00  }
.Ltmp8:
0x59: {  	_ = 	snop;
	(pc) =	sbr.rel @p0 .LBB2_6-.Ltmp8, $1  }
0x5a: {  	_ =	sdelay $0x3  }
.Ltmp9:
0x5b: {  	_ = 	snop;
	(pc) =	sbr.rel .LBB2_7-.Ltmp9, $1  }
0x5c: {  	_ =	sdelay $0x3  }
.LBB2_9:
.Ltmp10:
0x5d: {  	(pc) =	sbr.rel .LBB2_10-.Ltmp10, $2  }
0x5e: {  	_ =	sdelay $0x2  }
0x5f: {  	s5 =	simm.s32 $0x0  }
.LBB2_14:
0x60: {  	s5 =	sadd.s32 $0x1, s5  }
0x61: {  	p0 =	sne.s32 s5, $0x10  }
.Ltmp11:
0x62: {  	_ = 	snop;
	(pc) =	sbr.rel @!p0 .LBB2_15-.Ltmp11, $1  }
0x63: {  	_ =	sdelay $0x3  }
.LBB2_10:
0x64: {  	s10 =	sshll.u32 s5, $0x7  }
0x65: {  	s11 =	sadd.s32 s3, s10  }
0x66: {  	[tilespmem:s16], [sflag:$0x2] =	stream.linear.gather [hbm4b:s11+s2], $0x400, $0x38;
	[tilespmem:$0x11300] =	vst v63  }
0x67: {  	_ =	swait.ge [sflag:s17], $0x400  }
0x68: {  	[sflag:s17] =	ssyncset.done $0x0  }
.Ltmp12:
0x69: {  	s10 =	sadd.s32 s4, s10;
	[sflag:s17] =	ssyncadd.s32 $0xFFFFFC00;
	(pc) =	sbr.rel .LBB2_11-.Ltmp12, $4  }
0x6a: {  	[tilespmem:s18], [sflag:$0x2] =	stream.linear.gather [hbm4b:s10+s2], $0x400, $0x38;
	[tilespmem:$0x11300] =	vst v63  }
0x6b: {  	_ =	swait.ge [sflag:s17], $0x400  }
0x6c: {  	[sflag:s17] =	ssyncset.done $0x0  }
0x6d: {  	s11 =	simm.s32 $0x0;
	s10 =	sshll.u32 s5, $0xA;
	[sflag:s17] =	ssyncadd.s32 $0xFFFFFC00  }
.LBB2_13:
0x6e: {  	_ =	sdelay $0x3  }
0x6f: {  	v9 =	vld.idx.msk [tilespmem:v6+s20+$0x0], $0xffff;
	_ =	sdelay $0x4  }
0x70: {  	vm1 =	veq.s32 v9, v8  }
0x71: {  	s11 =	sadd.s32 $0x1, s11;
	vm0 =	vmand vm0, vm1  }
0x72: {  	p0 =	sne.s32 s11, $0x40  }
.Ltmp13:
0x73: {  	_ = 	snop;
	(pc) =	sbr.rel @!p0 .LBB2_14-.Ltmp13, $2  }
0x74: {  	_ =	sdelay $0x2  }
0x75: {  	[tilespmem:v6+s21+$0x0] =	vst.idx.msk vm0, v7  }
.LBB2_11:
0x76: {  	s12 =	sshll.u32 s11, $0x4  }
0x77: {  	v6 =	vld [tilespmem:s12+$0x3200];
	_ =	sdelay $0x4  }
0x78: {  	v7 =	vsub.s32 v6, v0  }
0x79: {  	vm0 =	vge.s32 v6, v0;
	vm1 =	vlt.s32 v6, v1;
	vm2 =	vgt.s32 v7, $0x0  }
0x7a: {  	vm0 =	vmand vm0, vm1;
	v6 =	vnsel vm2, $0x0, v7  }
0x7b: {  	v6 =	vmin.u32 v6, $0xC7F;
	_ =	sdelay $0x2  }
0x7c: {  	s13 =	sadd.s32 s10, s12  }
0x7d: {  	v8 =	vor.u32 s13, v3  }
0x7e: {  	v7 =	vld [tilespmem:s12+$0x3600];
	[tilespmem:v6+s20+$0x0] =	vst.idx.msk vm0, v8  }
0x7f: {  	v9 =	vld.idx.msk [tilespmem:v6+s20+$0x0], $0xffff;
	_ =	sdelay $0x4  }
0x80: {  	vm1 =	vgt.s32 v8, v9  }
0x81: {  	vm1 =	vmand vm0, vm1  }
0x82: {  	v9 =	vsel vm1, $0x3F800000, v4  }
0x83: {  	(xrf0) =	vmax.scan.msk.f32 $0xffff, v9;
	_ =	sdelay $0x5  }
0x84: {  	v9, _, _ =	vpop (xrf0)  }
0x85: {  	(v2sf) =	vpush v9, $0xF;
	_ =	sdelay $0xe  }
0x86: {  	s13 =	spop (v2sf)  }
0x87: {  	p0 =	sgt.f32 s13, $0.0e+00  }
.Ltmp14:
0x88: {  	_ = 	snop;
	(pc) =	sbr.rel @!p0 .LBB2_13-.Ltmp14, $1  }
0x89: {  	_ =	sdelay $0x3  }
.LBB2_12:
0x8a: {  	[tilespmem:v6+s20+$0x0] =	vst.idx.msk vm1, v8  }
0x8b: {  	v9 =	vld.idx.msk [tilespmem:v6+s20+$0x0], $0xffff;
	_ =	sdelay $0x4  }
0x8c: {  	vm1 =	vgt.s32 v8, v9  }
0x8d: {  	vm1 =	vmand vm0, vm1  }
0x8e: {  	v9 =	vsel vm1, $0x3F800000, v4  }
0x8f: {  	(xrf0) =	vmax.scan.msk.f32 $0xffff, v9;
	_ =	sdelay $0x5  }
0x90: {  	v9, _, _ =	vpop (xrf0)  }
0x91: {  	(v2sf) =	vpush v9, $0xF;
	_ =	sdelay $0xe  }
0x92: {  	s12 =	spop (v2sf)  }
0x93: {  	p0 =	sgt.f32 s12, $0.0e+00  }
.Ltmp15:
0x94: {  	_ = 	snop;
	(pc) =	sbr.rel @p0 .LBB2_12-.Ltmp15, $1  }
0x95: {  	_ =	sdelay $0x3  }
.Ltmp16:
0x96: {  	_ = 	snop;
	(pc) =	sbr.rel .LBB2_13-.Ltmp16, $1  }
0x97: {  	_ =	sdelay $0x3  }
.LBB2_15:
0x98: {  	s2 =	simm.s32 $0x0;
	s5 =	rddreg [dreg:$0x7]  }
0x99: {  	[hbm4b:s5+s2] =	stream.linear.scatter [tilespmem:s2], [sflag:$0x2], $0xC80, $0x38;
	[tilespmem:$0x11300] =	vst v63  }
0x9a: {  	_ =	swait.ge [sflag:s17], $0xC80  }
0x9b: {  	[sflag:s17] =	ssyncset.done $0x0  }
0x9c: {  	s13 =	rddreg [dreg:$0x8];
	[sflag:s17] =	ssyncadd.s32 $0xFFFFF380  }
0x9d: {  	[hbm4b:s13+s2] =	stream.linear.scatter [tilespmem:s19], [sflag:$0x2], $0xC80, $0x38;
	[tilespmem:$0x11300] =	vst v63  }
0x9e: {  	_ =	swait.ge [sflag:s17], $0xC80  }
0x9f: {  	[sflag:s17] =	ssyncset.done $0x0  }
0xa0: {  	s10 =	rddreg [dreg:$0x9];
	[sflag:s17] =	ssyncadd.s32 $0xFFFFF380  }
0xa1: {  	[hbm4b:s10+s2] =	stream.linear.scatter [tilespmem:s20], [sflag:$0x2], $0xC80, $0x38;
	[tilespmem:$0x11300] =	vst v63  }
0xa2: {  	_ =	swait.ge [sflag:s17], $0xC80  }
0xa3: {  	[sflag:s17] =	ssyncset.done $0x0  }
0xa4: {  	s11 =	rddreg [dreg:$0xa];
	[sflag:s17] =	ssyncadd.s32 $0xFFFFF380  }
0xa5: {  	[hbm4b:s11+s2] =	stream.linear.scatter [tilespmem:s21], [sflag:$0x2], $0xC80, $0x38;
	[tilespmem:$0x11300] =	vst v63  }
0xa6: {  	_ =	swait.ge [sflag:s17], $0xC80  }
0xa7: {  	[sflag:s17] =	ssyncset.done $0x0  }
0xa8: {  	s12 =	simm.s32 $0x0;
	[sflag:s17] =	ssyncadd.s32 $0xFFFFF380  }
0xa9: {  	v6 =	vld [tilespmem:s12+$0x0];
	_ =	sdelay $0x4  }
0xaa: {  	vm0 =	vgt.s32 v6, $0xFFFFFFFF  }
0xab: {  	v7 =	vsel vm0, $0x1, v5  }
0xac: {  	(xrf0) =	vadd.scan.msk.s32 $0xffff, v7;
	_ =	sdelay $0x2  }
0xad: {  	v7 =	vmov s2  }
0xae: {  	v7 =	vadd.s32 $0xFFFFFFFF, v7  }
0xaf: {  	v7 =	vbroadcast v7, $0x0  }
0xb0: {  	v8, _, _ =	vpop (xrf0)  }
0xb1: {  	v7 =	vadd.s32 v8, v7;
	(v2sf) =	vpush v8, $0xF  }
0xb2: {  	v8 =	vshra.s32 v7, $0x1F  }
0xb3: {  	v8 =	vshrl.u32 v8, $0x19  }
0xb4: {  	v8 =	vadd.s32 v8, v7  }
0xb5: {  	v8 =	vshra.s32 v8, $0x7  }
0xb6: {  	v9 =	vshll.u32 v8, $0x7  }
0xb7: {  	vm1 =	vlt.s32 v7, $0x1;
	vm2 =	vne.s32 v7, v9  }
0xb8: {  	vm1 =	vmand vm1, vm2  }
0xb9: {  	v63 =	vsel vm1, $0xFFFFFFFF, v5  }
0xba: {  	v8 =	vadd.s32 v63, v8  }
0xbb: {  	v7 =	vand.u32 $0x7F, v7;
	v8 =	vshll.u32 v8, $0x7  }
0xbc: {  	v8 =	vor.u32 v7, v8;
	_ =	sdelay $0x3  }
0xbd: {  	v7 =	vor.u32 s15, v3;
	s13 =	spop (v2sf)  }
0xbe: {  	[tilespmem:v8+s22+$0x0] =	vst.idx.msk vm0, v7;
	s5 =	sadd.s32 $0x0, s13  }
0xbf: {  	s10 =	simm.s32 $0x80;
	s11 =	simm.s32 $0x10;
	s2 =	smov.u32 s15;
	v7 =	vmov s5;
	[tilespmem:v8+s23+$0x0] =	vst.idx.msk vm0, v6  }
.LBB2_16:
0xc0: {  	p0 =	sne.s32 s10, $0x31C0;
	v6 =	vld [tilespmem:s11+$0x0];
	v7 =	vadd.s32 $0xFFFFFFFF, v7  }
0xc1: {  	v7 =	vbroadcast v7, $0x0;
	_ =	sdelay $0x3  }
0xc2: {  	vm0 =	vgt.s32 v6, $0xFFFFFFFF  }
0xc3: {  	v8 =	vsel vm0, $0x1, v5  }
0xc4: {  	(xrf0) =	vadd.scan.msk.s32 $0xffff, v8;
	_ =	sdelay $0x5  }
0xc5: {  	v8, _, _ =	vpop (xrf0)  }
0xc6: {  	v7 =	vadd.s32 v8, v7;
	(v2sf) =	vpush v8, $0xF  }
0xc7: {  	v8 =	vshra.s32 v7, $0x1F;
	vm1 =	vlt.s32 v7, $0x1;
	v9 =	vand.u32 $0x7F, v7  }
0xc8: {  	v8 =	vshrl.u32 v8, $0x19  }
0xc9: {  	v8 =	vadd.s32 v8, v7  }
0xca: {  	v8 =	vshra.s32 v8, $0x7  }
0xcb: {  	v10 =	vshll.u32 v8, $0x7  }
0xcc: {  	vm2 =	vne.s32 v7, v10  }
0xcd: {  	vm1 =	vmand vm1, vm2  }
0xce: {  	v7 =	vsel vm1, $0xFFFFFFFF, v5  }
0xcf: {  	v7 =	vadd.s32 v7, v8  }
0xd0: {  	v7 =	vshll.u32 v7, $0x7  }
0xd1: {  	v8 =	vor.u32 v9, v7;
	_ =	sdelay $0x1  }
.Ltmp17:
0xd2: {  	(pc) =	sbr.rel @p0 .LBB2_16-.Ltmp17, $4  }
0xd3: {  	s2 =	sadd.s32 $0x10, s2  }
0xd4: {  	v7 =	vor.u32 s2, v3;
	s11 =	spop (v2sf)  }
0xd5: {  	[tilespmem:v8+s22+$0x0] =	vst.idx.msk vm0, v7;
	s5 =	sadd.s32 s5, s11  }
0xd6: {  	s11 =	sshra.s32 s10, $0x2;
	s10 =	sadd.s32 $0x40, s10;
	v7 =	vmov s5;
	[tilespmem:v8+s23+$0x0] =	vst.idx.msk vm0, v6  }
0xd7: {  	v6 =	vld [tilespmem:s11+$0x0];
	_ =	sdelay $0x4  }
0xd8: {  	vm0 =	vgt.s32 v6, $0xFFFFFFFF  }
0xd9: {  	v8 =	vsel vm0, $0x1, v5  }
0xda: {  	(xrf0) =	vadd.scan.msk.s32 $0xffff, v8;
	_ =	sdelay $0x5  }
0xdb: {  	v8, _, _ =	vpop (xrf0)  }
0xdc: {  	(v2sf) =	vpush v8, $0xF;
	_ =	sdelay $0xa  }
0xdd: {  	v7 =	vadd.s32 $0xFFFFFFFF, v7  }
0xde: {  	v7 =	vbroadcast v7, $0x0;
	_ =	sdelay $0x1  }
0xdf: {  	v7 =	vadd.s32 v8, v7  }
0xe0: {  	v8 =	vshra.s32 v7, $0x1F;
	s10 =	spop (v2sf)  }
0xe1: {  	v8 =	vshrl.u32 v8, $0x19;
	s5 =	sadd.s32 s5, s10  }
0xe2: {  	v8 =	vadd.s32 v8, v7;
	s10 =	sadd.s32 $0xFFFFFFFF, s5  }
0xe3: {  	v8 =	vshra.s32 v8, $0x7;
	v29 =	vadd.s32 s5, v3;
	p0 =	sgt.s32 s10, $0x0  }
0xe4: {  	v9 =	vshll.u32 v8, $0x7;
	s11 =	sadd.s32 $0x7F, s5;
	p1 =	slt.s32 s10, $0x1;
	v10 =	vshra.s32 v29, $0x1F;
	s10 =	simm.s32 @!p0 $0x0  }
0xe5: {  	vm1 =	vlt.s32 v7, $0x1;
	vm2 =	vne.s32 v7, v9;
	s12 =	sshra.s32 s11, $0x1F;
	v10 =	vshrl.u32 v10, $0x19;
	s13 =	sand.u32 $0x7F, s10  }
0xe6: {  	vm1 =	vmand vm1, vm2;
	p5 =	slt.s32 s11, $0x1;
	s12 =	sshrl.u32 s12, $0x19;
	v10 =	vadd.s32 v10, v29;
	p2 =	sne.s32 s13, $0x0  }
0xe7: {  	v11 =	vsel vm1, $0xFFFFFFFF, v5;
	s12 =	sadd.s32 s12, s11;
	s11 =	sand.u32 $0x7F, s11;
	v10 =	vshra.s32 v10, $0x7;
	p1 =	por !p1, !p2  }
0xe8: {  	v7 =	vand.u32 $0x7F, v7;
	v8 =	vadd.s32 v11, v8;
	p6 =	sne.s32 s11, $0x0;
	s11 =	simm.s32 $0x1;
	v31 =	vshll.u32 v10, $0x7;
	p1 =	por !p1, !p1  }
0xe9: {  	s2 =	sadd.s32 $0x10, s2;
	v8 =	vshll.u32 v8, $0x7;
	vm7 =	vlt.s32 v29, $0x1;
	s10 =	sshrl.u32 s10, $0x7;
	vm8 =	vne.s32 v29, v31;
	s11 =	simm.s32 @!p1 $0x0  }
0xea: {  	v30 =	vor.u32 s2, v3;
	v7 =	vor.u32 v7, v8;
	vm1 =	vmand vm7, vm8;
	s2 =	ssub.s32 s10, s11;
	s11 =	sadd.s32 $0x10, s5  }
0xeb: {  	v9 =	vand.u32 $0x7F, v29;
	p0 =	por !p5, !p6;
	v14 =	vsel vm1, $0xFFFFFFFF, v5;
	v12 =	vadd.s32 s11, v3;
	s2 =	sshll.u32 s2, $0x7  }
0xec: {  	p0 =	por !p0, !p0;
	s10 =	simm.s32 $0x1;
	v10 =	vadd.s32 v14, v10;
	s11 =	sadd.s32 $0x20, s5;
	v32 =	vmov s2;
	v13 =	vshra.s32 v12, $0x1F  }
0xed: {  	s12 =	sshrl.u32 s12, $0x7;
	s10 =	simm.s32 @!p0 $0x0;
	v10 =	vshll.u32 v10, $0x7;
	vm9 =	vlt.s32 v12, $0x1;
	v34 =	vadd.s32 s11, v3  }
0xee: {  	s10 =	ssub.s32 s12, s10;
	s12 =	sadd.s32 $0x30, s5;
	v8 =	vor.u32 s13, v32;
	v13 =	vshrl.u32 v13, $0x19;
	v15 =	vshra.s32 v34, $0x1F  }
0xef: {  	s11 =	sadd.s32 $0x50, s5;
	v9 =	vor.u32 v9, v10;
	vm10 =	vlt.s32 v34, $0x1;
	v37 =	vadd.s32 s12, v3  }
0xf0: {  	s2 =	sshll.u32 s10, $0x7;
	v14 =	vand.u32 $0x7F, v34;
	v47 =	vadd.s32 s11, v3;
	v8 =	vbroadcast v8, $0x0  }
0xf1: {  	s13 =	sadd.s32 $0x40, s5;
	v13 =	vadd.s32 v13, v12;
	vm1 =	vlt.s32 v29, s2;
	v15 =	vshrl.u32 v15, $0x19  }
0xf2: {  	s12 =	sadd.s32 $0x60, s5;
	v39 =	vshra.s32 v37, $0x1F;
	v41 =	vadd.s32 s13, v3;
	vm11 =	vlt.s32 v37, $0x1  }
0xf3: {  	v50 =	vshra.s32 v47, $0x1F;
	v51 =	vadd.s32 s12, v3;
	vm13 =	vlt.s32 v47, $0x1  }
0xf4: {  	v58 =	vand.u32 $0x7F, v47;
	v33 =	vand.u32 $0xFFFFFF80, v13;
	v13 =	vshrl.u32 v13, $0x7  }
0xf5: {  	[tilespmem:v7+s22+$0x0] =	vst.idx.msk vm0, v30;
	v36 =	vadd.s32 v15, v34;
	v40 =	vshrl.u32 v39, $0x19;
	v18 =	vshra.s32 v41, $0x1F  }
0xf6: {  	[tilespmem:v7+s23+$0x0] =	vst.idx.msk vm0, v6;
	s13 =	sadd.s32 $0x70, s5;
	vm12 =	vlt.s32 v41, $0x1;
	v49 =	vand.u32 $0x7F, v41;
	v7 =	vshrl.u32 v50, $0x19  }
0xf7: {  	v53 =	vshra.s32 v51, $0x1F;
	v54 =	vadd.s32 s13, v3;
	v11 =	vand.u32 $0x7F, v51  }
0xf8: {  	vm3 =	vne.s32 v12, v33;
	v15 =	vand.u32 $0xFFFFFF80, v36;
	v42 =	vshrl.u32 v18, $0x19  }
0xf9: {  	v7 =	vadd.s32 v7, v47;
	v19 =	vshra.s32 v54, $0x1F;
	vm2 =	vmand vm9, vm3  }
0xfa: {  	vm4 =	vne.s32 v34, v15;
	v15 =	vadd.s32 v40, v37;
	v43 =	vadd.s32 v42, v41  }
0xfb: {  	v20 =	vand.u32 $0xFFFFFF80, v7;
	v19 =	vshrl.u32 v19, $0x19;
	v7 =	vshrl.u32 v7, $0x7  }
0xfc: {  	v16 =	vsel vm2, $0xFFFFFFFF, v5;
	vm2 =	vlt.s32 v12, s2;
	v12 =	vand.u32 $0x7F, v12  }
0xfd: {  	vm3 =	vmand vm10, vm4;
	v17 =	vand.u32 $0xFFFFFF80, v15;
	v15 =	vshrl.u32 v15, $0x7  }
0xfe: {  	v45 =	vand.u32 $0xFFFFFF80, v43;
	vm14 =	vne.s32 v47, v20;
	v19 =	vadd.s32 v19, v54  }
0xff: {  	vm10 =	vlt.s32 v51, $0x1;
	v35 =	vadd.s32 v16, v13;
	v13 =	vshrl.u32 v36, $0x7  }
0x100: {  	v38 =	vsel vm3, $0xFFFFFFFF, v5;
	vm3 =	vlt.s32 v34, s2;
	vm5 =	vne.s32 v37, v17  }
0x101: {  	vm6 =	vne.s32 v41, v45;
	v17 =	vshrl.u32 v53, $0x19;
	vm0 =	vmand vm13, vm14  }
0x102: {  	s10 =	simm.s32 $0x3A00;
	v56 =	vand.u32 $0xFFFFFF80, v19;
	vm13 =	vlt.s32 v47, s2;
	vm14 =	vlt.s32 v51, s2  }
0x103: {  	s5 =	simm.s32 $0x4680;
	v10 =	vshll.u32 v35, $0x7;
	v13 =	vadd.s32 v38, v13;
	vm4 =	vmand vm11, vm5;
	v52 =	vld.idx.msk [tilespmem:v8+s10+$0x0], $0xffff  }
0x104: {  	vm5 =	vmand vm12, vm6;
	v8 =	vld.idx.msk [tilespmem:v8+s5+$0x0], $0xffff;
	v17 =	vadd.s32 v17, v51;
	vm9 =	vne.s32 v54, v56  }
0x105: {  	v57 =	vsel vm0, $0xFFFFFFFF, v5;
	vm11 =	vlt.s32 v54, $0x1;
	v10 =	vor.u32 v12, v10  }
0x106: {  	v13 =	vshll.u32 v13, $0x7;
	v44 =	vsel vm4, $0xFFFFFFFF, v5;
	vm4 =	vlt.s32 v37, s2  }
0x107: {  	v12 =	vand.u32 $0x7F, v37;
	v13 =	vor.u32 v14, v13;
	v15 =	vadd.s32 v44, v15  }
0x108: {  	v46 =	vsel vm5, $0xFFFFFFFF, v5;
	v14 =	vshrl.u32 v43, $0x7;
	v15 =	vshll.u32 v15, $0x7;
	[tilespmem:v9+s10+$0x0] =	vst.idx.msk vm1, v52  }
0x109: {  	v55 =	vand.u32 $0xFFFFFF80, v17;
	v14 =	vadd.s32 v46, v14;
	v12 =	vor.u32 v12, v15;
	[tilespmem:v9+s5+$0x0] =	vst.idx.msk vm1, v8  }
0x10a: {  	vm12 =	vlt.s32 v41, s2;
	vm15 =	vne.s32 v51, v55;
	v48 =	vshll.u32 v14, $0x7;
	[tilespmem:v10+s10+$0x0] =	vst.idx.msk vm2, v52  }
0x10b: {  	v7 =	vadd.s32 v57, v7;
	vm0 =	vmand vm10, vm15;
	v6 =	vor.u32 v49, v48;
	[tilespmem:v10+s5+$0x0] =	vst.idx.msk vm2, v8  }
0x10c: {  	v60 =	vshrl.u32 v17, $0x7;
	v7 =	vshll.u32 v7, $0x7;
	v59 =	vsel vm0, $0xFFFFFFFF, v5;
	[tilespmem:v13+s10+$0x0] =	vst.idx.msk vm3, v52  }
0x10d: {  	v7 =	vor.u32 v58, v7;
	vm1 =	vmand vm11, vm9;
	v9 =	vadd.s32 v59, v60;
	[tilespmem:v13+s5+$0x0] =	vst.idx.msk vm3, v8  }
0x10e: {  	v62 =	vshrl.u32 v19, $0x7;
	v61 =	vsel vm1, $0xFFFFFFFF, v5;
	v9 =	vshll.u32 v9, $0x7;
	[tilespmem:v12+s10+$0x0] =	vst.idx.msk vm4, v52  }
0x10f: {  	v9 =	vor.u32 v11, v9;
	v10 =	vadd.s32 v61, v62;
	[tilespmem:v12+s5+$0x0] =	vst.idx.msk vm4, v8  }
0x110: {  	v63 =	vand.u32 $0x7F, v54;
	vm15 =	vlt.s32 v54, s2;
	v10 =	vshll.u32 v10, $0x7;
	[tilespmem:v6+s10+$0x0] =	vst.idx.msk vm12, v52  }
0x111: {  	s2 =	sshra.s32 s2, $0x7;
	[tilespmem:v6+s5+$0x0] =	vst.idx.msk vm12, v8;
	v6 =	vor.u32 v63, v10  }
0x112: {  	p0 =	slt.s32 s2, $0x1;
	[tilespmem:v7+s10+$0x0] =	vst.idx.msk vm13, v52  }
.Ltmp18:
0x113: {  	[tilespmem:v7+s5+$0x0] =	vst.idx.msk vm13, v8;
	(pc) =	sbr.rel @p0 .LBB2_21-.Ltmp18, $4  }
0x114: {  	[tilespmem:v9+s10+$0x0] =	vst.idx.msk vm14, v52  }
0x115: {  	[tilespmem:v9+s5+$0x0] =	vst.idx.msk vm14, v8  }
0x116: {  	[tilespmem:v6+s10+$0x0] =	vst.idx.msk vm15, v52  }
0x117: {  	[tilespmem:v6+s5+$0x0] =	vst.idx.msk vm15, v8  }
0x118: {  	[tilespmem:s26], [sflag:$0x1] =	stream.indirect.gather [hbm4b:s7+s25], $0x80, s5, s25, $0xb8;
	[tilespmem:$0x11300] =	vst v63  }
0x119: {  	p0 =	sne.s32 s2, $0x1;
	_ =	swait.ge [sflag:s24], $0x4000  }
.Ltmp19:
0x11a: {  	[sflag:s24] =	ssyncset.done $0x0;
	(pc) =	sbr.rel @!p0 .LBB2_20-.Ltmp19, $4  }
0x11b: {  	[sflag:s24] =	ssyncadd.s32 $0xFFFFC000  }
0x11c: {  	[hbm4b:s8+s25] =	stream.indirect.scatter [tilespmem:s26], [sflag:$0x1], $0x80, s10, s25, $0xb8;
	[tilespmem:$0x11300] =	vst v63  }
0x11d: {  	_ =	swait.ge [sflag:s24], $0x4000  }
0x11e: {  	s2 =	sadd.s32 $0xFFFFFFFF, s2;
	[sflag:s24] =	ssyncset.done $0x0  }
.LBB2_19:
0x11f: {  	[sflag:s24] =	ssyncadd.s32 $0xFFFFC000;
	s5 =	sadd.s32 $0x80, s5;
	s10 =	sadd.s32 $0x80, s10  }
0x120: {  	[tilespmem:s26], [sflag:$0x1] =	stream.indirect.gather [hbm4b:s7+s25], $0x80, s5, s25, $0xb8;
	[tilespmem:$0x11300] =	vst v63  }
0x121: {  	p0 =	sne.s32 s2, $0x1;
	s2 =	sadd.s32 $0xFFFFFFFF, s2;
	_ =	swait.ge [sflag:s24], $0x4000  }
.Ltmp20:
0x122: {  	[sflag:s24] =	ssyncset.done $0x0;
	(pc) =	sbr.rel @p0 .LBB2_19-.Ltmp20, $4  }
0x123: {  	[sflag:s24] =	ssyncadd.s32 $0xFFFFC000  }
0x124: {  	[hbm4b:s8+s25] =	stream.indirect.scatter [tilespmem:s26], [sflag:$0x1], $0x80, s10, s25, $0xb8;
	[tilespmem:$0x11300] =	vst v63  }
0x125: {  	_ =	swait.ge [sflag:s24], $0x4000  }
0x126: {  	[sflag:s24] =	ssyncset.done $0x0  }
.LBB2_20:
0x127: {  	[sflag:s24] =	ssyncadd.s32 $0xFFFFC000  }
.LBB2_21:
0x128: {  	s11 =	simm.s32 $0x0;
	s2 =	simm.s32 $0x0;
	s10 =	simm.s32 $0x0  }
.LBB2_22:
0x129: {  	s5 =	sshll.u32 s10, $0x7  }
0x12a: {  	s5 =	sadd.s32 s0, s5  }
0x12b: {  	[tilespmem:s16], [sflag:$0x2] =	stream.linear.gather [hbm4b:s5+s31], $0x400, $0x38;
	[tilespmem:$0x11300] =	vst v63  }
0x12c: {  	_ =	swait.ge [sflag:s17], $0x400  }
0x12d: {  	[sflag:s17] =	ssyncset.done $0x0  }
0x12e: {  	s12 =	simm.s32 $0x0;
	[sflag:s17] =	ssyncadd.s32 $0xFFFFFC00  }
0x12f: {  	v6 =	vld [tilespmem:s12+$0x3200];
	_ =	sdelay $0x4  }
0x130: {  	vm0 =	vge.s32 v6, v0;
	vm1 =	vlt.s32 v6, v1  }
0x131: {  	vm0 =	vmand vm0, vm1  }
0x132: {  	v7 =	vsel vm0, $0x1, v5  }
0x133: {  	(xrf0) =	vadd.scan.msk.s32 $0xffff, v7;
	_ =	sdelay $0x2  }
0x134: {  	v7 =	vmov s2  }
0x135: {  	v7 =	vadd.s32 $0xFFFFFFFF, v7  }
0x136: {  	v7 =	vbroadcast v7, $0x0  }
0x137: {  	v8, _, _ =	vpop (xrf0)  }
0x138: {  	v7 =	vadd.s32 v8, v7;
	(v2sf) =	vpush v8, $0xF  }
0x139: {  	v8 =	vshra.s32 v7, $0x1F  }
0x13a: {  	v8 =	vshrl.u32 v8, $0x19  }
0x13b: {  	v8 =	vadd.s32 v8, v7  }
0x13c: {  	v6 =	vsub.s32 v6, v0;
	v8 =	vshra.s32 v8, $0x7  }
0x13d: {  	vm14 =	vgt.s32 v6, $0x0;
	v9 =	vshll.u32 v8, $0x7  }
0x13e: {  	v6 =	vnsel vm14, $0x0, v6;
	vm2 =	vlt.s32 v7, $0x1;
	vm15 =	vne.s32 v7, v9  }
0x13f: {  	v6 =	vmin.u32 v6, $0xC7F;
	vm1 =	vmand vm2, vm15  }
0x140: {  	v63 =	vsel vm1, $0xFFFFFFFF, v5  }
0x141: {  	v8 =	vadd.s32 v63, v8  }
0x142: {  	v7 =	vand.u32 $0x7F, v7;
	v8 =	vshll.u32 v8, $0x7  }
0x143: {  	v7 =	vor.u32 v7, v8  }
0x144: {  	v8 =	vld.idx.msk [tilespmem:v6+s6+$0x0], $0xffff;
	_ =	sdelay $0x2  }
0x145: {  	v6 =	vor.u32 s11, v3;
	s13 =	spop (v2sf)  }
0x146: {  	[tilespmem:v7+s28+$0x0] =	vst.idx.msk vm0, v6;
	s2 =	sadd.s32 s2, s13  }
0x147: {  	s5 =	smov.u32 s11;
	s12 =	simm.s32 $0x80;
	s13 =	simm.s32 $0x10;
	v6 =	vmov s2;
	[tilespmem:v7+s29+$0x0] =	vst.idx.msk vm0, v8  }
.LBB2_23:
0x148: {  	p0 =	sne.s32 s12, $0xFC0;
	v7 =	vld [tilespmem:s13+$0x3200];
	v6 =	vadd.s32 $0xFFFFFFFF, v6  }
0x149: {  	v6 =	vbroadcast v6, $0x0;
	_ =	sdelay $0x3  }
0x14a: {  	vm0 =	vge.s32 v7, v0;
	vm1 =	vlt.s32 v7, v1;
	v7 =	vsub.s32 v7, v0  }
0x14b: {  	vm0 =	vmand vm0, vm1  }
0x14c: {  	v8 =	vsel vm0, $0x1, v5  }
0x14d: {  	(xrf0) =	vadd.scan.msk.s32 $0xffff, v8;
	_ =	sdelay $0x5  }
0x14e: {  	v8, _, _ =	vpop (xrf0)  }
0x14f: {  	v6 =	vadd.s32 v8, v6;
	(v2sf) =	vpush v8, $0xF  }
0x150: {  	v8 =	vshra.s32 v6, $0x1F;
	vm1 =	vlt.s32 v6, $0x1;
	v9 =	vand.u32 $0x7F, v6  }
0x151: {  	v8 =	vshrl.u32 v8, $0x19  }
0x152: {  	v8 =	vadd.s32 v8, v6  }
0x153: {  	vm2 =	vgt.s32 v7, $0x0;
	v8 =	vshra.s32 v8, $0x7  }
0x154: {  	v7 =	vnsel vm2, $0x0, v7;
	v10 =	vshll.u32 v8, $0x7  }
0x155: {  	v7 =	vmin.u32 v7, $0xC7F;
	vm2 =	vne.s32 v6, v10  }
0x156: {  	vm1 =	vmand vm1, vm2  }
0x157: {  	v6 =	vsel vm1, $0xFFFFFFFF, v5  }
0x158: {  	v6 =	vadd.s32 v6, v8  }
0x159: {  	v6 =	vshll.u32 v6, $0x7  }
0x15a: {  	v7 =	vld.idx.msk [tilespmem:v7+s6+$0x0], $0xffff;
	v8 =	vor.u32 v9, v6;
	_ =	sdelay $0x1  }
.Ltmp21:
0x15b: {  	(pc) =	sbr.rel @p0 .LBB2_23-.Ltmp21, $4  }
0x15c: {  	s5 =	sadd.s32 $0x10, s5  }
0x15d: {  	v6 =	vor.u32 s5, v3;
	s13 =	spop (v2sf)  }
0x15e: {  	[tilespmem:v8+s28+$0x0] =	vst.idx.msk vm0, v6;
	s2 =	sadd.s32 s2, s13  }
0x15f: {  	s13 =	sshra.s32 s12, $0x2;
	s12 =	sadd.s32 $0x40, s12;
	v6 =	vmov s2;
	[tilespmem:v8+s29+$0x0] =	vst.idx.msk vm0, v7  }
0x160: {  	v7 =	vld [tilespmem:s13+$0x3200];
	_ =	sdelay $0x4  }
0x161: {  	vm0 =	vge.s32 v7, v0;
	vm1 =	vlt.s32 v7, v1  }
0x162: {  	vm0 =	vmand vm0, vm1  }
0x163: {  	v8 =	vsel vm0, $0x1, v5  }
0x164: {  	(xrf0) =	vadd.scan.msk.s32 $0xffff, v8;
	_ =	sdelay $0x3  }
0x165: {  	v6 =	vadd.s32 $0xFFFFFFFF, v6  }
0x166: {  	v6 =	vbroadcast v6, $0x0  }
0x167: {  	v8, _, _ =	vpop (xrf0)  }
0x168: {  	v6 =	vadd.s32 v8, v6  }
0x169: {  	(v2sf) =	vpush v8, $0xF;
	v61 =	vshra.s32 v6, $0x1F  }
0x16a: {  	v8 =	vshrl.u32 v61, $0x19  }
0x16b: {  	v8 =	vadd.s32 v8, v6  }
0x16c: {  	v7 =	vsub.s32 v7, v0;
	v8 =	vshra.s32 v8, $0x7  }
0x16d: {  	vm14 =	vgt.s32 v7, $0x0;
	v9 =	vshll.u32 v8, $0x7  }
0x16e: {  	v7 =	vnsel vm14, $0x0, v7;
	vm2 =	vlt.s32 v6, $0x1;
	vm15 =	vne.s32 v6, v9  }
0x16f: {  	v7 =	vmin.u32 v7, $0xC7F;
	vm1 =	vmand vm2, vm15  }
0x170: {  	v62 =	vsel vm1, $0xFFFFFFFF, v5  }
0x171: {  	v8 =	vadd.s32 v62, v8  }
0x172: {  	v6 =	vand.u32 $0x7F, v6;
	v8 =	vshll.u32 v8, $0x7  }
0x173: {  	s10 =	sadd.s32 $0x1, s10;
	v6 =	vor.u32 v6, v8  }
0x174: {  	p0 =	sne.s32 s10, $0x10;
	v7 =	vld.idx.msk [tilespmem:v7+s6+$0x0], $0xffff  }
.Ltmp22:
0x175: {  	_ = 	snop;
	(pc) =	sbr.rel @p0 .LBB2_22-.Ltmp22, $4  }
0x176: {  	s5 =	sadd.s32 $0x10, s5  }
0x177: {  	v63 =	vor.u32 s5, v3  }
0x178: {  	s13 =	spop (v2sf);
	[tilespmem:v6+s28+$0x0] =	vst.idx.msk vm0, v63  }
0x179: {  	s11 =	sadd.s32 $0x400, s11;
	s2 =	sadd.s32 s2, s13;
	[tilespmem:v6+s29+$0x0] =	vst.idx.msk vm0, v7  }
0x17a: {  	s5 =	sadd.s32 $0xFFFFFFFF, s2;
	v6 =	vadd.s32 s2, v3  }
0x17b: {  	p0 =	sgt.s32 s5, $0x0;
	v7 =	vshra.s32 v6, $0x1F  }
0x17c: {  	s10 =	sadd.s32 $0x7F, s2;
	p1 =	slt.s32 s5, $0x1;
	s5 =	simm.s32 @!p0 $0x0;
	v7 =	vshrl.u32 v7, $0x19  }
0x17d: {  	s13 =	simm.s32 $0x1;
	s11 =	sshra.s32 s10, $0x1F;
	s12 =	sand.u32 $0x7F, s5;
	v7 =	vadd.s32 v7, v6  }
0x17e: {  	p2 =	slt.s32 s10, $0x1;
	s11 =	sshrl.u32 s11, $0x19;
	p4 =	sne.s32 s12, $0x0;
	v7 =	vshra.s32 v7, $0x7  }
0x17f: {  	s11 =	sadd.s32 s11, s10;
	s10 =	sand.u32 $0x7F, s10;
	p0 =	por !p1, !p4;
	v8 =	vshll.u32 v7, $0x7  }
0x180: {  	vm0 =	vlt.s32 v6, $0x1;
	s5 =	sshrl.u32 s5, $0x7;
	p5 =	sne.s32 s10, $0x0;
	p0 =	por !p0, !p0;
	vm1 =	vne.s32 v6, v8  }
0x181: {  	s10 =	simm.s32 $0x1;
	p6 =	por !p2, !p5;
	s13 =	simm.s32 @!p0 $0x0;
	vm0 =	vmand vm0, vm1  }
0x182: {  	p0 =	por !p6, !p6;
	s5 =	ssub.s32 s5, s13;
	s13 =	sadd.s32 $0x10, s2;
	v11 =	vsel vm0, $0xFFFFFFFF, v5  }
0x183: {  	s11 =	sshrl.u32 s11, $0x7;
	s10 =	simm.s32 @!p0 $0x0;
	v9 =	vadd.s32 s13, v3;
	s5 =	sshll.u32 s5, $0x7;
	v7 =	vadd.s32 v11, v7  }
0x184: {  	s10 =	ssub.s32 s11, s10;
	s11 =	sadd.s32 $0x20, s2;
	s13 =	sadd.s32 $0x40, s2;
	v36 =	vmov s5;
	v10 =	vshra.s32 v9, $0x1F;
	v7 =	vshll.u32 v7, $0x7  }
0x185: {  	s5 =	sshll.u32 s10, $0x7;
	vm9 =	vlt.s32 v9, $0x1;
	v38 =	vadd.s32 s11, v3;
	v44 =	vadd.s32 s13, v3  }
0x186: {  	v8 =	vor.u32 s12, v36;
	v10 =	vshrl.u32 v10, $0x19;
	vm0 =	vlt.s32 v6, s5  }
0x187: {  	v6 =	vand.u32 $0x7F, v6;
	v12 =	vshra.s32 v38, $0x1F;
	vm10 =	vlt.s32 v38, $0x1  }
0x188: {  	s11 =	sadd.s32 $0x50, s2;
	s13 =	sadd.s32 $0x70, s2;
	v11 =	vand.u32 $0x7F, v38;
	v15 =	vshra.s32 v44, $0x1F;
	vm12 =	vlt.s32 v44, $0x1  }
0x189: {  	v50 =	vadd.s32 s11, v3;
	v51 =	vand.u32 $0x7F, v44;
	v18 =	vadd.s32 s13, v3  }
0x18a: {  	s12 =	sadd.s32 $0x30, s2;
	v8 =	vbroadcast v8, $0x0;
	v10 =	vadd.s32 v10, v9;
	v12 =	vshrl.u32 v12, $0x19  }
0x18b: {  	v6 =	vor.u32 v6, v7;
	v40 =	vadd.s32 s12, v3;
	v45 =	vshrl.u32 v15, $0x19  }
0x18c: {  	v52 =	vshra.s32 v50, $0x1F;
	vm13 =	vlt.s32 v50, $0x1;
	v19 =	vshra.s32 v18, $0x1F  }
0x18d: {  	v37 =	vand.u32 $0xFFFFFF80, v10;
	v10 =	vshrl.u32 v10, $0x7;
	v39 =	vadd.s32 v12, v38  }
0x18e: {  	s12 =	sadd.s32 $0x60, s2;
	v42 =	vshra.s32 v40, $0x1F;
	vm11 =	vlt.s32 v40, $0x1;
	v46 =	vadd.s32 v45, v44  }
0x18f: {  	v53 =	vshrl.u32 v52, $0x19;
	v54 =	vadd.s32 s12, v3;
	v19 =	vshrl.u32 v19, $0x19  }
0x190: {  	vm2 =	vne.s32 v9, v37;
	v12 =	vand.u32 $0xFFFFFF80, v39;
	v43 =	vshrl.u32 v42, $0x19  }
0x191: {  	v48 =	vand.u32 $0xFFFFFF80, v46;
	v17 =	vshra.s32 v54, $0x1F;
	v19 =	vadd.s32 v19, v18  }
0x192: {  	v60 =	vand.u32 $0x7F, v54;
	vm1 =	vmand vm9, vm2;
	vm3 =	vne.s32 v38, v12  }
0x193: {  	v12 =	vadd.s32 v43, v40;
	vm5 =	vne.s32 v44, v48;
	v17 =	vshrl.u32 v17, $0x19  }
0x194: {  	v56 =	vand.u32 $0xFFFFFF80, v19;
	vm9 =	vlt.s32 v54, $0x1;
	v13 =	vsel vm1, $0xFFFFFFFF, v5  }
0x195: {  	vm1 =	vlt.s32 v9, s5;
	v9 =	vand.u32 $0x7F, v9;
	vm2 =	vmand vm10, vm3  }
0x196: {  	v14 =	vand.u32 $0xFFFFFF80, v12;
	v12 =	vshrl.u32 v12, $0x7;
	v17 =	vadd.s32 v17, v54  }
0x197: {  	vm6 =	vne.s32 v18, v56;
	v7 =	vadd.s32 v13, v10;
	v10 =	vshrl.u32 v39, $0x7  }
0x198: {  	v41 =	vsel vm2, $0xFFFFFFFF, v5;
	vm2 =	vlt.s32 v38, s5;
	vm4 =	vne.s32 v40, v14  }
0x199: {  	v14 =	vadd.s32 v53, v50;
	v55 =	vand.u32 $0xFFFFFF80, v17;
	v7 =	vshll.u32 v7, $0x7  }
0x19a: {  	s10 =	simm.s32 $0x5300;
	v10 =	vadd.s32 v41, v10;
	vm3 =	vmand vm11, vm4;
	vm4 =	vmand vm12, vm5  }
0x19b: {  	s2 =	simm.s32 $0x9300;
	v16 =	vld.idx.msk [tilespmem:v8+s10+$0x0], $0xffff;
	v20 =	vand.u32 $0xFFFFFF80, v14;
	vm15 =	vne.s32 v54, v55;
	vm11 =	vlt.s32 v18, $0x1  }
0x19c: {  	v8 =	vld.idx.msk [tilespmem:v8+s2+$0x0], $0xffff;
	vm12 =	vlt.s32 v44, s5;
	v7 =	vor.u32 v9, v7;
	v10 =	vshll.u32 v10, $0x7  }
0x19d: {  	v47 =	vsel vm3, $0xFFFFFFFF, v5;
	vm3 =	vlt.s32 v40, s5;
	v9 =	vand.u32 $0x7F, v40  }
0x19e: {  	v49 =	vsel vm4, $0xFFFFFFFF, v5;
	vm14 =	vne.s32 v50, v20;
	vm10 =	vmand vm9, vm15  }
0x19f: {  	v10 =	vor.u32 v11, v10;
	v12 =	vadd.s32 v47, v12;
	v11 =	vshrl.u32 v46, $0x7  }
0x1a0: {  	vm4 =	vmand vm13, vm14;
	v12 =	vshll.u32 v12, $0x7;
	v11 =	vadd.s32 v49, v11;
	[tilespmem:v6+s10+$0x0] =	vst.idx.msk vm0, v16  }
0x1a1: {  	v57 =	vsel vm4, $0xFFFFFFFF, v5;
	v9 =	vor.u32 v9, v12;
	[tilespmem:v6+s2+$0x0] =	vst.idx.msk vm0, v8;
	v6 =	vshrl.u32 v14, $0x7  }
0x1a2: {  	v58 =	vsel vm10, $0xFFFFFFFF, v5;
	v11 =	vshll.u32 v11, $0x7;
	v6 =	vadd.s32 v57, v6;
	[tilespmem:v7+s10+$0x0] =	vst.idx.msk vm1, v16  }
0x1a3: {  	v11 =	vor.u32 v51, v11;
	[tilespmem:v7+s2+$0x0] =	vst.idx.msk vm1, v8;
	v6 =	vshll.u32 v6, $0x7;
	v7 =	vand.u32 $0x7F, v50  }
0x1a4: {  	vm13 =	vlt.s32 v50, s5;
	v6 =	vor.u32 v7, v6;
	[tilespmem:v10+s10+$0x0] =	vst.idx.msk vm2, v16;
	v7 =	vshrl.u32 v17, $0x7  }
0x1a5: {  	v61 =	vshrl.u32 v19, $0x7;
	vm4 =	vmand vm11, vm6;
	[tilespmem:v10+s2+$0x0] =	vst.idx.msk vm2, v8;
	v7 =	vadd.s32 v58, v7  }
0x1a6: {  	vm14 =	vlt.s32 v54, s5;
	v59 =	vsel vm4, $0xFFFFFFFF, v5;
	[tilespmem:v9+s10+$0x0] =	vst.idx.msk vm3, v16;
	v7 =	vshll.u32 v7, $0x7  }
0x1a7: {  	v62 =	vadd.s32 v59, v61;
	[tilespmem:v9+s2+$0x0] =	vst.idx.msk vm3, v8;
	v7 =	vor.u32 v60, v7  }
0x1a8: {  	v63 =	vand.u32 $0x7F, v18;
	vm15 =	vlt.s32 v18, s5;
	v9 =	vshll.u32 v62, $0x7;
	[tilespmem:v11+s10+$0x0] =	vst.idx.msk vm12, v16  }
0x1a9: {  	s5 =	sshra.s32 s5, $0x7;
	v9 =	vor.u32 v63, v9;
	[tilespmem:v11+s2+$0x0] =	vst.idx.msk vm12, v8  }
0x1aa: {  	p0 =	slt.s32 s5, $0x1;
	[tilespmem:v6+s10+$0x0] =	vst.idx.msk vm13, v16  }
.Ltmp23:
0x1ab: {  	[tilespmem:v6+s2+$0x0] =	vst.idx.msk vm13, v8;
	(pc) =	sbr.rel @p0 .LBB2_29-.Ltmp23, $4  }
0x1ac: {  	[tilespmem:v7+s10+$0x0] =	vst.idx.msk vm14, v16  }
0x1ad: {  	[tilespmem:v7+s2+$0x0] =	vst.idx.msk vm14, v8  }
0x1ae: {  	[tilespmem:v9+s10+$0x0] =	vst.idx.msk vm15, v16  }
0x1af: {  	[tilespmem:v9+s2+$0x0] =	vst.idx.msk vm15, v8  }
0x1b0: {  	[tilespmem:s26], [sflag:$0x1] =	stream.indirect.gather [hbm4b:s7+s25], $0x80, s2, s25, $0xb8;
	[tilespmem:$0x11300] =	vst v63  }
0x1b1: {  	p0 =	sne.s32 s5, $0x1;
	_ =	swait.ge [sflag:s24], $0x4000  }
.Ltmp24:
0x1b2: {  	[sflag:s24] =	ssyncset.done $0x0;
	(pc) =	sbr.rel @!p0 .LBB2_28-.Ltmp24, $4  }
0x1b3: {  	[sflag:s24] =	ssyncadd.s32 $0xFFFFC000  }
0x1b4: {  	[hbm4b:s9+s25] =	stream.indirect.scatter [tilespmem:s26], [sflag:$0x1], $0x80, s10, s25, $0xb8;
	[tilespmem:$0x11300] =	vst v63  }
0x1b5: {  	_ =	swait.ge [sflag:s24], $0x4000  }
0x1b6: {  	s5 =	sadd.s32 $0xFFFFFFFF, s5;
	[sflag:s24] =	ssyncset.done $0x0  }
.LBB2_27:
0x1b7: {  	[sflag:s24] =	ssyncadd.s32 $0xFFFFC000;
	s2 =	sadd.s32 $0x80, s2;
	s10 =	sadd.s32 $0x80, s10  }
0x1b8: {  	[tilespmem:s26], [sflag:$0x1] =	stream.indirect.gather [hbm4b:s7+s25], $0x80, s2, s25, $0xb8;
	[tilespmem:$0x11300] =	vst v63  }
0x1b9: {  	p0 =	sne.s32 s5, $0x1;
	s5 =	sadd.s32 $0xFFFFFFFF, s5;
	_ =	swait.ge [sflag:s24], $0x4000  }
.Ltmp25:
0x1ba: {  	[sflag:s24] =	ssyncset.done $0x0;
	(pc) =	sbr.rel @p0 .LBB2_27-.Ltmp25, $4  }
0x1bb: {  	[sflag:s24] =	ssyncadd.s32 $0xFFFFC000  }
0x1bc: {  	[hbm4b:s9+s25] =	stream.indirect.scatter [tilespmem:s26], [sflag:$0x1], $0x80, s10, s25, $0xb8;
	[tilespmem:$0x11300] =	vst v63  }
0x1bd: {  	_ =	swait.ge [sflag:s24], $0x4000  }
0x1be: {  	[sflag:s24] =	ssyncset.done $0x0  }
.Ltmp26:
0x1bf: {  	_ = 	snop;
	(pc) =	sbr.rel .LBB2_28-.Ltmp26, $1  }
0x1c0: {  	_ =	sdelay $0x3  }
.LBB2_30:
0x1c1: {  	_ =	sfence.sel $0x180000  }
0x1c2: {  	[bflag:$0x0] =	sbarrier.arrive $0xFFFF  }
0x1c3: {  	_ =	strace $0x9000004A  }
0x1c4: {  	s0 =	stileid.u32;
	[bflag:$0x2] =	sbarrier.arrive $0xFFFF  }
0x1c5: {  	p0 =	sne.s32 s0, $0x0;
	s0 =	rddreg [dreg:$0x6]  }
0x1c6: {  	s0 =	sadd.s32 @!p0 $0x100000, s0  }
0x1c7: {  	[sflag:s0] =	ssyncadd.tile.s32 @!p0 $0x1;
	_ =	shalt  }
.Lfunc_end2:
_tile_overlayer_lowered:
.L_overlay_start_2:
0x1c8: {  	(tag) =	ssettag $0x2  }
0x1c9: {  	s0 =	rddreg [dreg:$0x0];
	s2 =	stileid.u32  }
0x1ca: {  	s1 =	rddreg [dreg:$0x1];
	p0 =	sne.s32 s2, $0x0  }
0x1cb: {  	s3 =	rddreg [dreg:$0x2];
	[bflag:$0x3] =	sbarrier.arrive $0xFFFF;
	s2 =	simm.s32 @!p0 $0x1C02  }
0x1cc: {  	[timem:s3], [sflag:s2] =	dma.local @!p0 [hbm:s0], s1  }
0x1cd: {  	s0 =	simm.s32 @!p0 $0x2  }
0x1ce: {  	_ =	swait.ge @!p0 [sflag:s0], s1  }
0x1cf: {  	s1 =	ssub.s32 @!p0 $0x0, s1;
	[sflag:s0] =	ssyncset.done @!p0 $0x0  }
0x1d0: {  	[sflag:s0] =	ssyncadd.s32 @!p0 s1  }
0x1d1: {  	[bflag:$0x3] =	sbarrier.arrive $0xFFFF  }
0x1d2: {  	_ =	shalt  }

// kernel: kernel.17.cloned.1.call-start
scs
__scs_entry_jumppad:
0x0: {  	(pc) =	sbr.rel $0x88, $3  }
0x1: {  	(tag) =	ssettag $0x0;
	lr =	simm.s32 $0x1  }
0x2: {  	[smem:$0x3F89] =	sst lr;
	_ =	strace $0xD0000000  }
0x3: {  	_ = 	snop  }
0x4: {  	_ = 	snop  }
0x5: {  	_ = 	snop  }
0x6: {  	_ = 	snop  }
0x7: {  	_ = 	snop  }
__scs_overlays_trampoline_lowered:
0x8: {  	[smem:$0x3F98] =	sst s0  }
0x9: {  	[smem:$0x3F99] =	sst s1  }
0xa: {  	[smem:$0x3F9A] =	sst s2  }
0xb: {  	[smem:$0x3F9B] =	sst s3  }
0xc: {  	[smem:$0x3F9C] =	sst s4  }
0xd: {  	[smem:$0x3F9D] =	sst s5  }
0xe: {  	[smem:$0x3F9E] =	sst s6  }
0xf: {  	[smem:$0x3F9F] =	sst s7  }
0x10: {  	[smem:$0x3FA0] =	sst s8  }
0x11: {  	[smem:$0x3FA1] =	sst s9;
	s0 =	simm.s32 @!p0 $0x0  }
0x12: {  	s1 =	sld [smem:$0x3F87];
	s0 =	simm.s32 @p0 $0x1  }
0x13: {  	[smem:$0x3FA2] =	sst s0;
	s0 =	simm.s32 @!p1 $0x0  }
0x14: {  	s2 =	sld [smem:$0x3F86];
	s0 =	simm.s32 @p1 $0x1  }
0x15: {  	[smem:$0x3FA3] =	sst s0;
	s0 =	simm.s32 @!p2 $0x0  }
0x16: {  	s3 =	sld [smem:$0x3FDB];
	s0 =	simm.s32 @p2 $0x1  }
0x17: {  	s4 =	simm.s32 $0x1BF5;
	[smem:$0x3FA5] =	sst s0  }
0x18: {  	s0 =	sld [smem:$0x3F88];
	_ =	swait.ge [sflag:s4], $0x0  }
0x19: {  	s7 =	sld [smem:$0x3F89]  }
0x1a: {  	s8 =	sadd.s32 $0xFFFFE003, lr  }
0x1b: {  	s9 =	sadd.s32 $0xFFFFFEF7, lr;
	s5 =	simm.s32 $0xFFFFFFFF;
	p2 =	slt.u32 s8, $0xFFFFF086  }
0x1c: {  	p1 =	slt.u32 s9, $0xF7A;
	s5 =	simm.s32 @!p2 $0x0  }
0x1d: {  	s5 =	simm.s32 @p1 $0x1;
	p0 =	seq.s32 s7, s2  }
0x1e: {  	s7 =	smul.u32 @!p0 $0xF7A, s2;
	p2 =	seq.s32 @!p0 s5, $0x0  }
0x1f: {  	s9 =	smul.u32 $0xF7A, s1;
	s8 =	simm.s32 @!p0 $0x1BF5;
	p2 =	por !p2, p0  }
0x20: {  	[sflag:s8] =	ssyncset.s32 @!p0 $0xFFFFF086;
	s6 =	sadd.s32 @!p0 s3, s7;
	s7 =	simm.s32 @!p0 $0x108  }
0x21: {  	s3 =	sadd.s32 s3, s9;
	s6 =	sadd.s32 @!p0 $0x88, s6;
	s7 =	simm.s32 @p2 $0x1082  }
0x22: {  	[simem:s7], [sflag:s8] =	dma.local @!p0 [hbm:s6], $0xF7A  }
0x23: {  	s9 =	sor.u32 $0xD0000000, s2;
	s6 =	simm.s32 $0x108;
	_ =	swait.ge @!p0 [sflag:s8], $0x0  }
0x24: {  	s3 =	sadd.s32 $0x88, s3;
	s6 =	simm.s32 @!p1 $0x1082;
	[sflag:s4] =	ssyncset.s32 $0xFFFFF086  }
0x25: {  	[simem:s6], [sflag:s4] =	dma.local [hbm:s3], $0xF7A  }
0x26: {  	[smem:$0x3F89] =	sst s1;
	(tag) =	ssettag s2;
	_ =	strace s9  }
0x27: {  	s1 =	sld [smem:$0x3F99]  }
0x28: {  	s2 =	sld [smem:$0x3F9A]  }
0x29: {  	s4 =	sld [smem:$0x3F9C]  }
0x2a: {  	p0 =	seq.s32 s5, $0x0;
	s5 =	sld [smem:$0x3F9D]  }
0x2b: {  	s6 =	sld [smem:$0x3F9E]  }
0x2c: {  	s7 =	sld [smem:$0x3F9F]  }
0x2d: {  	s3 =	simm.s32 $0x108;
	s8 =	sld [smem:$0x3FA0]  }
0x2e: {  	s3 =	simm.s32 @!p0 $0x1082;
	s9 =	sld [smem:$0x3FA1]  }
0x2f: {  	lr =	sadd.s32 s0, s3;
	s0 =	sld [smem:$0x3F98]  }
0x30: {  	s3 =	sld [smem:$0x3F9B]  }
0x31: {  	[smem:$0x3FA4] =	sst s10  }
0x32: {  	s10 =	sld [smem:$0x3FA2];
	_ =	sdelay $0x3  }
0x33: {  	p0 =	seq.s32 s10, $0x1;
	s10 =	sld [smem:$0x3FA4];
	_ =	sdelay $0x3  }
0x34: {  	[smem:$0x3FA4] =	sst s10  }
0x35: {  	s10 =	sld [smem:$0x3FA3];
	_ =	sdelay $0x3  }
0x36: {  	p1 =	seq.s32 s10, $0x1;
	s10 =	sld [smem:$0x3FA4];
	_ =	sdelay $0x3  }
0x37: {  	[smem:$0x3FA4] =	sst s10  }
0x38: {  	s10 =	sld [smem:$0x3FA5]  }
0x39: {  	_ = 	snop;
	(pc) =	sbr.ind lr, $3  }
0x3a: {  	_ = 	snop  }
0x3b: {  	_ = 	snop  }
0x3c: {  	p2 =	seq.s32 s10, $0x1;
	s10 =	sld [smem:$0x3FA4]  }
0x3d: {  	_ =	shalt  }
0x3e: {  	_ =	shalt  }
0x3f: {  	_ =	shalt  }
0x40: {  	_ =	shalt  }
0x41: {  	_ =	shalt  }
0x42: {  	_ =	shalt  }
0x43: {  	_ =	shalt  }
0x44: {  	_ =	shalt  }
0x45: {  	_ =	shalt  }
0x46: {  	_ =	shalt  }
0x47: {  	_ =	shalt  }
0x48: {  	_ =	shalt  }
0x49: {  	_ =	shalt  }
0x4a: {  	_ =	shalt  }
0x4b: {  	_ =	shalt  }
0x4c: {  	_ =	shalt  }
0x4d: {  	_ =	shalt  }
0x4e: {  	_ =	shalt  }
0x4f: {  	_ =	shalt  }
0x50: {  	_ =	shalt  }
0x51: {  	_ =	shalt  }
0x52: {  	_ =	shalt  }
0x53: {  	_ =	shalt  }
0x54: {  	_ =	shalt  }
0x55: {  	_ =	shalt  }
0x56: {  	_ =	shalt  }
0x57: {  	_ =	shalt  }
0x58: {  	_ =	shalt  }
0x59: {  	_ =	shalt  }
0x5a: {  	_ =	shalt  }
0x5b: {  	_ =	shalt  }
0x5c: {  	_ =	shalt  }
0x5d: {  	_ =	shalt  }
0x5e: {  	_ =	shalt  }
0x5f: {  	_ =	shalt  }
0x60: {  	_ =	shalt  }
0x61: {  	_ =	shalt  }
0x62: {  	_ =	shalt  }
0x63: {  	_ =	shalt  }
0x64: {  	_ =	shalt  }
0x65: {  	_ =	shalt  }
0x66: {  	_ =	shalt  }
0x67: {  	_ =	shalt  }
0x68: {  	_ =	shalt  }
0x69: {  	_ =	shalt  }
0x6a: {  	_ =	shalt  }
0x6b: {  	_ =	shalt  }
0x6c: {  	_ =	shalt  }
0x6d: {  	_ =	shalt  }
0x6e: {  	_ =	shalt  }
0x6f: {  	_ =	shalt  }
0x70: {  	_ =	shalt  }
0x71: {  	_ =	shalt  }
0x72: {  	_ =	shalt  }
0x73: {  	_ =	shalt  }
0x74: {  	_ =	shalt  }
0x75: {  	_ =	shalt  }
0x76: {  	_ =	shalt  }
0x77: {  	_ =	shalt  }
0x78: {  	_ =	shalt  }
0x79: {  	_ =	shalt  }
0x7a: {  	_ =	shalt  }
0x7b: {  	_ =	shalt  }
0x7c: {  	_ =	shalt  }
0x7d: {  	_ =	shalt  }
0x7e: {  	_ =	shalt  }
0x7f: {  	_ =	shalt  }
0x80: {  	_ =	shalt  }
0x81: {  	_ =	shalt  }
0x82: {  	_ =	shalt  }
0x83: {  	_ =	shalt  }
0x84: {  	_ =	shalt  }
0x85: {  	_ =	shalt  }
0x86: {  	_ =	shalt  }
0x87: {  	_ =	shalt  }
.Lfunc_end0:
.L_simem_size_0:
called_computation.2_lowered:
.L_overlay_start_0:
0x88: {  	s2 =	sld [smem:$0x3FD9]  }
0x89: {  	s3 =	sld [smem:$0x3FFE];
	_ =	sdelay $0x1  }
0x8a: {  	s1 =	srdreg.scid  }
0x8b: {  	s0 =	sand.u32 $0x1, s1  }
0x8c: {  	s16 =	sshll.u32 s0, $0xA;
	s2 =	sadd.s32 s3, s2  }
0x8d: {  	s2 =	sadd.s32 s2, s16  }
0x8e: {  	[smem:$0x3FB0] =	sst s2  }
0x8f: {  	_ = 	snop  }
0x90: {  	(tm) =	ssettm $0x1  }
0x91: {  	s17 =	sld [smem:$0x3FFB];
	_ =	sdelay $0x3  }
0x92: {  	_ =	strace s17  }
0x93: {  	s2 =	sld [smem:$0x3FFC];
	_ =	sdelay $0x3  }
0x94: {  	_ =	strace s2  }
0x95: {  	s2 =	sld [smem:$0x3FFD];
	_ =	sdelay $0x3  }
0x96: {  	_ =	strace s2  }
0x97: {  	_ =	strace $0x8FFFFFFF  }
0x98: {  	s18 =	sld [smem:$0x3FDB];
	_ =	sdelay $0x1  }
0x99: {  	s19 =	simm.s32 $_scs_section_size  }
0x9a: {  	s4 =	simm.s32 $_size__tile_overlayer_lowered;
	s5 =	simm.s32 $_tile_overlayer_lowered  }
0x9b: {  	s22 =	simm.s32 $0x1BFF;
	s21 =	sshll.u32 s5, $0x1;
	s2 =	sadd.s32 s19, s18  }
0x9c: {  	s6 =	simm.s32 $0x0;
	s20 =	sshll.u32 s4, $0x1;
	s4 =	sadd.s32 s21, s2  }
0x9d: {  	[timem:s6], [sflag:s22] =	dma.local [hbm:s4], s20  }
0x9e: {  	_ =	swait.ge [sflag:s22], s20  }
0x9f: {  	s3 =	ssub.s32 $0x0, s20;
	[sflag:s22] =	ssyncset.done $0x0  }
0xa0: {  	[sflag:s22] =	ssyncadd.s32 s3;
	_ =	sdelay $0x1  }
0xa1: {  	s23 =	simm.s32 $0x1B8B  }
0xa2: {  	_ =	swait.ge [sflag:s23], $0x1  }
0xa3: {  	[sflag:s23] =	ssyncset.done $0x0  }
0xa4: {  	s25 =	simm.s32 $0x1B8E;
	s24 =	sld [smem:$0x3FFE];
	[sflag:s23] =	ssyncadd.s32 $0xFFFFFFFF  }
0xa5: {  	s26 =	simm.s32 $execute0_lowered;
	[smem:$0x3FD2] =	sst s25  }
0xa6: {  	s4 =	sshll.u32 s26, $0x1;
	_ =	strace $0x8000004C;
	[dreg:$0x1] =	wrdreg $0xFFFFFFFF  }
0xa7: {  	s28 =	simm.s32 $_size_execute0_lowered;
	s2 =	sadd.s32 s2, s4;
	[dreg:$0x0] =	wrdreg $0x0  }
0xa8: {  	s4 =	sshll.u32 s28, $0x1;
	[dreg:$0x2] =	wrdreg s2  }
0xa9: {  	[dreg:$0x3] =	wrdreg s4  }
0xaa: {  	[dreg:$0x4] =	wrdreg $0xC0  }
0xab: {  	_ =	task [dreg:s6], $0x5FFFF  }
0xac: {  	[dreg:$0x1] =	wrdreg $0xFFFFFFFF  }
0xad: {  	[dreg:$0x0] =	wrdreg $0x60  }
0xae: {  	[dreg:$0x2] =	wrdreg s24  }
0xaf: {  	[dreg:$0x3] =	wrdreg $0x9  }
0xb0: {  	_ =	task.clear_ibuf [dreg:s6], $0x4FFFF;
	_ =	strace $0x9000004C  }
0xb1: {  	s29 =	simm.s32 $0x9;
	_ =	strace $0x8000004E  }
0xb2: {  	_ =	swait.ge [sflag:s29], $0x1  }
0xb3: {  	[sflag:s29] =	ssyncadd.s32 $0xFFFFFFFF  }
0xb4: {  	_ =	strace $0x9000004E  }
0xb5: {  	_ =	sfence  }
0xb6: {  	s30 =	sld [smem:$0x0];
	_ =	sdelay $0x2  }
0xb7: {  	s31 =	sshll.u32 s1, $0xD;
	s1 =	sshrl.u32 s1, $0x2  }
0xb8: {  	s3 =	sand.u32 $0x4000, s31;
	s1 =	sadd.s32 s1, s30  }
0xb9: {  	s0 =	sor.u32 s3, s0;
	s1 =	sshll.u32 s1, $0x11  }
0xba: {  	s0 =	sor.u32 s1, s0  }
0xbb: {  	s0 =	sadd.s32 $0x8F2B, s0  }
0xbc: {  	[sflag:s0] =	ssyncadd.remote.s32 $0x1  }
0xbd: {  	_ =	sfence.sel $0xFFFF  }
0xbe: {  	[dreg:$0x0] =	wrdreg $0xFFFFFFFF;
	(pc) =	sbr.abs _section_cstart, $3  }
0xbf: {  	[dreg:$0x1] =	wrdreg $0xFFFFFFFF  }
0xc0: {  	_ =	task.clear_ibuf [dreg:s6], $0x2FFFF;
	_ =	strace $0x9FFFFFFF  }
0xc1: {  	(tm) =	ssettm $0x7FFFFFFF  }
tec
execute0_lowered:
.L_overlay_start_1:
0x0: {  	(tag) =	ssettag $0x1  }
0x1: {  	s1 =	srdreg.scid  }
0x2: {  	s0 =	stileid.u32;
	s6 =	rddreg [dreg:$0x0];
	s2 =	simm.s32 $0x0  }
0x3: {  	s12 =	simm.s32 $0x1900;
	s13 =	simm.s32 $0x1;
	s14 =	simm.s32 $0x80  }
0x4: {  	s15 =	simm.s32 $0x2580;
	s16 =	simm.s32 $0x6580;
	s17 =	simm.s32 $0x0  }
0x5: {  	s7 =	sand.u32 $0x1, s1;
	s3 =	sshll.u32 s0, $0x1;
	s1 =	rddreg [dreg:$0x1]  }
0x6: {  	[smem:$0x7FF] =	sst s2;
	s11 =	smul.u32 $0x1900, s0;
	s3 =	sor.u32 s7, s3  }
0x7: {  	s4 =	sadd.s32 $0x58CE00, s6;
	s8 =	ssub.s32 $0x2, s7;
	s5 =	smul.u32 $0xC80, s3  }
.Ltmp0:
0x8: {  	_ =	strace $0x8000004D;
	s10 =	sshrl.u32 s8, $0x1;
	(pc) =	sbr.rel .LBB2_1-.Ltmp0, $4  }
0x9: {  	s31 =	smul.u32 $0xC80, s7;
	s3 =	sadd.s32 $0x65B200, s6;
	s8 =	ssub.s32 s8, s10  }
0xa: {  	s10 =	simm.s32 $0x2;
	s5 =	sshrl.u32 s5, $0x3;
	s8 =	smax.u32 s8, $0x1  }
0xb: {  	s9 =	sadd.s32 s5, s6;
	s5 =	sadd.s32 $0x69B200, s6;
	s6 =	sadd.s32 $0x343200, s6  }
0xc: {  	v0 =	vlaneseq.u32;
	v1 =	vimm.s32 $0x0;
	s7 =	sadd.s32 $0x589C00, s9;
	s9 =	sadd.s32 s31, s11;
	s11 =	simm.s32 $0xC80  }
.LBB2_6:
0xd: {  	[sflag:s13] =	ssyncadd.s32 $0xFFFFF800  }
.LBB2_7:
0xe: {  	s17 =	sadd.s32 $0x1, s17  }
0xf: {  	p0 =	sne.s32 s17, s8  }
.Ltmp1:
0x10: {  	_ = 	snop;
	(pc) =	sbr.rel @!p0 .LBB2_8-.Ltmp1, $1  }
0x11: {  	_ =	sdelay $0x3  }
.LBB2_1:
0x12: {  	[tilespmem:s2], [sflag:$0x2] =	stream.linear.gather [hbm4b:s7+s2], $0xC80, $0x38;
	[tilespmem:$0x6D80] =	vst v63  }
0x13: {  	_ =	swait.ge [sflag:s10], $0xC80  }
0x14: {  	[sflag:s10] =	ssyncset.done $0x0  }
0x15: {  	s18 =	simm.s32 $0x0;
	[sflag:s10] =	ssyncadd.s32 $0xFFFFF380  }
0x16: {  	v2 =	vld [tilespmem:s18+$0x0];
	_ =	sdelay $0x4  }
0x17: {  	vm0 =	vgt.s32 v2, $0xFFFFFFFF  }
0x18: {  	v3 =	vsel vm0, $0x1, v1  }
0x19: {  	(xrf0) =	vadd.scan.msk.s32 $0xffff, v3;
	_ =	sdelay $0x2  }
0x1a: {  	v3 =	vmov s2  }
0x1b: {  	v3 =	vadd.s32 $0xFFFFFFFF, v3  }
0x1c: {  	v3 =	vbroadcast v3, $0x0  }
0x1d: {  	v4, _, _ =	vpop (xrf0)  }
0x1e: {  	v3 =	vadd.s32 v4, v3;
	(v2sf) =	vpush v4, $0xF  }
0x1f: {  	v4 =	vshra.s32 v3, $0x1F  }
0x20: {  	v4 =	vshrl.u32 v4, $0x19  }
0x21: {  	v4 =	vadd.s32 v4, v3  }
0x22: {  	v4 =	vshra.s32 v4, $0x7  }
0x23: {  	v5 =	vshll.u32 v4, $0x7  }
0x24: {  	vm1 =	vlt.s32 v3, $0x1;
	vm2 =	vne.s32 v3, v5  }
0x25: {  	vm1 =	vmand vm1, vm2  }
0x26: {  	v5 =	vsel vm1, $0xFFFFFFFF, v1  }
0x27: {  	v4 =	vadd.s32 v5, v4  }
0x28: {  	v3 =	vand.u32 $0x7F, v3;
	v4 =	vshll.u32 v4, $0x7  }
0x29: {  	v4 =	vor.u32 v3, v4;
	_ =	sdelay $0x3  }
0x2a: {  	v3 =	vor.u32 s9, v0;
	s31 =	spop (v2sf)  }
0x2b: {  	[tilespmem:v4+s11+$0x0] =	vst.idx.msk vm0, v3;
	s19 =	sadd.s32 $0x0, s31  }
0x2c: {  	s21 =	simm.s32 $0x10;
	s20 =	simm.s32 $0x80;
	s18 =	smov.u32 s9;
	v3 =	vmov s19;
	[tilespmem:v4+s12+$0x0] =	vst.idx.msk vm0, v2  }
.LBB2_2:
0x2d: {  	p0 =	sne.s32 s20, $0x31C0;
	v2 =	vld [tilespmem:s21+$0x0];
	v3 =	vadd.s32 $0xFFFFFFFF, v3  }
0x2e: {  	v3 =	vbroadcast v3, $0x0;
	_ =	sdelay $0x3  }
0x2f: {  	vm0 =	vgt.s32 v2, $0xFFFFFFFF  }
0x30: {  	v4 =	vsel vm0, $0x1, v1  }
0x31: {  	(xrf0) =	vadd.scan.msk.s32 $0xffff, v4;
	_ =	sdelay $0x5  }
0x32: {  	v4, _, _ =	vpop (xrf0)  }
0x33: {  	v3 =	vadd.s32 v4, v3;
	(v2sf) =	vpush v4, $0xF  }
0x34: {  	v4 =	vshra.s32 v3, $0x1F;
	vm1 =	vlt.s32 v3, $0x1;
	v5 =	vand.u32 $0x7F, v3  }
0x35: {  	v4 =	vshrl.u32 v4, $0x19  }
0x36: {  	v4 =	vadd.s32 v4, v3  }
0x37: {  	v4 =	vshra.s32 v4, $0x7  }
0x38: {  	v6 =	vshll.u32 v4, $0x7  }
0x39: {  	vm2 =	vne.s32 v3, v6  }
0x3a: {  	vm1 =	vmand vm1, vm2  }
0x3b: {  	v3 =	vsel vm1, $0xFFFFFFFF, v1  }
0x3c: {  	v3 =	vadd.s32 v3, v4  }
0x3d: {  	v3 =	vshll.u32 v3, $0x7  }
0x3e: {  	v4 =	vor.u32 v5, v3;
	_ =	sdelay $0x1  }
.Ltmp2:
0x3f: {  	(pc) =	sbr.rel @p0 .LBB2_2-.Ltmp2, $4  }
0x40: {  	s18 =	sadd.s32 $0x10, s18  }
0x41: {  	v3 =	vor.u32 s18, v0;
	s21 =	spop (v2sf)  }
0x42: {  	[tilespmem:v4+s11+$0x0] =	vst.idx.msk vm0, v3;
	s19 =	sadd.s32 s19, s21  }
0x43: {  	s21 =	sshra.s32 s20, $0x2;
	s20 =	sadd.s32 $0x40, s20;
	v3 =	vmov s19;
	[tilespmem:v4+s12+$0x0] =	vst.idx.msk vm0, v2  }
0x44: {  	v2 =	vld [tilespmem:s21+$0x0];
	_ =	sdelay $0x4  }
0x45: {  	vm0 =	vgt.s32 v2, $0xFFFFFFFF  }
0x46: {  	v4 =	vsel vm0, $0x1, v1  }
0x47: {  	(xrf0) =	vadd.scan.msk.s32 $0xffff, v4;
	_ =	sdelay $0x5  }
0x48: {  	v4, _, _ =	vpop (xrf0)  }
0x49: {  	(v2sf) =	vpush v4, $0xF;
	_ =	sdelay $0x3  }
0x4a: {  	v3 =	vadd.s32 $0xFFFFFFFF, v3  }
0x4b: {  	v3 =	vbroadcast v3, $0x0;
	_ =	sdelay $0x1  }
0x4c: {  	v3 =	vadd.s32 v4, v3  }
0x4d: {  	v4 =	vshra.s32 v3, $0x1F  }
0x4e: {  	v4 =	vshrl.u32 v4, $0x19  }
0x4f: {  	v4 =	vadd.s32 v4, v3  }
0x50: {  	v4 =	vshra.s32 v4, $0x7  }
0x51: {  	v5 =	vshll.u32 v4, $0x7  }
0x52: {  	vm1 =	vlt.s32 v3, $0x1;
	vm2 =	vne.s32 v3, v5  }
0x53: {  	vm1 =	vmand vm1, vm2  }
0x54: {  	s18 =	sadd.s32 $0x10, s18;
	v7 =	vsel vm1, $0xFFFFFFFF, v1;
	s20 =	spop (v2sf)  }
0x55: {  	v30 =	vor.u32 s18, v0;
	v4 =	vadd.s32 v7, v4;
	s19 =	sadd.s32 s19, s20  }
0x56: {  	v3 =	vand.u32 $0x7F, v3;
	v4 =	vshll.u32 v4, $0x7;
	v29 =	vadd.s32 s19, v0  }
0x57: {  	v3 =	vor.u32 v3, v4;
	s25 =	sadd.s32 $0x20, s19;
	s26 =	sadd.s32 $0x30, s19;
	v6 =	vshra.s32 v29, $0x1F;
	vm7 =	vlt.s32 v29, $0x1  }
0x58: {  	s28 =	sadd.s32 $0x40, s19;
	s29 =	sadd.s32 $0x50, s19;
	v34 =	vadd.s32 s25, v0;
	v5 =	vand.u32 $0x7F, v29;
	v37 =	vadd.s32 s26, v0  }
0x59: {  	v41 =	vadd.s32 s28, v0;
	v47 =	vadd.s32 s29, v0;
	v6 =	vshrl.u32 v6, $0x19  }
0x5a: {  	v11 =	vshra.s32 v34, $0x1F;
	vm10 =	vlt.s32 v34, $0x1;
	v39 =	vshra.s32 v37, $0x1F  }
0x5b: {  	v14 =	vshra.s32 v41, $0x1F;
	vm11 =	vlt.s32 v37, $0x1;
	vm12 =	vlt.s32 v41, $0x1  }
0x5c: {  	s30 =	sadd.s32 $0x7F, s19;
	v49 =	vand.u32 $0x7F, v41;
	v50 =	vshra.s32 v47, $0x1F;
	vm13 =	vlt.s32 v47, $0x1  }
0x5d: {  	[tilespmem:v3+s11+$0x0] =	vst.idx.msk vm0, v30;
	s20 =	sadd.s32 $0xFFFFFFFF, s19;
	s22 =	sshra.s32 s30, $0x1F;
	v58 =	vand.u32 $0x7F, v47;
	v6 =	vadd.s32 v6, v29;
	v11 =	vshrl.u32 v11, $0x19  }
0x5e: {  	[tilespmem:v3+s12+$0x0] =	vst.idx.msk vm0, v2;
	p0 =	sgt.s32 s20, $0x0;
	p5 =	slt.s32 s30, $0x1;
	s22 =	sshrl.u32 s22, $0x19;
	v40 =	vshrl.u32 v39, $0x19;
	v42 =	vshrl.u32 v14, $0x19;
	v3 =	vshrl.u32 v50, $0x19  }
0x5f: {  	s21 =	sand.u32 $0x7F, s30;
	s22 =	sadd.s32 s22, s30;
	s30 =	sadd.s32 $0x60, s19;
	v6 =	vshra.s32 v6, $0x7;
	v36 =	vadd.s32 v11, v34;
	v43 =	vadd.s32 v42, v41  }
0x60: {  	p1 =	slt.s32 s20, $0x1;
	s20 =	simm.s32 @!p0 $0x0;
	v51 =	vadd.s32 s30, v0;
	v3 =	vadd.s32 v3, v47;
	v31 =	vshll.u32 v6, $0x7  }
0x61: {  	s23 =	sand.u32 $0x7F, s20;
	v11 =	vand.u32 $0xFFFFFF80, v36;
	v45 =	vand.u32 $0xFFFFFF80, v43;
	v53 =	vshra.s32 v51, $0x1F  }
0x62: {  	p2 =	sne.s32 s23, $0x0;
	v16 =	vand.u32 $0xFFFFFF80, v3;
	v3 =	vshrl.u32 v3, $0x7;
	v7 =	vand.u32 $0x7F, v51  }
0x63: {  	p1 =	por !p1, !p2;
	vm8 =	vne.s32 v29, v31;
	vm4 =	vne.s32 v34, v11;
	v11 =	vadd.s32 v40, v37  }
0x64: {  	p6 =	sne.s32 s21, $0x0;
	s21 =	simm.s32 $0x1;
	p1 =	por !p1, !p1;
	vm6 =	vne.s32 v41, v45;
	vm14 =	vne.s32 v47, v16;
	vm1 =	vmand vm7, vm8  }
0x65: {  	s20 =	sshrl.u32 s20, $0x7;
	s21 =	simm.s32 @!p1 $0x0;
	v13 =	vand.u32 $0xFFFFFF80, v11;
	v11 =	vshrl.u32 v11, $0x7;
	vm0 =	vmand vm13, vm14  }
0x66: {  	s31 =	ssub.s32 s20, s21;
	s21 =	sadd.s32 $0x10, s19;
	v10 =	vsel vm1, $0xFFFFFFFF, v1;
	vm5 =	vne.s32 v37, v13;
	v13 =	vshrl.u32 v53, $0x19  }
0x67: {  	v57 =	vsel vm0, $0xFFFFFFFF, v1;
	v8 =	vadd.s32 s21, v0;
	v6 =	vadd.s32 v10, v6  }
0x68: {  	s18 =	sshll.u32 s31, $0x7;
	v10 =	vand.u32 $0x7F, v34;
	v13 =	vadd.s32 v13, v51;
	v3 =	vadd.s32 v57, v3  }
0x69: {  	p0 =	por !p5, !p6;
	s31 =	sadd.s32 $0x70, s19;
	v32 =	vmov s18;
	v9 =	vshra.s32 v8, $0x1F;
	v6 =	vshll.u32 v6, $0x7  }
0x6a: {  	p0 =	por !p0, !p0;
	s20 =	simm.s32 $0x1;
	vm9 =	vlt.s32 v8, $0x1;
	v54 =	vadd.s32 s31, v0;
	v55 =	vand.u32 $0xFFFFFF80, v13  }
0x6b: {  	s22 =	sshrl.u32 s22, $0x7;
	s20 =	simm.s32 @!p0 $0x0;
	v3 =	vshll.u32 v3, $0x7;
	v60 =	vshrl.u32 v13, $0x7;
	v4 =	vor.u32 s23, v32  }
0x6c: {  	s24 =	ssub.s32 s22, s20;
	v9 =	vshrl.u32 v9, $0x19;
	v5 =	vor.u32 v5, v6;
	v4 =	vbroadcast v4, $0x0  }
0x6d: {  	s18 =	sshll.u32 s24, $0x7;
	v15 =	vshra.s32 v54, $0x1F;
	vm15 =	vne.s32 v51, v55;
	v9 =	vadd.s32 v9, v8  }
0x6e: {  	v3 =	vor.u32 v58, v3;
	vm1 =	vlt.s32 v29, s18;
	v33 =	vand.u32 $0xFFFFFF80, v9  }
0x6f: {  	v15 =	vshrl.u32 v15, $0x19;
	v9 =	vshrl.u32 v9, $0x7;
	vm3 =	vne.s32 v8, v33  }
0x70: {  	v15 =	vadd.s32 v15, v54;
	vm2 =	vmand vm9, vm3;
	vm3 =	vmand vm10, vm4  }
0x71: {  	s20 =	simm.s32 $0xC80;
	vm4 =	vmand vm11, vm5;
	vm5 =	vmand vm12, vm6;
	v12 =	vsel vm2, $0xFFFFFFFF, v1  }
0x72: {  	s19 =	simm.s32 $0x1900;
	vm2 =	vlt.s32 v8, s18;
	v8 =	vand.u32 $0x7F, v8;
	v35 =	vadd.s32 v12, v9;
	v52 =	vld.idx.msk [tilespmem:v4+s20+$0x0], $0xffff  }
0x73: {  	v38 =	vsel vm3, $0xFFFFFFFF, v1;
	v9 =	vshrl.u32 v36, $0x7;
	v6 =	vshll.u32 v35, $0x7;
	v4 =	vld.idx.msk [tilespmem:v4+s19+$0x0], $0xffff  }
0x74: {  	vm3 =	vlt.s32 v34, s18;
	v9 =	vadd.s32 v38, v9;
	v6 =	vor.u32 v8, v6  }
0x75: {  	v44 =	vsel vm4, $0xFFFFFFFF, v1;
	vm4 =	vlt.s32 v37, s18;
	v9 =	vshll.u32 v9, $0x7  }
0x76: {  	v46 =	vsel vm5, $0xFFFFFFFF, v1;
	v11 =	vadd.s32 v44, v11;
	v9 =	vor.u32 v10, v9  }
0x77: {  	v11 =	vshll.u32 v11, $0x7;
	v8 =	vand.u32 $0x7F, v37;
	v10 =	vshrl.u32 v43, $0x7;
	[tilespmem:v5+s20+$0x0] =	vst.idx.msk vm1, v52  }
0x78: {  	vm13 =	vlt.s32 v47, s18;
	v8 =	vor.u32 v8, v11;
	v10 =	vadd.s32 v46, v10;
	[tilespmem:v5+s19+$0x0] =	vst.idx.msk vm1, v4  }
0x79: {  	vm10 =	vlt.s32 v51, $0x1;
	vm12 =	vlt.s32 v41, s18;
	v48 =	vshll.u32 v10, $0x7;
	[tilespmem:v6+s20+$0x0] =	vst.idx.msk vm2, v52  }
0x7a: {  	v56 =	vand.u32 $0xFFFFFF80, v15;
	vm0 =	vmand vm10, vm15;
	v2 =	vor.u32 v49, v48;
	[tilespmem:v6+s19+$0x0] =	vst.idx.msk vm2, v4  }
0x7b: {  	vm9 =	vne.s32 v54, v56;
	vm11 =	vlt.s32 v54, $0x1;
	v59 =	vsel vm0, $0xFFFFFFFF, v1;
	[tilespmem:v9+s20+$0x0] =	vst.idx.msk vm3, v52  }
0x7c: {  	vm14 =	vlt.s32 v51, s18;
	vm1 =	vmand vm11, vm9;
	v5 =	vadd.s32 v59, v60;
	[tilespmem:v9+s19+$0x0] =	vst.idx.msk vm3, v4  }
0x7d: {  	v62 =	vshrl.u32 v15, $0x7;
	v61 =	vsel vm1, $0xFFFFFFFF, v1;
	v5 =	vshll.u32 v5, $0x7;
	[tilespmem:v8+s20+$0x0] =	vst.idx.msk vm4, v52  }
0x7e: {  	v5 =	vor.u32 v7, v5;
	v6 =	vadd.s32 v61, v62;
	[tilespmem:v8+s19+$0x0] =	vst.idx.msk vm4, v4  }
0x7f: {  	v63 =	vand.u32 $0x7F, v54;
	vm15 =	vlt.s32 v54, s18;
	v6 =	vshll.u32 v6, $0x7;
	[tilespmem:v2+s20+$0x0] =	vst.idx.msk vm12, v52  }
0x80: {  	s18 =	sshra.s32 s18, $0x7;
	[tilespmem:v2+s19+$0x0] =	vst.idx.msk vm12, v4;
	v2 =	vor.u32 v63, v6  }
0x81: {  	p0 =	slt.s32 s18, $0x1;
	[tilespmem:v3+s20+$0x0] =	vst.idx.msk vm13, v52  }
.Ltmp3:
0x82: {  	[tilespmem:v3+s19+$0x0] =	vst.idx.msk vm13, v4;
	(pc) =	sbr.rel @p0 .LBB2_7-.Ltmp3, $4  }
0x83: {  	[tilespmem:v5+s20+$0x0] =	vst.idx.msk vm14, v52  }
0x84: {  	[tilespmem:v5+s19+$0x0] =	vst.idx.msk vm14, v4  }
0x85: {  	[tilespmem:v2+s20+$0x0] =	vst.idx.msk vm15, v52  }
0x86: {  	[tilespmem:v2+s19+$0x0] =	vst.idx.msk vm15, v4  }
0x87: {  	[tilespmem:s15], [sflag:$0x1] =	stream.indirect.gather [hbm4b:s3+s14], $0x80, s19, s14, $0xb8;
	[tilespmem:$0x6D80] =	vst v63  }
0x88: {  	_ = 	snop  }
0x89: {  	[tilespmem:s16], [sflag:$0x1] =	stream.indirect.gather [hbm4b:s4+s14], $0x10, s19, s14, $0xb8;
	[tilespmem:$0x6D80] =	vst v63  }
0x8a: {  	_ =	swait.ge [sflag:s13], $0x4000  }
0x8b: {  	[sflag:s13] =	ssyncset.done $0x0  }
0x8c: {  	[sflag:s13] =	ssyncadd.s32 $0xFFFFC000  }
0x8d: {  	_ =	swait.ge [sflag:s13], $0x800  }
0x8e: {  	[sflag:s13] =	ssyncset.done $0x0  }
0x8f: {  	[sflag:s13] =	ssyncadd.s32 $0xFFFFF800  }
0x90: {  	[hbm4b:s5+s14] =	stream.indirect.scatter [tilespmem:s15], [sflag:$0x1], $0x80, s20, s14, $0xb8;
	[tilespmem:$0x6D80] =	vst v63  }
0x91: {  	p0 =	sne.s32 s18, $0x1  }
0x92: {  	[hbm4b:s6+s14] =	stream.indirect.scatter [tilespmem:s16], [sflag:$0x1], $0x10, s20, s14, $0xb8;
	[tilespmem:$0x6D80] =	vst v63  }
.Ltmp4:
0x93: {  	_ =	swait.ge [sflag:s13], $0x4000;
	(pc) =	sbr.rel @!p0 .LBB2_6-.Ltmp4, $4  }
0x94: {  	[sflag:s13] =	ssyncset.done $0x0  }
0x95: {  	[sflag:s13] =	ssyncadd.s32 $0xFFFFC000  }
0x96: {  	_ =	swait.ge [sflag:s13], $0x800  }
0x97: {  	s18 =	sadd.s32 $0xFFFFFFFF, s18;
	[sflag:s13] =	ssyncset.done $0x0  }
.LBB2_5:
0x98: {  	[sflag:s13] =	ssyncadd.s32 $0xFFFFF800;
	s19 =	sadd.s32 $0x80, s19;
	s20 =	sadd.s32 $0x80, s20  }
0x99: {  	[tilespmem:s15], [sflag:$0x1] =	stream.indirect.gather [hbm4b:s3+s14], $0x80, s19, s14, $0xb8;
	[tilespmem:$0x6D80] =	vst v63  }
0x9a: {  	p0 =	sne.s32 s18, $0x1;
	s18 =	sadd.s32 $0xFFFFFFFF, s18  }
0x9b: {  	[tilespmem:s16], [sflag:$0x1] =	stream.indirect.gather [hbm4b:s4+s14], $0x10, s19, s14, $0xb8;
	[tilespmem:$0x6D80] =	vst v63  }
0x9c: {  	_ =	swait.ge [sflag:s13], $0x4000  }
0x9d: {  	[sflag:s13] =	ssyncset.done $0x0  }
0x9e: {  	[sflag:s13] =	ssyncadd.s32 $0xFFFFC000  }
0x9f: {  	_ =	swait.ge [sflag:s13], $0x800  }
0xa0: {  	[sflag:s13] =	ssyncset.done $0x0  }
0xa1: {  	[sflag:s13] =	ssyncadd.s32 $0xFFFFF800  }
0xa2: {  	[hbm4b:s5+s14] =	stream.indirect.scatter [tilespmem:s15], [sflag:$0x1], $0x80, s20, s14, $0xb8;
	[tilespmem:$0x6D80] =	vst v63  }
0xa3: {  	_ = 	snop  }
0xa4: {  	[hbm4b:s6+s14] =	stream.indirect.scatter [tilespmem:s16], [sflag:$0x1], $0x10, s20, s14, $0xb8;
	[tilespmem:$0x6D80] =	vst v63  }
.Ltmp5:
0xa5: {  	_ =	swait.ge [sflag:s13], $0x4000;
	(pc) =	sbr.rel @p0 .LBB2_5-.Ltmp5, $4  }
0xa6: {  	[sflag:s13] =	ssyncset.done $0x0  }
0xa7: {  	[sflag:s13] =	ssyncadd.s32 $0xFFFFC000  }
0xa8: {  	_ =	swait.ge [sflag:s13], $0x800  }
0xa9: {  	[sflag:s13] =	ssyncset.done $0x0  }
.Ltmp6:
0xaa: {  	_ = 	snop;
	(pc) =	sbr.rel .LBB2_6-.Ltmp6, $1  }
0xab: {  	_ =	sdelay $0x3  }
.LBB2_8:
0xac: {  	_ =	sfence.sel $0x180000  }
0xad: {  	[bflag:$0x0] =	sbarrier.arrive $0xFFFF  }
0xae: {  	p0 =	sne.s32 s0, $0x0;
	_ =	strace $0x9000004D  }
0xaf: {  	s0 =	sadd.s32 @!p0 $0x100000, s1;
	[bflag:$0x2] =	sbarrier.arrive $0xFFFF  }
0xb0: {  	[sflag:s0] =	ssyncadd.tile.s32 @!p0 $0x1;
	_ =	shalt  }
.Lfunc_end2:
_tile_overlayer_lowered:
.L_overlay_start_2:
0xb1: {  	(tag) =	ssettag $0x2  }
0xb2: {  	s0 =	rddreg [dreg:$0x0];
	s2 =	stileid.u32  }
0xb3: {  	s1 =	rddreg [dreg:$0x1];
	p0 =	sne.s32 s2, $0x0  }
0xb4: {  	s3 =	rddreg [dreg:$0x2];
	[bflag:$0x3] =	sbarrier.arrive $0xFFFF;
	s2 =	simm.s32 @!p0 $0x1C02  }
0xb5: {  	[timem:s3], [sflag:s2] =	dma.local @!p0 [hbm:s0], s1  }
0xb6: {  	s0 =	simm.s32 @!p0 $0x2  }
0xb7: {  	_ =	swait.ge @!p0 [sflag:s0], s1  }
0xb8: {  	s1 =	ssub.s32 @!p0 $0x0, s1;
	[sflag:s0] =	ssyncset.done @!p0 $0x0  }
0xb9: {  	[sflag:s0] =	ssyncadd.s32 @!p0 s1  }
0xba: {  	[bflag:$0x3] =	sbarrier.arrive $0xFFFF  }
0xbb: {  	_ =	shalt  }

</sc_bundles>
